<compile_context>
chip_gen: v7x
topology: tpu7x:2x2x1
jax: 0.10.2.dev20260603
libtpu: 0.0.44.dev20260713+nightly
codegen_flags: <defaults>
</compile_context>

<pallas_src>
import functools

import jax
import jax.numpy as jnp
from jax import lax
from jax.experimental import pallas as pl
from jax.experimental.pallas import tpu as pltpu
from jax.experimental.pallas import tpu_sc as plsc

N = 10000
E = 320000
D = 128
H = 8
F = 10
HID = 10

NS = 16
NC = 2
NPAD = 10240
EC = E // NS
NV = EC // 16
SLICE = NPAD // NS
HPC = H // NC


def _blockdiag_mask():
    row = lax.broadcasted_iota(jnp.int32, (H, H * F), 0)
    col = lax.broadcasted_iota(jnp.int32, (H, H * F), 1)
    return (col // F == row).astype(jnp.float32)


def _tc_pre_body(x_ref, w_ref, as_ref, ad_ref, e_ref, ht_ref, asrc_ref,
                 adst_ref, m_ref, pk_ref):
    edge = e_ref[...]
    pk_ref[...] = (edge[1] << 16) | edge[0]
    ht = lax.dot_general(w_ref[...], x_ref[...], (((1,), (1,)), ((), ())),
                         preferred_element_type=jnp.float32)
    ht_ref[...] = ht
    blk = _blockdiag_mask()
    ast = jnp.tile(as_ref[...], (1, H)) * blk
    adt = jnp.tile(ad_ref[...], (1, H)) * blk
    asrc = jnp.dot(ast, ht, preferred_element_type=jnp.float32)
    adst = jnp.dot(adt, ht, preferred_element_type=jnp.float32)
    asrc_ref[...] = asrc
    adst_ref[...] = adst
    sm = (jnp.max(asrc, axis=1, keepdims=True)
          + jnp.max(adst, axis=1, keepdims=True))
    m_ref[...] = jnp.broadcast_to(jnp.maximum(sm, 0.2 * sm), (H, 16))


_tc_pre = pl.pallas_call(
    _tc_pre_body,
    out_shape=[
        jax.ShapeDtypeStruct((H * F, N), jnp.float32),
        jax.ShapeDtypeStruct((H, N), jnp.float32),
        jax.ShapeDtypeStruct((H, N), jnp.float32),
        jax.ShapeDtypeStruct((H, 16), jnp.float32),
        jax.ShapeDtypeStruct((E,), jnp.int32),
    ],
)


def _sc_body(asrc_hbm, adst_hbm, m_hbm, pk_hbm, out_hbm,
             pk_c, p_c, asrc_v, adst_v, den_v, s_v, part_v, red_v,
             red_s_v, m_half, sh_part, sh_den, sem, osem, zsem):
    c = lax.axis_index("c")
    s = lax.axis_index("s")
    base = s * EC
    cp_pk = pltpu.async_copy(pk_hbm.at[pl.ds(base, EC)], pk_c, sem)
    pltpu.sync_copy(m_hbm.at[pl.ds(c * HPC, HPC)], m_half)
    pltpu.sync_copy(asrc_hbm.at[c * HPC], asrc_v)
    pltpu.sync_copy(adst_hbm.at[c * HPC], adst_v)

    zeros16 = jnp.zeros((16,), jnp.float32)

    def reduce_cols(recip, dst):
        @plsc.parallel_loop(0, SLICE // 16, unroll=2)
        def _(j):
            o = j * 16
            acc = part_v[0, pl.ds(o, 16)]
            for r in range(1, NS):
                acc = acc + part_v[r, pl.ds(o, 16)]
            if recip:
                acc = 1.0 / (acc + 1e-16)
            dst[pl.ds(o, 16)] = acc

    for hh in range(HPC):
        hd = c * HPC + hh
        m16 = m_half[hh]

        with jax.named_scope("zero"):
            @plsc.parallel_loop(0, NPAD // 16, unroll=8)
            def _(i):
                den_v[pl.ds(i * 16, 16)] = zeros16

        if hh == 0:
            cp_pk.wait()

        with jax.named_scope("pass_a"):
            @plsc.parallel_loop(0, NV, unroll=10)
            def _(i):
                o = i * 16
                pk = pk_c[pl.ds(o, 16)]
                s16 = pk & 0xFFFF
                d16 = pk >> 16
                e = (plsc.load_gather(asrc_v, [s16])
                     + plsc.load_gather(adst_v, [d16]))
                e = jnp.maximum(e, 0.2 * e)
                p = jnp.exp(e - m16)
                p_c[pl.ds(o, 16)] = p
                plsc.addupdate_scatter(den_v, [d16], p)

        if hh + 1 < HPC:
            cp_a = pltpu.async_copy(asrc_hbm.at[hd + 1], asrc_v, sem)
            cp_b = pltpu.async_copy(adst_hbm.at[hd + 1], adst_v, sem)

        if hh > 0:
            plsc.subcore_barrier()

        with jax.named_scope("red_den"):
            cp_d = pltpu.async_copy(den_v, sh_part.at[s], zsem)
            @plsc.parallel_loop(0, NPAD // 16, unroll=8)
            def _(i):
                s_v[pl.ds(i * 16, 16)] = zeros16
            cp_d.wait()
            plsc.subcore_barrier()
            pltpu.sync_copy(sh_part.at[:, pl.ds(s * SLICE, SLICE)], part_v)
            reduce_cols(recip=True, dst=red_v)
            pltpu.sync_copy(red_v, sh_den.at[pl.ds(s * SLICE, SLICE)])
            plsc.subcore_barrier()
            pltpu.sync_copy(sh_den, den_v)

        with jax.named_scope("pass_b"):
            @plsc.parallel_loop(0, NV, unroll=10)
            def _(i):
                o = i * 16
                pk = pk_c[pl.ds(o, 16)]
                w = p_c[pl.ds(o, 16)] * plsc.load_gather(den_v, [pk >> 16])
                plsc.addupdate_scatter(s_v, [pk & 0xFFFF], w)

        with jax.named_scope("red_s"):
            pltpu.sync_copy(s_v, sh_part.at[s])
            plsc.subcore_barrier()
            pltpu.sync_copy(sh_part.at[:, pl.ds(s * SLICE, SLICE)], part_v)
            if hh > 0:
                out_cp.wait()
            reduce_cols(recip=False, dst=red_s_v)
            out_cp = pltpu.async_copy(
                red_s_v, out_hbm.at[hd, pl.ds(s * SLICE, SLICE)], osem)
            if hh + 1 < HPC:
                cp_a.wait()
                cp_b.wait()
    out_cp.wait()


def _make_sc_kernel():
    mesh = plsc.VectorSubcoreMesh(core_axis_name="c", subcore_axis_name="s")

    return pl.kernel(
        _sc_body,
        out_type=jax.ShapeDtypeStruct((H, NPAD), jnp.float32),
        mesh=mesh,
        compiler_params=pltpu.CompilerParams(needs_layout_passes=False),
        scratch_types=[
            pltpu.VMEM((EC,), jnp.int32),
            pltpu.VMEM((EC,), jnp.float32),
            pltpu.VMEM((N,), jnp.float32),
            pltpu.VMEM((N,), jnp.float32),
            pltpu.VMEM((NPAD,), jnp.float32),
            pltpu.VMEM((NPAD,), jnp.float32),
            pltpu.VMEM((NS, SLICE), jnp.float32),
            pltpu.VMEM((SLICE,), jnp.float32),
            pltpu.VMEM((SLICE,), jnp.float32),
            pltpu.VMEM((HPC, 16), jnp.float32),
            pltpu.VMEM_SHARED((NS, NPAD), jnp.float32),
            pltpu.VMEM_SHARED((NPAD,), jnp.float32),
            pltpu.SemaphoreType.DMA,
            pltpu.SemaphoreType.DMA,
            pltpu.SemaphoreType.DMA,
        ],
    )


_sc_edges = _make_sc_kernel()


def _tc_post_body(st_ref, ht_ref, w1_ref, b1_ref, w2_ref, b2_ref,
                  w3_ref, b3_ref, mask_ref, out_ref):
    big = lax.dot_general(st_ref[:, :N], ht_ref[...],
                          (((1,), (1,)), ((), ())),
                          preferred_element_type=jnp.float32)
    g = jnp.sum(big * _blockdiag_mask(), axis=0, keepdims=True) * (1.0 / N)
    z = jax.nn.sigmoid(
        lax.dot_general(g, w1_ref[...], (((1,), (1,)), ((), ())),
                        preferred_element_type=jnp.float32)
        + b1_ref[...])
    z = jax.nn.sigmoid(
        jnp.dot(z, w2_ref[...], preferred_element_type=jnp.float32)
        + b2_ref[...])
    logits = (jnp.dot(z, w3_ref[...], preferred_element_type=jnp.float32)
              + b3_ref[...])
    out_ref[...] = jnp.where(mask_ref[...] == 0, jnp.float32(-1.0),
                             logits.reshape(N))


_tc_post = pl.pallas_call(
    _tc_post_body,
    out_shape=jax.ShapeDtypeStruct((N,), jnp.float32),
)


@jax.jit
def kernel(x, edge_index, mask, W, a_src, a_dst, W1, b1, W2, b2, W3, b3):
    ht, asrc_t, adst_t, m_bc, pk = _tc_pre(x, W.T, a_src, a_dst, edge_index)
    s_t = _sc_edges(asrc_t, adst_t, m_bc, pk)
    return _tc_post(s_t, ht, W1.T, b1, W2, b2, W3, b3, mask)

# --- scband reference (transcript-rebuilt; emitter-appended) ---
"""Pipeline reference for scband-observation-processing-network-68813966017023 (READ-ONLY COPY).

The authoritative reference and input builder live on the scoring server;
editing this copy changes nothing except your own understanding.
"""

import jax, jax.numpy as jnp
import numpy as np

N = 10000
E = 320000
D = 128
H = 8
F = 10
HID = 10
NUM_NODES = 10000


def setup_inputs(seed: int = 0) -> dict:
    key = jax.random.key(seed)
    ks = jax.random.split(key, 12)
    x = jax.random.normal(ks[0], (N, D), dtype=jnp.float32)
    edge_index = jax.random.randint(ks[1], (2, E), 0, N, dtype=jnp.int32)
    mask = jax.random.randint(ks[2], (N,), 0, 2, dtype=jnp.int32)
    W = jax.random.normal(ks[3], (D, H * F), dtype=jnp.float32) * 0.1
    a_src = jax.random.normal(ks[4], (H, F), dtype=jnp.float32) * 0.1
    a_dst = jax.random.normal(ks[5], (H, F), dtype=jnp.float32) * 0.1
    W1 = jax.random.normal(ks[6], (H * F, HID), dtype=jnp.float32) * 0.1
    b1 = jnp.zeros((HID,), dtype=jnp.float32)
    W2 = jax.random.normal(ks[7], (HID, HID), dtype=jnp.float32) * 0.1
    b2 = jnp.zeros((HID,), dtype=jnp.float32)
    W3 = jax.random.normal(ks[8], (HID, NUM_NODES), dtype=jnp.float32) * 0.1
    b3 = jnp.zeros((NUM_NODES,), dtype=jnp.float32)
    return {"x": x, "edge_index": edge_index, "mask": mask, "W": W,
            "a_src": a_src, "a_dst": a_dst, "W1": W1, "b1": b1,
            "W2": W2, "b2": b2, "W3": W3, "b3": b3}


def reference(x, edge_index, mask, W, a_src, a_dst, W1, b1, W2, b2, W3, b3):
    src = edge_index[0]
    dst = edge_index[1]
    # Multi-head GAT layer (GATConv: out_channels=10, heads=8)
    h = (x @ W).reshape(N, H, F)
    alpha_src = jnp.sum(h * a_src[None, :, :], axis=-1)  # [N, H]
    alpha_dst = jnp.sum(h * a_dst[None, :, :], axis=-1)  # [N, H]
    e = alpha_src[src] + alpha_dst[dst]                   # [E, H]
    e = jax.nn.leaky_relu(e, 0.2)
    m = jax.ops.segment_max(e, dst, num_segments=N)       # [N, H]
    m = jnp.where(jnp.isfinite(m), m, 0.0)
    ex = jnp.exp(e - m[dst])
    denom = jax.ops.segment_sum(ex, dst, num_segments=N) + 1e-16
    alpha = ex / denom[dst]                               # [E, H]
    msg = h[src] * alpha[:, :, None]                      # [E, H, F]
    out = jax.ops.segment_sum(msg, dst, num_segments=N).reshape(N, H * F)
    # graph-level aggregation (MLPAggregation stand-in)
    g = jnp.mean(out, axis=0)                             # [H*F]
    # MLP head -> per-node logits
    z = jax.nn.sigmoid(g @ W1 + b1)
    z = jax.nn.sigmoid(z @ W2 + b2)
    logits = z @ W3 + b3                                  # [NUM_NODES]
    logits = jnp.where(mask == 0, jnp.float32(-1.0), logits)
    return logits

if __name__ == "__main__":
    import jax
    _d = setup_inputs()
    print(jax.jit(kernel)(*tuple(_d.values())))

</pallas_src>

<mosaic_0001>
#map = affine_map<(d0, d1) -> (0, 0)>
#map1 = affine_map<(d0, d1) -> (0)>
module attributes {stable_mosaic.version = 14 : i64} {
  func.func @_sc_body(%arg0: i32, %arg1: i32, %arg2: memref<8x10000xf32, #tpu.memory_space<hbm>>, %arg3: memref<8x10000xf32, #tpu.memory_space<hbm>>, %arg4: memref<8x16xf32, #tpu.memory_space<hbm>>, %arg5: memref<320000xi32, #tpu.memory_space<hbm>>, %arg6: memref<8x10240xf32, #tpu.memory_space<hbm>>, %arg7: memref<20000xi32, #tpu.memory_space<vmem>>, %arg8: memref<20000xf32, #tpu.memory_space<vmem>>, %arg9: memref<10000xf32, #tpu.memory_space<vmem>>, %arg10: memref<10000xf32, #tpu.memory_space<vmem>>, %arg11: memref<10240xf32, #tpu.memory_space<vmem>>, %arg12: memref<10240xf32, #tpu.memory_space<vmem>>, %arg13: memref<16x640xf32, #tpu.memory_space<vmem>>, %arg14: memref<640xf32, #tpu.memory_space<vmem>>, %arg15: memref<640xf32, #tpu.memory_space<vmem>>, %arg16: memref<4x16xf32, #tpu.memory_space<vmem>>, %arg17: memref<16x10240xf32, #tpu.memory_space<vmem_shared>>, %arg18: memref<10240xf32, #tpu.memory_space<vmem_shared>>, %arg19: memref<!tpu.dma_semaphore, #tpu.memory_space<semaphore_mem>>, %arg20: memref<!tpu.dma_semaphore, #tpu.memory_space<semaphore_mem>>, %arg21: memref<!tpu.dma_semaphore, #tpu.memory_space<semaphore_mem>>) attributes {dimension_semantics = [#tpu.dimension_semantics<core_parallel>, #tpu.dimension_semantics<subcore_parallel>], iteration_bounds = array<i64: 2, 16>, scalar_prefetch = 0 : i64, scratch_operands = 15 : i64, tpu.core_type = #tpu.core_type<sc_vector_subcore>, window_params = [{transform_indices = #map}, {transform_indices = #map}, {transform_indices = #map}, {transform_indices = #map1}, {transform_indices = #map}]} {
    %mul3A = arith.constant 20000 : i32
    %mul3A_0 = arith.muli %arg1, %mul3A : i32
    %dma_start3A = tpu.memref_slice %arg5[%mul3A_0] : memref<320000xi32, #tpu.memory_space<hbm>> -> memref<20000xi32, #tpu.memory_space<hbm>>
    %dma_start3A_1 = tpu.memref_slice %arg5[%mul3A_0] : memref<320000xi32, #tpu.memory_space<hbm>> -> memref<20000xi32, #tpu.memory_space<hbm>>
    tpu.enqueue_dma source(%dma_start3A_1 : memref<20000xi32, #tpu.memory_space<hbm>>) target(%arg7 : memref<20000xi32, #tpu.memory_space<vmem>>) target_semaphore(%arg19 : memref<!tpu.dma_semaphore, #tpu.memory_space<semaphore_mem>>)
    %mul3A_2 = arith.constant 4 : i32
    %mul3A_3 = arith.muli %arg0, %mul3A_2 : i32
    "tpu.region"() ({
      %run_scoped3A = tpu.sem_alloc : memref<!tpu.dma_semaphore, #tpu.memory_space<semaphore_mem>>
      %dma_start3A_321 = arith.constant 0 : i32
      %dma_start3A_322 = tpu.memref_slice %arg4[%mul3A_3, %dma_start3A_321] : memref<8x16xf32, #tpu.memory_space<hbm>> -> memref<4x16xf32, #tpu.memory_space<hbm>>
      %dma_start3A_323 = arith.constant 0 : i32
      %dma_start3A_324 = tpu.memref_slice %arg4[%mul3A_3, %dma_start3A_323] : memref<8x16xf32, #tpu.memory_space<hbm>> -> memref<4x16xf32, #tpu.memory_space<hbm>>
      tpu.enqueue_dma source(%dma_start3A_324 : memref<4x16xf32, #tpu.memory_space<hbm>>) target(%arg16 : memref<4x16xf32, #tpu.memory_space<vmem>>) target_semaphore(%run_scoped3A : memref<!tpu.dma_semaphore, #tpu.memory_space<semaphore_mem>>)
      %dma_wait3A_325 = arith.constant 0 : i32
      %dma_wait3A_326 = tpu.memref_slice %arg4[%mul3A_3, %dma_wait3A_325] : memref<8x16xf32, #tpu.memory_space<hbm>> -> memref<4x16xf32, #tpu.memory_space<hbm>>
      %dma_wait3A_327 = arith.constant 0 : i32
      %dma_wait3A_328 = tpu.memref_slice %arg4[%mul3A_3, %dma_wait3A_327] : memref<8x16xf32, #tpu.memory_space<hbm>> -> memref<4x16xf32, #tpu.memory_space<hbm>>
      tpu.wait_dma2 semaphore(%run_scoped3A : memref<!tpu.dma_semaphore, #tpu.memory_space<semaphore_mem>>) src(%dma_wait3A_328 : memref<4x16xf32, #tpu.memory_space<hbm>>) dst(%arg16 : memref<4x16xf32, #tpu.memory_space<vmem>>)
      tpu.yield
    }) : () -> ()
    %mul3A_4 = arith.constant 4 : i32
    %mul3A_5 = arith.muli %arg0, %mul3A_4 : i32
    "tpu.region"() ({
      %run_scoped3A = tpu.sem_alloc : memref<!tpu.dma_semaphore, #tpu.memory_space<semaphore_mem>>
      %dma_start3A_321 = arith.constant 0 : i32
      %dma_start3A_322 = tpu.memref_slice %arg2[%mul3A_5, %dma_start3A_321] : memref<8x10000xf32, #tpu.memory_space<hbm>> -> memref<1x10000xf32, #tpu.memory_space<hbm>>
      %dma_start3A_323 = tpu.memref_squeeze %dma_start3A_322 : memref<1x10000xf32, #tpu.memory_space<hbm>> -> memref<10000xf32, #tpu.memory_space<hbm>>
      %dma_start3A_324 = arith.constant 0 : i32
      %dma_start3A_325 = tpu.memref_slice %arg2[%mul3A_5, %dma_start3A_324] : memref<8x10000xf32, #tpu.memory_space<hbm>> -> memref<1x10000xf32, #tpu.memory_space<hbm>>
      %dma_start3A_326 = tpu.memref_squeeze %dma_start3A_325 : memref<1x10000xf32, #tpu.memory_space<hbm>> -> memref<10000xf32, #tpu.memory_space<hbm>>
      tpu.enqueue_dma source(%dma_start3A_326 : memref<10000xf32, #tpu.memory_space<hbm>>) target(%arg9 : memref<10000xf32, #tpu.memory_space<vmem>>) target_semaphore(%run_scoped3A : memref<!tpu.dma_semaphore, #tpu.memory_space<semaphore_mem>>)
      %dma_wait3A_327 = arith.constant 0 : i32
      %dma_wait3A_328 = tpu.memref_slice %arg2[%mul3A_5, %dma_wait3A_327] : memref<8x10000xf32, #tpu.memory_space<hbm>> -> memref<1x10000xf32, #tpu.memory_space<hbm>>
      %dma_wait3A_329 = tpu.memref_squeeze %dma_wait3A_328 : memref<1x10000xf32, #tpu.memory_space<hbm>> -> memref<10000xf32, #tpu.memory_space<hbm>>
      %dma_wait3A_330 = arith.constant 0 : i32
      %dma_wait3A_331 = tpu.memref_slice %arg2[%mul3A_5, %dma_wait3A_330] : memref<8x10000xf32, #tpu.memory_space<hbm>> -> memref<1x10000xf32, #tpu.memory_space<hbm>>
      %dma_wait3A_332 = tpu.memref_squeeze %dma_wait3A_331 : memref<1x10000xf32, #tpu.memory_space<hbm>> -> memref<10000xf32, #tpu.memory_space<hbm>>
      tpu.wait_dma2 semaphore(%run_scoped3A : memref<!tpu.dma_semaphore, #tpu.memory_space<semaphore_mem>>) src(%dma_wait3A_332 : memref<10000xf32, #tpu.memory_space<hbm>>) dst(%arg9 : memref<10000xf32, #tpu.memory_space<vmem>>)
      tpu.yield
    }) : () -> ()
    %mul3A_6 = arith.constant 4 : i32
    %mul3A_7 = arith.muli %arg0, %mul3A_6 : i32
    "tpu.region"() ({
      %run_scoped3A = tpu.sem_alloc : memref<!tpu.dma_semaphore, #tpu.memory_space<semaphore_mem>>
      %dma_start3A_321 = arith.constant 0 : i32
      %dma_start3A_322 = tpu.memref_slice %arg3[%mul3A_7, %dma_start3A_321] : memref<8x10000xf32, #tpu.memory_space<hbm>> -> memref<1x10000xf32, #tpu.memory_space<hbm>>
      %dma_start3A_323 = tpu.memref_squeeze %dma_start3A_322 : memref<1x10000xf32, #tpu.memory_space<hbm>> -> memref<10000xf32, #tpu.memory_space<hbm>>
      %dma_start3A_324 = arith.constant 0 : i32
      %dma_start3A_325 = tpu.memref_slice %arg3[%mul3A_7, %dma_start3A_324] : memref<8x10000xf32, #tpu.memory_space<hbm>> -> memref<1x10000xf32, #tpu.memory_space<hbm>>
      %dma_start3A_326 = tpu.memref_squeeze %dma_start3A_325 : memref<1x10000xf32, #tpu.memory_space<hbm>> -> memref<10000xf32, #tpu.memory_space<hbm>>
      tpu.enqueue_dma source(%dma_start3A_326 : memref<10000xf32, #tpu.memory_space<hbm>>) target(%arg10 : memref<10000xf32, #tpu.memory_space<vmem>>) target_semaphore(%run_scoped3A : memref<!tpu.dma_semaphore, #tpu.memory_space<semaphore_mem>>)
      %dma_wait3A_327 = arith.constant 0 : i32
      %dma_wait3A_328 = tpu.memref_slice %arg3[%mul3A_7, %dma_wait3A_327] : memref<8x10000xf32, #tpu.memory_space<hbm>> -> memref<1x10000xf32, #tpu.memory_space<hbm>>
      %dma_wait3A_329 = tpu.memref_squeeze %dma_wait3A_328 : memref<1x10000xf32, #tpu.memory_space<hbm>> -> memref<10000xf32, #tpu.memory_space<hbm>>
      %dma_wait3A_330 = arith.constant 0 : i32
      %dma_wait3A_331 = tpu.memref_slice %arg3[%mul3A_7, %dma_wait3A_330] : memref<8x10000xf32, #tpu.memory_space<hbm>> -> memref<1x10000xf32, #tpu.memory_space<hbm>>
      %dma_wait3A_332 = tpu.memref_squeeze %dma_wait3A_331 : memref<1x10000xf32, #tpu.memory_space<hbm>> -> memref<10000xf32, #tpu.memory_space<hbm>>
      tpu.wait_dma2 semaphore(%run_scoped3A : memref<!tpu.dma_semaphore, #tpu.memory_space<semaphore_mem>>) src(%dma_wait3A_332 : memref<10000xf32, #tpu.memory_space<hbm>>) dst(%arg10 : memref<10000xf32, #tpu.memory_space<vmem>>)
      tpu.yield
    }) : () -> ()
    %broadcast_in_dim3A = arith.constant 0.000000e+00 : f32
    %broadcast_in_dim3A_8 = vector.broadcast %broadcast_in_dim3A : f32 to vector<16xf32>
    %mul3A_9 = arith.constant 4 : i32
    %mul3A_10 = arith.muli %arg0, %mul3A_9 : i32
    %add3A = arith.constant 0 : i32
    %add3A_11 = arith.addi %mul3A_10, %add3A : i32
    %get3A = arith.constant 0 : i32
    %get3A_12 = arith.index_cast %get3A : i32 to index
    %get3A_13 = arith.constant 0 : index
    %get3A_14 = tpu.vector_load %arg16[%get3A_12, %get3A_13] {strides = array<i32>} : memref<4x16xf32, #tpu.memory_space<vmem>>, vector<16xf32>,
    %parallel_loop3A = arith.constant 0 : i32
    %parallel_loop3A_15 = arith.constant 640 : i32
    %parallel_loop3A_16 = arith.constant 1 : i32
    "tpu.trace_start"() <{level = 10 : i32, message = "zero"}> : () -> ()
    scf.for %parallel_loop3A_321 = %parallel_loop3A to %parallel_loop3A_15 step %parallel_loop3A_16  : i32 {
      %parallel_loop3A_322 = arith.constant 16 : i32
      %parallel_loop3A_323 = arith.muli %parallel_loop3A_321, %parallel_loop3A_322 : i32
      %parallel_loop3A_324 = arith.index_cast %parallel_loop3A_323 : i32 to index
      %parallel_loop3A_325 = tpu.vector_load %arg11[%parallel_loop3A_324] {strides = array<i32>} : memref<10240xf32, #tpu.memory_space<vmem>>, vector<16xf32>,
      tpu.vector_store %arg11[%parallel_loop3A_324], %broadcast_in_dim3A_8 {strides = array<i32>} : memref<10240xf32, #tpu.memory_space<vmem>>, vector<16xf32>,
    } {sc.loop_unroll_factor = 8 : i64, sc.parallel_access}
    "tpu.trace_stop"() : () -> ()
    %dma_wait3A = tpu.memref_slice %arg5[%mul3A_0] : memref<320000xi32, #tpu.memory_space<hbm>> -> memref<20000xi32, #tpu.memory_space<hbm>>
    %dma_wait3A_17 = tpu.memref_slice %arg5[%mul3A_0] : memref<320000xi32, #tpu.memory_space<hbm>> -> memref<20000xi32, #tpu.memory_space<hbm>>
    tpu.wait_dma2 semaphore(%arg19 : memref<!tpu.dma_semaphore, #tpu.memory_space<semaphore_mem>>) src(%dma_wait3A_17 : memref<20000xi32, #tpu.memory_space<hbm>>) dst(%arg7 : memref<20000xi32, #tpu.memory_space<vmem>>)
    %parallel_loop3A_18 = arith.constant 0 : i32
    %parallel_loop3A_19 = arith.constant 1250 : i32
    %parallel_loop3A_20 = arith.constant 1 : i32
    "tpu.trace_start"() <{level = 10 : i32, message = "pass_a"}> : () -> ()
    scf.for %parallel_loop3A_321 = %parallel_loop3A_18 to %parallel_loop3A_19 step %parallel_loop3A_20  : i32 {
      %parallel_loop3A_322 = arith.constant 16 : i32
      %parallel_loop3A_323 = arith.muli %parallel_loop3A_321, %parallel_loop3A_322 : i32
      %parallel_loop3A_324 = arith.index_cast %parallel_loop3A_323 : i32 to index
      %parallel_loop3A_325 = tpu.vector_load %arg7[%parallel_loop3A_324] {strides = array<i32>} : memref<20000xi32, #tpu.memory_space<vmem>>, vector<16xi32>,
      %parallel_loop3A_326 = arith.constant 65535 : i32
      %parallel_loop3A_327 = vector.broadcast %parallel_loop3A_326 : i32 to vector<16xi32>
      %parallel_loop3A_328 = arith.andi %parallel_loop3A_325, %parallel_loop3A_327 : vector<16xi32>
      %parallel_loop3A_329 = arith.constant 16 : i32
      %parallel_loop3A_330 = vector.broadcast %parallel_loop3A_329 : i32 to vector<16xi32>
      %parallel_loop3A_331 = arith.shrsi %parallel_loop3A_325, %parallel_loop3A_330 : vector<16xi32>
      %parallel_loop3A_332 = tpu.vector_load_idx %arg9[%parallel_loop3A_328] : memref<10000xf32, #tpu.memory_space<vmem>>[vector<16xi32>], vector<16xf32>,
      %parallel_loop3A_333 = tpu.vector_load_idx %arg10[%parallel_loop3A_331] : memref<10000xf32, #tpu.memory_space<vmem>>[vector<16xi32>], vector<16xf32>,
      %parallel_loop3A_334 = arith.addf %parallel_loop3A_332, %parallel_loop3A_333 : vector<16xf32>
      %parallel_loop3A_335 = arith.constant 2.000000e-01 : f32
      %parallel_loop3A_336 = vector.broadcast %parallel_loop3A_335 : f32 to vector<16xf32>
      %parallel_loop3A_337 = arith.mulf %parallel_loop3A_336, %parallel_loop3A_334 : vector<16xf32>
      %parallel_loop3A_338 = arith.maximumf %parallel_loop3A_334, %parallel_loop3A_337 : vector<16xf32>
      %parallel_loop3A_339 = arith.subf %parallel_loop3A_338, %get3A_14 : vector<16xf32>
      %parallel_loop3A_340 = math.exp %parallel_loop3A_339 : vector<16xf32>
      %parallel_loop3A_341 = arith.index_cast %parallel_loop3A_323 : i32 to index
      %parallel_loop3A_342 = tpu.vector_load %arg8[%parallel_loop3A_341] {strides = array<i32>} : memref<20000xf32, #tpu.memory_space<vmem>>, vector<16xf32>,
      tpu.vector_store %arg8[%parallel_loop3A_341], %parallel_loop3A_340 {strides = array<i32>} : memref<20000xf32, #tpu.memory_space<vmem>>, vector<16xf32>,
      tpu.vector_store_idx %arg11[%parallel_loop3A_331], %parallel_loop3A_340 {add = true} : memref<10240xf32, #tpu.memory_space<vmem>>[vector<16xi32>], vector<16xf32>,
    } {sc.loop_unroll_factor = 10 : i64, sc.parallel_access}
    "tpu.trace_stop"() : () -> ()
    %add3A_21 = arith.constant 1 : i32
    %add3A_22 = arith.addi %add3A_11, %add3A_21 : i32
    %dma_start3A_23 = arith.constant 0 : i32
    %dma_start3A_24 = tpu.memref_slice %arg2[%add3A_22, %dma_start3A_23] : memref<8x10000xf32, #tpu.memory_space<hbm>> -> memref<1x10000xf32, #tpu.memory_space<hbm>>
    %dma_start3A_25 = tpu.memref_squeeze %dma_start3A_24 : memref<1x10000xf32, #tpu.memory_space<hbm>> -> memref<10000xf32, #tpu.memory_space<hbm>>
    %dma_start3A_26 = arith.constant 0 : i32
    %dma_start3A_27 = tpu.memref_slice %arg2[%add3A_22, %dma_start3A_26] : memref<8x10000xf32, #tpu.memory_space<hbm>> -> memref<1x10000xf32, #tpu.memory_space<hbm>>
    %dma_start3A_28 = tpu.memref_squeeze %dma_start3A_27 : memref<1x10000xf32, #tpu.memory_space<hbm>> -> memref<10000xf32, #tpu.memory_space<hbm>>
    tpu.enqueue_dma source(%dma_start3A_28 : memref<10000xf32, #tpu.memory_space<hbm>>) target(%arg9 : memref<10000xf32, #tpu.memory_space<vmem>>) target_semaphore(%arg19 : memref<!tpu.dma_semaphore, #tpu.memory_space<semaphore_mem>>)
    %add3A_29 = arith.constant 1 : i32
    %add3A_30 = arith.addi %add3A_11, %add3A_29 : i32
    %dma_start3A_31 = arith.constant 0 : i32
    %dma_start3A_32 = tpu.memref_slice %arg3[%add3A_30, %dma_start3A_31] : memref<8x10000xf32, #tpu.memory_space<hbm>> -> memref<1x10000xf32, #tpu.memory_space<hbm>>
    %dma_start3A_33 = tpu.memref_squeeze %dma_start3A_32 : memref<1x10000xf32, #tpu.memory_space<hbm>> -> memref<10000xf32, #tpu.memory_space<hbm>>
    %dma_start3A_34 = arith.constant 0 : i32
    %dma_start3A_35 = tpu.memref_slice %arg3[%add3A_30, %dma_start3A_34] : memref<8x10000xf32, #tpu.memory_space<hbm>> -> memref<1x10000xf32, #tpu.memory_space<hbm>>
    %dma_start3A_36 = tpu.memref_squeeze %dma_start3A_35 : memref<1x10000xf32, #tpu.memory_space<hbm>> -> memref<10000xf32, #tpu.memory_space<hbm>>
    tpu.enqueue_dma source(%dma_start3A_36 : memref<10000xf32, #tpu.memory_space<hbm>>) target(%arg10 : memref<10000xf32, #tpu.memory_space<vmem>>) target_semaphore(%arg19 : memref<!tpu.dma_semaphore, #tpu.memory_space<semaphore_mem>>)
    "tpu.trace_start"() <{level = 10 : i32, message = "red_den"}> : () -> ()
    %dma_start3A_37 = arith.constant 0 : i32
    %dma_start3A_38 = tpu.memref_slice %arg17[%arg1, %dma_start3A_37] : memref<16x10240xf32, #tpu.memory_space<vmem_shared>> -> memref<1x10240xf32, #tpu.memory_space<vmem_shared>>
    %dma_start3A_39 = tpu.memref_squeeze %dma_start3A_38 : memref<1x10240xf32, #tpu.memory_space<vmem_shared>> -> memref<10240xf32, #tpu.memory_space<vmem_shared>>
    %dma_start3A_40 = arith.constant 0 : i32
    %dma_start3A_41 = tpu.memref_slice %arg17[%arg1, %dma_start3A_40] : memref<16x10240xf32, #tpu.memory_space<vmem_shared>> -> memref<1x10240xf32, #tpu.memory_space<vmem_shared>>
    %dma_start3A_42 = tpu.memref_squeeze %dma_start3A_41 : memref<1x10240xf32, #tpu.memory_space<vmem_shared>> -> memref<10240xf32, #tpu.memory_space<vmem_shared>>
    tpu.enqueue_dma source(%arg11 : memref<10240xf32, #tpu.memory_space<vmem>>) target(%dma_start3A_42 : memref<10240xf32, #tpu.memory_space<vmem_shared>>) target_semaphore(%arg21 : memref<!tpu.dma_semaphore, #tpu.memory_space<semaphore_mem>>)
    %parallel_loop3A_43 = arith.constant 0 : i32
    %parallel_loop3A_44 = arith.constant 640 : i32
    %parallel_loop3A_45 = arith.constant 1 : i32
    scf.for %parallel_loop3A_321 = %parallel_loop3A_43 to %parallel_loop3A_44 step %parallel_loop3A_45  : i32 {
      %parallel_loop3A_322 = arith.constant 16 : i32
      %parallel_loop3A_323 = arith.muli %parallel_loop3A_321, %parallel_loop3A_322 : i32
      %parallel_loop3A_324 = arith.index_cast %parallel_loop3A_323 : i32 to index
      %parallel_loop3A_325 = tpu.vector_load %arg12[%parallel_loop3A_324] {strides = array<i32>} : memref<10240xf32, #tpu.memory_space<vmem>>, vector<16xf32>,
      tpu.vector_store %arg12[%parallel_loop3A_324], %broadcast_in_dim3A_8 {strides = array<i32>} : memref<10240xf32, #tpu.memory_space<vmem>>, vector<16xf32>,
    } {sc.loop_unroll_factor = 8 : i64, sc.parallel_access}
    %dma_wait3A_46 = arith.constant 0 : i32
    %dma_wait3A_47 = tpu.memref_slice %arg17[%arg1, %dma_wait3A_46] : memref<16x10240xf32, #tpu.memory_space<vmem_shared>> -> memref<1x10240xf32, #tpu.memory_space<vmem_shared>>
    %dma_wait3A_48 = tpu.memref_squeeze %dma_wait3A_47 : memref<1x10240xf32, #tpu.memory_space<vmem_shared>> -> memref<10240xf32, #tpu.memory_space<vmem_shared>>
    %dma_wait3A_49 = arith.constant 0 : i32
    %dma_wait3A_50 = tpu.memref_slice %arg17[%arg1, %dma_wait3A_49] : memref<16x10240xf32, #tpu.memory_space<vmem_shared>> -> memref<1x10240xf32, #tpu.memory_space<vmem_shared>>
    %dma_wait3A_51 = tpu.memref_squeeze %dma_wait3A_50 : memref<1x10240xf32, #tpu.memory_space<vmem_shared>> -> memref<10240xf32, #tpu.memory_space<vmem_shared>>
    tpu.wait_dma2 semaphore(%arg21 : memref<!tpu.dma_semaphore, #tpu.memory_space<semaphore_mem>>) src(%arg11 : memref<10240xf32, #tpu.memory_space<vmem>>) dst(%dma_wait3A_51 : memref<10240xf32, #tpu.memory_space<vmem_shared>>)
    %barrier3A = arith.constant 0 : index
    tpu.barrier barrier_id(%barrier3A)
    %mul3A_52 = arith.constant 640 : i32
    %mul3A_53 = arith.muli %arg1, %mul3A_52 : i32
    "tpu.region"() ({
      %run_scoped3A = tpu.sem_alloc : memref<!tpu.dma_semaphore, #tpu.memory_space<semaphore_mem>>
      %dma_start3A_321 = arith.constant 0 : i32
      %dma_start3A_322 = tpu.memref_slice %arg17[%dma_start3A_321, %mul3A_53] : memref<16x10240xf32, #tpu.memory_space<vmem_shared>> -> memref<16x640xf32, #tpu.memory_space<vmem_shared>>
      %dma_start3A_323 = arith.constant 0 : i32
      %dma_start3A_324 = tpu.memref_slice %arg17[%dma_start3A_323, %mul3A_53] : memref<16x10240xf32, #tpu.memory_space<vmem_shared>> -> memref<16x640xf32, #tpu.memory_space<vmem_shared>>
      tpu.enqueue_dma source(%dma_start3A_324 : memref<16x640xf32, #tpu.memory_space<vmem_shared>>) target(%arg13 : memref<16x640xf32, #tpu.memory_space<vmem>>) target_semaphore(%run_scoped3A : memref<!tpu.dma_semaphore, #tpu.memory_space<semaphore_mem>>)
      %dma_wait3A_325 = arith.constant 0 : i32
      %dma_wait3A_326 = tpu.memref_slice %arg17[%dma_wait3A_325, %mul3A_53] : memref<16x10240xf32, #tpu.memory_space<vmem_shared>> -> memref<16x640xf32, #tpu.memory_space<vmem_shared>>
      %dma_wait3A_327 = arith.constant 0 : i32
      %dma_wait3A_328 = tpu.memref_slice %arg17[%dma_wait3A_327, %mul3A_53] : memref<16x10240xf32, #tpu.memory_space<vmem_shared>> -> memref<16x640xf32, #tpu.memory_space<vmem_shared>>
      tpu.wait_dma2 semaphore(%run_scoped3A : memref<!tpu.dma_semaphore, #tpu.memory_space<semaphore_mem>>) src(%dma_wait3A_328 : memref<16x640xf32, #tpu.memory_space<vmem_shared>>) dst(%arg13 : memref<16x640xf32, #tpu.memory_space<vmem>>)
      tpu.yield
    }) : () -> ()
    %parallel_loop3A_54 = arith.constant 0 : i32
    %parallel_loop3A_55 = arith.constant 40 : i32
    %parallel_loop3A_56 = arith.constant 1 : i32
    scf.for %parallel_loop3A_321 = %parallel_loop3A_54 to %parallel_loop3A_55 step %parallel_loop3A_56  : i32 {
      %parallel_loop3A_322 = arith.constant 16 : i32
      %parallel_loop3A_323 = arith.muli %parallel_loop3A_321, %parallel_loop3A_322 : i32
      %parallel_loop3A_324 = arith.constant 0 : i32
      %parallel_loop3A_325 = arith.index_cast %parallel_loop3A_324 : i32 to index
      %parallel_loop3A_326 = arith.index_cast %parallel_loop3A_323 : i32 to index
      %parallel_loop3A_327 = tpu.vector_load %arg13[%parallel_loop3A_325, %parallel_loop3A_326] {strides = array<i32>} : memref<16x640xf32, #tpu.memory_space<vmem>>, vector<16xf32>,
      %parallel_loop3A_328 = arith.constant 1 : i32
      %parallel_loop3A_329 = arith.index_cast %parallel_loop3A_328 : i32 to index
      %parallel_loop3A_330 = arith.index_cast %parallel_loop3A_323 : i32 to index
      %parallel_loop3A_331 = tpu.vector_load %arg13[%parallel_loop3A_329, %parallel_loop3A_330] {strides = array<i32>} : memref<16x640xf32, #tpu.memory_space<vmem>>, vector<16xf32>,
      %parallel_loop3A_332 = arith.addf %parallel_loop3A_327, %parallel_loop3A_331 : vector<16xf32>
      %parallel_loop3A_333 = arith.constant 2 : i32
      %parallel_loop3A_334 = arith.index_cast %parallel_loop3A_333 : i32 to index
      %parallel_loop3A_335 = arith.index_cast %parallel_loop3A_323 : i32 to index
      %parallel_loop3A_336 = tpu.vector_load %arg13[%parallel_loop3A_334, %parallel_loop3A_335] {strides = array<i32>} : memref<16x640xf32, #tpu.memory_space<vmem>>, vector<16xf32>,
      %parallel_loop3A_337 = arith.addf %parallel_loop3A_332, %parallel_loop3A_336 : vector<16xf32>
      %parallel_loop3A_338 = arith.constant 3 : i32
      %parallel_loop3A_339 = arith.index_cast %parallel_loop3A_338 : i32 to index
      %parallel_loop3A_340 = arith.index_cast %parallel_loop3A_323 : i32 to index
      %parallel_loop3A_341 = tpu.vector_load %arg13[%parallel_loop3A_339, %parallel_loop3A_340] {strides = array<i32>} : memref<16x640xf32, #tpu.memory_space<vmem>>, vector<16xf32>,
      %parallel_loop3A_342 = arith.addf %parallel_loop3A_337, %parallel_loop3A_341 : vector<16xf32>
      %parallel_loop3A_343 = arith.constant 4 : i32
      %parallel_loop3A_344 = arith.index_cast %parallel_loop3A_343 : i32 to index
      %parallel_loop3A_345 = arith.index_cast %parallel_loop3A_323 : i32 to index
      %parallel_loop3A_346 = tpu.vector_load %arg13[%parallel_loop3A_344, %parallel_loop3A_345] {strides = array<i32>} : memref<16x640xf32, #tpu.memory_space<vmem>>, vector<16xf32>,
      %parallel_loop3A_347 = arith.addf %parallel_loop3A_342, %parallel_loop3A_346 : vector<16xf32>
      %parallel_loop3A_348 = arith.constant 5 : i32
      %parallel_loop3A_349 = arith.index_cast %parallel_loop3A_348 : i32 to index
      %parallel_loop3A_350 = arith.index_cast %parallel_loop3A_323 : i32 to index
      %parallel_loop3A_351 = tpu.vector_load %arg13[%parallel_loop3A_349, %parallel_loop3A_350] {strides = array<i32>} : memref<16x640xf32, #tpu.memory_space<vmem>>, vector<16xf32>,
      %parallel_loop3A_352 = arith.addf %parallel_loop3A_347, %parallel_loop3A_351 : vector<16xf32>
      %parallel_loop3A_353 = arith.constant 6 : i32
      %parallel_loop3A_354 = arith.index_cast %parallel_loop3A_353 : i32 to index
      %parallel_loop3A_355 = arith.index_cast %parallel_loop3A_323 : i32 to index
      %parallel_loop3A_356 = tpu.vector_load %arg13[%parallel_loop3A_354, %parallel_loop3A_355] {strides = array<i32>} : memref<16x640xf32, #tpu.memory_space<vmem>>, vector<16xf32>,
      %parallel_loop3A_357 = arith.addf %parallel_loop3A_352, %parallel_loop3A_356 : vector<16xf32>
      %parallel_loop3A_358 = arith.constant 7 : i32
      %parallel_loop3A_359 = arith.index_cast %parallel_loop3A_358 : i32 to index
      %parallel_loop3A_360 = arith.index_cast %parallel_loop3A_323 : i32 to index
      %parallel_loop3A_361 = tpu.vector_load %arg13[%parallel_loop3A_359, %parallel_loop3A_360] {strides = array<i32>} : memref<16x640xf32, #tpu.memory_space<vmem>>, vector<16xf32>,
      %parallel_loop3A_362 = arith.addf %parallel_loop3A_357, %parallel_loop3A_361 : vector<16xf32>
      %parallel_loop3A_363 = arith.constant 8 : i32
      %parallel_loop3A_364 = arith.index_cast %parallel_loop3A_363 : i32 to index
      %parallel_loop3A_365 = arith.index_cast %parallel_loop3A_323 : i32 to index
      %parallel_loop3A_366 = tpu.vector_load %arg13[%parallel_loop3A_364, %parallel_loop3A_365] {strides = array<i32>} : memref<16x640xf32, #tpu.memory_space<vmem>>, vector<16xf32>,
      %parallel_loop3A_367 = arith.addf %parallel_loop3A_362, %parallel_loop3A_366 : vector<16xf32>
      %parallel_loop3A_368 = arith.constant 9 : i32
      %parallel_loop3A_369 = arith.index_cast %parallel_loop3A_368 : i32 to index
      %parallel_loop3A_370 = arith.index_cast %parallel_loop3A_323 : i32 to index
      %parallel_loop3A_371 = tpu.vector_load %arg13[%parallel_loop3A_369, %parallel_loop3A_370] {strides = array<i32>} : memref<16x640xf32, #tpu.memory_space<vmem>>, vector<16xf32>,
      %parallel_loop3A_372 = arith.addf %parallel_loop3A_367, %parallel_loop3A_371 : vector<16xf32>
      %parallel_loop3A_373 = arith.constant 10 : i32
      %parallel_loop3A_374 = arith.index_cast %parallel_loop3A_373 : i32 to index
      %parallel_loop3A_375 = arith.index_cast %parallel_loop3A_323 : i32 to index
      %parallel_loop3A_376 = tpu.vector_load %arg13[%parallel_loop3A_374, %parallel_loop3A_375] {strides = array<i32>} : memref<16x640xf32, #tpu.memory_space<vmem>>, vector<16xf32>,
      %parallel_loop3A_377 = arith.addf %parallel_loop3A_372, %parallel_loop3A_376 : vector<16xf32>
      %parallel_loop3A_378 = arith.constant 11 : i32
      %parallel_loop3A_379 = arith.index_cast %parallel_loop3A_378 : i32 to index
      %parallel_loop3A_380 = arith.index_cast %parallel_loop3A_323 : i32 to index
      %parallel_loop3A_381 = tpu.vector_load %arg13[%parallel_loop3A_379, %parallel_loop3A_380] {strides = array<i32>} : memref<16x640xf32, #tpu.memory_space<vmem>>, vector<16xf32>,
      %parallel_loop3A_382 = arith.addf %parallel_loop3A_377, %parallel_loop3A_381 : vector<16xf32>
      %parallel_loop3A_383 = arith.constant 12 : i32
      %parallel_loop3A_384 = arith.index_cast %parallel_loop3A_383 : i32 to index
      %parallel_loop3A_385 = arith.index_cast %parallel_loop3A_323 : i32 to index
      %parallel_loop3A_386 = tpu.vector_load %arg13[%parallel_loop3A_384, %parallel_loop3A_385] {strides = array<i32>} : memref<16x640xf32, #tpu.memory_space<vmem>>, vector<16xf32>,
      %parallel_loop3A_387 = arith.addf %parallel_loop3A_382, %parallel_loop3A_386 : vector<16xf32>
      %parallel_loop3A_388 = arith.constant 13 : i32
      %parallel_loop3A_389 = arith.index_cast %parallel_loop3A_388 : i32 to index
      %parallel_loop3A_390 = arith.index_cast %parallel_loop3A_323 : i32 to index
      %parallel_loop3A_391 = tpu.vector_load %arg13[%parallel_loop3A_389, %parallel_loop3A_390] {strides = array<i32>} : memref<16x640xf32, #tpu.memory_space<vmem>>, vector<16xf32>,
      %parallel_loop3A_392 = arith.addf %parallel_loop3A_387, %parallel_loop3A_391 : vector<16xf32>
      %parallel_loop3A_393 = arith.constant 14 : i32
      %parallel_loop3A_394 = arith.index_cast %parallel_loop3A_393 : i32 to index
      %parallel_loop3A_395 = arith.index_cast %parallel_loop3A_323 : i32 to index
      %parallel_loop3A_396 = tpu.vector_load %arg13[%parallel_loop3A_394, %parallel_loop3A_395] {strides = array<i32>} : memref<16x640xf32, #tpu.memory_space<vmem>>, vector<16xf32>,
      %parallel_loop3A_397 = arith.addf %parallel_loop3A_392, %parallel_loop3A_396 : vector<16xf32>
      %parallel_loop3A_398 = arith.constant 15 : i32
      %parallel_loop3A_399 = arith.index_cast %parallel_loop3A_398 : i32 to index
      %parallel_loop3A_400 = arith.index_cast %parallel_loop3A_323 : i32 to index
      %parallel_loop3A_401 = tpu.vector_load %arg13[%parallel_loop3A_399, %parallel_loop3A_400] {strides = array<i32>} : memref<16x640xf32, #tpu.memory_space<vmem>>, vector<16xf32>,
      %parallel_loop3A_402 = arith.addf %parallel_loop3A_397, %parallel_loop3A_401 : vector<16xf32>
      %parallel_loop3A_403 = arith.constant 1.000000e-16 : f32
      %parallel_loop3A_404 = vector.broadcast %parallel_loop3A_403 : f32 to vector<16xf32>
      %parallel_loop3A_405 = arith.addf %parallel_loop3A_402, %parallel_loop3A_404 : vector<16xf32>
      %parallel_loop3A_406 = arith.constant 1.000000e+00 : f32
      %parallel_loop3A_407 = vector.broadcast %parallel_loop3A_406 : f32 to vector<16xf32>
      %parallel_loop3A_408 = arith.divf %parallel_loop3A_407, %parallel_loop3A_405 : vector<16xf32>
      %parallel_loop3A_409 = arith.index_cast %parallel_loop3A_323 : i32 to index
      %parallel_loop3A_410 = tpu.vector_load %arg14[%parallel_loop3A_409] {strides = array<i32>} : memref<640xf32, #tpu.memory_space<vmem>>, vector<16xf32>,
      tpu.vector_store %arg14[%parallel_loop3A_409], %parallel_loop3A_408 {strides = array<i32>} : memref<640xf32, #tpu.memory_space<vmem>>, vector<16xf32>,
    } {sc.loop_unroll_factor = 2 : i64, sc.parallel_access}
    %mul3A_57 = arith.constant 640 : i32
    %mul3A_58 = arith.muli %arg1, %mul3A_57 : i32
    "tpu.region"() ({
      %run_scoped3A = tpu.sem_alloc : memref<!tpu.dma_semaphore, #tpu.memory_space<semaphore_mem>>
      %dma_start3A_321 = tpu.memref_slice %arg18[%mul3A_58] : memref<10240xf32, #tpu.memory_space<vmem_shared>> -> memref<640xf32, #tpu.memory_space<vmem_shared>>
      %dma_start3A_322 = tpu.memref_slice %arg18[%mul3A_58] : memref<10240xf32, #tpu.memory_space<vmem_shared>> -> memref<640xf32, #tpu.memory_space<vmem_shared>>
      tpu.enqueue_dma source(%arg14 : memref<640xf32, #tpu.memory_space<vmem>>) target(%dma_start3A_322 : memref<640xf32, #tpu.memory_space<vmem_shared>>) target_semaphore(%run_scoped3A : memref<!tpu.dma_semaphore, #tpu.memory_space<semaphore_mem>>)
      %dma_wait3A_323 = tpu.memref_slice %arg18[%mul3A_58] : memref<10240xf32, #tpu.memory_space<vmem_shared>> -> memref<640xf32, #tpu.memory_space<vmem_shared>>
      %dma_wait3A_324 = tpu.memref_slice %arg18[%mul3A_58] : memref<10240xf32, #tpu.memory_space<vmem_shared>> -> memref<640xf32, #tpu.memory_space<vmem_shared>>
      tpu.wait_dma2 semaphore(%run_scoped3A : memref<!tpu.dma_semaphore, #tpu.memory_space<semaphore_mem>>) src(%arg14 : memref<640xf32, #tpu.memory_space<vmem>>) dst(%dma_wait3A_324 : memref<640xf32, #tpu.memory_space<vmem_shared>>)
      tpu.yield
    }) : () -> ()
    %barrier3A_59 = arith.constant 0 : index
    tpu.barrier barrier_id(%barrier3A_59)
    "tpu.region"() ({
      %run_scoped3A = tpu.sem_alloc : memref<!tpu.dma_semaphore, #tpu.memory_space<semaphore_mem>>
      tpu.enqueue_dma source(%arg18 : memref<10240xf32, #tpu.memory_space<vmem_shared>>) target(%arg11 : memref<10240xf32, #tpu.memory_space<vmem>>) target_semaphore(%run_scoped3A : memref<!tpu.dma_semaphore, #tpu.memory_space<semaphore_mem>>)
      tpu.wait_dma2 semaphore(%run_scoped3A : memref<!tpu.dma_semaphore, #tpu.memory_space<semaphore_mem>>) src(%arg18 : memref<10240xf32, #tpu.memory_space<vmem_shared>>) dst(%arg11 : memref<10240xf32, #tpu.memory_space<vmem>>)
      tpu.yield
    }) : () -> ()
    %parallel_loop3A_60 = arith.constant 0 : i32
    %parallel_loop3A_61 = arith.constant 1250 : i32
    %parallel_loop3A_62 = arith.constant 1 : i32
    "tpu.trace_stop"() : () -> ()
    "tpu.trace_start"() <{level = 10 : i32, message = "pass_b"}> : () -> ()
    scf.for %parallel_loop3A_321 = %parallel_loop3A_60 to %parallel_loop3A_61 step %parallel_loop3A_62  : i32 {
      %parallel_loop3A_322 = arith.constant 16 : i32
      %parallel_loop3A_323 = arith.muli %parallel_loop3A_321, %parallel_loop3A_322 : i32
      %parallel_loop3A_324 = arith.index_cast %parallel_loop3A_323 : i32 to index
      %parallel_loop3A_325 = tpu.vector_load %arg7[%parallel_loop3A_324] {strides = array<i32>} : memref<20000xi32, #tpu.memory_space<vmem>>, vector<16xi32>,
      %parallel_loop3A_326 = arith.index_cast %parallel_loop3A_323 : i32 to index
      %parallel_loop3A_327 = tpu.vector_load %arg8[%parallel_loop3A_326] {strides = array<i32>} : memref<20000xf32, #tpu.memory_space<vmem>>, vector<16xf32>,
      %parallel_loop3A_328 = arith.constant 16 : i32
      %parallel_loop3A_329 = vector.broadcast %parallel_loop3A_328 : i32 to vector<16xi32>
      %parallel_loop3A_330 = arith.shrsi %parallel_loop3A_325, %parallel_loop3A_329 : vector<16xi32>
      %parallel_loop3A_331 = tpu.vector_load_idx %arg11[%parallel_loop3A_330] : memref<10240xf32, #tpu.memory_space<vmem>>[vector<16xi32>], vector<16xf32>,
      %parallel_loop3A_332 = arith.mulf %parallel_loop3A_327, %parallel_loop3A_331 : vector<16xf32>
      %parallel_loop3A_333 = arith.constant 65535 : i32
      %parallel_loop3A_334 = vector.broadcast %parallel_loop3A_333 : i32 to vector<16xi32>
      %parallel_loop3A_335 = arith.andi %parallel_loop3A_325, %parallel_loop3A_334 : vector<16xi32>
      tpu.vector_store_idx %arg12[%parallel_loop3A_335], %parallel_loop3A_332 {add = true} : memref<10240xf32, #tpu.memory_space<vmem>>[vector<16xi32>], vector<16xf32>,
    } {sc.loop_unroll_factor = 10 : i64, sc.parallel_access}
    "tpu.trace_stop"() : () -> ()
    "tpu.trace_start"() <{level = 10 : i32, message = "red_s"}> : () -> ()
    "tpu.region"() ({
      %run_scoped3A = tpu.sem_alloc : memref<!tpu.dma_semaphore, #tpu.memory_space<semaphore_mem>>
      %dma_start3A_321 = arith.constant 0 : i32
      %dma_start3A_322 = tpu.memref_slice %arg17[%arg1, %dma_start3A_321] : memref<16x10240xf32, #tpu.memory_space<vmem_shared>> -> memref<1x10240xf32, #tpu.memory_space<vmem_shared>>
      %dma_start3A_323 = tpu.memref_squeeze %dma_start3A_322 : memref<1x10240xf32, #tpu.memory_space<vmem_shared>> -> memref<10240xf32, #tpu.memory_space<vmem_shared>>
      %dma_start3A_324 = arith.constant 0 : i32
      %dma_start3A_325 = tpu.memref_slice %arg17[%arg1, %dma_start3A_324] : memref<16x10240xf32, #tpu.memory_space<vmem_shared>> -> memref<1x10240xf32, #tpu.memory_space<vmem_shared>>
      %dma_start3A_326 = tpu.memref_squeeze %dma_start3A_325 : memref<1x10240xf32, #tpu.memory_space<vmem_shared>> -> memref<10240xf32, #tpu.memory_space<vmem_shared>>
      tpu.enqueue_dma source(%arg12 : memref<10240xf32, #tpu.memory_space<vmem>>) target(%dma_start3A_326 : memref<10240xf32, #tpu.memory_space<vmem_shared>>) target_semaphore(%run_scoped3A : memref<!tpu.dma_semaphore, #tpu.memory_space<semaphore_mem>>)
      %dma_wait3A_327 = arith.constant 0 : i32
      %dma_wait3A_328 = tpu.memref_slice %arg17[%arg1, %dma_wait3A_327] : memref<16x10240xf32, #tpu.memory_space<vmem_shared>> -> memref<1x10240xf32, #tpu.memory_space<vmem_shared>>
      %dma_wait3A_329 = tpu.memref_squeeze %dma_wait3A_328 : memref<1x10240xf32, #tpu.memory_space<vmem_shared>> -> memref<10240xf32, #tpu.memory_space<vmem_shared>>
      %dma_wait3A_330 = arith.constant 0 : i32
      %dma_wait3A_331 = tpu.memref_slice %arg17[%arg1, %dma_wait3A_330] : memref<16x10240xf32, #tpu.memory_space<vmem_shared>> -> memref<1x10240xf32, #tpu.memory_space<vmem_shared>>
      %dma_wait3A_332 = tpu.memref_squeeze %dma_wait3A_331 : memref<1x10240xf32, #tpu.memory_space<vmem_shared>> -> memref<10240xf32, #tpu.memory_space<vmem_shared>>
      tpu.wait_dma2 semaphore(%run_scoped3A : memref<!tpu.dma_semaphore, #tpu.memory_space<semaphore_mem>>) src(%arg12 : memref<10240xf32, #tpu.memory_space<vmem>>) dst(%dma_wait3A_332 : memref<10240xf32, #tpu.memory_space<vmem_shared>>)
      tpu.yield
    }) : () -> ()
    %barrier3A_63 = arith.constant 0 : index
    tpu.barrier barrier_id(%barrier3A_63)
    %mul3A_64 = arith.constant 640 : i32
    %mul3A_65 = arith.muli %arg1, %mul3A_64 : i32
    "tpu.region"() ({
      %run_scoped3A = tpu.sem_alloc : memref<!tpu.dma_semaphore, #tpu.memory_space<semaphore_mem>>
      %dma_start3A_321 = arith.constant 0 : i32
      %dma_start3A_322 = tpu.memref_slice %arg17[%dma_start3A_321, %mul3A_65] : memref<16x10240xf32, #tpu.memory_space<vmem_shared>> -> memref<16x640xf32, #tpu.memory_space<vmem_shared>>
      %dma_start3A_323 = arith.constant 0 : i32
      %dma_start3A_324 = tpu.memref_slice %arg17[%dma_start3A_323, %mul3A_65] : memref<16x10240xf32, #tpu.memory_space<vmem_shared>> -> memref<16x640xf32, #tpu.memory_space<vmem_shared>>
      tpu.enqueue_dma source(%dma_start3A_324 : memref<16x640xf32, #tpu.memory_space<vmem_shared>>) target(%arg13 : memref<16x640xf32, #tpu.memory_space<vmem>>) target_semaphore(%run_scoped3A : memref<!tpu.dma_semaphore, #tpu.memory_space<semaphore_mem>>)
      %dma_wait3A_325 = arith.constant 0 : i32
      %dma_wait3A_326 = tpu.memref_slice %arg17[%dma_wait3A_325, %mul3A_65] : memref<16x10240xf32, #tpu.memory_space<vmem_shared>> -> memref<16x640xf32, #tpu.memory_space<vmem_shared>>
      %dma_wait3A_327 = arith.constant 0 : i32
      %dma_wait3A_328 = tpu.memref_slice %arg17[%dma_wait3A_327, %mul3A_65] : memref<16x10240xf32, #tpu.memory_space<vmem_shared>> -> memref<16x640xf32, #tpu.memory_space<vmem_shared>>
      tpu.wait_dma2 semaphore(%run_scoped3A : memref<!tpu.dma_semaphore, #tpu.memory_space<semaphore_mem>>) src(%dma_wait3A_328 : memref<16x640xf32, #tpu.memory_space<vmem_shared>>) dst(%arg13 : memref<16x640xf32, #tpu.memory_space<vmem>>)
      tpu.yield
    }) : () -> ()
    %parallel_loop3A_66 = arith.constant 0 : i32
    %parallel_loop3A_67 = arith.constant 40 : i32
    %parallel_loop3A_68 = arith.constant 1 : i32
    scf.for %parallel_loop3A_321 = %parallel_loop3A_66 to %parallel_loop3A_67 step %parallel_loop3A_68  : i32 {
      %parallel_loop3A_322 = arith.constant 16 : i32
      %parallel_loop3A_323 = arith.muli %parallel_loop3A_321, %parallel_loop3A_322 : i32
      %parallel_loop3A_324 = arith.constant 0 : i32
      %parallel_loop3A_325 = arith.index_cast %parallel_loop3A_324 : i32 to index
      %parallel_loop3A_326 = arith.index_cast %parallel_loop3A_323 : i32 to index
      %parallel_loop3A_327 = tpu.vector_load %arg13[%parallel_loop3A_325, %parallel_loop3A_326] {strides = array<i32>} : memref<16x640xf32, #tpu.memory_space<vmem>>, vector<16xf32>,
      %parallel_loop3A_328 = arith.constant 1 : i32
      %parallel_loop3A_329 = arith.index_cast %parallel_loop3A_328 : i32 to index
      %parallel_loop3A_330 = arith.index_cast %parallel_loop3A_323 : i32 to index
      %parallel_loop3A_331 = tpu.vector_load %arg13[%parallel_loop3A_329, %parallel_loop3A_330] {strides = array<i32>} : memref<16x640xf32, #tpu.memory_space<vmem>>, vector<16xf32>,
      %parallel_loop3A_332 = arith.addf %parallel_loop3A_327, %parallel_loop3A_331 : vector<16xf32>
      %parallel_loop3A_333 = arith.constant 2 : i32
      %parallel_loop3A_334 = arith.index_cast %parallel_loop3A_333 : i32 to index
      %parallel_loop3A_335 = arith.index_cast %parallel_loop3A_323 : i32 to index
      %parallel_loop3A_336 = tpu.vector_load %arg13[%parallel_loop3A_334, %parallel_loop3A_335] {strides = array<i32>} : memref<16x640xf32, #tpu.memory_space<vmem>>, vector<16xf32>,
      %parallel_loop3A_337 = arith.addf %parallel_loop3A_332, %parallel_loop3A_336 : vector<16xf32>
      %parallel_loop3A_338 = arith.constant 3 : i32
      %parallel_loop3A_339 = arith.index_cast %parallel_loop3A_338 : i32 to index
      %parallel_loop3A_340 = arith.index_cast %parallel_loop3A_323 : i32 to index
      %parallel_loop3A_341 = tpu.vector_load %arg13[%parallel_loop3A_339, %parallel_loop3A_340] {strides = array<i32>} : memref<16x640xf32, #tpu.memory_space<vmem>>, vector<16xf32>,
      %parallel_loop3A_342 = arith.addf %parallel_loop3A_337, %parallel_loop3A_341 : vector<16xf32>
      %parallel_loop3A_343 = arith.constant 4 : i32
      %parallel_loop3A_344 = arith.index_cast %parallel_loop3A_343 : i32 to index
      %parallel_loop3A_345 = arith.index_cast %parallel_loop3A_323 : i32 to index
      %parallel_loop3A_346 = tpu.vector_load %arg13[%parallel_loop3A_344, %parallel_loop3A_345] {strides = array<i32>} : memref<16x640xf32, #tpu.memory_space<vmem>>, vector<16xf32>,
      %parallel_loop3A_347 = arith.addf %parallel_loop3A_342, %parallel_loop3A_346 : vector<16xf32>
      %parallel_loop3A_348 = arith.constant 5 : i32
      %parallel_loop3A_349 = arith.index_cast %parallel_loop3A_348 : i32 to index
      %parallel_loop3A_350 = arith.index_cast %parallel_loop3A_323 : i32 to index
      %parallel_loop3A_351 = tpu.vector_load %arg13[%parallel_loop3A_349, %parallel_loop3A_350] {strides = array<i32>} : memref<16x640xf32, #tpu.memory_space<vmem>>, vector<16xf32>,
      %parallel_loop3A_352 = arith.addf %parallel_loop3A_347, %parallel_loop3A_351 : vector<16xf32>
      %parallel_loop3A_353 = arith.constant 6 : i32
      %parallel_loop3A_354 = arith.index_cast %parallel_loop3A_353 : i32 to index
      %parallel_loop3A_355 = arith.index_cast %parallel_loop3A_323 : i32 to index
      %parallel_loop3A_356 = tpu.vector_load %arg13[%parallel_loop3A_354, %parallel_loop3A_355] {strides = array<i32>} : memref<16x640xf32, #tpu.memory_space<vmem>>, vector<16xf32>,
      %parallel_loop3A_357 = arith.addf %parallel_loop3A_352, %parallel_loop3A_356 : vector<16xf32>
      %parallel_loop3A_358 = arith.constant 7 : i32
      %parallel_loop3A_359 = arith.index_cast %parallel_loop3A_358 : i32 to index
      %parallel_loop3A_360 = arith.index_cast %parallel_loop3A_323 : i32 to index
      %parallel_loop3A_361 = tpu.vector_load %arg13[%parallel_loop3A_359, %parallel_loop3A_360] {strides = array<i32>} : memref<16x640xf32, #tpu.memory_space<vmem>>, vector<16xf32>,
      %parallel_loop3A_362 = arith.addf %parallel_loop3A_357, %parallel_loop3A_361 : vector<16xf32>
      %parallel_loop3A_363 = arith.constant 8 : i32
      %parallel_loop3A_364 = arith.index_cast %parallel_loop3A_363 : i32 to index
      %parallel_loop3A_365 = arith.index_cast %parallel_loop3A_323 : i32 to index
      %parallel_loop3A_366 = tpu.vector_load %arg13[%parallel_loop3A_364, %parallel_loop3A_365] {strides = array<i32>} : memref<16x640xf32, #tpu.memory_space<vmem>>, vector<16xf32>,
      %parallel_loop3A_367 = arith.addf %parallel_loop3A_362, %parallel_loop3A_366 : vector<16xf32>
      %parallel_loop3A_368 = arith.constant 9 : i32
      %parallel_loop3A_369 = arith.index_cast %parallel_loop3A_368 : i32 to index
      %parallel_loop3A_370 = arith.index_cast %parallel_loop3A_323 : i32 to index
      %parallel_loop3A_371 = tpu.vector_load %arg13[%parallel_loop3A_369, %parallel_loop3A_370] {strides = array<i32>} : memref<16x640xf32, #tpu.memory_space<vmem>>, vector<16xf32>,
      %parallel_loop3A_372 = arith.addf %parallel_loop3A_367, %parallel_loop3A_371 : vector<16xf32>
      %parallel_loop3A_373 = arith.constant 10 : i32
      %parallel_loop3A_374 = arith.index_cast %parallel_loop3A_373 : i32 to index
      %parallel_loop3A_375 = arith.index_cast %parallel_loop3A_323 : i32 to index
      %parallel_loop3A_376 = tpu.vector_load %arg13[%parallel_loop3A_374, %parallel_loop3A_375] {strides = array<i32>} : memref<16x640xf32, #tpu.memory_space<vmem>>, vector<16xf32>,
      %parallel_loop3A_377 = arith.addf %parallel_loop3A_372, %parallel_loop3A_376 : vector<16xf32>
      %parallel_loop3A_378 = arith.constant 11 : i32
      %parallel_loop3A_379 = arith.index_cast %parallel_loop3A_378 : i32 to index
      %parallel_loop3A_380 = arith.index_cast %parallel_loop3A_323 : i32 to index
      %parallel_loop3A_381 = tpu.vector_load %arg13[%parallel_loop3A_379, %parallel_loop3A_380] {strides = array<i32>} : memref<16x640xf32, #tpu.memory_space<vmem>>, vector<16xf32>,
      %parallel_loop3A_382 = arith.addf %parallel_loop3A_377, %parallel_loop3A_381 : vector<16xf32>
      %parallel_loop3A_383 = arith.constant 12 : i32
      %parallel_loop3A_384 = arith.index_cast %parallel_loop3A_383 : i32 to index
      %parallel_loop3A_385 = arith.index_cast %parallel_loop3A_323 : i32 to index
      %parallel_loop3A_386 = tpu.vector_load %arg13[%parallel_loop3A_384, %parallel_loop3A_385] {strides = array<i32>} : memref<16x640xf32, #tpu.memory_space<vmem>>, vector<16xf32>,
      %parallel_loop3A_387 = arith.addf %parallel_loop3A_382, %parallel_loop3A_386 : vector<16xf32>
      %parallel_loop3A_388 = arith.constant 13 : i32
      %parallel_loop3A_389 = arith.index_cast %parallel_loop3A_388 : i32 to index
      %parallel_loop3A_390 = arith.index_cast %parallel_loop3A_323 : i32 to index
      %parallel_loop3A_391 = tpu.vector_load %arg13[%parallel_loop3A_389, %parallel_loop3A_390] {strides = array<i32>} : memref<16x640xf32, #tpu.memory_space<vmem>>, vector<16xf32>,
      %parallel_loop3A_392 = arith.addf %parallel_loop3A_387, %parallel_loop3A_391 : vector<16xf32>
      %parallel_loop3A_393 = arith.constant 14 : i32
      %parallel_loop3A_394 = arith.index_cast %parallel_loop3A_393 : i32 to index
      %parallel_loop3A_395 = arith.index_cast %parallel_loop3A_323 : i32 to index
      %parallel_loop3A_396 = tpu.vector_load %arg13[%parallel_loop3A_394, %parallel_loop3A_395] {strides = array<i32>} : memref<16x640xf32, #tpu.memory_space<vmem>>, vector<16xf32>,
      %parallel_loop3A_397 = arith.addf %parallel_loop3A_392, %parallel_loop3A_396 : vector<16xf32>
      %parallel_loop3A_398 = arith.constant 15 : i32
      %parallel_loop3A_399 = arith.index_cast %parallel_loop3A_398 : i32 to index
      %parallel_loop3A_400 = arith.index_cast %parallel_loop3A_323 : i32 to index
      %parallel_loop3A_401 = tpu.vector_load %arg13[%parallel_loop3A_399, %parallel_loop3A_400] {strides = array<i32>} : memref<16x640xf32, #tpu.memory_space<vmem>>, vector<16xf32>,
      %parallel_loop3A_402 = arith.addf %parallel_loop3A_397, %parallel_loop3A_401 : vector<16xf32>
      %parallel_loop3A_403 = arith.index_cast %parallel_loop3A_323 : i32 to index
      %parallel_loop3A_404 = tpu.vector_load %arg15[%parallel_loop3A_403] {strides = array<i32>} : memref<640xf32, #tpu.memory_space<vmem>>, vector<16xf32>,
      tpu.vector_store %arg15[%parallel_loop3A_403], %parallel_loop3A_402 {strides = array<i32>} : memref<640xf32, #tpu.memory_space<vmem>>, vector<16xf32>,
    } {sc.loop_unroll_factor = 2 : i64, sc.parallel_access}
    %mul3A_69 = arith.constant 640 : i32
    %mul3A_70 = arith.muli %arg1, %mul3A_69 : i32
    %dma_start3A_71 = tpu.memref_slice %arg6[%add3A_11, %mul3A_70] : memref<8x10240xf32, #tpu.memory_space<hbm>> -> memref<1x640xf32, #tpu.memory_space<hbm>>
    %dma_start3A_72 = tpu.memref_squeeze %dma_start3A_71 : memref<1x640xf32, #tpu.memory_space<hbm>> -> memref<640xf32, #tpu.memory_space<hbm>>
    %dma_start3A_73 = tpu.memref_slice %arg6[%add3A_11, %mul3A_70] : memref<8x10240xf32, #tpu.memory_space<hbm>> -> memref<1x640xf32, #tpu.memory_space<hbm>>
    %dma_start3A_74 = tpu.memref_squeeze %dma_start3A_73 : memref<1x640xf32, #tpu.memory_space<hbm>> -> memref<640xf32, #tpu.memory_space<hbm>>
    tpu.enqueue_dma source(%arg15 : memref<640xf32, #tpu.memory_space<vmem>>) target(%dma_start3A_74 : memref<640xf32, #tpu.memory_space<hbm>>) target_semaphore(%arg20 : memref<!tpu.dma_semaphore, #tpu.memory_space<semaphore_mem>>)
    %dma_wait3A_75 = arith.constant 0 : i32
    %dma_wait3A_76 = tpu.memref_slice %arg2[%add3A_22, %dma_wait3A_75] : memref<8x10000xf32, #tpu.memory_space<hbm>> -> memref<1x10000xf32, #tpu.memory_space<hbm>>
    %dma_wait3A_77 = tpu.memref_squeeze %dma_wait3A_76 : memref<1x10000xf32, #tpu.memory_space<hbm>> -> memref<10000xf32, #tpu.memory_space<hbm>>
    %dma_wait3A_78 = arith.constant 0 : i32
    %dma_wait3A_79 = tpu.memref_slice %arg2[%add3A_22, %dma_wait3A_78] : memref<8x10000xf32, #tpu.memory_space<hbm>> -> memref<1x10000xf32, #tpu.memory_space<hbm>>
    %dma_wait3A_80 = tpu.memref_squeeze %dma_wait3A_79 : memref<1x10000xf32, #tpu.memory_space<hbm>> -> memref<10000xf32, #tpu.memory_space<hbm>>
    tpu.wait_dma2 semaphore(%arg19 : memref<!tpu.dma_semaphore, #tpu.memory_space<semaphore_mem>>) src(%dma_wait3A_80 : memref<10000xf32, #tpu.memory_space<hbm>>) dst(%arg9 : memref<10000xf32, #tpu.memory_space<vmem>>)
    %dma_wait3A_81 = arith.constant 0 : i32
    %dma_wait3A_82 = tpu.memref_slice %arg3[%add3A_30, %dma_wait3A_81] : memref<8x10000xf32, #tpu.memory_space<hbm>> -> memref<1x10000xf32, #tpu.memory_space<hbm>>
    %dma_wait3A_83 = tpu.memref_squeeze %dma_wait3A_82 : memref<1x10000xf32, #tpu.memory_space<hbm>> -> memref<10000xf32, #tpu.memory_space<hbm>>
    %dma_wait3A_84 = arith.constant 0 : i32
    %dma_wait3A_85 = tpu.memref_slice %arg3[%add3A_30, %dma_wait3A_84] : memref<8x10000xf32, #tpu.memory_space<hbm>> -> memref<1x10000xf32, #tpu.memory_space<hbm>>
    %dma_wait3A_86 = tpu.memref_squeeze %dma_wait3A_85 : memref<1x10000xf32, #tpu.memory_space<hbm>> -> memref<10000xf32, #tpu.memory_space<hbm>>
    tpu.wait_dma2 semaphore(%arg19 : memref<!tpu.dma_semaphore, #tpu.memory_space<semaphore_mem>>) src(%dma_wait3A_86 : memref<10000xf32, #tpu.memory_space<hbm>>) dst(%arg10 : memref<10000xf32, #tpu.memory_space<vmem>>)
    "tpu.trace_stop"() : () -> ()
    %mul3A_87 = arith.constant 4 : i32
    %mul3A_88 = arith.muli %arg0, %mul3A_87 : i32
    %add3A_89 = arith.constant 1 : i32
    %add3A_90 = arith.addi %mul3A_88, %add3A_89 : i32
    %get3A_91 = arith.constant 1 : i32
    %get3A_92 = arith.index_cast %get3A_91 : i32 to index
    %get3A_93 = arith.constant 0 : index
    %get3A_94 = tpu.vector_load %arg16[%get3A_92, %get3A_93] {strides = array<i32>} : memref<4x16xf32, #tpu.memory_space<vmem>>, vector<16xf32>,
    %parallel_loop3A_95 = arith.constant 0 : i32
    %parallel_loop3A_96 = arith.constant 640 : i32
    %parallel_loop3A_97 = arith.constant 1 : i32
    "tpu.trace_start"() <{level = 10 : i32, message = "zero"}> : () -> ()
    scf.for %parallel_loop3A_321 = %parallel_loop3A_95 to %parallel_loop3A_96 step %parallel_loop3A_97  : i32 {
      %parallel_loop3A_322 = arith.constant 16 : i32
      %parallel_loop3A_323 = arith.muli %parallel_loop3A_321, %parallel_loop3A_322 : i32
      %parallel_loop3A_324 = arith.index_cast %parallel_loop3A_323 : i32 to index
      %parallel_loop3A_325 = tpu.vector_load %arg11[%parallel_loop3A_324] {strides = array<i32>} : memref<10240xf32, #tpu.memory_space<vmem>>, vector<16xf32>,
      tpu.vector_store %arg11[%parallel_loop3A_324], %broadcast_in_dim3A_8 {strides = array<i32>} : memref<10240xf32, #tpu.memory_space<vmem>>, vector<16xf32>,
    } {sc.loop_unroll_factor = 8 : i64, sc.parallel_access}
    %parallel_loop3A_98 = arith.constant 0 : i32
    %parallel_loop3A_99 = arith.constant 1250 : i32
    %parallel_loop3A_100 = arith.constant 1 : i32
    "tpu.trace_stop"() : () -> ()
    "tpu.trace_start"() <{level = 10 : i32, message = "pass_a"}> : () -> ()
    scf.for %parallel_loop3A_321 = %parallel_loop3A_98 to %parallel_loop3A_99 step %parallel_loop3A_100  : i32 {
      %parallel_loop3A_322 = arith.constant 16 : i32
      %parallel_loop3A_323 = arith.muli %parallel_loop3A_321, %parallel_loop3A_322 : i32
      %parallel_loop3A_324 = arith.index_cast %parallel_loop3A_323 : i32 to index
      %parallel_loop3A_325 = tpu.vector_load %arg7[%parallel_loop3A_324] {strides = array<i32>} : memref<20000xi32, #tpu.memory_space<vmem>>, vector<16xi32>,
      %parallel_loop3A_326 = arith.constant 65535 : i32
      %parallel_loop3A_327 = vector.broadcast %parallel_loop3A_326 : i32 to vector<16xi32>
      %parallel_loop3A_328 = arith.andi %parallel_loop3A_325, %parallel_loop3A_327 : vector<16xi32>
      %parallel_loop3A_329 = arith.constant 16 : i32
      %parallel_loop3A_330 = vector.broadcast %parallel_loop3A_329 : i32 to vector<16xi32>
      %parallel_loop3A_331 = arith.shrsi %parallel_loop3A_325, %parallel_loop3A_330 : vector<16xi32>
      %parallel_loop3A_332 = tpu.vector_load_idx %arg9[%parallel_loop3A_328] : memref<10000xf32, #tpu.memory_space<vmem>>[vector<16xi32>], vector<16xf32>,
      %parallel_loop3A_333 = tpu.vector_load_idx %arg10[%parallel_loop3A_331] : memref<10000xf32, #tpu.memory_space<vmem>>[vector<16xi32>], vector<16xf32>,
      %parallel_loop3A_334 = arith.addf %parallel_loop3A_332, %parallel_loop3A_333 : vector<16xf32>
      %parallel_loop3A_335 = arith.constant 2.000000e-01 : f32
      %parallel_loop3A_336 = vector.broadcast %parallel_loop3A_335 : f32 to vector<16xf32>
      %parallel_loop3A_337 = arith.mulf %parallel_loop3A_336, %parallel_loop3A_334 : vector<16xf32>
      %parallel_loop3A_338 = arith.maximumf %parallel_loop3A_334, %parallel_loop3A_337 : vector<16xf32>
      %parallel_loop3A_339 = arith.subf %parallel_loop3A_338, %get3A_94 : vector<16xf32>
      %parallel_loop3A_340 = math.exp %parallel_loop3A_339 : vector<16xf32>
      %parallel_loop3A_341 = arith.index_cast %parallel_loop3A_323 : i32 to index
      %parallel_loop3A_342 = tpu.vector_load %arg8[%parallel_loop3A_341] {strides = array<i32>} : memref<20000xf32, #tpu.memory_space<vmem>>, vector<16xf32>,
      tpu.vector_store %arg8[%parallel_loop3A_341], %parallel_loop3A_340 {strides = array<i32>} : memref<20000xf32, #tpu.memory_space<vmem>>, vector<16xf32>,
      tpu.vector_store_idx %arg11[%parallel_loop3A_331], %parallel_loop3A_340 {add = true} : memref<10240xf32, #tpu.memory_space<vmem>>[vector<16xi32>], vector<16xf32>,
    } {sc.loop_unroll_factor = 10 : i64, sc.parallel_access}
    "tpu.trace_stop"() : () -> ()
    %add3A_101 = arith.constant 1 : i32
    %add3A_102 = arith.addi %add3A_90, %add3A_101 : i32
    %dma_start3A_103 = arith.constant 0 : i32
    %dma_start3A_104 = tpu.memref_slice %arg2[%add3A_102, %dma_start3A_103] : memref<8x10000xf32, #tpu.memory_space<hbm>> -> memref<1x10000xf32, #tpu.memory_space<hbm>>
    %dma_start3A_105 = tpu.memref_squeeze %dma_start3A_104 : memref<1x10000xf32, #tpu.memory_space<hbm>> -> memref<10000xf32, #tpu.memory_space<hbm>>
    %dma_start3A_106 = arith.constant 0 : i32
    %dma_start3A_107 = tpu.memref_slice %arg2[%add3A_102, %dma_start3A_106] : memref<8x10000xf32, #tpu.memory_space<hbm>> -> memref<1x10000xf32, #tpu.memory_space<hbm>>
    %dma_start3A_108 = tpu.memref_squeeze %dma_start3A_107 : memref<1x10000xf32, #tpu.memory_space<hbm>> -> memref<10000xf32, #tpu.memory_space<hbm>>
    tpu.enqueue_dma source(%dma_start3A_108 : memref<10000xf32, #tpu.memory_space<hbm>>) target(%arg9 : memref<10000xf32, #tpu.memory_space<vmem>>) target_semaphore(%arg19 : memref<!tpu.dma_semaphore, #tpu.memory_space<semaphore_mem>>)
    %add3A_109 = arith.constant 1 : i32
    %add3A_110 = arith.addi %add3A_90, %add3A_109 : i32
    %dma_start3A_111 = arith.constant 0 : i32
    %dma_start3A_112 = tpu.memref_slice %arg3[%add3A_110, %dma_start3A_111] : memref<8x10000xf32, #tpu.memory_space<hbm>> -> memref<1x10000xf32, #tpu.memory_space<hbm>>
    %dma_start3A_113 = tpu.memref_squeeze %dma_start3A_112 : memref<1x10000xf32, #tpu.memory_space<hbm>> -> memref<10000xf32, #tpu.memory_space<hbm>>
    %dma_start3A_114 = arith.constant 0 : i32
    %dma_start3A_115 = tpu.memref_slice %arg3[%add3A_110, %dma_start3A_114] : memref<8x10000xf32, #tpu.memory_space<hbm>> -> memref<1x10000xf32, #tpu.memory_space<hbm>>
    %dma_start3A_116 = tpu.memref_squeeze %dma_start3A_115 : memref<1x10000xf32, #tpu.memory_space<hbm>> -> memref<10000xf32, #tpu.memory_space<hbm>>
    tpu.enqueue_dma source(%dma_start3A_116 : memref<10000xf32, #tpu.memory_space<hbm>>) target(%arg10 : memref<10000xf32, #tpu.memory_space<vmem>>) target_semaphore(%arg19 : memref<!tpu.dma_semaphore, #tpu.memory_space<semaphore_mem>>)
    %barrier3A_117 = arith.constant 0 : index
    tpu.barrier barrier_id(%barrier3A_117)
    "tpu.trace_start"() <{level = 10 : i32, message = "red_den"}> : () -> ()
    %dma_start3A_118 = arith.constant 0 : i32
    %dma_start3A_119 = tpu.memref_slice %arg17[%arg1, %dma_start3A_118] : memref<16x10240xf32, #tpu.memory_space<vmem_shared>> -> memref<1x10240xf32, #tpu.memory_space<vmem_shared>>
    %dma_start3A_120 = tpu.memref_squeeze %dma_start3A_119 : memref<1x10240xf32, #tpu.memory_space<vmem_shared>> -> memref<10240xf32, #tpu.memory_space<vmem_shared>>
    %dma_start3A_121 = arith.constant 0 : i32
    %dma_start3A_122 = tpu.memref_slice %arg17[%arg1, %dma_start3A_121] : memref<16x10240xf32, #tpu.memory_space<vmem_shared>> -> memref<1x10240xf32, #tpu.memory_space<vmem_shared>>
    %dma_start3A_123 = tpu.memref_squeeze %dma_start3A_122 : memref<1x10240xf32, #tpu.memory_space<vmem_shared>> -> memref<10240xf32, #tpu.memory_space<vmem_shared>>
    tpu.enqueue_dma source(%arg11 : memref<10240xf32, #tpu.memory_space<vmem>>) target(%dma_start3A_123 : memref<10240xf32, #tpu.memory_space<vmem_shared>>) target_semaphore(%arg21 : memref<!tpu.dma_semaphore, #tpu.memory_space<semaphore_mem>>)
    %parallel_loop3A_124 = arith.constant 0 : i32
    %parallel_loop3A_125 = arith.constant 640 : i32
    %parallel_loop3A_126 = arith.constant 1 : i32
    scf.for %parallel_loop3A_321 = %parallel_loop3A_124 to %parallel_loop3A_125 step %parallel_loop3A_126  : i32 {
      %parallel_loop3A_322 = arith.constant 16 : i32
      %parallel_loop3A_323 = arith.muli %parallel_loop3A_321, %parallel_loop3A_322 : i32
      %parallel_loop3A_324 = arith.index_cast %parallel_loop3A_323 : i32 to index
      %parallel_loop3A_325 = tpu.vector_load %arg12[%parallel_loop3A_324] {strides = array<i32>} : memref<10240xf32, #tpu.memory_space<vmem>>, vector<16xf32>,
      tpu.vector_store %arg12[%parallel_loop3A_324], %broadcast_in_dim3A_8 {strides = array<i32>} : memref<10240xf32, #tpu.memory_space<vmem>>, vector<16xf32>,
    } {sc.loop_unroll_factor = 8 : i64, sc.parallel_access}
    %dma_wait3A_127 = arith.constant 0 : i32
    %dma_wait3A_128 = tpu.memref_slice %arg17[%arg1, %dma_wait3A_127] : memref<16x10240xf32, #tpu.memory_space<vmem_shared>> -> memref<1x10240xf32, #tpu.memory_space<vmem_shared>>
    %dma_wait3A_129 = tpu.memref_squeeze %dma_wait3A_128 : memref<1x10240xf32, #tpu.memory_space<vmem_shared>> -> memref<10240xf32, #tpu.memory_space<vmem_shared>>
    %dma_wait3A_130 = arith.constant 0 : i32
    %dma_wait3A_131 = tpu.memref_slice %arg17[%arg1, %dma_wait3A_130] : memref<16x10240xf32, #tpu.memory_space<vmem_shared>> -> memref<1x10240xf32, #tpu.memory_space<vmem_shared>>
    %dma_wait3A_132 = tpu.memref_squeeze %dma_wait3A_131 : memref<1x10240xf32, #tpu.memory_space<vmem_shared>> -> memref<10240xf32, #tpu.memory_space<vmem_shared>>
    tpu.wait_dma2 semaphore(%arg21 : memref<!tpu.dma_semaphore, #tpu.memory_space<semaphore_mem>>) src(%arg11 : memref<10240xf32, #tpu.memory_space<vmem>>) dst(%dma_wait3A_132 : memref<10240xf32, #tpu.memory_space<vmem_shared>>)
    %barrier3A_133 = arith.constant 0 : index
    tpu.barrier barrier_id(%barrier3A_133)
    %mul3A_134 = arith.constant 640 : i32
    %mul3A_135 = arith.muli %arg1, %mul3A_134 : i32
    "tpu.region"() ({
      %run_scoped3A = tpu.sem_alloc : memref<!tpu.dma_semaphore, #tpu.memory_space<semaphore_mem>>
      %dma_start3A_321 = arith.constant 0 : i32
      %dma_start3A_322 = tpu.memref_slice %arg17[%dma_start3A_321, %mul3A_135] : memref<16x10240xf32, #tpu.memory_space<vmem_shared>> -> memref<16x640xf32, #tpu.memory_space<vmem_shared>>
      %dma_start3A_323 = arith.constant 0 : i32
      %dma_start3A_324 = tpu.memref_slice %arg17[%dma_start3A_323, %mul3A_135] : memref<16x10240xf32, #tpu.memory_space<vmem_shared>> -> memref<16x640xf32, #tpu.memory_space<vmem_shared>>
      tpu.enqueue_dma source(%dma_start3A_324 : memref<16x640xf32, #tpu.memory_space<vmem_shared>>) target(%arg13 : memref<16x640xf32, #tpu.memory_space<vmem>>) target_semaphore(%run_scoped3A : memref<!tpu.dma_semaphore, #tpu.memory_space<semaphore_mem>>)
      %dma_wait3A_325 = arith.constant 0 : i32
      %dma_wait3A_326 = tpu.memref_slice %arg17[%dma_wait3A_325, %mul3A_135] : memref<16x10240xf32, #tpu.memory_space<vmem_shared>> -> memref<16x640xf32, #tpu.memory_space<vmem_shared>>
      %dma_wait3A_327 = arith.constant 0 : i32
      %dma_wait3A_328 = tpu.memref_slice %arg17[%dma_wait3A_327, %mul3A_135] : memref<16x10240xf32, #tpu.memory_space<vmem_shared>> -> memref<16x640xf32, #tpu.memory_space<vmem_shared>>
      tpu.wait_dma2 semaphore(%run_scoped3A : memref<!tpu.dma_semaphore, #tpu.memory_space<semaphore_mem>>) src(%dma_wait3A_328 : memref<16x640xf32, #tpu.memory_space<vmem_shared>>) dst(%arg13 : memref<16x640xf32, #tpu.memory_space<vmem>>)
      tpu.yield
    }) : () -> ()
    %parallel_loop3A_136 = arith.constant 0 : i32
    %parallel_loop3A_137 = arith.constant 40 : i32
    %parallel_loop3A_138 = arith.constant 1 : i32
    scf.for %parallel_loop3A_321 = %parallel_loop3A_136 to %parallel_loop3A_137 step %parallel_loop3A_138  : i32 {
      %parallel_loop3A_322 = arith.constant 16 : i32
      %parallel_loop3A_323 = arith.muli %parallel_loop3A_321, %parallel_loop3A_322 : i32
      %parallel_loop3A_324 = arith.constant 0 : i32
      %parallel_loop3A_325 = arith.index_cast %parallel_loop3A_324 : i32 to index
      %parallel_loop3A_326 = arith.index_cast %parallel_loop3A_323 : i32 to index
      %parallel_loop3A_327 = tpu.vector_load %arg13[%parallel_loop3A_325, %parallel_loop3A_326] {strides = array<i32>} : memref<16x640xf32, #tpu.memory_space<vmem>>, vector<16xf32>,
      %parallel_loop3A_328 = arith.constant 1 : i32
      %parallel_loop3A_329 = arith.index_cast %parallel_loop3A_328 : i32 to index
      %parallel_loop3A_330 = arith.index_cast %parallel_loop3A_323 : i32 to index
      %parallel_loop3A_331 = tpu.vector_load %arg13[%parallel_loop3A_329, %parallel_loop3A_330] {strides = array<i32>} : memref<16x640xf32, #tpu.memory_space<vmem>>, vector<16xf32>,
      %parallel_loop3A_332 = arith.addf %parallel_loop3A_327, %parallel_loop3A_331 : vector<16xf32>
      %parallel_loop3A_333 = arith.constant 2 : i32
      %parallel_loop3A_334 = arith.index_cast %parallel_loop3A_333 : i32 to index
      %parallel_loop3A_335 = arith.index_cast %parallel_loop3A_323 : i32 to index
      %parallel_loop3A_336 = tpu.vector_load %arg13[%parallel_loop3A_334, %parallel_loop3A_335] {strides = array<i32>} : memref<16x640xf32, #tpu.memory_space<vmem>>, vector<16xf32>,
      %parallel_loop3A_337 = arith.addf %parallel_loop3A_332, %parallel_loop3A_336 : vector<16xf32>
      %parallel_loop3A_338 = arith.constant 3 : i32
      %parallel_loop3A_339 = arith.index_cast %parallel_loop3A_338 : i32 to index
      %parallel_loop3A_340 = arith.index_cast %parallel_loop3A_323 : i32 to index
      %parallel_loop3A_341 = tpu.vector_load %arg13[%parallel_loop3A_339, %parallel_loop3A_340] {strides = array<i32>} : memref<16x640xf32, #tpu.memory_space<vmem>>, vector<16xf32>,
      %parallel_loop3A_342 = arith.addf %parallel_loop3A_337, %parallel_loop3A_341 : vector<16xf32>
      %parallel_loop3A_343 = arith.constant 4 : i32
      %parallel_loop3A_344 = arith.index_cast %parallel_loop3A_343 : i32 to index
      %parallel_loop3A_345 = arith.index_cast %parallel_loop3A_323 : i32 to index
      %parallel_loop3A_346 = tpu.vector_load %arg13[%parallel_loop3A_344, %parallel_loop3A_345] {strides = array<i32>} : memref<16x640xf32, #tpu.memory_space<vmem>>, vector<16xf32>,
      %parallel_loop3A_347 = arith.addf %parallel_loop3A_342, %parallel_loop3A_346 : vector<16xf32>
      %parallel_loop3A_348 = arith.constant 5 : i32
      %parallel_loop3A_349 = arith.index_cast %parallel_loop3A_348 : i32 to index
      %parallel_loop3A_350 = arith.index_cast %parallel_loop3A_323 : i32 to index
      %parallel_loop3A_351 = tpu.vector_load %arg13[%parallel_loop3A_349, %parallel_loop3A_350] {strides = array<i32>} : memref<16x640xf32, #tpu.memory_space<vmem>>, vector<16xf32>,
      %parallel_loop3A_352 = arith.addf %parallel_loop3A_347, %parallel_loop3A_351 : vector<16xf32>
      %parallel_loop3A_353 = arith.constant 6 : i32
      %parallel_loop3A_354 = arith.index_cast %parallel_loop3A_353 : i32 to index
      %parallel_loop3A_355 = arith.index_cast %parallel_loop3A_323 : i32 to index
      %parallel_loop3A_356 = tpu.vector_load %arg13[%parallel_loop3A_354, %parallel_loop3A_355] {strides = array<i32>} : memref<16x640xf32, #tpu.memory_space<vmem>>, vector<16xf32>,
      %parallel_loop3A_357 = arith.addf %parallel_loop3A_352, %parallel_loop3A_356 : vector<16xf32>
      %parallel_loop3A_358 = arith.constant 7 : i32
      %parallel_loop3A_359 = arith.index_cast %parallel_loop3A_358 : i32 to index
      %parallel_loop3A_360 = arith.index_cast %parallel_loop3A_323 : i32 to index
      %parallel_loop3A_361 = tpu.vector_load %arg13[%parallel_loop3A_359, %parallel_loop3A_360] {strides = array<i32>} : memref<16x640xf32, #tpu.memory_space<vmem>>, vector<16xf32>,
      %parallel_loop3A_362 = arith.addf %parallel_loop3A_357, %parallel_loop3A_361 : vector<16xf32>
      %parallel_loop3A_363 = arith.constant 8 : i32
      %parallel_loop3A_364 = arith.index_cast %parallel_loop3A_363 : i32 to index
      %parallel_loop3A_365 = arith.index_cast %parallel_loop3A_323 : i32 to index
      %parallel_loop3A_366 = tpu.vector_load %arg13[%parallel_loop3A_364, %parallel_loop3A_365] {strides = array<i32>} : memref<16x640xf32, #tpu.memory_space<vmem>>, vector<16xf32>,
      %parallel_loop3A_367 = arith.addf %parallel_loop3A_362, %parallel_loop3A_366 : vector<16xf32>
      %parallel_loop3A_368 = arith.constant 9 : i32
      %parallel_loop3A_369 = arith.index_cast %parallel_loop3A_368 : i32 to index
      %parallel_loop3A_370 = arith.index_cast %parallel_loop3A_323 : i32 to index
      %parallel_loop3A_371 = tpu.vector_load %arg13[%parallel_loop3A_369, %parallel_loop3A_370] {strides = array<i32>} : memref<16x640xf32, #tpu.memory_space<vmem>>, vector<16xf32>,
      %parallel_loop3A_372 = arith.addf %parallel_loop3A_367, %parallel_loop3A_371 : vector<16xf32>
      %parallel_loop3A_373 = arith.constant 10 : i32
      %parallel_loop3A_374 = arith.index_cast %parallel_loop3A_373 : i32 to index
      %parallel_loop3A_375 = arith.index_cast %parallel_loop3A_323 : i32 to index
      %parallel_loop3A_376 = tpu.vector_load %arg13[%parallel_loop3A_374, %parallel_loop3A_375] {strides = array<i32>} : memref<16x640xf32, #tpu.memory_space<vmem>>, vector<16xf32>,
      %parallel_loop3A_377 = arith.addf %parallel_loop3A_372, %parallel_loop3A_376 : vector<16xf32>
      %parallel_loop3A_378 = arith.constant 11 : i32
      %parallel_loop3A_379 = arith.index_cast %parallel_loop3A_378 : i32 to index
      %parallel_loop3A_380 = arith.index_cast %parallel_loop3A_323 : i32 to index
      %parallel_loop3A_381 = tpu.vector_load %arg13[%parallel_loop3A_379, %parallel_loop3A_380] {strides = array<i32>} : memref<16x640xf32, #tpu.memory_space<vmem>>, vector<16xf32>,
      %parallel_loop3A_382 = arith.addf %parallel_loop3A_377, %parallel_loop3A_381 : vector<16xf32>
      %parallel_loop3A_383 = arith.constant 12 : i32
      %parallel_loop3A_384 = arith.index_cast %parallel_loop3A_383 : i32 to index
      %parallel_loop3A_385 = arith.index_cast %parallel_loop3A_323 : i32 to index
      %parallel_loop3A_386 = tpu.vector_load %arg13[%parallel_loop3A_384, %parallel_loop3A_385] {strides = array<i32>} : memref<16x640xf32, #tpu.memory_space<vmem>>, vector<16xf32>,
      %parallel_loop3A_387 = arith.addf %parallel_loop3A_382, %parallel_loop3A_386 : vector<16xf32>
      %parallel_loop3A_388 = arith.constant 13 : i32
      %parallel_loop3A_389 = arith.index_cast %parallel_loop3A_388 : i32 to index
      %parallel_loop3A_390 = arith.index_cast %parallel_loop3A_323 : i32 to index
      %parallel_loop3A_391 = tpu.vector_load %arg13[%parallel_loop3A_389, %parallel_loop3A_390] {strides = array<i32>} : memref<16x640xf32, #tpu.memory_space<vmem>>, vector<16xf32>,
      %parallel_loop3A_392 = arith.addf %parallel_loop3A_387, %parallel_loop3A_391 : vector<16xf32>
      %parallel_loop3A_393 = arith.constant 14 : i32
      %parallel_loop3A_394 = arith.index_cast %parallel_loop3A_393 : i32 to index
      %parallel_loop3A_395 = arith.index_cast %parallel_loop3A_323 : i32 to index
      %parallel_loop3A_396 = tpu.vector_load %arg13[%parallel_loop3A_394, %parallel_loop3A_395] {strides = array<i32>} : memref<16x640xf32, #tpu.memory_space<vmem>>, vector<16xf32>,
      %parallel_loop3A_397 = arith.addf %parallel_loop3A_392, %parallel_loop3A_396 : vector<16xf32>
      %parallel_loop3A_398 = arith.constant 15 : i32
      %parallel_loop3A_399 = arith.index_cast %parallel_loop3A_398 : i32 to index
      %parallel_loop3A_400 = arith.index_cast %parallel_loop3A_323 : i32 to index
      %parallel_loop3A_401 = tpu.vector_load %arg13[%parallel_loop3A_399, %parallel_loop3A_400] {strides = array<i32>} : memref<16x640xf32, #tpu.memory_space<vmem>>, vector<16xf32>,
      %parallel_loop3A_402 = arith.addf %parallel_loop3A_397, %parallel_loop3A_401 : vector<16xf32>
      %parallel_loop3A_403 = arith.constant 1.000000e-16 : f32
      %parallel_loop3A_404 = vector.broadcast %parallel_loop3A_403 : f32 to vector<16xf32>
      %parallel_loop3A_405 = arith.addf %parallel_loop3A_402, %parallel_loop3A_404 : vector<16xf32>
      %parallel_loop3A_406 = arith.constant 1.000000e+00 : f32
      %parallel_loop3A_407 = vector.broadcast %parallel_loop3A_406 : f32 to vector<16xf32>
      %parallel_loop3A_408 = arith.divf %parallel_loop3A_407, %parallel_loop3A_405 : vector<16xf32>
      %parallel_loop3A_409 = arith.index_cast %parallel_loop3A_323 : i32 to index
      %parallel_loop3A_410 = tpu.vector_load %arg14[%parallel_loop3A_409] {strides = array<i32>} : memref<640xf32, #tpu.memory_space<vmem>>, vector<16xf32>,
      tpu.vector_store %arg14[%parallel_loop3A_409], %parallel_loop3A_408 {strides = array<i32>} : memref<640xf32, #tpu.memory_space<vmem>>, vector<16xf32>,
    } {sc.loop_unroll_factor = 2 : i64, sc.parallel_access}
    %mul3A_139 = arith.constant 640 : i32
    %mul3A_140 = arith.muli %arg1, %mul3A_139 : i32
    "tpu.region"() ({
      %run_scoped3A = tpu.sem_alloc : memref<!tpu.dma_semaphore, #tpu.memory_space<semaphore_mem>>
      %dma_start3A_321 = tpu.memref_slice %arg18[%mul3A_140] : memref<10240xf32, #tpu.memory_space<vmem_shared>> -> memref<640xf32, #tpu.memory_space<vmem_shared>>
      %dma_start3A_322 = tpu.memref_slice %arg18[%mul3A_140] : memref<10240xf32, #tpu.memory_space<vmem_shared>> -> memref<640xf32, #tpu.memory_space<vmem_shared>>
      tpu.enqueue_dma source(%arg14 : memref<640xf32, #tpu.memory_space<vmem>>) target(%dma_start3A_322 : memref<640xf32, #tpu.memory_space<vmem_shared>>) target_semaphore(%run_scoped3A : memref<!tpu.dma_semaphore, #tpu.memory_space<semaphore_mem>>)
      %dma_wait3A_323 = tpu.memref_slice %arg18[%mul3A_140] : memref<10240xf32, #tpu.memory_space<vmem_shared>> -> memref<640xf32, #tpu.memory_space<vmem_shared>>
      %dma_wait3A_324 = tpu.memref_slice %arg18[%mul3A_140] : memref<10240xf32, #tpu.memory_space<vmem_shared>> -> memref<640xf32, #tpu.memory_space<vmem_shared>>
      tpu.wait_dma2 semaphore(%run_scoped3A : memref<!tpu.dma_semaphore, #tpu.memory_space<semaphore_mem>>) src(%arg14 : memref<640xf32, #tpu.memory_space<vmem>>) dst(%dma_wait3A_324 : memref<640xf32, #tpu.memory_space<vmem_shared>>)
      tpu.yield
    }) : () -> ()
    %barrier3A_141 = arith.constant 0 : index
    tpu.barrier barrier_id(%barrier3A_141)
    "tpu.region"() ({
      %run_scoped3A = tpu.sem_alloc : memref<!tpu.dma_semaphore, #tpu.memory_space<semaphore_mem>>
      tpu.enqueue_dma source(%arg18 : memref<10240xf32, #tpu.memory_space<vmem_shared>>) target(%arg11 : memref<10240xf32, #tpu.memory_space<vmem>>) target_semaphore(%run_scoped3A : memref<!tpu.dma_semaphore, #tpu.memory_space<semaphore_mem>>)
      tpu.wait_dma2 semaphore(%run_scoped3A : memref<!tpu.dma_semaphore, #tpu.memory_space<semaphore_mem>>) src(%arg18 : memref<10240xf32, #tpu.memory_space<vmem_shared>>) dst(%arg11 : memref<10240xf32, #tpu.memory_space<vmem>>)
      tpu.yield
    }) : () -> ()
    %parallel_loop3A_142 = arith.constant 0 : i32
    %parallel_loop3A_143 = arith.constant 1250 : i32
    %parallel_loop3A_144 = arith.constant 1 : i32
    "tpu.trace_stop"() : () -> ()
    "tpu.trace_start"() <{level = 10 : i32, message = "pass_b"}> : () -> ()
    scf.for %parallel_loop3A_321 = %parallel_loop3A_142 to %parallel_loop3A_143 step %parallel_loop3A_144  : i32 {
      %parallel_loop3A_322 = arith.constant 16 : i32
      %parallel_loop3A_323 = arith.muli %parallel_loop3A_321, %parallel_loop3A_322 : i32
      %parallel_loop3A_324 = arith.index_cast %parallel_loop3A_323 : i32 to index
      %parallel_loop3A_325 = tpu.vector_load %arg7[%parallel_loop3A_324] {strides = array<i32>} : memref<20000xi32, #tpu.memory_space<vmem>>, vector<16xi32>,
      %parallel_loop3A_326 = arith.index_cast %parallel_loop3A_323 : i32 to index
      %parallel_loop3A_327 = tpu.vector_load %arg8[%parallel_loop3A_326] {strides = array<i32>} : memref<20000xf32, #tpu.memory_space<vmem>>, vector<16xf32>,
      %parallel_loop3A_328 = arith.constant 16 : i32
      %parallel_loop3A_329 = vector.broadcast %parallel_loop3A_328 : i32 to vector<16xi32>
      %parallel_loop3A_330 = arith.shrsi %parallel_loop3A_325, %parallel_loop3A_329 : vector<16xi32>
      %parallel_loop3A_331 = tpu.vector_load_idx %arg11[%parallel_loop3A_330] : memref<10240xf32, #tpu.memory_space<vmem>>[vector<16xi32>], vector<16xf32>,
      %parallel_loop3A_332 = arith.mulf %parallel_loop3A_327, %parallel_loop3A_331 : vector<16xf32>
      %parallel_loop3A_333 = arith.constant 65535 : i32
      %parallel_loop3A_334 = vector.broadcast %parallel_loop3A_333 : i32 to vector<16xi32>
      %parallel_loop3A_335 = arith.andi %parallel_loop3A_325, %parallel_loop3A_334 : vector<16xi32>
      tpu.vector_store_idx %arg12[%parallel_loop3A_335], %parallel_loop3A_332 {add = true} : memref<10240xf32, #tpu.memory_space<vmem>>[vector<16xi32>], vector<16xf32>,
    } {sc.loop_unroll_factor = 10 : i64, sc.parallel_access}
    "tpu.trace_stop"() : () -> ()
    "tpu.trace_start"() <{level = 10 : i32, message = "red_s"}> : () -> ()
    "tpu.region"() ({
      %run_scoped3A = tpu.sem_alloc : memref<!tpu.dma_semaphore, #tpu.memory_space<semaphore_mem>>
      %dma_start3A_321 = arith.constant 0 : i32
      %dma_start3A_322 = tpu.memref_slice %arg17[%arg1, %dma_start3A_321] : memref<16x10240xf32, #tpu.memory_space<vmem_shared>> -> memref<1x10240xf32, #tpu.memory_space<vmem_shared>>
      %dma_start3A_323 = tpu.memref_squeeze %dma_start3A_322 : memref<1x10240xf32, #tpu.memory_space<vmem_shared>> -> memref<10240xf32, #tpu.memory_space<vmem_shared>>
      %dma_start3A_324 = arith.constant 0 : i32
      %dma_start3A_325 = tpu.memref_slice %arg17[%arg1, %dma_start3A_324] : memref<16x10240xf32, #tpu.memory_space<vmem_shared>> -> memref<1x10240xf32, #tpu.memory_space<vmem_shared>>
      %dma_start3A_326 = tpu.memref_squeeze %dma_start3A_325 : memref<1x10240xf32, #tpu.memory_space<vmem_shared>> -> memref<10240xf32, #tpu.memory_space<vmem_shared>>
      tpu.enqueue_dma source(%arg12 : memref<10240xf32, #tpu.memory_space<vmem>>) target(%dma_start3A_326 : memref<10240xf32, #tpu.memory_space<vmem_shared>>) target_semaphore(%run_scoped3A : memref<!tpu.dma_semaphore, #tpu.memory_space<semaphore_mem>>)
      %dma_wait3A_327 = arith.constant 0 : i32
      %dma_wait3A_328 = tpu.memref_slice %arg17[%arg1, %dma_wait3A_327] : memref<16x10240xf32, #tpu.memory_space<vmem_shared>> -> memref<1x10240xf32, #tpu.memory_space<vmem_shared>>
      %dma_wait3A_329 = tpu.memref_squeeze %dma_wait3A_328 : memref<1x10240xf32, #tpu.memory_space<vmem_shared>> -> memref<10240xf32, #tpu.memory_space<vmem_shared>>
      %dma_wait3A_330 = arith.constant 0 : i32
      %dma_wait3A_331 = tpu.memref_slice %arg17[%arg1, %dma_wait3A_330] : memref<16x10240xf32, #tpu.memory_space<vmem_shared>> -> memref<1x10240xf32, #tpu.memory_space<vmem_shared>>
      %dma_wait3A_332 = tpu.memref_squeeze %dma_wait3A_331 : memref<1x10240xf32, #tpu.memory_space<vmem_shared>> -> memref<10240xf32, #tpu.memory_space<vmem_shared>>
      tpu.wait_dma2 semaphore(%run_scoped3A : memref<!tpu.dma_semaphore, #tpu.memory_space<semaphore_mem>>) src(%arg12 : memref<10240xf32, #tpu.memory_space<vmem>>) dst(%dma_wait3A_332 : memref<10240xf32, #tpu.memory_space<vmem_shared>>)
      tpu.yield
    }) : () -> ()
    %barrier3A_145 = arith.constant 0 : index
    tpu.barrier barrier_id(%barrier3A_145)
    %mul3A_146 = arith.constant 640 : i32
    %mul3A_147 = arith.muli %arg1, %mul3A_146 : i32
    "tpu.region"() ({
      %run_scoped3A = tpu.sem_alloc : memref<!tpu.dma_semaphore, #tpu.memory_space<semaphore_mem>>
      %dma_start3A_321 = arith.constant 0 : i32
      %dma_start3A_322 = tpu.memref_slice %arg17[%dma_start3A_321, %mul3A_147] : memref<16x10240xf32, #tpu.memory_space<vmem_shared>> -> memref<16x640xf32, #tpu.memory_space<vmem_shared>>
      %dma_start3A_323 = arith.constant 0 : i32
      %dma_start3A_324 = tpu.memref_slice %arg17[%dma_start3A_323, %mul3A_147] : memref<16x10240xf32, #tpu.memory_space<vmem_shared>> -> memref<16x640xf32, #tpu.memory_space<vmem_shared>>
      tpu.enqueue_dma source(%dma_start3A_324 : memref<16x640xf32, #tpu.memory_space<vmem_shared>>) target(%arg13 : memref<16x640xf32, #tpu.memory_space<vmem>>) target_semaphore(%run_scoped3A : memref<!tpu.dma_semaphore, #tpu.memory_space<semaphore_mem>>)
      %dma_wait3A_325 = arith.constant 0 : i32
      %dma_wait3A_326 = tpu.memref_slice %arg17[%dma_wait3A_325, %mul3A_147] : memref<16x10240xf32, #tpu.memory_space<vmem_shared>> -> memref<16x640xf32, #tpu.memory_space<vmem_shared>>
      %dma_wait3A_327 = arith.constant 0 : i32
      %dma_wait3A_328 = tpu.memref_slice %arg17[%dma_wait3A_327, %mul3A_147] : memref<16x10240xf32, #tpu.memory_space<vmem_shared>> -> memref<16x640xf32, #tpu.memory_space<vmem_shared>>
      tpu.wait_dma2 semaphore(%run_scoped3A : memref<!tpu.dma_semaphore, #tpu.memory_space<semaphore_mem>>) src(%dma_wait3A_328 : memref<16x640xf32, #tpu.memory_space<vmem_shared>>) dst(%arg13 : memref<16x640xf32, #tpu.memory_space<vmem>>)
      tpu.yield
    }) : () -> ()
    %dma_wait3A_148 = tpu.memref_slice %arg6[%add3A_11, %mul3A_70] : memref<8x10240xf32, #tpu.memory_space<hbm>> -> memref<1x640xf32, #tpu.memory_space<hbm>>
    %dma_wait3A_149 = tpu.memref_squeeze %dma_wait3A_148 : memref<1x640xf32, #tpu.memory_space<hbm>> -> memref<640xf32, #tpu.memory_space<hbm>>
    %dma_wait3A_150 = tpu.memref_slice %arg6[%add3A_11, %mul3A_70] : memref<8x10240xf32, #tpu.memory_space<hbm>> -> memref<1x640xf32, #tpu.memory_space<hbm>>
    %dma_wait3A_151 = tpu.memref_squeeze %dma_wait3A_150 : memref<1x640xf32, #tpu.memory_space<hbm>> -> memref<640xf32, #tpu.memory_space<hbm>>
    tpu.wait_dma2 semaphore(%arg20 : memref<!tpu.dma_semaphore, #tpu.memory_space<semaphore_mem>>) src(%arg15 : memref<640xf32, #tpu.memory_space<vmem>>) dst(%dma_wait3A_151 : memref<640xf32, #tpu.memory_space<hbm>>)
    %parallel_loop3A_152 = arith.constant 0 : i32
    %parallel_loop3A_153 = arith.constant 40 : i32
    %parallel_loop3A_154 = arith.constant 1 : i32
    scf.for %parallel_loop3A_321 = %parallel_loop3A_152 to %parallel_loop3A_153 step %parallel_loop3A_154  : i32 {
      %parallel_loop3A_322 = arith.constant 16 : i32
      %parallel_loop3A_323 = arith.muli %parallel_loop3A_321, %parallel_loop3A_322 : i32
      %parallel_loop3A_324 = arith.constant 0 : i32
      %parallel_loop3A_325 = arith.index_cast %parallel_loop3A_324 : i32 to index
      %parallel_loop3A_326 = arith.index_cast %parallel_loop3A_323 : i32 to index
      %parallel_loop3A_327 = tpu.vector_load %arg13[%parallel_loop3A_325, %parallel_loop3A_326] {strides = array<i32>} : memref<16x640xf32, #tpu.memory_space<vmem>>, vector<16xf32>,
      %parallel_loop3A_328 = arith.constant 1 : i32
      %parallel_loop3A_329 = arith.index_cast %parallel_loop3A_328 : i32 to index
      %parallel_loop3A_330 = arith.index_cast %parallel_loop3A_323 : i32 to index
      %parallel_loop3A_331 = tpu.vector_load %arg13[%parallel_loop3A_329, %parallel_loop3A_330] {strides = array<i32>} : memref<16x640xf32, #tpu.memory_space<vmem>>, vector<16xf32>,
      %parallel_loop3A_332 = arith.addf %parallel_loop3A_327, %parallel_loop3A_331 : vector<16xf32>
      %parallel_loop3A_333 = arith.constant 2 : i32
      %parallel_loop3A_334 = arith.index_cast %parallel_loop3A_333 : i32 to index
      %parallel_loop3A_335 = arith.index_cast %parallel_loop3A_323 : i32 to index
      %parallel_loop3A_336 = tpu.vector_load %arg13[%parallel_loop3A_334, %parallel_loop3A_335] {strides = array<i32>} : memref<16x640xf32, #tpu.memory_space<vmem>>, vector<16xf32>,
      %parallel_loop3A_337 = arith.addf %parallel_loop3A_332, %parallel_loop3A_336 : vector<16xf32>
      %parallel_loop3A_338 = arith.constant 3 : i32
      %parallel_loop3A_339 = arith.index_cast %parallel_loop3A_338 : i32 to index
      %parallel_loop3A_340 = arith.index_cast %parallel_loop3A_323 : i32 to index
      %parallel_loop3A_341 = tpu.vector_load %arg13[%parallel_loop3A_339, %parallel_loop3A_340] {strides = array<i32>} : memref<16x640xf32, #tpu.memory_space<vmem>>, vector<16xf32>,
      %parallel_loop3A_342 = arith.addf %parallel_loop3A_337, %parallel_loop3A_341 : vector<16xf32>
      %parallel_loop3A_343 = arith.constant 4 : i32
      %parallel_loop3A_344 = arith.index_cast %parallel_loop3A_343 : i32 to index
      %parallel_loop3A_345 = arith.index_cast %parallel_loop3A_323 : i32 to index
      %parallel_loop3A_346 = tpu.vector_load %arg13[%parallel_loop3A_344, %parallel_loop3A_345] {strides = array<i32>} : memref<16x640xf32, #tpu.memory_space<vmem>>, vector<16xf32>,
      %parallel_loop3A_347 = arith.addf %parallel_loop3A_342, %parallel_loop3A_346 : vector<16xf32>
      %parallel_loop3A_348 = arith.constant 5 : i32
      %parallel_loop3A_349 = arith.index_cast %parallel_loop3A_348 : i32 to index
      %parallel_loop3A_350 = arith.index_cast %parallel_loop3A_323 : i32 to index
      %parallel_loop3A_351 = tpu.vector_load %arg13[%parallel_loop3A_349, %parallel_loop3A_350] {strides = array<i32>} : memref<16x640xf32, #tpu.memory_space<vmem>>, vector<16xf32>,
      %parallel_loop3A_352 = arith.addf %parallel_loop3A_347, %parallel_loop3A_351 : vector<16xf32>
      %parallel_loop3A_353 = arith.constant 6 : i32
      %parallel_loop3A_354 = arith.index_cast %parallel_loop3A_353 : i32 to index
      %parallel_loop3A_355 = arith.index_cast %parallel_loop3A_323 : i32 to index
      %parallel_loop3A_356 = tpu.vector_load %arg13[%parallel_loop3A_354, %parallel_loop3A_355] {strides = array<i32>} : memref<16x640xf32, #tpu.memory_space<vmem>>, vector<16xf32>,
      %parallel_loop3A_357 = arith.addf %parallel_loop3A_352, %parallel_loop3A_356 : vector<16xf32>
      %parallel_loop3A_358 = arith.constant 7 : i32
      %parallel_loop3A_359 = arith.index_cast %parallel_loop3A_358 : i32 to index
      %parallel_loop3A_360 = arith.index_cast %parallel_loop3A_323 : i32 to index
      %parallel_loop3A_361 = tpu.vector_load %arg13[%parallel_loop3A_359, %parallel_loop3A_360] {strides = array<i32>} : memref<16x640xf32, #tpu.memory_space<vmem>>, vector<16xf32>,
      %parallel_loop3A_362 = arith.addf %parallel_loop3A_357, %parallel_loop3A_361 : vector<16xf32>
      %parallel_loop3A_363 = arith.constant 8 : i32
      %parallel_loop3A_364 = arith.index_cast %parallel_loop3A_363 : i32 to index
      %parallel_loop3A_365 = arith.index_cast %parallel_loop3A_323 : i32 to index
      %parallel_loop3A_366 = tpu.vector_load %arg13[%parallel_loop3A_364, %parallel_loop3A_365] {strides = array<i32>} : memref<16x640xf32, #tpu.memory_space<vmem>>, vector<16xf32>,
      %parallel_loop3A_367 = arith.addf %parallel_loop3A_362, %parallel_loop3A_366 : vector<16xf32>
      %parallel_loop3A_368 = arith.constant 9 : i32
      %parallel_loop3A_369 = arith.index_cast %parallel_loop3A_368 : i32 to index
      %parallel_loop3A_370 = arith.index_cast %parallel_loop3A_323 : i32 to index
      %parallel_loop3A_371 = tpu.vector_load %arg13[%parallel_loop3A_369, %parallel_loop3A_370] {strides = array<i32>} : memref<16x640xf32, #tpu.memory_space<vmem>>, vector<16xf32>,
      %parallel_loop3A_372 = arith.addf %parallel_loop3A_367, %parallel_loop3A_371 : vector<16xf32>
      %parallel_loop3A_373 = arith.constant 10 : i32
      %parallel_loop3A_374 = arith.index_cast %parallel_loop3A_373 : i32 to index
      %parallel_loop3A_375 = arith.index_cast %parallel_loop3A_323 : i32 to index
      %parallel_loop3A_376 = tpu.vector_load %arg13[%parallel_loop3A_374, %parallel_loop3A_375] {strides = array<i32>} : memref<16x640xf32, #tpu.memory_space<vmem>>, vector<16xf32>,
      %parallel_loop3A_377 = arith.addf %parallel_loop3A_372, %parallel_loop3A_376 : vector<16xf32>
      %parallel_loop3A_378 = arith.constant 11 : i32
      %parallel_loop3A_379 = arith.index_cast %parallel_loop3A_378 : i32 to index
      %parallel_loop3A_380 = arith.index_cast %parallel_loop3A_323 : i32 to index
      %parallel_loop3A_381 = tpu.vector_load %arg13[%parallel_loop3A_379, %parallel_loop3A_380] {strides = array<i32>} : memref<16x640xf32, #tpu.memory_space<vmem>>, vector<16xf32>,
      %parallel_loop3A_382 = arith.addf %parallel_loop3A_377, %parallel_loop3A_381 : vector<16xf32>
      %parallel_loop3A_383 = arith.constant 12 : i32
      %parallel_loop3A_384 = arith.index_cast %parallel_loop3A_383 : i32 to index
      %parallel_loop3A_385 = arith.index_cast %parallel_loop3A_323 : i32 to index
      %parallel_loop3A_386 = tpu.vector_load %arg13[%parallel_loop3A_384, %parallel_loop3A_385] {strides = array<i32>} : memref<16x640xf32, #tpu.memory_space<vmem>>, vector<16xf32>,
      %parallel_loop3A_387 = arith.addf %parallel_loop3A_382, %parallel_loop3A_386 : vector<16xf32>
      %parallel_loop3A_388 = arith.constant 13 : i32
      %parallel_loop3A_389 = arith.index_cast %parallel_loop3A_388 : i32 to index
      %parallel_loop3A_390 = arith.index_cast %parallel_loop3A_323 : i32 to index
      %parallel_loop3A_391 = tpu.vector_load %arg13[%parallel_loop3A_389, %parallel_loop3A_390] {strides = array<i32>} : memref<16x640xf32, #tpu.memory_space<vmem>>, vector<16xf32>,
      %parallel_loop3A_392 = arith.addf %parallel_loop3A_387, %parallel_loop3A_391 : vector<16xf32>
      %parallel_loop3A_393 = arith.constant 14 : i32
      %parallel_loop3A_394 = arith.index_cast %parallel_loop3A_393 : i32 to index
      %parallel_loop3A_395 = arith.index_cast %parallel_loop3A_323 : i32 to index
      %parallel_loop3A_396 = tpu.vector_load %arg13[%parallel_loop3A_394, %parallel_loop3A_395] {strides = array<i32>} : memref<16x640xf32, #tpu.memory_space<vmem>>, vector<16xf32>,
      %parallel_loop3A_397 = arith.addf %parallel_loop3A_392, %parallel_loop3A_396 : vector<16xf32>
      %parallel_loop3A_398 = arith.constant 15 : i32
      %parallel_loop3A_399 = arith.index_cast %parallel_loop3A_398 : i32 to index
      %parallel_loop3A_400 = arith.index_cast %parallel_loop3A_323 : i32 to index
      %parallel_loop3A_401 = tpu.vector_load %arg13[%parallel_loop3A_399, %parallel_loop3A_400] {strides = array<i32>} : memref<16x640xf32, #tpu.memory_space<vmem>>, vector<16xf32>,
      %parallel_loop3A_402 = arith.addf %parallel_loop3A_397, %parallel_loop3A_401 : vector<16xf32>
      %parallel_loop3A_403 = arith.index_cast %parallel_loop3A_323 : i32 to index
      %parallel_loop3A_404 = tpu.vector_load %arg15[%parallel_loop3A_403] {strides = array<i32>} : memref<640xf32, #tpu.memory_space<vmem>>, vector<16xf32>,
      tpu.vector_store %arg15[%parallel_loop3A_403], %parallel_loop3A_402 {strides = array<i32>} : memref<640xf32, #tpu.memory_space<vmem>>, vector<16xf32>,
    } {sc.loop_unroll_factor = 2 : i64, sc.parallel_access}
    %mul3A_155 = arith.constant 640 : i32
    %mul3A_156 = arith.muli %arg1, %mul3A_155 : i32
    %dma_start3A_157 = tpu.memref_slice %arg6[%add3A_90, %mul3A_156] : memref<8x10240xf32, #tpu.memory_space<hbm>> -> memref<1x640xf32, #tpu.memory_space<hbm>>
    %dma_start3A_158 = tpu.memref_squeeze %dma_start3A_157 : memref<1x640xf32, #tpu.memory_space<hbm>> -> memref<640xf32, #tpu.memory_space<hbm>>
    %dma_start3A_159 = tpu.memref_slice %arg6[%add3A_90, %mul3A_156] : memref<8x10240xf32, #tpu.memory_space<hbm>> -> memref<1x640xf32, #tpu.memory_space<hbm>>
    %dma_start3A_160 = tpu.memref_squeeze %dma_start3A_159 : memref<1x640xf32, #tpu.memory_space<hbm>> -> memref<640xf32, #tpu.memory_space<hbm>>
    tpu.enqueue_dma source(%arg15 : memref<640xf32, #tpu.memory_space<vmem>>) target(%dma_start3A_160 : memref<640xf32, #tpu.memory_space<hbm>>) target_semaphore(%arg20 : memref<!tpu.dma_semaphore, #tpu.memory_space<semaphore_mem>>)
    %dma_wait3A_161 = arith.constant 0 : i32
    %dma_wait3A_162 = tpu.memref_slice %arg2[%add3A_102, %dma_wait3A_161] : memref<8x10000xf32, #tpu.memory_space<hbm>> -> memref<1x10000xf32, #tpu.memory_space<hbm>>
    %dma_wait3A_163 = tpu.memref_squeeze %dma_wait3A_162 : memref<1x10000xf32, #tpu.memory_space<hbm>> -> memref<10000xf32, #tpu.memory_space<hbm>>
    %dma_wait3A_164 = arith.constant 0 : i32
    %dma_wait3A_165 = tpu.memref_slice %arg2[%add3A_102, %dma_wait3A_164] : memref<8x10000xf32, #tpu.memory_space<hbm>> -> memref<1x10000xf32, #tpu.memory_space<hbm>>
    %dma_wait3A_166 = tpu.memref_squeeze %dma_wait3A_165 : memref<1x10000xf32, #tpu.memory_space<hbm>> -> memref<10000xf32, #tpu.memory_space<hbm>>
    tpu.wait_dma2 semaphore(%arg19 : memref<!tpu.dma_semaphore, #tpu.memory_space<semaphore_mem>>) src(%dma_wait3A_166 : memref<10000xf32, #tpu.memory_space<hbm>>) dst(%arg9 : memref<10000xf32, #tpu.memory_space<vmem>>)
    %dma_wait3A_167 = arith.constant 0 : i32
    %dma_wait3A_168 = tpu.memref_slice %arg3[%add3A_110, %dma_wait3A_167] : memref<8x10000xf32, #tpu.memory_space<hbm>> -> memref<1x10000xf32, #tpu.memory_space<hbm>>
    %dma_wait3A_169 = tpu.memref_squeeze %dma_wait3A_168 : memref<1x10000xf32, #tpu.memory_space<hbm>> -> memref<10000xf32, #tpu.memory_space<hbm>>
    %dma_wait3A_170 = arith.constant 0 : i32
    %dma_wait3A_171 = tpu.memref_slice %arg3[%add3A_110, %dma_wait3A_170] : memref<8x10000xf32, #tpu.memory_space<hbm>> -> memref<1x10000xf32, #tpu.memory_space<hbm>>
    %dma_wait3A_172 = tpu.memref_squeeze %dma_wait3A_171 : memref<1x10000xf32, #tpu.memory_space<hbm>> -> memref<10000xf32, #tpu.memory_space<hbm>>
    tpu.wait_dma2 semaphore(%arg19 : memref<!tpu.dma_semaphore, #tpu.memory_space<semaphore_mem>>) src(%dma_wait3A_172 : memref<10000xf32, #tpu.memory_space<hbm>>) dst(%arg10 : memref<10000xf32, #tpu.memory_space<vmem>>)
    "tpu.trace_stop"() : () -> ()
    %mul3A_173 = arith.constant 4 : i32
    %mul3A_174 = arith.muli %arg0, %mul3A_173 : i32
    %add3A_175 = arith.constant 2 : i32
    %add3A_176 = arith.addi %mul3A_174, %add3A_175 : i32
    %get3A_177 = arith.constant 2 : i32
    %get3A_178 = arith.index_cast %get3A_177 : i32 to index
    %get3A_179 = arith.constant 0 : index
    %get3A_180 = tpu.vector_load %arg16[%get3A_178, %get3A_179] {strides = array<i32>} : memref<4x16xf32, #tpu.memory_space<vmem>>, vector<16xf32>,
    %parallel_loop3A_181 = arith.constant 0 : i32
    %parallel_loop3A_182 = arith.constant 640 : i32
    %parallel_loop3A_183 = arith.constant 1 : i32
    "tpu.trace_start"() <{level = 10 : i32, message = "zero"}> : () -> ()
    scf.for %parallel_loop3A_321 = %parallel_loop3A_181 to %parallel_loop3A_182 step %parallel_loop3A_183  : i32 {
      %parallel_loop3A_322 = arith.constant 16 : i32
      %parallel_loop3A_323 = arith.muli %parallel_loop3A_321, %parallel_loop3A_322 : i32
      %parallel_loop3A_324 = arith.index_cast %parallel_loop3A_323 : i32 to index
      %parallel_loop3A_325 = tpu.vector_load %arg11[%parallel_loop3A_324] {strides = array<i32>} : memref<10240xf32, #tpu.memory_space<vmem>>, vector<16xf32>,
      tpu.vector_store %arg11[%parallel_loop3A_324], %broadcast_in_dim3A_8 {strides = array<i32>} : memref<10240xf32, #tpu.memory_space<vmem>>, vector<16xf32>,
    } {sc.loop_unroll_factor = 8 : i64, sc.parallel_access}
    %parallel_loop3A_184 = arith.constant 0 : i32
    %parallel_loop3A_185 = arith.constant 1250 : i32
    %parallel_loop3A_186 = arith.constant 1 : i32
    "tpu.trace_stop"() : () -> ()
    "tpu.trace_start"() <{level = 10 : i32, message = "pass_a"}> : () -> ()
    scf.for %parallel_loop3A_321 = %parallel_loop3A_184 to %parallel_loop3A_185 step %parallel_loop3A_186  : i32 {
      %parallel_loop3A_322 = arith.constant 16 : i32
      %parallel_loop3A_323 = arith.muli %parallel_loop3A_321, %parallel_loop3A_322 : i32
      %parallel_loop3A_324 = arith.index_cast %parallel_loop3A_323 : i32 to index
      %parallel_loop3A_325 = tpu.vector_load %arg7[%parallel_loop3A_324] {strides = array<i32>} : memref<20000xi32, #tpu.memory_space<vmem>>, vector<16xi32>,
      %parallel_loop3A_326 = arith.constant 65535 : i32
      %parallel_loop3A_327 = vector.broadcast %parallel_loop3A_326 : i32 to vector<16xi32>
      %parallel_loop3A_328 = arith.andi %parallel_loop3A_325, %parallel_loop3A_327 : vector<16xi32>
      %parallel_loop3A_329 = arith.constant 16 : i32
      %parallel_loop3A_330 = vector.broadcast %parallel_loop3A_329 : i32 to vector<16xi32>
      %parallel_loop3A_331 = arith.shrsi %parallel_loop3A_325, %parallel_loop3A_330 : vector<16xi32>
      %parallel_loop3A_332 = tpu.vector_load_idx %arg9[%parallel_loop3A_328] : memref<10000xf32, #tpu.memory_space<vmem>>[vector<16xi32>], vector<16xf32>,
      %parallel_loop3A_333 = tpu.vector_load_idx %arg10[%parallel_loop3A_331] : memref<10000xf32, #tpu.memory_space<vmem>>[vector<16xi32>], vector<16xf32>,
      %parallel_loop3A_334 = arith.addf %parallel_loop3A_332, %parallel_loop3A_333 : vector<16xf32>
      %parallel_loop3A_335 = arith.constant 2.000000e-01 : f32
      %parallel_loop3A_336 = vector.broadcast %parallel_loop3A_335 : f32 to vector<16xf32>
      %parallel_loop3A_337 = arith.mulf %parallel_loop3A_336, %parallel_loop3A_334 : vector<16xf32>
      %parallel_loop3A_338 = arith.maximumf %parallel_loop3A_334, %parallel_loop3A_337 : vector<16xf32>
      %parallel_loop3A_339 = arith.subf %parallel_loop3A_338, %get3A_180 : vector<16xf32>
      %parallel_loop3A_340 = math.exp %parallel_loop3A_339 : vector<16xf32>
      %parallel_loop3A_341 = arith.index_cast %parallel_loop3A_323 : i32 to index
      %parallel_loop3A_342 = tpu.vector_load %arg8[%parallel_loop3A_341] {strides = array<i32>} : memref<20000xf32, #tpu.memory_space<vmem>>, vector<16xf32>,
      tpu.vector_store %arg8[%parallel_loop3A_341], %parallel_loop3A_340 {strides = array<i32>} : memref<20000xf32, #tpu.memory_space<vmem>>, vector<16xf32>,
      tpu.vector_store_idx %arg11[%parallel_loop3A_331], %parallel_loop3A_340 {add = true} : memref<10240xf32, #tpu.memory_space<vmem>>[vector<16xi32>], vector<16xf32>,
    } {sc.loop_unroll_factor = 10 : i64, sc.parallel_access}
    "tpu.trace_stop"() : () -> ()
    %add3A_187 = arith.constant 1 : i32
    %add3A_188 = arith.addi %add3A_176, %add3A_187 : i32
    %dma_start3A_189 = arith.constant 0 : i32
    %dma_start3A_190 = tpu.memref_slice %arg2[%add3A_188, %dma_start3A_189] : memref<8x10000xf32, #tpu.memory_space<hbm>> -> memref<1x10000xf32, #tpu.memory_space<hbm>>
    %dma_start3A_191 = tpu.memref_squeeze %dma_start3A_190 : memref<1x10000xf32, #tpu.memory_space<hbm>> -> memref<10000xf32, #tpu.memory_space<hbm>>
    %dma_start3A_192 = arith.constant 0 : i32
    %dma_start3A_193 = tpu.memref_slice %arg2[%add3A_188, %dma_start3A_192] : memref<8x10000xf32, #tpu.memory_space<hbm>> -> memref<1x10000xf32, #tpu.memory_space<hbm>>
    %dma_start3A_194 = tpu.memref_squeeze %dma_start3A_193 : memref<1x10000xf32, #tpu.memory_space<hbm>> -> memref<10000xf32, #tpu.memory_space<hbm>>
    tpu.enqueue_dma source(%dma_start3A_194 : memref<10000xf32, #tpu.memory_space<hbm>>) target(%arg9 : memref<10000xf32, #tpu.memory_space<vmem>>) target_semaphore(%arg19 : memref<!tpu.dma_semaphore, #tpu.memory_space<semaphore_mem>>)
    %add3A_195 = arith.constant 1 : i32
    %add3A_196 = arith.addi %add3A_176, %add3A_195 : i32
    %dma_start3A_197 = arith.constant 0 : i32
    %dma_start3A_198 = tpu.memref_slice %arg3[%add3A_196, %dma_start3A_197] : memref<8x10000xf32, #tpu.memory_space<hbm>> -> memref<1x10000xf32, #tpu.memory_space<hbm>>
    %dma_start3A_199 = tpu.memref_squeeze %dma_start3A_198 : memref<1x10000xf32, #tpu.memory_space<hbm>> -> memref<10000xf32, #tpu.memory_space<hbm>>
    %dma_start3A_200 = arith.constant 0 : i32
    %dma_start3A_201 = tpu.memref_slice %arg3[%add3A_196, %dma_start3A_200] : memref<8x10000xf32, #tpu.memory_space<hbm>> -> memref<1x10000xf32, #tpu.memory_space<hbm>>
    %dma_start3A_202 = tpu.memref_squeeze %dma_start3A_201 : memref<1x10000xf32, #tpu.memory_space<hbm>> -> memref<10000xf32, #tpu.memory_space<hbm>>
    tpu.enqueue_dma source(%dma_start3A_202 : memref<10000xf32, #tpu.memory_space<hbm>>) target(%arg10 : memref<10000xf32, #tpu.memory_space<vmem>>) target_semaphore(%arg19 : memref<!tpu.dma_semaphore, #tpu.memory_space<semaphore_mem>>)
    %barrier3A_203 = arith.constant 0 : index
    tpu.barrier barrier_id(%barrier3A_203)
    "tpu.trace_start"() <{level = 10 : i32, message = "red_den"}> : () -> ()
    %dma_start3A_204 = arith.constant 0 : i32
    %dma_start3A_205 = tpu.memref_slice %arg17[%arg1, %dma_start3A_204] : memref<16x10240xf32, #tpu.memory_space<vmem_shared>> -> memref<1x10240xf32, #tpu.memory_space<vmem_shared>>
    %dma_start3A_206 = tpu.memref_squeeze %dma_start3A_205 : memref<1x10240xf32, #tpu.memory_space<vmem_shared>> -> memref<10240xf32, #tpu.memory_space<vmem_shared>>
    %dma_start3A_207 = arith.constant 0 : i32
    %dma_start3A_208 = tpu.memref_slice %arg17[%arg1, %dma_start3A_207] : memref<16x10240xf32, #tpu.memory_space<vmem_shared>> -> memref<1x10240xf32, #tpu.memory_space<vmem_shared>>
    %dma_start3A_209 = tpu.memref_squeeze %dma_start3A_208 : memref<1x10240xf32, #tpu.memory_space<vmem_shared>> -> memref<10240xf32, #tpu.memory_space<vmem_shared>>
    tpu.enqueue_dma source(%arg11 : memref<10240xf32, #tpu.memory_space<vmem>>) target(%dma_start3A_209 : memref<10240xf32, #tpu.memory_space<vmem_shared>>) target_semaphore(%arg21 : memref<!tpu.dma_semaphore, #tpu.memory_space<semaphore_mem>>)
    %parallel_loop3A_210 = arith.constant 0 : i32
    %parallel_loop3A_211 = arith.constant 640 : i32
    %parallel_loop3A_212 = arith.constant 1 : i32
    scf.for %parallel_loop3A_321 = %parallel_loop3A_210 to %parallel_loop3A_211 step %parallel_loop3A_212  : i32 {
      %parallel_loop3A_322 = arith.constant 16 : i32
      %parallel_loop3A_323 = arith.muli %parallel_loop3A_321, %parallel_loop3A_322 : i32
      %parallel_loop3A_324 = arith.index_cast %parallel_loop3A_323 : i32 to index
      %parallel_loop3A_325 = tpu.vector_load %arg12[%parallel_loop3A_324] {strides = array<i32>} : memref<10240xf32, #tpu.memory_space<vmem>>, vector<16xf32>,
      tpu.vector_store %arg12[%parallel_loop3A_324], %broadcast_in_dim3A_8 {strides = array<i32>} : memref<10240xf32, #tpu.memory_space<vmem>>, vector<16xf32>,
    } {sc.loop_unroll_factor = 8 : i64, sc.parallel_access}
    %dma_wait3A_213 = arith.constant 0 : i32
    %dma_wait3A_214 = tpu.memref_slice %arg17[%arg1, %dma_wait3A_213] : memref<16x10240xf32, #tpu.memory_space<vmem_shared>> -> memref<1x10240xf32, #tpu.memory_space<vmem_shared>>
    %dma_wait3A_215 = tpu.memref_squeeze %dma_wait3A_214 : memref<1x10240xf32, #tpu.memory_space<vmem_shared>> -> memref<10240xf32, #tpu.memory_space<vmem_shared>>
    %dma_wait3A_216 = arith.constant 0 : i32
    %dma_wait3A_217 = tpu.memref_slice %arg17[%arg1, %dma_wait3A_216] : memref<16x10240xf32, #tpu.memory_space<vmem_shared>> -> memref<1x10240xf32, #tpu.memory_space<vmem_shared>>
    %dma_wait3A_218 = tpu.memref_squeeze %dma_wait3A_217 : memref<1x10240xf32, #tpu.memory_space<vmem_shared>> -> memref<10240xf32, #tpu.memory_space<vmem_shared>>
    tpu.wait_dma2 semaphore(%arg21 : memref<!tpu.dma_semaphore, #tpu.memory_space<semaphore_mem>>) src(%arg11 : memref<10240xf32, #tpu.memory_space<vmem>>) dst(%dma_wait3A_218 : memref<10240xf32, #tpu.memory_space<vmem_shared>>)
    %barrier3A_219 = arith.constant 0 : index
    tpu.barrier barrier_id(%barrier3A_219)
    %mul3A_220 = arith.constant 640 : i32
    %mul3A_221 = arith.muli %arg1, %mul3A_220 : i32
    "tpu.region"() ({
      %run_scoped3A = tpu.sem_alloc : memref<!tpu.dma_semaphore, #tpu.memory_space<semaphore_mem>>
      %dma_start3A_321 = arith.constant 0 : i32
      %dma_start3A_322 = tpu.memref_slice %arg17[%dma_start3A_321, %mul3A_221] : memref<16x10240xf32, #tpu.memory_space<vmem_shared>> -> memref<16x640xf32, #tpu.memory_space<vmem_shared>>
      %dma_start3A_323 = arith.constant 0 : i32
      %dma_start3A_324 = tpu.memref_slice %arg17[%dma_start3A_323, %mul3A_221] : memref<16x10240xf32, #tpu.memory_space<vmem_shared>> -> memref<16x640xf32, #tpu.memory_space<vmem_shared>>
      tpu.enqueue_dma source(%dma_start3A_324 : memref<16x640xf32, #tpu.memory_space<vmem_shared>>) target(%arg13 : memref<16x640xf32, #tpu.memory_space<vmem>>) target_semaphore(%run_scoped3A : memref<!tpu.dma_semaphore, #tpu.memory_space<semaphore_mem>>)
      %dma_wait3A_325 = arith.constant 0 : i32
      %dma_wait3A_326 = tpu.memref_slice %arg17[%dma_wait3A_325, %mul3A_221] : memref<16x10240xf32, #tpu.memory_space<vmem_shared>> -> memref<16x640xf32, #tpu.memory_space<vmem_shared>>
      %dma_wait3A_327 = arith.constant 0 : i32
      %dma_wait3A_328 = tpu.memref_slice %arg17[%dma_wait3A_327, %mul3A_221] : memref<16x10240xf32, #tpu.memory_space<vmem_shared>> -> memref<16x640xf32, #tpu.memory_space<vmem_shared>>
      tpu.wait_dma2 semaphore(%run_scoped3A : memref<!tpu.dma_semaphore, #tpu.memory_space<semaphore_mem>>) src(%dma_wait3A_328 : memref<16x640xf32, #tpu.memory_space<vmem_shared>>) dst(%arg13 : memref<16x640xf32, #tpu.memory_space<vmem>>)
      tpu.yield
    }) : () -> ()
    %parallel_loop3A_222 = arith.constant 0 : i32
    %parallel_loop3A_223 = arith.constant 40 : i32
    %parallel_loop3A_224 = arith.constant 1 : i32
    scf.for %parallel_loop3A_321 = %parallel_loop3A_222 to %parallel_loop3A_223 step %parallel_loop3A_224  : i32 {
      %parallel_loop3A_322 = arith.constant 16 : i32
      %parallel_loop3A_323 = arith.muli %parallel_loop3A_321, %parallel_loop3A_322 : i32
      %parallel_loop3A_324 = arith.constant 0 : i32
      %parallel_loop3A_325 = arith.index_cast %parallel_loop3A_324 : i32 to index
      %parallel_loop3A_326 = arith.index_cast %parallel_loop3A_323 : i32 to index
      %parallel_loop3A_327 = tpu.vector_load %arg13[%parallel_loop3A_325, %parallel_loop3A_326] {strides = array<i32>} : memref<16x640xf32, #tpu.memory_space<vmem>>, vector<16xf32>,
      %parallel_loop3A_328 = arith.constant 1 : i32
      %parallel_loop3A_329 = arith.index_cast %parallel_loop3A_328 : i32 to index
      %parallel_loop3A_330 = arith.index_cast %parallel_loop3A_323 : i32 to index
      %parallel_loop3A_331 = tpu.vector_load %arg13[%parallel_loop3A_329, %parallel_loop3A_330] {strides = array<i32>} : memref<16x640xf32, #tpu.memory_space<vmem>>, vector<16xf32>,
      %parallel_loop3A_332 = arith.addf %parallel_loop3A_327, %parallel_loop3A_331 : vector<16xf32>
      %parallel_loop3A_333 = arith.constant 2 : i32
      %parallel_loop3A_334 = arith.index_cast %parallel_loop3A_333 : i32 to index
      %parallel_loop3A_335 = arith.index_cast %parallel_loop3A_323 : i32 to index
      %parallel_loop3A_336 = tpu.vector_load %arg13[%parallel_loop3A_334, %parallel_loop3A_335] {strides = array<i32>} : memref<16x640xf32, #tpu.memory_space<vmem>>, vector<16xf32>,
      %parallel_loop3A_337 = arith.addf %parallel_loop3A_332, %parallel_loop3A_336 : vector<16xf32>
      %parallel_loop3A_338 = arith.constant 3 : i32
      %parallel_loop3A_339 = arith.index_cast %parallel_loop3A_338 : i32 to index
      %parallel_loop3A_340 = arith.index_cast %parallel_loop3A_323 : i32 to index
      %parallel_loop3A_341 = tpu.vector_load %arg13[%parallel_loop3A_339, %parallel_loop3A_340] {strides = array<i32>} : memref<16x640xf32, #tpu.memory_space<vmem>>, vector<16xf32>,
      %parallel_loop3A_342 = arith.addf %parallel_loop3A_337, %parallel_loop3A_341 : vector<16xf32>
      %parallel_loop3A_343 = arith.constant 4 : i32
      %parallel_loop3A_344 = arith.index_cast %parallel_loop3A_343 : i32 to index
      %parallel_loop3A_345 = arith.index_cast %parallel_loop3A_323 : i32 to index
      %parallel_loop3A_346 = tpu.vector_load %arg13[%parallel_loop3A_344, %parallel_loop3A_345] {strides = array<i32>} : memref<16x640xf32, #tpu.memory_space<vmem>>, vector<16xf32>,
      %parallel_loop3A_347 = arith.addf %parallel_loop3A_342, %parallel_loop3A_346 : vector<16xf32>
      %parallel_loop3A_348 = arith.constant 5 : i32
      %parallel_loop3A_349 = arith.index_cast %parallel_loop3A_348 : i32 to index
      %parallel_loop3A_350 = arith.index_cast %parallel_loop3A_323 : i32 to index
      %parallel_loop3A_351 = tpu.vector_load %arg13[%parallel_loop3A_349, %parallel_loop3A_350] {strides = array<i32>} : memref<16x640xf32, #tpu.memory_space<vmem>>, vector<16xf32>,
      %parallel_loop3A_352 = arith.addf %parallel_loop3A_347, %parallel_loop3A_351 : vector<16xf32>
      %parallel_loop3A_353 = arith.constant 6 : i32
      %parallel_loop3A_354 = arith.index_cast %parallel_loop3A_353 : i32 to index
      %parallel_loop3A_355 = arith.index_cast %parallel_loop3A_323 : i32 to index
      %parallel_loop3A_356 = tpu.vector_load %arg13[%parallel_loop3A_354, %parallel_loop3A_355] {strides = array<i32>} : memref<16x640xf32, #tpu.memory_space<vmem>>, vector<16xf32>,
      %parallel_loop3A_357 = arith.addf %parallel_loop3A_352, %parallel_loop3A_356 : vector<16xf32>
      %parallel_loop3A_358 = arith.constant 7 : i32
      %parallel_loop3A_359 = arith.index_cast %parallel_loop3A_358 : i32 to index
      %parallel_loop3A_360 = arith.index_cast %parallel_loop3A_323 : i32 to index
      %parallel_loop3A_361 = tpu.vector_load %arg13[%parallel_loop3A_359, %parallel_loop3A_360] {strides = array<i32>} : memref<16x640xf32, #tpu.memory_space<vmem>>, vector<16xf32>,
      %parallel_loop3A_362 = arith.addf %parallel_loop3A_357, %parallel_loop3A_361 : vector<16xf32>
      %parallel_loop3A_363 = arith.constant 8 : i32
      %parallel_loop3A_364 = arith.index_cast %parallel_loop3A_363 : i32 to index
      %parallel_loop3A_365 = arith.index_cast %parallel_loop3A_323 : i32 to index
      %parallel_loop3A_366 = tpu.vector_load %arg13[%parallel_loop3A_364, %parallel_loop3A_365] {strides = array<i32>} : memref<16x640xf32, #tpu.memory_space<vmem>>, vector<16xf32>,
      %parallel_loop3A_367 = arith.addf %parallel_loop3A_362, %parallel_loop3A_366 : vector<16xf32>
      %parallel_loop3A_368 = arith.constant 9 : i32
      %parallel_loop3A_369 = arith.index_cast %parallel_loop3A_368 : i32 to index
      %parallel_loop3A_370 = arith.index_cast %parallel_loop3A_323 : i32 to index
      %parallel_loop3A_371 = tpu.vector_load %arg13[%parallel_loop3A_369, %parallel_loop3A_370] {strides = array<i32>} : memref<16x640xf32, #tpu.memory_space<vmem>>, vector<16xf32>,
      %parallel_loop3A_372 = arith.addf %parallel_loop3A_367, %parallel_loop3A_371 : vector<16xf32>
      %parallel_loop3A_373 = arith.constant 10 : i32
      %parallel_loop3A_374 = arith.index_cast %parallel_loop3A_373 : i32 to index
      %parallel_loop3A_375 = arith.index_cast %parallel_loop3A_323 : i32 to index
      %parallel_loop3A_376 = tpu.vector_load %arg13[%parallel_loop3A_374, %parallel_loop3A_375] {strides = array<i32>} : memref<16x640xf32, #tpu.memory_space<vmem>>, vector<16xf32>,
      %parallel_loop3A_377 = arith.addf %parallel_loop3A_372, %parallel_loop3A_376 : vector<16xf32>
      %parallel_loop3A_378 = arith.constant 11 : i32
      %parallel_loop3A_379 = arith.index_cast %parallel_loop3A_378 : i32 to index
      %parallel_loop3A_380 = arith.index_cast %parallel_loop3A_323 : i32 to index
      %parallel_loop3A_381 = tpu.vector_load %arg13[%parallel_loop3A_379, %parallel_loop3A_380] {strides = array<i32>} : memref<16x640xf32, #tpu.memory_space<vmem>>, vector<16xf32>,
      %parallel_loop3A_382 = arith.addf %parallel_loop3A_377, %parallel_loop3A_381 : vector<16xf32>
      %parallel_loop3A_383 = arith.constant 12 : i32
      %parallel_loop3A_384 = arith.index_cast %parallel_loop3A_383 : i32 to index
      %parallel_loop3A_385 = arith.index_cast %parallel_loop3A_323 : i32 to index
      %parallel_loop3A_386 = tpu.vector_load %arg13[%parallel_loop3A_384, %parallel_loop3A_385] {strides = array<i32>} : memref<16x640xf32, #tpu.memory_space<vmem>>, vector<16xf32>,
      %parallel_loop3A_387 = arith.addf %parallel_loop3A_382, %parallel_loop3A_386 : vector<16xf32>
      %parallel_loop3A_388 = arith.constant 13 : i32
      %parallel_loop3A_389 = arith.index_cast %parallel_loop3A_388 : i32 to index
      %parallel_loop3A_390 = arith.index_cast %parallel_loop3A_323 : i32 to index
      %parallel_loop3A_391 = tpu.vector_load %arg13[%parallel_loop3A_389, %parallel_loop3A_390] {strides = array<i32>} : memref<16x640xf32, #tpu.memory_space<vmem>>, vector<16xf32>,
      %parallel_loop3A_392 = arith.addf %parallel_loop3A_387, %parallel_loop3A_391 : vector<16xf32>
      %parallel_loop3A_393 = arith.constant 14 : i32
      %parallel_loop3A_394 = arith.index_cast %parallel_loop3A_393 : i32 to index
      %parallel_loop3A_395 = arith.index_cast %parallel_loop3A_323 : i32 to index
      %parallel_loop3A_396 = tpu.vector_load %arg13[%parallel_loop3A_394, %parallel_loop3A_395] {strides = array<i32>} : memref<16x640xf32, #tpu.memory_space<vmem>>, vector<16xf32>,
      %parallel_loop3A_397 = arith.addf %parallel_loop3A_392, %parallel_loop3A_396 : vector<16xf32>
      %parallel_loop3A_398 = arith.constant 15 : i32
      %parallel_loop3A_399 = arith.index_cast %parallel_loop3A_398 : i32 to index
      %parallel_loop3A_400 = arith.index_cast %parallel_loop3A_323 : i32 to index
      %parallel_loop3A_401 = tpu.vector_load %arg13[%parallel_loop3A_399, %parallel_loop3A_400] {strides = array<i32>} : memref<16x640xf32, #tpu.memory_space<vmem>>, vector<16xf32>,
      %parallel_loop3A_402 = arith.addf %parallel_loop3A_397, %parallel_loop3A_401 : vector<16xf32>
      %parallel_loop3A_403 = arith.constant 1.000000e-16 : f32
      %parallel_loop3A_404 = vector.broadcast %parallel_loop3A_403 : f32 to vector<16xf32>
      %parallel_loop3A_405 = arith.addf %parallel_loop3A_402, %parallel_loop3A_404 : vector<16xf32>
      %parallel_loop3A_406 = arith.constant 1.000000e+00 : f32
      %parallel_loop3A_407 = vector.broadcast %parallel_loop3A_406 : f32 to vector<16xf32>
      %parallel_loop3A_408 = arith.divf %parallel_loop3A_407, %parallel_loop3A_405 : vector<16xf32>
      %parallel_loop3A_409 = arith.index_cast %parallel_loop3A_323 : i32 to index
      %parallel_loop3A_410 = tpu.vector_load %arg14[%parallel_loop3A_409] {strides = array<i32>} : memref<640xf32, #tpu.memory_space<vmem>>, vector<16xf32>,
      tpu.vector_store %arg14[%parallel_loop3A_409], %parallel_loop3A_408 {strides = array<i32>} : memref<640xf32, #tpu.memory_space<vmem>>, vector<16xf32>,
    } {sc.loop_unroll_factor = 2 : i64, sc.parallel_access}
    %mul3A_225 = arith.constant 640 : i32
    %mul3A_226 = arith.muli %arg1, %mul3A_225 : i32
    "tpu.region"() ({
      %run_scoped3A = tpu.sem_alloc : memref<!tpu.dma_semaphore, #tpu.memory_space<semaphore_mem>>
      %dma_start3A_321 = tpu.memref_slice %arg18[%mul3A_226] : memref<10240xf32, #tpu.memory_space<vmem_shared>> -> memref<640xf32, #tpu.memory_space<vmem_shared>>
      %dma_start3A_322 = tpu.memref_slice %arg18[%mul3A_226] : memref<10240xf32, #tpu.memory_space<vmem_shared>> -> memref<640xf32, #tpu.memory_space<vmem_shared>>
      tpu.enqueue_dma source(%arg14 : memref<640xf32, #tpu.memory_space<vmem>>) target(%dma_start3A_322 : memref<640xf32, #tpu.memory_space<vmem_shared>>) target_semaphore(%run_scoped3A : memref<!tpu.dma_semaphore, #tpu.memory_space<semaphore_mem>>)
      %dma_wait3A_323 = tpu.memref_slice %arg18[%mul3A_226] : memref<10240xf32, #tpu.memory_space<vmem_shared>> -> memref<640xf32, #tpu.memory_space<vmem_shared>>
      %dma_wait3A_324 = tpu.memref_slice %arg18[%mul3A_226] : memref<10240xf32, #tpu.memory_space<vmem_shared>> -> memref<640xf32, #tpu.memory_space<vmem_shared>>
      tpu.wait_dma2 semaphore(%run_scoped3A : memref<!tpu.dma_semaphore, #tpu.memory_space<semaphore_mem>>) src(%arg14 : memref<640xf32, #tpu.memory_space<vmem>>) dst(%dma_wait3A_324 : memref<640xf32, #tpu.memory_space<vmem_shared>>)
      tpu.yield
    }) : () -> ()
    %barrier3A_227 = arith.constant 0 : index
    tpu.barrier barrier_id(%barrier3A_227)
    "tpu.region"() ({
      %run_scoped3A = tpu.sem_alloc : memref<!tpu.dma_semaphore, #tpu.memory_space<semaphore_mem>>
      tpu.enqueue_dma source(%arg18 : memref<10240xf32, #tpu.memory_space<vmem_shared>>) target(%arg11 : memref<10240xf32, #tpu.memory_space<vmem>>) target_semaphore(%run_scoped3A : memref<!tpu.dma_semaphore, #tpu.memory_space<semaphore_mem>>)
      tpu.wait_dma2 semaphore(%run_scoped3A : memref<!tpu.dma_semaphore, #tpu.memory_space<semaphore_mem>>) src(%arg18 : memref<10240xf32, #tpu.memory_space<vmem_shared>>) dst(%arg11 : memref<10240xf32, #tpu.memory_space<vmem>>)
      tpu.yield
    }) : () -> ()
    %parallel_loop3A_228 = arith.constant 0 : i32
    %parallel_loop3A_229 = arith.constant 1250 : i32
    %parallel_loop3A_230 = arith.constant 1 : i32
    "tpu.trace_stop"() : () -> ()
    "tpu.trace_start"() <{level = 10 : i32, message = "pass_b"}> : () -> ()
    scf.for %parallel_loop3A_321 = %parallel_loop3A_228 to %parallel_loop3A_229 step %parallel_loop3A_230  : i32 {
      %parallel_loop3A_322 = arith.constant 16 : i32
      %parallel_loop3A_323 = arith.muli %parallel_loop3A_321, %parallel_loop3A_322 : i32
      %parallel_loop3A_324 = arith.index_cast %parallel_loop3A_323 : i32 to index
      %parallel_loop3A_325 = tpu.vector_load %arg7[%parallel_loop3A_324] {strides = array<i32>} : memref<20000xi32, #tpu.memory_space<vmem>>, vector<16xi32>,
      %parallel_loop3A_326 = arith.index_cast %parallel_loop3A_323 : i32 to index
      %parallel_loop3A_327 = tpu.vector_load %arg8[%parallel_loop3A_326] {strides = array<i32>} : memref<20000xf32, #tpu.memory_space<vmem>>, vector<16xf32>,
      %parallel_loop3A_328 = arith.constant 16 : i32
      %parallel_loop3A_329 = vector.broadcast %parallel_loop3A_328 : i32 to vector<16xi32>
      %parallel_loop3A_330 = arith.shrsi %parallel_loop3A_325, %parallel_loop3A_329 : vector<16xi32>
      %parallel_loop3A_331 = tpu.vector_load_idx %arg11[%parallel_loop3A_330] : memref<10240xf32, #tpu.memory_space<vmem>>[vector<16xi32>], vector<16xf32>,
      %parallel_loop3A_332 = arith.mulf %parallel_loop3A_327, %parallel_loop3A_331 : vector<16xf32>
      %parallel_loop3A_333 = arith.constant 65535 : i32
      %parallel_loop3A_334 = vector.broadcast %parallel_loop3A_333 : i32 to vector<16xi32>
      %parallel_loop3A_335 = arith.andi %parallel_loop3A_325, %parallel_loop3A_334 : vector<16xi32>
      tpu.vector_store_idx %arg12[%parallel_loop3A_335], %parallel_loop3A_332 {add = true} : memref<10240xf32, #tpu.memory_space<vmem>>[vector<16xi32>], vector<16xf32>,
    } {sc.loop_unroll_factor = 10 : i64, sc.parallel_access}
    "tpu.trace_stop"() : () -> ()
    "tpu.trace_start"() <{level = 10 : i32, message = "red_s"}> : () -> ()
    "tpu.region"() ({
      %run_scoped3A = tpu.sem_alloc : memref<!tpu.dma_semaphore, #tpu.memory_space<semaphore_mem>>
      %dma_start3A_321 = arith.constant 0 : i32
      %dma_start3A_322 = tpu.memref_slice %arg17[%arg1, %dma_start3A_321] : memref<16x10240xf32, #tpu.memory_space<vmem_shared>> -> memref<1x10240xf32, #tpu.memory_space<vmem_shared>>
      %dma_start3A_323 = tpu.memref_squeeze %dma_start3A_322 : memref<1x10240xf32, #tpu.memory_space<vmem_shared>> -> memref<10240xf32, #tpu.memory_space<vmem_shared>>
      %dma_start3A_324 = arith.constant 0 : i32
      %dma_start3A_325 = tpu.memref_slice %arg17[%arg1, %dma_start3A_324] : memref<16x10240xf32, #tpu.memory_space<vmem_shared>> -> memref<1x10240xf32, #tpu.memory_space<vmem_shared>>
      %dma_start3A_326 = tpu.memref_squeeze %dma_start3A_325 : memref<1x10240xf32, #tpu.memory_space<vmem_shared>> -> memref<10240xf32, #tpu.memory_space<vmem_shared>>
      tpu.enqueue_dma source(%arg12 : memref<10240xf32, #tpu.memory_space<vmem>>) target(%dma_start3A_326 : memref<10240xf32, #tpu.memory_space<vmem_shared>>) target_semaphore(%run_scoped3A : memref<!tpu.dma_semaphore, #tpu.memory_space<semaphore_mem>>)
      %dma_wait3A_327 = arith.constant 0 : i32
      %dma_wait3A_328 = tpu.memref_slice %arg17[%arg1, %dma_wait3A_327] : memref<16x10240xf32, #tpu.memory_space<vmem_shared>> -> memref<1x10240xf32, #tpu.memory_space<vmem_shared>>
      %dma_wait3A_329 = tpu.memref_squeeze %dma_wait3A_328 : memref<1x10240xf32, #tpu.memory_space<vmem_shared>> -> memref<10240xf32, #tpu.memory_space<vmem_shared>>
      %dma_wait3A_330 = arith.constant 0 : i32
      %dma_wait3A_331 = tpu.memref_slice %arg17[%arg1, %dma_wait3A_330] : memref<16x10240xf32, #tpu.memory_space<vmem_shared>> -> memref<1x10240xf32, #tpu.memory_space<vmem_shared>>
      %dma_wait3A_332 = tpu.memref_squeeze %dma_wait3A_331 : memref<1x10240xf32, #tpu.memory_space<vmem_shared>> -> memref<10240xf32, #tpu.memory_space<vmem_shared>>
      tpu.wait_dma2 semaphore(%run_scoped3A : memref<!tpu.dma_semaphore, #tpu.memory_space<semaphore_mem>>) src(%arg12 : memref<10240xf32, #tpu.memory_space<vmem>>) dst(%dma_wait3A_332 : memref<10240xf32, #tpu.memory_space<vmem_shared>>)
      tpu.yield
    }) : () -> ()
    %barrier3A_231 = arith.constant 0 : index
    tpu.barrier barrier_id(%barrier3A_231)
    %mul3A_232 = arith.constant 640 : i32
    %mul3A_233 = arith.muli %arg1, %mul3A_232 : i32
    "tpu.region"() ({
      %run_scoped3A = tpu.sem_alloc : memref<!tpu.dma_semaphore, #tpu.memory_space<semaphore_mem>>
      %dma_start3A_321 = arith.constant 0 : i32
      %dma_start3A_322 = tpu.memref_slice %arg17[%dma_start3A_321, %mul3A_233] : memref<16x10240xf32, #tpu.memory_space<vmem_shared>> -> memref<16x640xf32, #tpu.memory_space<vmem_shared>>
      %dma_start3A_323 = arith.constant 0 : i32
      %dma_start3A_324 = tpu.memref_slice %arg17[%dma_start3A_323, %mul3A_233] : memref<16x10240xf32, #tpu.memory_space<vmem_shared>> -> memref<16x640xf32, #tpu.memory_space<vmem_shared>>
      tpu.enqueue_dma source(%dma_start3A_324 : memref<16x640xf32, #tpu.memory_space<vmem_shared>>) target(%arg13 : memref<16x640xf32, #tpu.memory_space<vmem>>) target_semaphore(%run_scoped3A : memref<!tpu.dma_semaphore, #tpu.memory_space<semaphore_mem>>)
      %dma_wait3A_325 = arith.constant 0 : i32
      %dma_wait3A_326 = tpu.memref_slice %arg17[%dma_wait3A_325, %mul3A_233] : memref<16x10240xf32, #tpu.memory_space<vmem_shared>> -> memref<16x640xf32, #tpu.memory_space<vmem_shared>>
      %dma_wait3A_327 = arith.constant 0 : i32
      %dma_wait3A_328 = tpu.memref_slice %arg17[%dma_wait3A_327, %mul3A_233] : memref<16x10240xf32, #tpu.memory_space<vmem_shared>> -> memref<16x640xf32, #tpu.memory_space<vmem_shared>>
      tpu.wait_dma2 semaphore(%run_scoped3A : memref<!tpu.dma_semaphore, #tpu.memory_space<semaphore_mem>>) src(%dma_wait3A_328 : memref<16x640xf32, #tpu.memory_space<vmem_shared>>) dst(%arg13 : memref<16x640xf32, #tpu.memory_space<vmem>>)
      tpu.yield
    }) : () -> ()
    %dma_wait3A_234 = tpu.memref_slice %arg6[%add3A_90, %mul3A_156] : memref<8x10240xf32, #tpu.memory_space<hbm>> -> memref<1x640xf32, #tpu.memory_space<hbm>>
    %dma_wait3A_235 = tpu.memref_squeeze %dma_wait3A_234 : memref<1x640xf32, #tpu.memory_space<hbm>> -> memref<640xf32, #tpu.memory_space<hbm>>
    %dma_wait3A_236 = tpu.memref_slice %arg6[%add3A_90, %mul3A_156] : memref<8x10240xf32, #tpu.memory_space<hbm>> -> memref<1x640xf32, #tpu.memory_space<hbm>>
    %dma_wait3A_237 = tpu.memref_squeeze %dma_wait3A_236 : memref<1x640xf32, #tpu.memory_space<hbm>> -> memref<640xf32, #tpu.memory_space<hbm>>
    tpu.wait_dma2 semaphore(%arg20 : memref<!tpu.dma_semaphore, #tpu.memory_space<semaphore_mem>>) src(%arg15 : memref<640xf32, #tpu.memory_space<vmem>>) dst(%dma_wait3A_237 : memref<640xf32, #tpu.memory_space<hbm>>)
    %parallel_loop3A_238 = arith.constant 0 : i32
    %parallel_loop3A_239 = arith.constant 40 : i32
    %parallel_loop3A_240 = arith.constant 1 : i32
    scf.for %parallel_loop3A_321 = %parallel_loop3A_238 to %parallel_loop3A_239 step %parallel_loop3A_240  : i32 {
      %parallel_loop3A_322 = arith.constant 16 : i32
      %parallel_loop3A_323 = arith.muli %parallel_loop3A_321, %parallel_loop3A_322 : i32
      %parallel_loop3A_324 = arith.constant 0 : i32
      %parallel_loop3A_325 = arith.index_cast %parallel_loop3A_324 : i32 to index
      %parallel_loop3A_326 = arith.index_cast %parallel_loop3A_323 : i32 to index
      %parallel_loop3A_327 = tpu.vector_load %arg13[%parallel_loop3A_325, %parallel_loop3A_326] {strides = array<i32>} : memref<16x640xf32, #tpu.memory_space<vmem>>, vector<16xf32>,
      %parallel_loop3A_328 = arith.constant 1 : i32
      %parallel_loop3A_329 = arith.index_cast %parallel_loop3A_328 : i32 to index
      %parallel_loop3A_330 = arith.index_cast %parallel_loop3A_323 : i32 to index
      %parallel_loop3A_331 = tpu.vector_load %arg13[%parallel_loop3A_329, %parallel_loop3A_330] {strides = array<i32>} : memref<16x640xf32, #tpu.memory_space<vmem>>, vector<16xf32>,
      %parallel_loop3A_332 = arith.addf %parallel_loop3A_327, %parallel_loop3A_331 : vector<16xf32>
      %parallel_loop3A_333 = arith.constant 2 : i32
      %parallel_loop3A_334 = arith.index_cast %parallel_loop3A_333 : i32 to index
      %parallel_loop3A_335 = arith.index_cast %parallel_loop3A_323 : i32 to index
      %parallel_loop3A_336 = tpu.vector_load %arg13[%parallel_loop3A_334, %parallel_loop3A_335] {strides = array<i32>} : memref<16x640xf32, #tpu.memory_space<vmem>>, vector<16xf32>,
      %parallel_loop3A_337 = arith.addf %parallel_loop3A_332, %parallel_loop3A_336 : vector<16xf32>
      %parallel_loop3A_338 = arith.constant 3 : i32
      %parallel_loop3A_339 = arith.index_cast %parallel_loop3A_338 : i32 to index
      %parallel_loop3A_340 = arith.index_cast %parallel_loop3A_323 : i32 to index
      %parallel_loop3A_341 = tpu.vector_load %arg13[%parallel_loop3A_339, %parallel_loop3A_340] {strides = array<i32>} : memref<16x640xf32, #tpu.memory_space<vmem>>, vector<16xf32>,
      %parallel_loop3A_342 = arith.addf %parallel_loop3A_337, %parallel_loop3A_341 : vector<16xf32>
      %parallel_loop3A_343 = arith.constant 4 : i32
      %parallel_loop3A_344 = arith.index_cast %parallel_loop3A_343 : i32 to index
      %parallel_loop3A_345 = arith.index_cast %parallel_loop3A_323 : i32 to index
      %parallel_loop3A_346 = tpu.vector_load %arg13[%parallel_loop3A_344, %parallel_loop3A_345] {strides = array<i32>} : memref<16x640xf32, #tpu.memory_space<vmem>>, vector<16xf32>,
      %parallel_loop3A_347 = arith.addf %parallel_loop3A_342, %parallel_loop3A_346 : vector<16xf32>
      %parallel_loop3A_348 = arith.constant 5 : i32
      %parallel_loop3A_349 = arith.index_cast %parallel_loop3A_348 : i32 to index
      %parallel_loop3A_350 = arith.index_cast %parallel_loop3A_323 : i32 to index
      %parallel_loop3A_351 = tpu.vector_load %arg13[%parallel_loop3A_349, %parallel_loop3A_350] {strides = array<i32>} : memref<16x640xf32, #tpu.memory_space<vmem>>, vector<16xf32>,
      %parallel_loop3A_352 = arith.addf %parallel_loop3A_347, %parallel_loop3A_351 : vector<16xf32>
      %parallel_loop3A_353 = arith.constant 6 : i32
      %parallel_loop3A_354 = arith.index_cast %parallel_loop3A_353 : i32 to index
      %parallel_loop3A_355 = arith.index_cast %parallel_loop3A_323 : i32 to index
      %parallel_loop3A_356 = tpu.vector_load %arg13[%parallel_loop3A_354, %parallel_loop3A_355] {strides = array<i32>} : memref<16x640xf32, #tpu.memory_space<vmem>>, vector<16xf32>,
      %parallel_loop3A_357 = arith.addf %parallel_loop3A_352, %parallel_loop3A_356 : vector<16xf32>
      %parallel_loop3A_358 = arith.constant 7 : i32
      %parallel_loop3A_359 = arith.index_cast %parallel_loop3A_358 : i32 to index
      %parallel_loop3A_360 = arith.index_cast %parallel_loop3A_323 : i32 to index
      %parallel_loop3A_361 = tpu.vector_load %arg13[%parallel_loop3A_359, %parallel_loop3A_360] {strides = array<i32>} : memref<16x640xf32, #tpu.memory_space<vmem>>, vector<16xf32>,
      %parallel_loop3A_362 = arith.addf %parallel_loop3A_357, %parallel_loop3A_361 : vector<16xf32>
      %parallel_loop3A_363 = arith.constant 8 : i32
      %parallel_loop3A_364 = arith.index_cast %parallel_loop3A_363 : i32 to index
      %parallel_loop3A_365 = arith.index_cast %parallel_loop3A_323 : i32 to index
      %parallel_loop3A_366 = tpu.vector_load %arg13[%parallel_loop3A_364, %parallel_loop3A_365] {strides = array<i32>} : memref<16x640xf32, #tpu.memory_space<vmem>>, vector<16xf32>,
      %parallel_loop3A_367 = arith.addf %parallel_loop3A_362, %parallel_loop3A_366 : vector<16xf32>
      %parallel_loop3A_368 = arith.constant 9 : i32
      %parallel_loop3A_369 = arith.index_cast %parallel_loop3A_368 : i32 to index
      %parallel_loop3A_370 = arith.index_cast %parallel_loop3A_323 : i32 to index
      %parallel_loop3A_371 = tpu.vector_load %arg13[%parallel_loop3A_369, %parallel_loop3A_370] {strides = array<i32>} : memref<16x640xf32, #tpu.memory_space<vmem>>, vector<16xf32>,
      %parallel_loop3A_372 = arith.addf %parallel_loop3A_367, %parallel_loop3A_371 : vector<16xf32>
      %parallel_loop3A_373 = arith.constant 10 : i32
      %parallel_loop3A_374 = arith.index_cast %parallel_loop3A_373 : i32 to index
      %parallel_loop3A_375 = arith.index_cast %parallel_loop3A_323 : i32 to index
      %parallel_loop3A_376 = tpu.vector_load %arg13[%parallel_loop3A_374, %parallel_loop3A_375] {strides = array<i32>} : memref<16x640xf32, #tpu.memory_space<vmem>>, vector<16xf32>,
      %parallel_loop3A_377 = arith.addf %parallel_loop3A_372, %parallel_loop3A_376 : vector<16xf32>
      %parallel_loop3A_378 = arith.constant 11 : i32
      %parallel_loop3A_379 = arith.index_cast %parallel_loop3A_378 : i32 to index
      %parallel_loop3A_380 = arith.index_cast %parallel_loop3A_323 : i32 to index
      %parallel_loop3A_381 = tpu.vector_load %arg13[%parallel_loop3A_379, %parallel_loop3A_380] {strides = array<i32>} : memref<16x640xf32, #tpu.memory_space<vmem>>, vector<16xf32>,
      %parallel_loop3A_382 = arith.addf %parallel_loop3A_377, %parallel_loop3A_381 : vector<16xf32>
      %parallel_loop3A_383 = arith.constant 12 : i32
      %parallel_loop3A_384 = arith.index_cast %parallel_loop3A_383 : i32 to index
      %parallel_loop3A_385 = arith.index_cast %parallel_loop3A_323 : i32 to index
      %parallel_loop3A_386 = tpu.vector_load %arg13[%parallel_loop3A_384, %parallel_loop3A_385] {strides = array<i32>} : memref<16x640xf32, #tpu.memory_space<vmem>>, vector<16xf32>,
      %parallel_loop3A_387 = arith.addf %parallel_loop3A_382, %parallel_loop3A_386 : vector<16xf32>
      %parallel_loop3A_388 = arith.constant 13 : i32
      %parallel_loop3A_389 = arith.index_cast %parallel_loop3A_388 : i32 to index
      %parallel_loop3A_390 = arith.index_cast %parallel_loop3A_323 : i32 to index
      %parallel_loop3A_391 = tpu.vector_load %arg13[%parallel_loop3A_389, %parallel_loop3A_390] {strides = array<i32>} : memref<16x640xf32, #tpu.memory_space<vmem>>, vector<16xf32>,
      %parallel_loop3A_392 = arith.addf %parallel_loop3A_387, %parallel_loop3A_391 : vector<16xf32>
      %parallel_loop3A_393 = arith.constant 14 : i32
      %parallel_loop3A_394 = arith.index_cast %parallel_loop3A_393 : i32 to index
      %parallel_loop3A_395 = arith.index_cast %parallel_loop3A_323 : i32 to index
      %parallel_loop3A_396 = tpu.vector_load %arg13[%parallel_loop3A_394, %parallel_loop3A_395] {strides = array<i32>} : memref<16x640xf32, #tpu.memory_space<vmem>>, vector<16xf32>,
      %parallel_loop3A_397 = arith.addf %parallel_loop3A_392, %parallel_loop3A_396 : vector<16xf32>
      %parallel_loop3A_398 = arith.constant 15 : i32
      %parallel_loop3A_399 = arith.index_cast %parallel_loop3A_398 : i32 to index
      %parallel_loop3A_400 = arith.index_cast %parallel_loop3A_323 : i32 to index
      %parallel_loop3A_401 = tpu.vector_load %arg13[%parallel_loop3A_399, %parallel_loop3A_400] {strides = array<i32>} : memref<16x640xf32, #tpu.memory_space<vmem>>, vector<16xf32>,
      %parallel_loop3A_402 = arith.addf %parallel_loop3A_397, %parallel_loop3A_401 : vector<16xf32>
      %parallel_loop3A_403 = arith.index_cast %parallel_loop3A_323 : i32 to index
      %parallel_loop3A_404 = tpu.vector_load %arg15[%parallel_loop3A_403] {strides = array<i32>} : memref<640xf32, #tpu.memory_space<vmem>>, vector<16xf32>,
      tpu.vector_store %arg15[%parallel_loop3A_403], %parallel_loop3A_402 {strides = array<i32>} : memref<640xf32, #tpu.memory_space<vmem>>, vector<16xf32>,
    } {sc.loop_unroll_factor = 2 : i64, sc.parallel_access}
    %mul3A_241 = arith.constant 640 : i32
    %mul3A_242 = arith.muli %arg1, %mul3A_241 : i32
    %dma_start3A_243 = tpu.memref_slice %arg6[%add3A_176, %mul3A_242] : memref<8x10240xf32, #tpu.memory_space<hbm>> -> memref<1x640xf32, #tpu.memory_space<hbm>>
    %dma_start3A_244 = tpu.memref_squeeze %dma_start3A_243 : memref<1x640xf32, #tpu.memory_space<hbm>> -> memref<640xf32, #tpu.memory_space<hbm>>
    %dma_start3A_245 = tpu.memref_slice %arg6[%add3A_176, %mul3A_242] : memref<8x10240xf32, #tpu.memory_space<hbm>> -> memref<1x640xf32, #tpu.memory_space<hbm>>
    %dma_start3A_246 = tpu.memref_squeeze %dma_start3A_245 : memref<1x640xf32, #tpu.memory_space<hbm>> -> memref<640xf32, #tpu.memory_space<hbm>>
    tpu.enqueue_dma source(%arg15 : memref<640xf32, #tpu.memory_space<vmem>>) target(%dma_start3A_246 : memref<640xf32, #tpu.memory_space<hbm>>) target_semaphore(%arg20 : memref<!tpu.dma_semaphore, #tpu.memory_space<semaphore_mem>>)
    %dma_wait3A_247 = arith.constant 0 : i32
    %dma_wait3A_248 = tpu.memref_slice %arg2[%add3A_188, %dma_wait3A_247] : memref<8x10000xf32, #tpu.memory_space<hbm>> -> memref<1x10000xf32, #tpu.memory_space<hbm>>
    %dma_wait3A_249 = tpu.memref_squeeze %dma_wait3A_248 : memref<1x10000xf32, #tpu.memory_space<hbm>> -> memref<10000xf32, #tpu.memory_space<hbm>>
    %dma_wait3A_250 = arith.constant 0 : i32
    %dma_wait3A_251 = tpu.memref_slice %arg2[%add3A_188, %dma_wait3A_250] : memref<8x10000xf32, #tpu.memory_space<hbm>> -> memref<1x10000xf32, #tpu.memory_space<hbm>>
    %dma_wait3A_252 = tpu.memref_squeeze %dma_wait3A_251 : memref<1x10000xf32, #tpu.memory_space<hbm>> -> memref<10000xf32, #tpu.memory_space<hbm>>
    tpu.wait_dma2 semaphore(%arg19 : memref<!tpu.dma_semaphore, #tpu.memory_space<semaphore_mem>>) src(%dma_wait3A_252 : memref<10000xf32, #tpu.memory_space<hbm>>) dst(%arg9 : memref<10000xf32, #tpu.memory_space<vmem>>)
    %dma_wait3A_253 = arith.constant 0 : i32
    %dma_wait3A_254 = tpu.memref_slice %arg3[%add3A_196, %dma_wait3A_253] : memref<8x10000xf32, #tpu.memory_space<hbm>> -> memref<1x10000xf32, #tpu.memory_space<hbm>>
    %dma_wait3A_255 = tpu.memref_squeeze %dma_wait3A_254 : memref<1x10000xf32, #tpu.memory_space<hbm>> -> memref<10000xf32, #tpu.memory_space<hbm>>
    %dma_wait3A_256 = arith.constant 0 : i32
    %dma_wait3A_257 = tpu.memref_slice %arg3[%add3A_196, %dma_wait3A_256] : memref<8x10000xf32, #tpu.memory_space<hbm>> -> memref<1x10000xf32, #tpu.memory_space<hbm>>
    %dma_wait3A_258 = tpu.memref_squeeze %dma_wait3A_257 : memref<1x10000xf32, #tpu.memory_space<hbm>> -> memref<10000xf32, #tpu.memory_space<hbm>>
    tpu.wait_dma2 semaphore(%arg19 : memref<!tpu.dma_semaphore, #tpu.memory_space<semaphore_mem>>) src(%dma_wait3A_258 : memref<10000xf32, #tpu.memory_space<hbm>>) dst(%arg10 : memref<10000xf32, #tpu.memory_space<vmem>>)
    "tpu.trace_stop"() : () -> ()
    %mul3A_259 = arith.constant 4 : i32
    %mul3A_260 = arith.muli %arg0, %mul3A_259 : i32
    %add3A_261 = arith.constant 3 : i32
    %add3A_262 = arith.addi %mul3A_260, %add3A_261 : i32
    %get3A_263 = arith.constant 3 : i32
    %get3A_264 = arith.index_cast %get3A_263 : i32 to index
    %get3A_265 = arith.constant 0 : index
    %get3A_266 = tpu.vector_load %arg16[%get3A_264, %get3A_265] {strides = array<i32>} : memref<4x16xf32, #tpu.memory_space<vmem>>, vector<16xf32>,
    %parallel_loop3A_267 = arith.constant 0 : i32
    %parallel_loop3A_268 = arith.constant 640 : i32
    %parallel_loop3A_269 = arith.constant 1 : i32
    "tpu.trace_start"() <{level = 10 : i32, message = "zero"}> : () -> ()
    scf.for %parallel_loop3A_321 = %parallel_loop3A_267 to %parallel_loop3A_268 step %parallel_loop3A_269  : i32 {
      %parallel_loop3A_322 = arith.constant 16 : i32
      %parallel_loop3A_323 = arith.muli %parallel_loop3A_321, %parallel_loop3A_322 : i32
      %parallel_loop3A_324 = arith.index_cast %parallel_loop3A_323 : i32 to index
      %parallel_loop3A_325 = tpu.vector_load %arg11[%parallel_loop3A_324] {strides = array<i32>} : memref<10240xf32, #tpu.memory_space<vmem>>, vector<16xf32>,
      tpu.vector_store %arg11[%parallel_loop3A_324], %broadcast_in_dim3A_8 {strides = array<i32>} : memref<10240xf32, #tpu.memory_space<vmem>>, vector<16xf32>,
    } {sc.loop_unroll_factor = 8 : i64, sc.parallel_access}
    %parallel_loop3A_270 = arith.constant 0 : i32
    %parallel_loop3A_271 = arith.constant 1250 : i32
    %parallel_loop3A_272 = arith.constant 1 : i32
    "tpu.trace_stop"() : () -> ()
    "tpu.trace_start"() <{level = 10 : i32, message = "pass_a"}> : () -> ()
    scf.for %parallel_loop3A_321 = %parallel_loop3A_270 to %parallel_loop3A_271 step %parallel_loop3A_272  : i32 {
      %parallel_loop3A_322 = arith.constant 16 : i32
      %parallel_loop3A_323 = arith.muli %parallel_loop3A_321, %parallel_loop3A_322 : i32
      %parallel_loop3A_324 = arith.index_cast %parallel_loop3A_323 : i32 to index
      %parallel_loop3A_325 = tpu.vector_load %arg7[%parallel_loop3A_324] {strides = array<i32>} : memref<20000xi32, #tpu.memory_space<vmem>>, vector<16xi32>,
      %parallel_loop3A_326 = arith.constant 65535 : i32
      %parallel_loop3A_327 = vector.broadcast %parallel_loop3A_326 : i32 to vector<16xi32>
      %parallel_loop3A_328 = arith.andi %parallel_loop3A_325, %parallel_loop3A_327 : vector<16xi32>
      %parallel_loop3A_329 = arith.constant 16 : i32
      %parallel_loop3A_330 = vector.broadcast %parallel_loop3A_329 : i32 to vector<16xi32>
      %parallel_loop3A_331 = arith.shrsi %parallel_loop3A_325, %parallel_loop3A_330 : vector<16xi32>
      %parallel_loop3A_332 = tpu.vector_load_idx %arg9[%parallel_loop3A_328] : memref<10000xf32, #tpu.memory_space<vmem>>[vector<16xi32>], vector<16xf32>,
      %parallel_loop3A_333 = tpu.vector_load_idx %arg10[%parallel_loop3A_331] : memref<10000xf32, #tpu.memory_space<vmem>>[vector<16xi32>], vector<16xf32>,
      %parallel_loop3A_334 = arith.addf %parallel_loop3A_332, %parallel_loop3A_333 : vector<16xf32>
      %parallel_loop3A_335 = arith.constant 2.000000e-01 : f32
      %parallel_loop3A_336 = vector.broadcast %parallel_loop3A_335 : f32 to vector<16xf32>
      %parallel_loop3A_337 = arith.mulf %parallel_loop3A_336, %parallel_loop3A_334 : vector<16xf32>
      %parallel_loop3A_338 = arith.maximumf %parallel_loop3A_334, %parallel_loop3A_337 : vector<16xf32>
      %parallel_loop3A_339 = arith.subf %parallel_loop3A_338, %get3A_266 : vector<16xf32>
      %parallel_loop3A_340 = math.exp %parallel_loop3A_339 : vector<16xf32>
      %parallel_loop3A_341 = arith.index_cast %parallel_loop3A_323 : i32 to index
      %parallel_loop3A_342 = tpu.vector_load %arg8[%parallel_loop3A_341] {strides = array<i32>} : memref<20000xf32, #tpu.memory_space<vmem>>, vector<16xf32>,
      tpu.vector_store %arg8[%parallel_loop3A_341], %parallel_loop3A_340 {strides = array<i32>} : memref<20000xf32, #tpu.memory_space<vmem>>, vector<16xf32>,
      tpu.vector_store_idx %arg11[%parallel_loop3A_331], %parallel_loop3A_340 {add = true} : memref<10240xf32, #tpu.memory_space<vmem>>[vector<16xi32>], vector<16xf32>,
    } {sc.loop_unroll_factor = 10 : i64, sc.parallel_access}
    "tpu.trace_stop"() : () -> ()
    %barrier3A_273 = arith.constant 0 : index
    tpu.barrier barrier_id(%barrier3A_273)
    "tpu.trace_start"() <{level = 10 : i32, message = "red_den"}> : () -> ()
    %dma_start3A_274 = arith.constant 0 : i32
    %dma_start3A_275 = tpu.memref_slice %arg17[%arg1, %dma_start3A_274] : memref<16x10240xf32, #tpu.memory_space<vmem_shared>> -> memref<1x10240xf32, #tpu.memory_space<vmem_shared>>
    %dma_start3A_276 = tpu.memref_squeeze %dma_start3A_275 : memref<1x10240xf32, #tpu.memory_space<vmem_shared>> -> memref<10240xf32, #tpu.memory_space<vmem_shared>>
    %dma_start3A_277 = arith.constant 0 : i32
    %dma_start3A_278 = tpu.memref_slice %arg17[%arg1, %dma_start3A_277] : memref<16x10240xf32, #tpu.memory_space<vmem_shared>> -> memref<1x10240xf32, #tpu.memory_space<vmem_shared>>
    %dma_start3A_279 = tpu.memref_squeeze %dma_start3A_278 : memref<1x10240xf32, #tpu.memory_space<vmem_shared>> -> memref<10240xf32, #tpu.memory_space<vmem_shared>>
    tpu.enqueue_dma source(%arg11 : memref<10240xf32, #tpu.memory_space<vmem>>) target(%dma_start3A_279 : memref<10240xf32, #tpu.memory_space<vmem_shared>>) target_semaphore(%arg21 : memref<!tpu.dma_semaphore, #tpu.memory_space<semaphore_mem>>)
    %parallel_loop3A_280 = arith.constant 0 : i32
    %parallel_loop3A_281 = arith.constant 640 : i32
    %parallel_loop3A_282 = arith.constant 1 : i32
    scf.for %parallel_loop3A_321 = %parallel_loop3A_280 to %parallel_loop3A_281 step %parallel_loop3A_282  : i32 {
      %parallel_loop3A_322 = arith.constant 16 : i32
      %parallel_loop3A_323 = arith.muli %parallel_loop3A_321, %parallel_loop3A_322 : i32
      %parallel_loop3A_324 = arith.index_cast %parallel_loop3A_323 : i32 to index
      %parallel_loop3A_325 = tpu.vector_load %arg12[%parallel_loop3A_324] {strides = array<i32>} : memref<10240xf32, #tpu.memory_space<vmem>>, vector<16xf32>,
      tpu.vector_store %arg12[%parallel_loop3A_324], %broadcast_in_dim3A_8 {strides = array<i32>} : memref<10240xf32, #tpu.memory_space<vmem>>, vector<16xf32>,
    } {sc.loop_unroll_factor = 8 : i64, sc.parallel_access}
    %dma_wait3A_283 = arith.constant 0 : i32
    %dma_wait3A_284 = tpu.memref_slice %arg17[%arg1, %dma_wait3A_283] : memref<16x10240xf32, #tpu.memory_space<vmem_shared>> -> memref<1x10240xf32, #tpu.memory_space<vmem_shared>>
    %dma_wait3A_285 = tpu.memref_squeeze %dma_wait3A_284 : memref<1x10240xf32, #tpu.memory_space<vmem_shared>> -> memref<10240xf32, #tpu.memory_space<vmem_shared>>
    %dma_wait3A_286 = arith.constant 0 : i32
    %dma_wait3A_287 = tpu.memref_slice %arg17[%arg1, %dma_wait3A_286] : memref<16x10240xf32, #tpu.memory_space<vmem_shared>> -> memref<1x10240xf32, #tpu.memory_space<vmem_shared>>
    %dma_wait3A_288 = tpu.memref_squeeze %dma_wait3A_287 : memref<1x10240xf32, #tpu.memory_space<vmem_shared>> -> memref<10240xf32, #tpu.memory_space<vmem_shared>>
    tpu.wait_dma2 semaphore(%arg21 : memref<!tpu.dma_semaphore, #tpu.memory_space<semaphore_mem>>) src(%arg11 : memref<10240xf32, #tpu.memory_space<vmem>>) dst(%dma_wait3A_288 : memref<10240xf32, #tpu.memory_space<vmem_shared>>)
    %barrier3A_289 = arith.constant 0 : index
    tpu.barrier barrier_id(%barrier3A_289)
    %mul3A_290 = arith.constant 640 : i32
    %mul3A_291 = arith.muli %arg1, %mul3A_290 : i32
    "tpu.region"() ({
      %run_scoped3A = tpu.sem_alloc : memref<!tpu.dma_semaphore, #tpu.memory_space<semaphore_mem>>
      %dma_start3A_321 = arith.constant 0 : i32
      %dma_start3A_322 = tpu.memref_slice %arg17[%dma_start3A_321, %mul3A_291] : memref<16x10240xf32, #tpu.memory_space<vmem_shared>> -> memref<16x640xf32, #tpu.memory_space<vmem_shared>>
      %dma_start3A_323 = arith.constant 0 : i32
      %dma_start3A_324 = tpu.memref_slice %arg17[%dma_start3A_323, %mul3A_291] : memref<16x10240xf32, #tpu.memory_space<vmem_shared>> -> memref<16x640xf32, #tpu.memory_space<vmem_shared>>
      tpu.enqueue_dma source(%dma_start3A_324 : memref<16x640xf32, #tpu.memory_space<vmem_shared>>) target(%arg13 : memref<16x640xf32, #tpu.memory_space<vmem>>) target_semaphore(%run_scoped3A : memref<!tpu.dma_semaphore, #tpu.memory_space<semaphore_mem>>)
      %dma_wait3A_325 = arith.constant 0 : i32
      %dma_wait3A_326 = tpu.memref_slice %arg17[%dma_wait3A_325, %mul3A_291] : memref<16x10240xf32, #tpu.memory_space<vmem_shared>> -> memref<16x640xf32, #tpu.memory_space<vmem_shared>>
      %dma_wait3A_327 = arith.constant 0 : i32
      %dma_wait3A_328 = tpu.memref_slice %arg17[%dma_wait3A_327, %mul3A_291] : memref<16x10240xf32, #tpu.memory_space<vmem_shared>> -> memref<16x640xf32, #tpu.memory_space<vmem_shared>>
      tpu.wait_dma2 semaphore(%run_scoped3A : memref<!tpu.dma_semaphore, #tpu.memory_space<semaphore_mem>>) src(%dma_wait3A_328 : memref<16x640xf32, #tpu.memory_space<vmem_shared>>) dst(%arg13 : memref<16x640xf32, #tpu.memory_space<vmem>>)
      tpu.yield
    }) : () -> ()
    %parallel_loop3A_292 = arith.constant 0 : i32
    %parallel_loop3A_293 = arith.constant 40 : i32
    %parallel_loop3A_294 = arith.constant 1 : i32
    scf.for %parallel_loop3A_321 = %parallel_loop3A_292 to %parallel_loop3A_293 step %parallel_loop3A_294  : i32 {
      %parallel_loop3A_322 = arith.constant 16 : i32
      %parallel_loop3A_323 = arith.muli %parallel_loop3A_321, %parallel_loop3A_322 : i32
      %parallel_loop3A_324 = arith.constant 0 : i32
      %parallel_loop3A_325 = arith.index_cast %parallel_loop3A_324 : i32 to index
      %parallel_loop3A_326 = arith.index_cast %parallel_loop3A_323 : i32 to index
      %parallel_loop3A_327 = tpu.vector_load %arg13[%parallel_loop3A_325, %parallel_loop3A_326] {strides = array<i32>} : memref<16x640xf32, #tpu.memory_space<vmem>>, vector<16xf32>,
      %parallel_loop3A_328 = arith.constant 1 : i32
      %parallel_loop3A_329 = arith.index_cast %parallel_loop3A_328 : i32 to index
      %parallel_loop3A_330 = arith.index_cast %parallel_loop3A_323 : i32 to index
      %parallel_loop3A_331 = tpu.vector_load %arg13[%parallel_loop3A_329, %parallel_loop3A_330] {strides = array<i32>} : memref<16x640xf32, #tpu.memory_space<vmem>>, vector<16xf32>,
      %parallel_loop3A_332 = arith.addf %parallel_loop3A_327, %parallel_loop3A_331 : vector<16xf32>
      %parallel_loop3A_333 = arith.constant 2 : i32
      %parallel_loop3A_334 = arith.index_cast %parallel_loop3A_333 : i32 to index
      %parallel_loop3A_335 = arith.index_cast %parallel_loop3A_323 : i32 to index
      %parallel_loop3A_336 = tpu.vector_load %arg13[%parallel_loop3A_334, %parallel_loop3A_335] {strides = array<i32>} : memref<16x640xf32, #tpu.memory_space<vmem>>, vector<16xf32>,
      %parallel_loop3A_337 = arith.addf %parallel_loop3A_332, %parallel_loop3A_336 : vector<16xf32>
      %parallel_loop3A_338 = arith.constant 3 : i32
      %parallel_loop3A_339 = arith.index_cast %parallel_loop3A_338 : i32 to index
      %parallel_loop3A_340 = arith.index_cast %parallel_loop3A_323 : i32 to index
      %parallel_loop3A_341 = tpu.vector_load %arg13[%parallel_loop3A_339, %parallel_loop3A_340] {strides = array<i32>} : memref<16x640xf32, #tpu.memory_space<vmem>>, vector<16xf32>,
      %parallel_loop3A_342 = arith.addf %parallel_loop3A_337, %parallel_loop3A_341 : vector<16xf32>
      %parallel_loop3A_343 = arith.constant 4 : i32
      %parallel_loop3A_344 = arith.index_cast %parallel_loop3A_343 : i32 to index
      %parallel_loop3A_345 = arith.index_cast %parallel_loop3A_323 : i32 to index
      %parallel_loop3A_346 = tpu.vector_load %arg13[%parallel_loop3A_344, %parallel_loop3A_345] {strides = array<i32>} : memref<16x640xf32, #tpu.memory_space<vmem>>, vector<16xf32>,
      %parallel_loop3A_347 = arith.addf %parallel_loop3A_342, %parallel_loop3A_346 : vector<16xf32>
      %parallel_loop3A_348 = arith.constant 5 : i32
      %parallel_loop3A_349 = arith.index_cast %parallel_loop3A_348 : i32 to index
      %parallel_loop3A_350 = arith.index_cast %parallel_loop3A_323 : i32 to index
      %parallel_loop3A_351 = tpu.vector_load %arg13[%parallel_loop3A_349, %parallel_loop3A_350] {strides = array<i32>} : memref<16x640xf32, #tpu.memory_space<vmem>>, vector<16xf32>,
      %parallel_loop3A_352 = arith.addf %parallel_loop3A_347, %parallel_loop3A_351 : vector<16xf32>
      %parallel_loop3A_353 = arith.constant 6 : i32
      %parallel_loop3A_354 = arith.index_cast %parallel_loop3A_353 : i32 to index
      %parallel_loop3A_355 = arith.index_cast %parallel_loop3A_323 : i32 to index
      %parallel_loop3A_356 = tpu.vector_load %arg13[%parallel_loop3A_354, %parallel_loop3A_355] {strides = array<i32>} : memref<16x640xf32, #tpu.memory_space<vmem>>, vector<16xf32>,
      %parallel_loop3A_357 = arith.addf %parallel_loop3A_352, %parallel_loop3A_356 : vector<16xf32>
      %parallel_loop3A_358 = arith.constant 7 : i32
      %parallel_loop3A_359 = arith.index_cast %parallel_loop3A_358 : i32 to index
      %parallel_loop3A_360 = arith.index_cast %parallel_loop3A_323 : i32 to index
      %parallel_loop3A_361 = tpu.vector_load %arg13[%parallel_loop3A_359, %parallel_loop3A_360] {strides = array<i32>} : memref<16x640xf32, #tpu.memory_space<vmem>>, vector<16xf32>,
      %parallel_loop3A_362 = arith.addf %parallel_loop3A_357, %parallel_loop3A_361 : vector<16xf32>
      %parallel_loop3A_363 = arith.constant 8 : i32
      %parallel_loop3A_364 = arith.index_cast %parallel_loop3A_363 : i32 to index
      %parallel_loop3A_365 = arith.index_cast %parallel_loop3A_323 : i32 to index
      %parallel_loop3A_366 = tpu.vector_load %arg13[%parallel_loop3A_364, %parallel_loop3A_365] {strides = array<i32>} : memref<16x640xf32, #tpu.memory_space<vmem>>, vector<16xf32>,
      %parallel_loop3A_367 = arith.addf %parallel_loop3A_362, %parallel_loop3A_366 : vector<16xf32>
      %parallel_loop3A_368 = arith.constant 9 : i32
      %parallel_loop3A_369 = arith.index_cast %parallel_loop3A_368 : i32 to index
      %parallel_loop3A_370 = arith.index_cast %parallel_loop3A_323 : i32 to index
      %parallel_loop3A_371 = tpu.vector_load %arg13[%parallel_loop3A_369, %parallel_loop3A_370] {strides = array<i32>} : memref<16x640xf32, #tpu.memory_space<vmem>>, vector<16xf32>,
      %parallel_loop3A_372 = arith.addf %parallel_loop3A_367, %parallel_loop3A_371 : vector<16xf32>
      %parallel_loop3A_373 = arith.constant 10 : i32
      %parallel_loop3A_374 = arith.index_cast %parallel_loop3A_373 : i32 to index
      %parallel_loop3A_375 = arith.index_cast %parallel_loop3A_323 : i32 to index
      %parallel_loop3A_376 = tpu.vector_load %arg13[%parallel_loop3A_374, %parallel_loop3A_375] {strides = array<i32>} : memref<16x640xf32, #tpu.memory_space<vmem>>, vector<16xf32>,
      %parallel_loop3A_377 = arith.addf %parallel_loop3A_372, %parallel_loop3A_376 : vector<16xf32>
      %parallel_loop3A_378 = arith.constant 11 : i32
      %parallel_loop3A_379 = arith.index_cast %parallel_loop3A_378 : i32 to index
      %parallel_loop3A_380 = arith.index_cast %parallel_loop3A_323 : i32 to index
      %parallel_loop3A_381 = tpu.vector_load %arg13[%parallel_loop3A_379, %parallel_loop3A_380] {strides = array<i32>} : memref<16x640xf32, #tpu.memory_space<vmem>>, vector<16xf32>,
      %parallel_loop3A_382 = arith.addf %parallel_loop3A_377, %parallel_loop3A_381 : vector<16xf32>
      %parallel_loop3A_383 = arith.constant 12 : i32
      %parallel_loop3A_384 = arith.index_cast %parallel_loop3A_383 : i32 to index
      %parallel_loop3A_385 = arith.index_cast %parallel_loop3A_323 : i32 to index
      %parallel_loop3A_386 = tpu.vector_load %arg13[%parallel_loop3A_384, %parallel_loop3A_385] {strides = array<i32>} : memref<16x640xf32, #tpu.memory_space<vmem>>, vector<16xf32>,
      %parallel_loop3A_387 = arith.addf %parallel_loop3A_382, %parallel_loop3A_386 : vector<16xf32>
      %parallel_loop3A_388 = arith.constant 13 : i32
      %parallel_loop3A_389 = arith.index_cast %parallel_loop3A_388 : i32 to index
      %parallel_loop3A_390 = arith.index_cast %parallel_loop3A_323 : i32 to index
      %parallel_loop3A_391 = tpu.vector_load %arg13[%parallel_loop3A_389, %parallel_loop3A_390] {strides = array<i32>} : memref<16x640xf32, #tpu.memory_space<vmem>>, vector<16xf32>,
      %parallel_loop3A_392 = arith.addf %parallel_loop3A_387, %parallel_loop3A_391 : vector<16xf32>
      %parallel_loop3A_393 = arith.constant 14 : i32
      %parallel_loop3A_394 = arith.index_cast %parallel_loop3A_393 : i32 to index
      %parallel_loop3A_395 = arith.index_cast %parallel_loop3A_323 : i32 to index
      %parallel_loop3A_396 = tpu.vector_load %arg13[%parallel_loop3A_394, %parallel_loop3A_395] {strides = array<i32>} : memref<16x640xf32, #tpu.memory_space<vmem>>, vector<16xf32>,
      %parallel_loop3A_397 = arith.addf %parallel_loop3A_392, %parallel_loop3A_396 : vector<16xf32>
      %parallel_loop3A_398 = arith.constant 15 : i32
      %parallel_loop3A_399 = arith.index_cast %parallel_loop3A_398 : i32 to index
      %parallel_loop3A_400 = arith.index_cast %parallel_loop3A_323 : i32 to index
      %parallel_loop3A_401 = tpu.vector_load %arg13[%parallel_loop3A_399, %parallel_loop3A_400] {strides = array<i32>} : memref<16x640xf32, #tpu.memory_space<vmem>>, vector<16xf32>,
      %parallel_loop3A_402 = arith.addf %parallel_loop3A_397, %parallel_loop3A_401 : vector<16xf32>
      %parallel_loop3A_403 = arith.constant 1.000000e-16 : f32
      %parallel_loop3A_404 = vector.broadcast %parallel_loop3A_403 : f32 to vector<16xf32>
      %parallel_loop3A_405 = arith.addf %parallel_loop3A_402, %parallel_loop3A_404 : vector<16xf32>
      %parallel_loop3A_406 = arith.constant 1.000000e+00 : f32
      %parallel_loop3A_407 = vector.broadcast %parallel_loop3A_406 : f32 to vector<16xf32>
      %parallel_loop3A_408 = arith.divf %parallel_loop3A_407, %parallel_loop3A_405 : vector<16xf32>
      %parallel_loop3A_409 = arith.index_cast %parallel_loop3A_323 : i32 to index
      %parallel_loop3A_410 = tpu.vector_load %arg14[%parallel_loop3A_409] {strides = array<i32>} : memref<640xf32, #tpu.memory_space<vmem>>, vector<16xf32>,
      tpu.vector_store %arg14[%parallel_loop3A_409], %parallel_loop3A_408 {strides = array<i32>} : memref<640xf32, #tpu.memory_space<vmem>>, vector<16xf32>,
    } {sc.loop_unroll_factor = 2 : i64, sc.parallel_access}
    %mul3A_295 = arith.constant 640 : i32
    %mul3A_296 = arith.muli %arg1, %mul3A_295 : i32
    "tpu.region"() ({
      %run_scoped3A = tpu.sem_alloc : memref<!tpu.dma_semaphore, #tpu.memory_space<semaphore_mem>>
      %dma_start3A_321 = tpu.memref_slice %arg18[%mul3A_296] : memref<10240xf32, #tpu.memory_space<vmem_shared>> -> memref<640xf32, #tpu.memory_space<vmem_shared>>
      %dma_start3A_322 = tpu.memref_slice %arg18[%mul3A_296] : memref<10240xf32, #tpu.memory_space<vmem_shared>> -> memref<640xf32, #tpu.memory_space<vmem_shared>>
      tpu.enqueue_dma source(%arg14 : memref<640xf32, #tpu.memory_space<vmem>>) target(%dma_start3A_322 : memref<640xf32, #tpu.memory_space<vmem_shared>>) target_semaphore(%run_scoped3A : memref<!tpu.dma_semaphore, #tpu.memory_space<semaphore_mem>>)
      %dma_wait3A_323 = tpu.memref_slice %arg18[%mul3A_296] : memref<10240xf32, #tpu.memory_space<vmem_shared>> -> memref<640xf32, #tpu.memory_space<vmem_shared>>
      %dma_wait3A_324 = tpu.memref_slice %arg18[%mul3A_296] : memref<10240xf32, #tpu.memory_space<vmem_shared>> -> memref<640xf32, #tpu.memory_space<vmem_shared>>
      tpu.wait_dma2 semaphore(%run_scoped3A : memref<!tpu.dma_semaphore, #tpu.memory_space<semaphore_mem>>) src(%arg14 : memref<640xf32, #tpu.memory_space<vmem>>) dst(%dma_wait3A_324 : memref<640xf32, #tpu.memory_space<vmem_shared>>)
      tpu.yield
    }) : () -> ()
    %barrier3A_297 = arith.constant 0 : index
    tpu.barrier barrier_id(%barrier3A_297)
    "tpu.region"() ({
      %run_scoped3A = tpu.sem_alloc : memref<!tpu.dma_semaphore, #tpu.memory_space<semaphore_mem>>
      tpu.enqueue_dma source(%arg18 : memref<10240xf32, #tpu.memory_space<vmem_shared>>) target(%arg11 : memref<10240xf32, #tpu.memory_space<vmem>>) target_semaphore(%run_scoped3A : memref<!tpu.dma_semaphore, #tpu.memory_space<semaphore_mem>>)
      tpu.wait_dma2 semaphore(%run_scoped3A : memref<!tpu.dma_semaphore, #tpu.memory_space<semaphore_mem>>) src(%arg18 : memref<10240xf32, #tpu.memory_space<vmem_shared>>) dst(%arg11 : memref<10240xf32, #tpu.memory_space<vmem>>)
      tpu.yield
    }) : () -> ()
    %parallel_loop3A_298 = arith.constant 0 : i32
    %parallel_loop3A_299 = arith.constant 1250 : i32
    %parallel_loop3A_300 = arith.constant 1 : i32
    "tpu.trace_stop"() : () -> ()
    "tpu.trace_start"() <{level = 10 : i32, message = "pass_b"}> : () -> ()
    scf.for %parallel_loop3A_321 = %parallel_loop3A_298 to %parallel_loop3A_299 step %parallel_loop3A_300  : i32 {
      %parallel_loop3A_322 = arith.constant 16 : i32
      %parallel_loop3A_323 = arith.muli %parallel_loop3A_321, %parallel_loop3A_322 : i32
      %parallel_loop3A_324 = arith.index_cast %parallel_loop3A_323 : i32 to index
      %parallel_loop3A_325 = tpu.vector_load %arg7[%parallel_loop3A_324] {strides = array<i32>} : memref<20000xi32, #tpu.memory_space<vmem>>, vector<16xi32>,
      %parallel_loop3A_326 = arith.index_cast %parallel_loop3A_323 : i32 to index
      %parallel_loop3A_327 = tpu.vector_load %arg8[%parallel_loop3A_326] {strides = array<i32>} : memref<20000xf32, #tpu.memory_space<vmem>>, vector<16xf32>,
      %parallel_loop3A_328 = arith.constant 16 : i32
      %parallel_loop3A_329 = vector.broadcast %parallel_loop3A_328 : i32 to vector<16xi32>
      %parallel_loop3A_330 = arith.shrsi %parallel_loop3A_325, %parallel_loop3A_329 : vector<16xi32>
      %parallel_loop3A_331 = tpu.vector_load_idx %arg11[%parallel_loop3A_330] : memref<10240xf32, #tpu.memory_space<vmem>>[vector<16xi32>], vector<16xf32>,
      %parallel_loop3A_332 = arith.mulf %parallel_loop3A_327, %parallel_loop3A_331 : vector<16xf32>
      %parallel_loop3A_333 = arith.constant 65535 : i32
      %parallel_loop3A_334 = vector.broadcast %parallel_loop3A_333 : i32 to vector<16xi32>
      %parallel_loop3A_335 = arith.andi %parallel_loop3A_325, %parallel_loop3A_334 : vector<16xi32>
      tpu.vector_store_idx %arg12[%parallel_loop3A_335], %parallel_loop3A_332 {add = true} : memref<10240xf32, #tpu.memory_space<vmem>>[vector<16xi32>], vector<16xf32>,
    } {sc.loop_unroll_factor = 10 : i64, sc.parallel_access}
    "tpu.trace_stop"() : () -> ()
    "tpu.trace_start"() <{level = 10 : i32, message = "red_s"}> : () -> ()
    "tpu.region"() ({
      %run_scoped3A = tpu.sem_alloc : memref<!tpu.dma_semaphore, #tpu.memory_space<semaphore_mem>>
      %dma_start3A_321 = arith.constant 0 : i32
      %dma_start3A_322 = tpu.memref_slice %arg17[%arg1, %dma_start3A_321] : memref<16x10240xf32, #tpu.memory_space<vmem_shared>> -> memref<1x10240xf32, #tpu.memory_space<vmem_shared>>
      %dma_start3A_323 = tpu.memref_squeeze %dma_start3A_322 : memref<1x10240xf32, #tpu.memory_space<vmem_shared>> -> memref<10240xf32, #tpu.memory_space<vmem_shared>>
      %dma_start3A_324 = arith.constant 0 : i32
      %dma_start3A_325 = tpu.memref_slice %arg17[%arg1, %dma_start3A_324] : memref<16x10240xf32, #tpu.memory_space<vmem_shared>> -> memref<1x10240xf32, #tpu.memory_space<vmem_shared>>
      %dma_start3A_326 = tpu.memref_squeeze %dma_start3A_325 : memref<1x10240xf32, #tpu.memory_space<vmem_shared>> -> memref<10240xf32, #tpu.memory_space<vmem_shared>>
      tpu.enqueue_dma source(%arg12 : memref<10240xf32, #tpu.memory_space<vmem>>) target(%dma_start3A_326 : memref<10240xf32, #tpu.memory_space<vmem_shared>>) target_semaphore(%run_scoped3A : memref<!tpu.dma_semaphore, #tpu.memory_space<semaphore_mem>>)
      %dma_wait3A_327 = arith.constant 0 : i32
      %dma_wait3A_328 = tpu.memref_slice %arg17[%arg1, %dma_wait3A_327] : memref<16x10240xf32, #tpu.memory_space<vmem_shared>> -> memref<1x10240xf32, #tpu.memory_space<vmem_shared>>
      %dma_wait3A_329 = tpu.memref_squeeze %dma_wait3A_328 : memref<1x10240xf32, #tpu.memory_space<vmem_shared>> -> memref<10240xf32, #tpu.memory_space<vmem_shared>>
      %dma_wait3A_330 = arith.constant 0 : i32
      %dma_wait3A_331 = tpu.memref_slice %arg17[%arg1, %dma_wait3A_330] : memref<16x10240xf32, #tpu.memory_space<vmem_shared>> -> memref<1x10240xf32, #tpu.memory_space<vmem_shared>>
      %dma_wait3A_332 = tpu.memref_squeeze %dma_wait3A_331 : memref<1x10240xf32, #tpu.memory_space<vmem_shared>> -> memref<10240xf32, #tpu.memory_space<vmem_shared>>
      tpu.wait_dma2 semaphore(%run_scoped3A : memref<!tpu.dma_semaphore, #tpu.memory_space<semaphore_mem>>) src(%arg12 : memref<10240xf32, #tpu.memory_space<vmem>>) dst(%dma_wait3A_332 : memref<10240xf32, #tpu.memory_space<vmem_shared>>)
      tpu.yield
    }) : () -> ()
    %barrier3A_301 = arith.constant 0 : index
    tpu.barrier barrier_id(%barrier3A_301)
    %mul3A_302 = arith.constant 640 : i32
    %mul3A_303 = arith.muli %arg1, %mul3A_302 : i32
    "tpu.region"() ({
      %run_scoped3A = tpu.sem_alloc : memref<!tpu.dma_semaphore, #tpu.memory_space<semaphore_mem>>
      %dma_start3A_321 = arith.constant 0 : i32
      %dma_start3A_322 = tpu.memref_slice %arg17[%dma_start3A_321, %mul3A_303] : memref<16x10240xf32, #tpu.memory_space<vmem_shared>> -> memref<16x640xf32, #tpu.memory_space<vmem_shared>>
      %dma_start3A_323 = arith.constant 0 : i32
      %dma_start3A_324 = tpu.memref_slice %arg17[%dma_start3A_323, %mul3A_303] : memref<16x10240xf32, #tpu.memory_space<vmem_shared>> -> memref<16x640xf32, #tpu.memory_space<vmem_shared>>
      tpu.enqueue_dma source(%dma_start3A_324 : memref<16x640xf32, #tpu.memory_space<vmem_shared>>) target(%arg13 : memref<16x640xf32, #tpu.memory_space<vmem>>) target_semaphore(%run_scoped3A : memref<!tpu.dma_semaphore, #tpu.memory_space<semaphore_mem>>)
      %dma_wait3A_325 = arith.constant 0 : i32
      %dma_wait3A_326 = tpu.memref_slice %arg17[%dma_wait3A_325, %mul3A_303] : memref<16x10240xf32, #tpu.memory_space<vmem_shared>> -> memref<16x640xf32, #tpu.memory_space<vmem_shared>>
      %dma_wait3A_327 = arith.constant 0 : i32
      %dma_wait3A_328 = tpu.memref_slice %arg17[%dma_wait3A_327, %mul3A_303] : memref<16x10240xf32, #tpu.memory_space<vmem_shared>> -> memref<16x640xf32, #tpu.memory_space<vmem_shared>>
      tpu.wait_dma2 semaphore(%run_scoped3A : memref<!tpu.dma_semaphore, #tpu.memory_space<semaphore_mem>>) src(%dma_wait3A_328 : memref<16x640xf32, #tpu.memory_space<vmem_shared>>) dst(%arg13 : memref<16x640xf32, #tpu.memory_space<vmem>>)
      tpu.yield
    }) : () -> ()
    %dma_wait3A_304 = tpu.memref_slice %arg6[%add3A_176, %mul3A_242] : memref<8x10240xf32, #tpu.memory_space<hbm>> -> memref<1x640xf32, #tpu.memory_space<hbm>>
    %dma_wait3A_305 = tpu.memref_squeeze %dma_wait3A_304 : memref<1x640xf32, #tpu.memory_space<hbm>> -> memref<640xf32, #tpu.memory_space<hbm>>
    %dma_wait3A_306 = tpu.memref_slice %arg6[%add3A_176, %mul3A_242] : memref<8x10240xf32, #tpu.memory_space<hbm>> -> memref<1x640xf32, #tpu.memory_space<hbm>>
    %dma_wait3A_307 = tpu.memref_squeeze %dma_wait3A_306 : memref<1x640xf32, #tpu.memory_space<hbm>> -> memref<640xf32, #tpu.memory_space<hbm>>
    tpu.wait_dma2 semaphore(%arg20 : memref<!tpu.dma_semaphore, #tpu.memory_space<semaphore_mem>>) src(%arg15 : memref<640xf32, #tpu.memory_space<vmem>>) dst(%dma_wait3A_307 : memref<640xf32, #tpu.memory_space<hbm>>)
    %parallel_loop3A_308 = arith.constant 0 : i32
    %parallel_loop3A_309 = arith.constant 40 : i32
    %parallel_loop3A_310 = arith.constant 1 : i32
    scf.for %parallel_loop3A_321 = %parallel_loop3A_308 to %parallel_loop3A_309 step %parallel_loop3A_310  : i32 {
      %parallel_loop3A_322 = arith.constant 16 : i32
      %parallel_loop3A_323 = arith.muli %parallel_loop3A_321, %parallel_loop3A_322 : i32
      %parallel_loop3A_324 = arith.constant 0 : i32
      %parallel_loop3A_325 = arith.index_cast %parallel_loop3A_324 : i32 to index
      %parallel_loop3A_326 = arith.index_cast %parallel_loop3A_323 : i32 to index
      %parallel_loop3A_327 = tpu.vector_load %arg13[%parallel_loop3A_325, %parallel_loop3A_326] {strides = array<i32>} : memref<16x640xf32, #tpu.memory_space<vmem>>, vector<16xf32>,
      %parallel_loop3A_328 = arith.constant 1 : i32
      %parallel_loop3A_329 = arith.index_cast %parallel_loop3A_328 : i32 to index
      %parallel_loop3A_330 = arith.index_cast %parallel_loop3A_323 : i32 to index
      %parallel_loop3A_331 = tpu.vector_load %arg13[%parallel_loop3A_329, %parallel_loop3A_330] {strides = array<i32>} : memref<16x640xf32, #tpu.memory_space<vmem>>, vector<16xf32>,
      %parallel_loop3A_332 = arith.addf %parallel_loop3A_327, %parallel_loop3A_331 : vector<16xf32>
      %parallel_loop3A_333 = arith.constant 2 : i32
      %parallel_loop3A_334 = arith.index_cast %parallel_loop3A_333 : i32 to index
      %parallel_loop3A_335 = arith.index_cast %parallel_loop3A_323 : i32 to index
      %parallel_loop3A_336 = tpu.vector_load %arg13[%parallel_loop3A_334, %parallel_loop3A_335] {strides = array<i32>} : memref<16x640xf32, #tpu.memory_space<vmem>>, vector<16xf32>,
      %parallel_loop3A_337 = arith.addf %parallel_loop3A_332, %parallel_loop3A_336 : vector<16xf32>
      %parallel_loop3A_338 = arith.constant 3 : i32
      %parallel_loop3A_339 = arith.index_cast %parallel_loop3A_338 : i32 to index
      %parallel_loop3A_340 = arith.index_cast %parallel_loop3A_323 : i32 to index
      %parallel_loop3A_341 = tpu.vector_load %arg13[%parallel_loop3A_339, %parallel_loop3A_340] {strides = array<i32>} : memref<16x640xf32, #tpu.memory_space<vmem>>, vector<16xf32>,
      %parallel_loop3A_342 = arith.addf %parallel_loop3A_337, %parallel_loop3A_341 : vector<16xf32>
      %parallel_loop3A_343 = arith.constant 4 : i32
      %parallel_loop3A_344 = arith.index_cast %parallel_loop3A_343 : i32 to index
      %parallel_loop3A_345 = arith.index_cast %parallel_loop3A_323 : i32 to index
      %parallel_loop3A_346 = tpu.vector_load %arg13[%parallel_loop3A_344, %parallel_loop3A_345] {strides = array<i32>} : memref<16x640xf32, #tpu.memory_space<vmem>>, vector<16xf32>,
      %parallel_loop3A_347 = arith.addf %parallel_loop3A_342, %parallel_loop3A_346 : vector<16xf32>
      %parallel_loop3A_348 = arith.constant 5 : i32
      %parallel_loop3A_349 = arith.index_cast %parallel_loop3A_348 : i32 to index
      %parallel_loop3A_350 = arith.index_cast %parallel_loop3A_323 : i32 to index
      %parallel_loop3A_351 = tpu.vector_load %arg13[%parallel_loop3A_349, %parallel_loop3A_350] {strides = array<i32>} : memref<16x640xf32, #tpu.memory_space<vmem>>, vector<16xf32>,
      %parallel_loop3A_352 = arith.addf %parallel_loop3A_347, %parallel_loop3A_351 : vector<16xf32>
      %parallel_loop3A_353 = arith.constant 6 : i32
      %parallel_loop3A_354 = arith.index_cast %parallel_loop3A_353 : i32 to index
      %parallel_loop3A_355 = arith.index_cast %parallel_loop3A_323 : i32 to index
      %parallel_loop3A_356 = tpu.vector_load %arg13[%parallel_loop3A_354, %parallel_loop3A_355] {strides = array<i32>} : memref<16x640xf32, #tpu.memory_space<vmem>>, vector<16xf32>,
      %parallel_loop3A_357 = arith.addf %parallel_loop3A_352, %parallel_loop3A_356 : vector<16xf32>
      %parallel_loop3A_358 = arith.constant 7 : i32
      %parallel_loop3A_359 = arith.index_cast %parallel_loop3A_358 : i32 to index
      %parallel_loop3A_360 = arith.index_cast %parallel_loop3A_323 : i32 to index
      %parallel_loop3A_361 = tpu.vector_load %arg13[%parallel_loop3A_359, %parallel_loop3A_360] {strides = array<i32>} : memref<16x640xf32, #tpu.memory_space<vmem>>, vector<16xf32>,
      %parallel_loop3A_362 = arith.addf %parallel_loop3A_357, %parallel_loop3A_361 : vector<16xf32>
      %parallel_loop3A_363 = arith.constant 8 : i32
      %parallel_loop3A_364 = arith.index_cast %parallel_loop3A_363 : i32 to index
      %parallel_loop3A_365 = arith.index_cast %parallel_loop3A_323 : i32 to index
      %parallel_loop3A_366 = tpu.vector_load %arg13[%parallel_loop3A_364, %parallel_loop3A_365] {strides = array<i32>} : memref<16x640xf32, #tpu.memory_space<vmem>>, vector<16xf32>,
      %parallel_loop3A_367 = arith.addf %parallel_loop3A_362, %parallel_loop3A_366 : vector<16xf32>
      %parallel_loop3A_368 = arith.constant 9 : i32
      %parallel_loop3A_369 = arith.index_cast %parallel_loop3A_368 : i32 to index
      %parallel_loop3A_370 = arith.index_cast %parallel_loop3A_323 : i32 to index
      %parallel_loop3A_371 = tpu.vector_load %arg13[%parallel_loop3A_369, %parallel_loop3A_370] {strides = array<i32>} : memref<16x640xf32, #tpu.memory_space<vmem>>, vector<16xf32>,
      %parallel_loop3A_372 = arith.addf %parallel_loop3A_367, %parallel_loop3A_371 : vector<16xf32>
      %parallel_loop3A_373 = arith.constant 10 : i32
      %parallel_loop3A_374 = arith.index_cast %parallel_loop3A_373 : i32 to index
      %parallel_loop3A_375 = arith.index_cast %parallel_loop3A_323 : i32 to index
      %parallel_loop3A_376 = tpu.vector_load %arg13[%parallel_loop3A_374, %parallel_loop3A_375] {strides = array<i32>} : memref<16x640xf32, #tpu.memory_space<vmem>>, vector<16xf32>,
      %parallel_loop3A_377 = arith.addf %parallel_loop3A_372, %parallel_loop3A_376 : vector<16xf32>
      %parallel_loop3A_378 = arith.constant 11 : i32
      %parallel_loop3A_379 = arith.index_cast %parallel_loop3A_378 : i32 to index
      %parallel_loop3A_380 = arith.index_cast %parallel_loop3A_323 : i32 to index
      %parallel_loop3A_381 = tpu.vector_load %arg13[%parallel_loop3A_379, %parallel_loop3A_380] {strides = array<i32>} : memref<16x640xf32, #tpu.memory_space<vmem>>, vector<16xf32>,
      %parallel_loop3A_382 = arith.addf %parallel_loop3A_377, %parallel_loop3A_381 : vector<16xf32>
      %parallel_loop3A_383 = arith.constant 12 : i32
      %parallel_loop3A_384 = arith.index_cast %parallel_loop3A_383 : i32 to index
      %parallel_loop3A_385 = arith.index_cast %parallel_loop3A_323 : i32 to index
      %parallel_loop3A_386 = tpu.vector_load %arg13[%parallel_loop3A_384, %parallel_loop3A_385] {strides = array<i32>} : memref<16x640xf32, #tpu.memory_space<vmem>>, vector<16xf32>,
      %parallel_loop3A_387 = arith.addf %parallel_loop3A_382, %parallel_loop3A_386 : vector<16xf32>
      %parallel_loop3A_388 = arith.constant 13 : i32
      %parallel_loop3A_389 = arith.index_cast %parallel_loop3A_388 : i32 to index
      %parallel_loop3A_390 = arith.index_cast %parallel_loop3A_323 : i32 to index
      %parallel_loop3A_391 = tpu.vector_load %arg13[%parallel_loop3A_389, %parallel_loop3A_390] {strides = array<i32>} : memref<16x640xf32, #tpu.memory_space<vmem>>, vector<16xf32>,
      %parallel_loop3A_392 = arith.addf %parallel_loop3A_387, %parallel_loop3A_391 : vector<16xf32>
      %parallel_loop3A_393 = arith.constant 14 : i32
      %parallel_loop3A_394 = arith.index_cast %parallel_loop3A_393 : i32 to index
      %parallel_loop3A_395 = arith.index_cast %parallel_loop3A_323 : i32 to index
      %parallel_loop3A_396 = tpu.vector_load %arg13[%parallel_loop3A_394, %parallel_loop3A_395] {strides = array<i32>} : memref<16x640xf32, #tpu.memory_space<vmem>>, vector<16xf32>,
      %parallel_loop3A_397 = arith.addf %parallel_loop3A_392, %parallel_loop3A_396 : vector<16xf32>
      %parallel_loop3A_398 = arith.constant 15 : i32
      %parallel_loop3A_399 = arith.index_cast %parallel_loop3A_398 : i32 to index
      %parallel_loop3A_400 = arith.index_cast %parallel_loop3A_323 : i32 to index
      %parallel_loop3A_401 = tpu.vector_load %arg13[%parallel_loop3A_399, %parallel_loop3A_400] {strides = array<i32>} : memref<16x640xf32, #tpu.memory_space<vmem>>, vector<16xf32>,
      %parallel_loop3A_402 = arith.addf %parallel_loop3A_397, %parallel_loop3A_401 : vector<16xf32>
      %parallel_loop3A_403 = arith.index_cast %parallel_loop3A_323 : i32 to index
      %parallel_loop3A_404 = tpu.vector_load %arg15[%parallel_loop3A_403] {strides = array<i32>} : memref<640xf32, #tpu.memory_space<vmem>>, vector<16xf32>,
      tpu.vector_store %arg15[%parallel_loop3A_403], %parallel_loop3A_402 {strides = array<i32>} : memref<640xf32, #tpu.memory_space<vmem>>, vector<16xf32>,
    } {sc.loop_unroll_factor = 2 : i64, sc.parallel_access}
    %mul3A_311 = arith.constant 640 : i32
    %mul3A_312 = arith.muli %arg1, %mul3A_311 : i32
    %dma_start3A_313 = tpu.memref_slice %arg6[%add3A_262, %mul3A_312] : memref<8x10240xf32, #tpu.memory_space<hbm>> -> memref<1x640xf32, #tpu.memory_space<hbm>>
    %dma_start3A_314 = tpu.memref_squeeze %dma_start3A_313 : memref<1x640xf32, #tpu.memory_space<hbm>> -> memref<640xf32, #tpu.memory_space<hbm>>
    %dma_start3A_315 = tpu.memref_slice %arg6[%add3A_262, %mul3A_312] : memref<8x10240xf32, #tpu.memory_space<hbm>> -> memref<1x640xf32, #tpu.memory_space<hbm>>
    %dma_start3A_316 = tpu.memref_squeeze %dma_start3A_315 : memref<1x640xf32, #tpu.memory_space<hbm>> -> memref<640xf32, #tpu.memory_space<hbm>>
    tpu.enqueue_dma source(%arg15 : memref<640xf32, #tpu.memory_space<vmem>>) target(%dma_start3A_316 : memref<640xf32, #tpu.memory_space<hbm>>) target_semaphore(%arg20 : memref<!tpu.dma_semaphore, #tpu.memory_space<semaphore_mem>>)
    "tpu.trace_stop"() : () -> ()
    %dma_wait3A_317 = tpu.memref_slice %arg6[%add3A_262, %mul3A_312] : memref<8x10240xf32, #tpu.memory_space<hbm>> -> memref<1x640xf32, #tpu.memory_space<hbm>>
    %dma_wait3A_318 = tpu.memref_squeeze %dma_wait3A_317 : memref<1x640xf32, #tpu.memory_space<hbm>> -> memref<640xf32, #tpu.memory_space<hbm>>
    %dma_wait3A_319 = tpu.memref_slice %arg6[%add3A_262, %mul3A_312] : memref<8x10240xf32, #tpu.memory_space<hbm>> -> memref<1x640xf32, #tpu.memory_space<hbm>>
    %dma_wait3A_320 = tpu.memref_squeeze %dma_wait3A_319 : memref<1x640xf32, #tpu.memory_space<hbm>> -> memref<640xf32, #tpu.memory_space<hbm>>
    tpu.wait_dma2 semaphore(%arg20 : memref<!tpu.dma_semaphore, #tpu.memory_space<semaphore_mem>>) src(%arg15 : memref<640xf32, #tpu.memory_space<vmem>>) dst(%dma_wait3A_320 : memref<640xf32, #tpu.memory_space<hbm>>)
    return
  }
}

module attributes {stable_mosaic.version = 14 : i64} {
  func.func @_tc_pre_body(%arg0: memref<10000x128xf32, #tpu.memory_space<vmem>>, %arg1: memref<80x128xf32, #tpu.memory_space<vmem>>, %arg2: memref<8x10xf32, #tpu.memory_space<vmem>>, %arg3: memref<8x10xf32, #tpu.memory_space<vmem>>, %arg4: memref<2x320000xi32, #tpu.memory_space<vmem>>, %arg5: memref<80x10000xf32, #tpu.memory_space<vmem>>, %arg6: memref<8x10000xf32, #tpu.memory_space<vmem>>, %arg7: memref<8x10000xf32, #tpu.memory_space<vmem>>, %arg8: memref<8x16xf32, #tpu.memory_space<vmem>>, %arg9: memref<320000xi32, #tpu.memory_space<vmem>>) attributes {dimension_semantics = [], scalar_prefetch = 0 : i64, scratch_operands = 0 : i64, tpu.core_type = #tpu.core_type<tc>} {
    %get3A = arith.constant 0 : index
    %get3A_0 = arith.constant 0 : index
    %get3A_1 = vector.load %arg4[%get3A, %get3A_0] : memref<2x320000xi32, #tpu.memory_space<vmem>>, vector<2x320000xi32>
    %slice3A = vector.extract_strided_slice %get3A_1 {offsets = [1, 0], sizes = [1, 320000], strides = [1, 1]} : vector<2x320000xi32> to vector<1x320000xi32>
    %squeeze3A = vector.shape_cast %slice3A : vector<1x320000xi32> to vector<320000xi32>
    %shift_left3A = arith.constant 16 : i32
    %shift_left3A_2 = vector.broadcast %shift_left3A : i32 to vector<320000xi32>
    %shift_left3A_3 = arith.shli %squeeze3A, %shift_left3A_2 : vector<320000xi32>
    %slice3A_4 = vector.extract_strided_slice %get3A_1 {offsets = [0, 0], sizes = [1, 320000], strides = [1, 1]} : vector<2x320000xi32> to vector<1x320000xi32>
    %squeeze3A_5 = vector.shape_cast %slice3A_4 : vector<1x320000xi32> to vector<320000xi32>
    %or3A = arith.ori %shift_left3A_3, %squeeze3A_5 : vector<320000xi32>
    %swap3A = arith.constant 0 : index
    %swap3A_6 = vector.load %arg9[%swap3A] : memref<320000xi32, #tpu.memory_space<vmem>>, vector<320000xi32>
    tpu.vector_store %arg9[%swap3A], %or3A {strides = array<i32>} : memref<320000xi32, #tpu.memory_space<vmem>>, vector<320000xi32>,
    %get3A_7 = arith.constant 0 : index
    %get3A_8 = arith.constant 0 : index
    %get3A_9 = vector.load %arg1[%get3A_7, %get3A_8] : memref<80x128xf32, #tpu.memory_space<vmem>>, vector<80x128xf32>
    %get3A_10 = arith.constant 0 : index
    %get3A_11 = arith.constant 0 : index
    %get3A_12 = vector.load %arg0[%get3A_10, %get3A_11] : memref<10000x128xf32, #tpu.memory_space<vmem>>, vector<10000x128xf32>
    %dot_general3A = arith.constant dense<0.000000e+00> : vector<80x10000xf32>
    %dot_general3A_13 = tpu.matmul %get3A_9, %get3A_12, %dot_general3A {dimension_numbers = #tpu.dot_dimension_numbers<[1], [1], [0], [0], [0, 0, 1, 0], [], []>, transpose_lhs_hint = false} : vector<80x128xf32>, vector<10000x128xf32>, vector<80x10000xf32> -> vector<80x10000xf32>
    %swap3A_14 = arith.constant 0 : index
    %swap3A_15 = arith.constant 0 : index
    %swap3A_16 = vector.load %arg5[%swap3A_14, %swap3A_15] : memref<80x10000xf32, #tpu.memory_space<vmem>>, vector<80x10000xf32>
    tpu.vector_store %arg5[%swap3A_14, %swap3A_15], %dot_general3A_13 {strides = array<i32>} : memref<80x10000xf32, #tpu.memory_space<vmem>>, vector<80x10000xf32>,
    %iota3A = tpu.iota {dimensions = array<i32: 0>} : vector<8x80xi32>
    %iota3A_17 = tpu.iota {dimensions = array<i32: 1>} : vector<8x80xi32>
    %jit3A = arith.constant 10 : i32
    %div3A = vector.broadcast %jit3A : i32 to vector<8x80xi32>
    %div3A_18 = arith.divsi %iota3A_17, %div3A : vector<8x80xi32>
    %sign3A = arith.constant 0 : i32
    %sign3A_19 = vector.broadcast %sign3A : i32 to vector<8x80xi32>
    %sign3A_20 = arith.cmpi sgt, %iota3A_17, %sign3A_19 : vector<8x80xi32>
    %sign3A_21 = arith.extui %sign3A_20 : vector<8x80xi1> to vector<8x80xi32>
    %sign3A_22 = arith.constant 0 : i32
    %sign3A_23 = vector.broadcast %sign3A_22 : i32 to vector<8x80xi32>
    %sign3A_24 = arith.cmpi slt, %iota3A_17, %sign3A_23 : vector<8x80xi32>
    %sign3A_25 = arith.extui %sign3A_24 : vector<8x80xi1> to vector<8x80xi32>
    %sign3A_26 = arith.subi %sign3A_21, %sign3A_25 : vector<8x80xi32>
    %sign3A_27 = arith.constant 0 : i32
    %sign3A_28 = arith.cmpi sgt, %jit3A, %sign3A_27 : i32
    %sign3A_29 = arith.extui %sign3A_28 : i1 to i32
    %sign3A_30 = arith.constant 0 : i32
    %sign3A_31 = arith.cmpi slt, %jit3A, %sign3A_30 : i32
    %sign3A_32 = arith.extui %sign3A_31 : i1 to i32
    %sign3A_33 = arith.subi %sign3A_29, %sign3A_32 : i32
    %ne3A = vector.broadcast %sign3A_33 : i32 to vector<8x80xi32>
    %ne3A_34 = arith.cmpi ne, %sign3A_26, %ne3A : vector<8x80xi32>
    %rem3A = vector.broadcast %jit3A : i32 to vector<8x80xi32>
    %rem3A_35 = arith.remsi %iota3A_17, %rem3A : vector<8x80xi32>
    %ne3A_36 = arith.constant 0 : i32
    %ne3A_37 = vector.broadcast %ne3A_36 : i32 to vector<8x80xi32>
    %ne3A_38 = arith.cmpi ne, %rem3A_35, %ne3A_37 : vector<8x80xi32>
    %and3A = arith.andi %ne3A_34, %ne3A_38 : vector<8x80xi1>
    %sub3A = arith.constant 1 : i32
    %sub3A_39 = vector.broadcast %sub3A : i32 to vector<8x80xi32>
    %sub3A_40 = arith.subi %div3A_18, %sub3A_39 : vector<8x80xi32>
    %select_n3A = arith.select %and3A, %sub3A_40, %div3A_18 : vector<8x80xi1>, vector<8x80xi32>
    %eq3A = arith.cmpi eq, %select_n3A, %iota3A : vector<8x80xi32>
    %convert_element_type3A = arith.extui %eq3A : vector<8x80xi1> to vector<8x80xi32>
    %convert_element_type3A_41 = arith.sitofp %convert_element_type3A : vector<8x80xi32> to vector<8x80xf32>
    %get3A_42 = arith.constant 0 : index
    %get3A_43 = arith.constant 0 : index
    %get3A_44 = vector.load %arg2[%get3A_42, %get3A_43] : memref<8x10xf32, #tpu.memory_space<vmem>>, vector<8x10xf32>
    %tile3A = tpu.concatenate %get3A_44, %get3A_44, %get3A_44, %get3A_44, %get3A_44, %get3A_44, %get3A_44, %get3A_44 in 1 : vector<8x10xf32>, vector<8x10xf32>, vector<8x10xf32>, vector<8x10xf32>, vector<8x10xf32>, vector<8x10xf32>, vector<8x10xf32>, vector<8x10xf32> -> vector<8x80xf32>
    %mul3A = arith.mulf %tile3A, %convert_element_type3A_41 : vector<8x80xf32>
    %get3A_45 = arith.constant 0 : index
    %get3A_46 = arith.constant 0 : index
    %get3A_47 = vector.load %arg3[%get3A_45, %get3A_46] : memref<8x10xf32, #tpu.memory_space<vmem>>, vector<8x10xf32>
    %tile3A_48 = tpu.concatenate %get3A_47, %get3A_47, %get3A_47, %get3A_47, %get3A_47, %get3A_47, %get3A_47, %get3A_47 in 1 : vector<8x10xf32>, vector<8x10xf32>, vector<8x10xf32>, vector<8x10xf32>, vector<8x10xf32>, vector<8x10xf32>, vector<8x10xf32>, vector<8x10xf32> -> vector<8x80xf32>
    %mul3A_49 = arith.mulf %tile3A_48, %convert_element_type3A_41 : vector<8x80xf32>
    %dot_general3A_50 = arith.constant dense<0.000000e+00> : vector<8x10000xf32>
    %dot_general3A_51 = tpu.matmul %mul3A, %dot_general3A_13, %dot_general3A_50 {dimension_numbers = #tpu.dot_dimension_numbers<[1], [0], [0], [1], [0, 0, 1, 1], [], []>, transpose_lhs_hint = false} : vector<8x80xf32>, vector<80x10000xf32>, vector<8x10000xf32> -> vector<8x10000xf32>
    %dot_general3A_52 = arith.constant dense<0.000000e+00> : vector<8x10000xf32>
    %dot_general3A_53 = tpu.matmul %mul3A_49, %dot_general3A_13, %dot_general3A_52 {dimension_numbers = #tpu.dot_dimension_numbers<[1], [0], [0], [1], [0, 0, 1, 1], [], []>, transpose_lhs_hint = false} : vector<8x80xf32>, vector<80x10000xf32>, vector<8x10000xf32> -> vector<8x10000xf32>
    %swap3A_54 = arith.constant 0 : index
    %swap3A_55 = arith.constant 0 : index
    %swap3A_56 = vector.load %arg6[%swap3A_54, %swap3A_55] : memref<8x10000xf32, #tpu.memory_space<vmem>>, vector<8x10000xf32>
    tpu.vector_store %arg6[%swap3A_54, %swap3A_55], %dot_general3A_51 {strides = array<i32>} : memref<8x10000xf32, #tpu.memory_space<vmem>>, vector<8x10000xf32>,
    %swap3A_57 = arith.constant 0 : index
    %swap3A_58 = arith.constant 0 : index
    %swap3A_59 = vector.load %arg7[%swap3A_57, %swap3A_58] : memref<8x10000xf32, #tpu.memory_space<vmem>>, vector<8x10000xf32>
    tpu.vector_store %arg7[%swap3A_57, %swap3A_58], %dot_general3A_53 {strides = array<i32>} : memref<8x10000xf32, #tpu.memory_space<vmem>>, vector<8x10000xf32>,
    %reduce_max3A = arith.constant dense<0xFF800000> : vector<8xf32>
    %reduce_max3A_60 = vector.multi_reduction <maximumf>, %dot_general3A_51, %reduce_max3A [1] : vector<8x10000xf32> to vector<8xf32>
    %broadcast_in_dim3A = vector.shape_cast %reduce_max3A_60 : vector<8xf32> to vector<8x1xf32>
    %reduce_max3A_61 = arith.constant dense<0xFF800000> : vector<8xf32>
    %reduce_max3A_62 = vector.multi_reduction <maximumf>, %dot_general3A_53, %reduce_max3A_61 [1] : vector<8x10000xf32> to vector<8xf32>
    %broadcast_in_dim3A_63 = vector.shape_cast %reduce_max3A_62 : vector<8xf32> to vector<8x1xf32>
    %add3A = arith.addf %broadcast_in_dim3A, %broadcast_in_dim3A_63 : vector<8x1xf32>
    %mul3A_64 = arith.constant 2.000000e-01 : f32
    %mul3A_65 = vector.broadcast %mul3A_64 : f32 to vector<8x1xf32>
    %mul3A_66 = arith.mulf %mul3A_65, %add3A : vector<8x1xf32>
    %max3A = arith.maximumf %add3A, %mul3A_66 : vector<8x1xf32>
    %broadcast_in_dim3A_67 = vector.shape_cast %max3A : vector<8x1xf32> to vector<8x1xf32>
    %broadcast_in_dim3A_68 = vector.broadcast %broadcast_in_dim3A_67 : vector<8x1xf32> to vector<8x16xf32>
    %swap3A_69 = arith.constant 0 : index
    %swap3A_70 = arith.constant 0 : index
    %swap3A_71 = vector.load %arg8[%swap3A_69, %swap3A_70] : memref<8x16xf32, #tpu.memory_space<vmem>>, vector<8x16xf32>
    tpu.vector_store %arg8[%swap3A_69, %swap3A_70], %broadcast_in_dim3A_68 {strides = array<i32>} : memref<8x16xf32, #tpu.memory_space<vmem>>, vector<8x16xf32>,
    return
  }
}

module attributes {stable_mosaic.version = 14 : i64} {
  func.func @_tc_post_body(%arg0: memref<8x10240xf32, #tpu.memory_space<vmem>>, %arg1: memref<80x10000xf32, #tpu.memory_space<vmem>>, %arg2: memref<10x80xf32, #tpu.memory_space<vmem>>, %arg3: memref<10xf32, #tpu.memory_space<vmem>>, %arg4: memref<10x10xf32, #tpu.memory_space<vmem>>, %arg5: memref<10xf32, #tpu.memory_space<vmem>>, %arg6: memref<10x10000xf32, #tpu.memory_space<vmem>>, %arg7: memref<10000xf32, #tpu.memory_space<vmem>>, %arg8: memref<10000xi32, #tpu.memory_space<vmem>>, %arg9: memref<10000xf32, #tpu.memory_space<vmem>>) attributes {dimension_semantics = [], scalar_prefetch = 0 : i64, scratch_operands = 0 : i64, tpu.core_type = #tpu.core_type<tc>} {
    %get3A = arith.constant 0 : index
    %get3A_0 = arith.constant 0 : index
    %get3A_1 = vector.load %arg0[%get3A, %get3A_0] : memref<8x10240xf32, #tpu.memory_space<vmem>>, vector<8x10000xf32>
    %get3A_2 = arith.constant 0 : index
    %get3A_3 = arith.constant 0 : index
    %get3A_4 = vector.load %arg1[%get3A_2, %get3A_3] : memref<80x10000xf32, #tpu.memory_space<vmem>>, vector<80x10000xf32>
    %dot_general3A = arith.constant dense<0.000000e+00> : vector<8x80xf32>
    %dot_general3A_5 = tpu.matmul %get3A_1, %get3A_4, %dot_general3A {dimension_numbers = #tpu.dot_dimension_numbers<[1], [1], [0], [0], [0, 0, 1, 0], [], []>, transpose_lhs_hint = false} : vector<8x10000xf32>, vector<80x10000xf32>, vector<8x80xf32> -> vector<8x80xf32>
    %iota3A = tpu.iota {dimensions = array<i32: 0>} : vector<8x80xi32>
    %iota3A_6 = tpu.iota {dimensions = array<i32: 1>} : vector<8x80xi32>
    %jit3A = arith.constant 10 : i32
    %div3A = vector.broadcast %jit3A : i32 to vector<8x80xi32>
    %div3A_7 = arith.divsi %iota3A_6, %div3A : vector<8x80xi32>
    %sign3A = arith.constant 0 : i32
    %sign3A_8 = vector.broadcast %sign3A : i32 to vector<8x80xi32>
    %sign3A_9 = arith.cmpi sgt, %iota3A_6, %sign3A_8 : vector<8x80xi32>
    %sign3A_10 = arith.extui %sign3A_9 : vector<8x80xi1> to vector<8x80xi32>
    %sign3A_11 = arith.constant 0 : i32
    %sign3A_12 = vector.broadcast %sign3A_11 : i32 to vector<8x80xi32>
    %sign3A_13 = arith.cmpi slt, %iota3A_6, %sign3A_12 : vector<8x80xi32>
    %sign3A_14 = arith.extui %sign3A_13 : vector<8x80xi1> to vector<8x80xi32>
    %sign3A_15 = arith.subi %sign3A_10, %sign3A_14 : vector<8x80xi32>
    %sign3A_16 = arith.constant 0 : i32
    %sign3A_17 = arith.cmpi sgt, %jit3A, %sign3A_16 : i32
    %sign3A_18 = arith.extui %sign3A_17 : i1 to i32
    %sign3A_19 = arith.constant 0 : i32
    %sign3A_20 = arith.cmpi slt, %jit3A, %sign3A_19 : i32
    %sign3A_21 = arith.extui %sign3A_20 : i1 to i32
    %sign3A_22 = arith.subi %sign3A_18, %sign3A_21 : i32
    %ne3A = vector.broadcast %sign3A_22 : i32 to vector<8x80xi32>
    %ne3A_23 = arith.cmpi ne, %sign3A_15, %ne3A : vector<8x80xi32>
    %rem3A = vector.broadcast %jit3A : i32 to vector<8x80xi32>
    %rem3A_24 = arith.remsi %iota3A_6, %rem3A : vector<8x80xi32>
    %ne3A_25 = arith.constant 0 : i32
    %ne3A_26 = vector.broadcast %ne3A_25 : i32 to vector<8x80xi32>
    %ne3A_27 = arith.cmpi ne, %rem3A_24, %ne3A_26 : vector<8x80xi32>
    %and3A = arith.andi %ne3A_23, %ne3A_27 : vector<8x80xi1>
    %sub3A = arith.constant 1 : i32
    %sub3A_28 = vector.broadcast %sub3A : i32 to vector<8x80xi32>
    %sub3A_29 = arith.subi %div3A_7, %sub3A_28 : vector<8x80xi32>
    %select_n3A = arith.select %and3A, %sub3A_29, %div3A_7 : vector<8x80xi1>, vector<8x80xi32>
    %eq3A = arith.cmpi eq, %select_n3A, %iota3A : vector<8x80xi32>
    %convert_element_type3A = arith.extui %eq3A : vector<8x80xi1> to vector<8x80xi32>
    %convert_element_type3A_30 = arith.sitofp %convert_element_type3A : vector<8x80xi32> to vector<8x80xf32>
    %mul3A = arith.mulf %dot_general3A_5, %convert_element_type3A_30 : vector<8x80xf32>
    %reduce_sum3A = arith.constant dense<0.000000e+00> : vector<80xf32>
    %reduce_sum3A_31 = vector.multi_reduction <add>, %mul3A, %reduce_sum3A [0] : vector<8x80xf32> to vector<80xf32>
    %broadcast_in_dim3A = vector.shape_cast %reduce_sum3A_31 : vector<80xf32> to vector<1x80xf32>
    %mul3A_32 = arith.constant 9.99999974E-5 : f32
    %mul3A_33 = vector.broadcast %mul3A_32 : f32 to vector<1x80xf32>
    %mul3A_34 = arith.mulf %broadcast_in_dim3A, %mul3A_33 : vector<1x80xf32>
    %get3A_35 = arith.constant 0 : index
    %get3A_36 = arith.constant 0 : index
    %get3A_37 = vector.load %arg2[%get3A_35, %get3A_36] : memref<10x80xf32, #tpu.memory_space<vmem>>, vector<10x80xf32>
    %dot_general3A_38 = arith.constant dense<0.000000e+00> : vector<1x10xf32>
    %dot_general3A_39 = tpu.matmul %mul3A_34, %get3A_37, %dot_general3A_38 {dimension_numbers = #tpu.dot_dimension_numbers<[1], [1], [0], [0], [0, 0, 1, 0], [], []>, transpose_lhs_hint = false} : vector<1x80xf32>, vector<10x80xf32>, vector<1x10xf32> -> vector<1x10xf32>
    %get3A_40 = arith.constant 0 : index
    %get3A_41 = vector.load %arg3[%get3A_40] : memref<10xf32, #tpu.memory_space<vmem>>, vector<10xf32>
    %broadcast_in_dim3A_42 = vector.shape_cast %get3A_41 : vector<10xf32> to vector<1x10xf32>
    %add3A = arith.addf %dot_general3A_39, %broadcast_in_dim3A_42 : vector<1x10xf32>
    %logistic3A = arith.negf %add3A : vector<1x10xf32>
    %logistic3A_43 = math.exp %logistic3A : vector<1x10xf32>
    %logistic3A_44 = arith.constant 1.000000e+00 : f32
    %logistic3A_45 = vector.broadcast %logistic3A_44 : f32 to vector<1x10xf32>
    %logistic3A_46 = arith.addf %logistic3A_45, %logistic3A_43 : vector<1x10xf32>
    %logistic3A_47 = arith.divf %logistic3A_45, %logistic3A_46 : vector<1x10xf32>
    %get3A_48 = arith.constant 0 : index
    %get3A_49 = arith.constant 0 : index
    %get3A_50 = vector.load %arg4[%get3A_48, %get3A_49] : memref<10x10xf32, #tpu.memory_space<vmem>>, vector<10x10xf32>
    %dot_general3A_51 = arith.constant dense<0.000000e+00> : vector<1x10xf32>
    %dot_general3A_52 = tpu.matmul %logistic3A_47, %get3A_50, %dot_general3A_51 {dimension_numbers = #tpu.dot_dimension_numbers<[1], [0], [0], [1], [0, 0, 1, 1], [], []>, transpose_lhs_hint = false} : vector<1x10xf32>, vector<10x10xf32>, vector<1x10xf32> -> vector<1x10xf32>
    %get3A_53 = arith.constant 0 : index
    %get3A_54 = vector.load %arg5[%get3A_53] : memref<10xf32, #tpu.memory_space<vmem>>, vector<10xf32>
    %broadcast_in_dim3A_55 = vector.shape_cast %get3A_54 : vector<10xf32> to vector<1x10xf32>
    %add3A_56 = arith.addf %dot_general3A_52, %broadcast_in_dim3A_55 : vector<1x10xf32>
    %logistic3A_57 = arith.negf %add3A_56 : vector<1x10xf32>
    %logistic3A_58 = math.exp %logistic3A_57 : vector<1x10xf32>
    %logistic3A_59 = arith.constant 1.000000e+00 : f32
    %logistic3A_60 = vector.broadcast %logistic3A_59 : f32 to vector<1x10xf32>
    %logistic3A_61 = arith.addf %logistic3A_60, %logistic3A_58 : vector<1x10xf32>
    %logistic3A_62 = arith.divf %logistic3A_60, %logistic3A_61 : vector<1x10xf32>
    %get3A_63 = arith.constant 0 : index
    %get3A_64 = arith.constant 0 : index
    %get3A_65 = vector.load %arg6[%get3A_63, %get3A_64] : memref<10x10000xf32, #tpu.memory_space<vmem>>, vector<10x10000xf32>
    %dot_general3A_66 = arith.constant dense<0.000000e+00> : vector<1x10000xf32>
    %dot_general3A_67 = tpu.matmul %logistic3A_62, %get3A_65, %dot_general3A_66 {dimension_numbers = #tpu.dot_dimension_numbers<[1], [0], [0], [1], [0, 0, 1, 1], [], []>, transpose_lhs_hint = false} : vector<1x10xf32>, vector<10x10000xf32>, vector<1x10000xf32> -> vector<1x10000xf32>
    %get3A_68 = arith.constant 0 : index
    %get3A_69 = vector.load %arg7[%get3A_68] : memref<10000xf32, #tpu.memory_space<vmem>>, vector<10000xf32>
    %broadcast_in_dim3A_70 = vector.shape_cast %get3A_69 : vector<10000xf32> to vector<1x10000xf32>
    %add3A_71 = arith.addf %dot_general3A_67, %broadcast_in_dim3A_70 : vector<1x10000xf32>
    %get3A_72 = arith.constant 0 : index
    %get3A_73 = vector.load %arg8[%get3A_72] : memref<10000xi32, #tpu.memory_space<vmem>>, vector<10000xi32>
    %eq3A_74 = arith.constant 0 : i32
    %eq3A_75 = vector.broadcast %eq3A_74 : i32 to vector<10000xi32>
    %eq3A_76 = arith.cmpi eq, %get3A_73, %eq3A_75 : vector<10000xi32>
    %reshape3A = vector.shape_cast %add3A_71 : vector<1x10000xf32> to vector<10000xf32>
    %jit3A_77 = arith.constant -1.000000e+00 : f32
    %broadcast_in_dim3A_78 = vector.broadcast %jit3A_77 : f32 to vector<10000xf32>
    %select_n3A_79 = arith.select %eq3A_76, %broadcast_in_dim3A_78, %reshape3A : vector<10000xi1>, vector<10000xf32>
    %swap3A = arith.constant 0 : index
    %swap3A_80 = vector.load %arg9[%swap3A] : memref<10000xf32, #tpu.memory_space<vmem>>, vector<10000xf32>
    tpu.vector_store %arg9[%swap3A], %select_n3A_79 {strides = array<i32>} : memref<10000xf32, #tpu.memory_space<vmem>>, vector<10000xf32>,
    return
  }
}

</mosaic_0001>

<sc_bundles>
// kernel: kernel.5.cloned.1.call-start
scs
__scs_entry_jumppad:
0x0: {  	(pc) =	sbr.rel $0x88, $3  }
0x1: {  	(tag) =	ssettag $0x0;
	lr =	simm.s32 $0x1  }
0x2: {  	[smem:$0x3F95] =	sst lr;
	_ =	strace $0xD0000000  }
0x3: {  	_ = 	snop  }
0x4: {  	_ = 	snop  }
0x5: {  	_ = 	snop  }
0x6: {  	_ = 	snop  }
0x7: {  	_ = 	snop  }
__scs_overlays_trampoline_lowered:
0x8: {  	[smem:$0x3FA4] =	sst s0  }
0x9: {  	[smem:$0x3FA5] =	sst s1  }
0xa: {  	[smem:$0x3FA6] =	sst s2  }
0xb: {  	[smem:$0x3FA7] =	sst s3  }
0xc: {  	[smem:$0x3FA8] =	sst s4  }
0xd: {  	[smem:$0x3FA9] =	sst s5  }
0xe: {  	[smem:$0x3FAA] =	sst s6  }
0xf: {  	[smem:$0x3FAB] =	sst s7  }
0x10: {  	[smem:$0x3FAC] =	sst s8  }
0x11: {  	[smem:$0x3FAD] =	sst s9;
	s0 =	simm.s32 @!p0 $0x0  }
0x12: {  	s1 =	sld [smem:$0x3F93];
	s0 =	simm.s32 @p0 $0x1  }
0x13: {  	[smem:$0x3FAE] =	sst s0;
	s0 =	simm.s32 @!p1 $0x0  }
0x14: {  	s2 =	sld [smem:$0x3F92];
	s0 =	simm.s32 @p1 $0x1  }
0x15: {  	[smem:$0x3FAF] =	sst s0;
	s0 =	simm.s32 @!p2 $0x0  }
0x16: {  	s3 =	sld [smem:$0x3FDB];
	s0 =	simm.s32 @p2 $0x1  }
0x17: {  	s4 =	simm.s32 $0x1BF5;
	[smem:$0x3FB1] =	sst s0  }
0x18: {  	s0 =	sld [smem:$0x3F94];
	_ =	swait.ge [sflag:s4], $0x0  }
0x19: {  	s7 =	sld [smem:$0x3F95]  }
0x1a: {  	s8 =	sadd.s32 $0xFFFFE003, lr  }
0x1b: {  	s9 =	sadd.s32 $0xFFFFFEF7, lr;
	s5 =	simm.s32 $0xFFFFFFFF;
	p2 =	slt.u32 s8, $0xFFFFF086  }
0x1c: {  	p1 =	slt.u32 s9, $0xF7A;
	s5 =	simm.s32 @!p2 $0x0  }
0x1d: {  	s5 =	simm.s32 @p1 $0x1;
	p0 =	seq.s32 s7, s2  }
0x1e: {  	s7 =	smul.u32 @!p0 $0xF7A, s2;
	p2 =	seq.s32 @!p0 s5, $0x0  }
0x1f: {  	s9 =	smul.u32 $0xF7A, s1;
	s8 =	simm.s32 @!p0 $0x1BF5;
	p2 =	por !p2, p0  }
0x20: {  	[sflag:s8] =	ssyncset.s32 @!p0 $0xFFFFF086;
	s6 =	sadd.s32 @!p0 s3, s7;
	s7 =	simm.s32 @!p0 $0x108  }
0x21: {  	s3 =	sadd.s32 s3, s9;
	s6 =	sadd.s32 @!p0 $0x88, s6;
	s7 =	simm.s32 @p2 $0x1082  }
0x22: {  	[simem:s7], [sflag:s8] =	dma.local @!p0 [hbm:s6], $0xF7A  }
0x23: {  	s9 =	sor.u32 $0xD0000000, s2;
	s6 =	simm.s32 $0x108;
	_ =	swait.ge @!p0 [sflag:s8], $0x0  }
0x24: {  	s3 =	sadd.s32 $0x88, s3;
	s6 =	simm.s32 @!p1 $0x1082;
	[sflag:s4] =	ssyncset.s32 $0xFFFFF086  }
0x25: {  	[simem:s6], [sflag:s4] =	dma.local [hbm:s3], $0xF7A  }
0x26: {  	[smem:$0x3F95] =	sst s1;
	(tag) =	ssettag s2;
	_ =	strace s9  }
0x27: {  	s1 =	sld [smem:$0x3FA5]  }
0x28: {  	s2 =	sld [smem:$0x3FA6]  }
0x29: {  	s4 =	sld [smem:$0x3FA8]  }
0x2a: {  	p0 =	seq.s32 s5, $0x0;
	s5 =	sld [smem:$0x3FA9]  }
0x2b: {  	s6 =	sld [smem:$0x3FAA]  }
0x2c: {  	s7 =	sld [smem:$0x3FAB]  }
0x2d: {  	s3 =	simm.s32 $0x108;
	s8 =	sld [smem:$0x3FAC]  }
0x2e: {  	s3 =	simm.s32 @!p0 $0x1082;
	s9 =	sld [smem:$0x3FAD]  }
0x2f: {  	lr =	sadd.s32 s0, s3;
	s0 =	sld [smem:$0x3FA4]  }
0x30: {  	s3 =	sld [smem:$0x3FA7]  }
0x31: {  	[smem:$0x3FB0] =	sst s10  }
0x32: {  	s10 =	sld [smem:$0x3FAE];
	_ =	sdelay $0x3  }
0x33: {  	p0 =	seq.s32 s10, $0x1;
	s10 =	sld [smem:$0x3FB0];
	_ =	sdelay $0x3  }
0x34: {  	[smem:$0x3FB0] =	sst s10  }
0x35: {  	s10 =	sld [smem:$0x3FAF];
	_ =	sdelay $0x3  }
0x36: {  	p1 =	seq.s32 s10, $0x1;
	s10 =	sld [smem:$0x3FB0];
	_ =	sdelay $0x3  }
0x37: {  	[smem:$0x3FB0] =	sst s10  }
0x38: {  	s10 =	sld [smem:$0x3FB1]  }
0x39: {  	_ = 	snop;
	(pc) =	sbr.ind lr, $3  }
0x3a: {  	_ = 	snop  }
0x3b: {  	_ = 	snop  }
0x3c: {  	p2 =	seq.s32 s10, $0x1;
	s10 =	sld [smem:$0x3FB0]  }
0x3d: {  	_ =	shalt  }
0x3e: {  	_ =	shalt  }
0x3f: {  	_ =	shalt  }
0x40: {  	_ =	shalt  }
0x41: {  	_ =	shalt  }
0x42: {  	_ =	shalt  }
0x43: {  	_ =	shalt  }
0x44: {  	_ =	shalt  }
0x45: {  	_ =	shalt  }
0x46: {  	_ =	shalt  }
0x47: {  	_ =	shalt  }
0x48: {  	_ =	shalt  }
0x49: {  	_ =	shalt  }
0x4a: {  	_ =	shalt  }
0x4b: {  	_ =	shalt  }
0x4c: {  	_ =	shalt  }
0x4d: {  	_ =	shalt  }
0x4e: {  	_ =	shalt  }
0x4f: {  	_ =	shalt  }
0x50: {  	_ =	shalt  }
0x51: {  	_ =	shalt  }
0x52: {  	_ =	shalt  }
0x53: {  	_ =	shalt  }
0x54: {  	_ =	shalt  }
0x55: {  	_ =	shalt  }
0x56: {  	_ =	shalt  }
0x57: {  	_ =	shalt  }
0x58: {  	_ =	shalt  }
0x59: {  	_ =	shalt  }
0x5a: {  	_ =	shalt  }
0x5b: {  	_ =	shalt  }
0x5c: {  	_ =	shalt  }
0x5d: {  	_ =	shalt  }
0x5e: {  	_ =	shalt  }
0x5f: {  	_ =	shalt  }
0x60: {  	_ =	shalt  }
0x61: {  	_ =	shalt  }
0x62: {  	_ =	shalt  }
0x63: {  	_ =	shalt  }
0x64: {  	_ =	shalt  }
0x65: {  	_ =	shalt  }
0x66: {  	_ =	shalt  }
0x67: {  	_ =	shalt  }
0x68: {  	_ =	shalt  }
0x69: {  	_ =	shalt  }
0x6a: {  	_ =	shalt  }
0x6b: {  	_ =	shalt  }
0x6c: {  	_ =	shalt  }
0x6d: {  	_ =	shalt  }
0x6e: {  	_ =	shalt  }
0x6f: {  	_ =	shalt  }
0x70: {  	_ =	shalt  }
0x71: {  	_ =	shalt  }
0x72: {  	_ =	shalt  }
0x73: {  	_ =	shalt  }
0x74: {  	_ =	shalt  }
0x75: {  	_ =	shalt  }
0x76: {  	_ =	shalt  }
0x77: {  	_ =	shalt  }
0x78: {  	_ =	shalt  }
0x79: {  	_ =	shalt  }
0x7a: {  	_ =	shalt  }
0x7b: {  	_ =	shalt  }
0x7c: {  	_ =	shalt  }
0x7d: {  	_ =	shalt  }
0x7e: {  	_ =	shalt  }
0x7f: {  	_ =	shalt  }
0x80: {  	_ =	shalt  }
0x81: {  	_ =	shalt  }
0x82: {  	_ =	shalt  }
0x83: {  	_ =	shalt  }
0x84: {  	_ =	shalt  }
0x85: {  	_ =	shalt  }
0x86: {  	_ =	shalt  }
0x87: {  	_ =	shalt  }
.Lfunc_end0:
.L_simem_size_0:
called_computation_lowered:
.L_overlay_start_0:
0x88: {  	s2 =	sld [smem:$0x3FD9]  }
0x89: {  	s3 =	sld [smem:$0x3FFE];
	_ =	sdelay $0x1  }
0x8a: {  	s1 =	srdreg.scid  }
0x8b: {  	s0 =	sand.u32 $0x1, s1  }
0x8c: {  	s17 =	sshll.u32 s0, $0xA;
	s2 =	sadd.s32 s3, s2  }
0x8d: {  	s2 =	sadd.s32 s2, s17  }
0x8e: {  	[smem:$0x3FBC] =	sst s2  }
0x8f: {  	_ = 	snop  }
0x90: {  	s2 =	sld [smem:$0x3FD0];
	(tm) =	ssettm $0x1  }
0x91: {  	s18 =	sld [smem:$0x3FFB];
	_ =	sdelay $0x3  }
0x92: {  	_ =	strace s18  }
0x93: {  	s3 =	sld [smem:$0x3FFC];
	_ =	sdelay $0x3  }
0x94: {  	_ =	strace s3  }
0x95: {  	s3 =	sld [smem:$0x3FFD];
	_ =	sdelay $0x3  }
0x96: {  	_ =	strace s3  }
0x97: {  	_ =	strace $0x8FFFFFFF  }
0x98: {  	s19 =	sld [smem:$0x3FDB];
	_ =	sdelay $0x1  }
0x99: {  	s4 =	simm.s32 $_scs_section_size  }
0x9a: {  	s5 =	simm.s32 $_size__tile_overlayer_lowered;
	s6 =	simm.s32 $_tile_overlayer_lowered  }
0x9b: {  	s22 =	simm.s32 $0x1BFF;
	s21 =	sshll.u32 s6, $0x1;
	s3 =	sadd.s32 s4, s19  }
0x9c: {  	s7 =	simm.s32 $0x0;
	s20 =	sshll.u32 s5, $0x1;
	s5 =	sadd.s32 s21, s3  }
0x9d: {  	[timem:s7], [sflag:s22] =	dma.local [hbm:s5], s20  }
0x9e: {  	_ =	swait.ge [sflag:s22], s20  }
0x9f: {  	s4 =	ssub.s32 $0x0, s20;
	[sflag:s22] =	ssyncset.done $0x0  }
0xa0: {  	[sflag:s22] =	ssyncadd.s32 s4;
	_ =	sdelay $0x1  }
0xa1: {  	s23 =	simm.s32 $0x1B8B  }
0xa2: {  	_ =	swait.ge [sflag:s23], $0x1  }
0xa3: {  	[sflag:s23] =	ssyncset.done $0x0  }
0xa4: {  	s25 =	simm.s32 $0x1B8E;
	s24 =	sld [smem:$0x3FFE];
	[sflag:s23] =	ssyncadd.s32 $0xFFFFFFFF  }
0xa5: {  	s26 =	simm.s32 $execute0_lowered;
	[smem:$0x3FD2] =	sst s25  }
0xa6: {  	s5 =	sshll.u32 s26, $0x1;
	_ =	strace $0x80000046;
	[dreg:$0x1] =	wrdreg $0xFFFFFFFF  }
0xa7: {  	s28 =	simm.s32 $_size_execute0_lowered;
	s3 =	sadd.s32 s3, s5;
	[dreg:$0x0] =	wrdreg $0x0  }
0xa8: {  	s5 =	sshll.u32 s28, $0x1;
	[dreg:$0x2] =	wrdreg s3  }
0xa9: {  	[dreg:$0x3] =	wrdreg s5  }
0xaa: {  	[dreg:$0x4] =	wrdreg $0xC0  }
0xab: {  	_ =	task [dreg:s7], $0x5FFFF  }
0xac: {  	[dreg:$0x1] =	wrdreg $0xFFFFFFFF  }
0xad: {  	[dreg:$0x0] =	wrdreg $0x60  }
0xae: {  	[dreg:$0x2] =	wrdreg s24  }
0xaf: {  	[dreg:$0x3] =	wrdreg s2  }
0xb0: {  	[dreg:$0x4] =	wrdreg $0x16B000  }
0xb1: {  	[dreg:$0x5] =	wrdreg $0x193000  }
0xb2: {  	[dreg:$0x6] =	wrdreg $0x9  }
0xb3: {  	_ =	task.clear_ibuf [dreg:s7], $0x7FFFF;
	_ =	strace $0x90000046  }
0xb4: {  	s29 =	simm.s32 $0x9;
	_ =	strace $0x8000005C  }
0xb5: {  	_ =	swait.ge [sflag:s29], $0x1  }
0xb6: {  	[sflag:s29] =	ssyncadd.s32 $0xFFFFFFFF  }
0xb7: {  	_ =	strace $0x9000005C  }
0xb8: {  	_ =	sfence  }
0xb9: {  	s30 =	sld [smem:$0x0];
	_ =	sdelay $0x2  }
0xba: {  	s31 =	sshll.u32 s1, $0xD;
	s1 =	sshrl.u32 s1, $0x2  }
0xbb: {  	s3 =	sand.u32 $0x4000, s31;
	s1 =	sadd.s32 s1, s30  }
0xbc: {  	s0 =	sor.u32 s3, s0;
	s1 =	sshll.u32 s1, $0x11  }
0xbd: {  	s0 =	sor.u32 s1, s0  }
0xbe: {  	s0 =	sadd.s32 $0x8F2B, s0  }
0xbf: {  	[sflag:s0] =	ssyncadd.remote.s32 $0x1  }
0xc0: {  	_ =	sfence.sel $0xFFFF  }
0xc1: {  	[dreg:$0x0] =	wrdreg $0xFFFFFFFF;
	(pc) =	sbr.abs _section_cstart, $3  }
0xc2: {  	[dreg:$0x1] =	wrdreg $0xFFFFFFFF  }
0xc3: {  	_ =	task.clear_ibuf [dreg:s7], $0x2FFFF;
	_ =	strace $0x9FFFFFFF  }
0xc4: {  	(tm) =	ssettm $0x7FFFFFFF  }
0xc5: {  	_ =	shalt  }
tec
execute0_lowered:
.L_overlay_start_1:
0x0: {  	(tag) =	ssettag $0x1  }
0x1: {  	s0 =	rddreg [dreg:$0x0]  }
0x2: {  	s2 =	rddreg [dreg:$0x1]  }
0x3: {  	s3 =	rddreg [dreg:$0x2]  }
0x4: {  	s1 =	rddreg [dreg:$0x3]  }
0x5: {  	s5 =	simm.s32 $0x0;
	s4 =	srdreg.scid;
	s12 =	stileid.u32  }
0x6: {  	s28 =	simm.s32 $0xC480;
	s29 =	simm.s32 $0x1;
	s30 =	simm.s32 $0xEC00  }
0x7: {  	s31 =	simm.s32 $0x3;
	[smem:$0x7FF] =	sst s5;
	s4 =	sand.u32 $0x1, s4  }
0x8: {  	s20 =	smul.u32 $0x9C4, s12;
	s7 =	sadd.s32 $0xC600, s0;
	s8 =	sadd.s32 $0xEE00, s0  }
0x9: {  	s23 =	sshrl.u32 s12, $0x3;
	s26 =	smul.u32 $0x1400, s12;
	s11 =	sshll.u32 s12, $0x7  }
0xa: {  	s12 =	smul.u32 $0xA00, s12;
	_ =	strace $0x80000047;
	s6 =	ssub.s32 $0x2, s4  }
0xb: {  	s21 =	sshll.u32 s4, $0x9;
	s4 =	sshll.u32 s4, $0x6;
	s11 =	sand.u32 $0x380, s11  }
0xc: {  	s9 =	sshrl.u32 s6, $0x1;
	s5 =	sadd.s32 s20, s0;
	s0 =	sadd.s32 $0x11600, s0  }
0xd: {  	s2 =	sadd.s32 s2, s4;
	s22 =	sor.u32 $0x80, s21;
	s10 =	sadd.s32 s7, s4  }
0xe: {  	s4 =	sadd.s32 s8, s4;
	s12 =	sshrl.u32 s12, $0x2;
	s13 =	sor.u32 s21, s26  }
0xf: {  	s14 =	sor.u32 $0x100, s21;
	s19 =	sor.u32 $0x180, s21;
	[dreg:$0x6] =	wrdreg s2  }
0x10: {  	s6 =	ssub.s32 s6, s9;
	s5 =	sadd.s32 $0x2800, s5;
	[dreg:$0x7] =	wrdreg s10  }
0x11: {  	s24 =	sshrl.u32 s22, $0x3;
	s9 =	smul.u32 $0x50000, s23;
	[dreg:$0x8] =	wrdreg s4  }
0x12: {  	s12 =	sadd.s32 s12, s1;
	s2 =	sor.u32 s26, s22;
	s20 =	sshrl.u32 s19, $0x3  }
0x13: {  	s21 =	sor.u32 s26, s14;
	s4 =	simm.s32 $0x11400;
	[dreg:$0x5] =	wrdreg s5  }
0x14: {  	s25 =	sadd.s32 s7, s24;
	s10 =	sadd.s32 s8, s24;
	s2 =	sshrl.u32 s2, $0x3  }
0x15: {  	s22 =	sadd.s32 s7, s20;
	s23 =	sshrl.u32 s21, $0x3;
	[dreg:$0x9] =	wrdreg s25  }
0x16: {  	s24 =	sadd.s32 s8, s20;
	s5 =	simm.s32 $0x16680;
	[dreg:$0xa] =	wrdreg s10  }
0x17: {  	s9 =	sshrl.u32 s9, $0x2;
	s18 =	sadd.s32 s0, s2;
	[dreg:$0xf] =	wrdreg s22  }
0x18: {  	s2 =	sor.u32 s26, s19;
	[dreg:$0x10] =	wrdreg s24;
	s25 =	sadd.s32 s0, s23  }
0x19: {  	s23 =	simm.s32 $0x4;
	s24 =	simm.s32 $0x80;
	s22 =	simm.s32 $0x13C00  }
0x1a: {  	s9 =	sadd.s32 s9, s3;
	[dreg:$0xe] =	wrdreg s18;
	s2 =	sshrl.u32 s2, $0x3  }
0x1b: {  	[dreg:$0x11] =	wrdreg s25;
	s25 =	simm.s32 $0x400;
	s10 =	sadd.s32 s11, s9  }
0x1c: {  	s11 =	sadd.s32 s26, s3;
	s3 =	sshrl.u32 s13, $0x3;
	s26 =	smax.u32 s6, $0x1  }
0x1d: {  	s13 =	sshrl.u32 s14, $0x3;
	s15 =	sadd.s32 s0, s3;
	[dreg:$0x13] =	wrdreg s26  }
0x1e: {  	s6 =	simm.s32 $0x2;
	s16 =	sadd.s32 s7, s13;
	[dreg:$0xb] =	wrdreg s15  }
0x1f: {  	s17 =	sadd.s32 s8, s13;
	s0 =	sadd.s32 s0, s2;
	[dreg:$0xc] =	wrdreg s16  }
0x20: {  	s26 =	simm.s32 $0x9D00;
	s2 =	simm.s32 $0x14000;
	[dreg:$0xd] =	wrdreg s17  }
0x21: {  	v0 =	vimm.f32 $0.0e+00;
	s7 =	simm.s32 $0x0;
	[dreg:$0x12] =	wrdreg s0;
	s0 =	simm.s32 $0x1400  }
.LBB2_1:
0x22: {  	s1 =	simm.s32 $0x0;
	s3 =	rddreg [dreg:$0x5]  }
0x23: {  	[tilespmem:s1], [sflag:$0x1] =	stream.linear.gather [hbm4b:s3+s1], $0x4E20, $0x38;
	[tilespmem:$0x19580] =	vst v63  }
0x24: {  	s19 =	rddreg [dreg:$0x6];
	s8 =	simm.s32 $0x16900  }
0x25: {  	[tilespmem:s8], [sflag:$0x4] =	stream.linear.gather [hbm4b:s19+s1], $0x200, $0x38;
	[tilespmem:$0x19580] =	vst v63  }
0x26: {  	_ =	swait.ge [sflag:s23], $0x200  }
0x27: {  	[sflag:s23] =	ssyncset.done $0x0  }
0x28: {  	s20 =	rddreg [dreg:$0x7];
	[sflag:s23] =	ssyncadd.s32 $0xFFFFFE00  }
0x29: {  	[tilespmem:s26], [sflag:$0x4] =	stream.strided.gather [hbm4b:s20+s24], $0x2780, s25, s24, $0x38;
	[tilespmem:$0x19580] =	vst v63  }
0x2a: {  	_ =	swait.ge [sflag:s23], $0x2780  }
0x2b: {  	[sflag:s23] =	ssyncset.done $0x0  }
0x2c: {  	s21 =	rddreg [dreg:$0x8];
	[sflag:s23] =	ssyncadd.s32 $0xFFFFD880  }
0x2d: {  	[tilespmem:s28], [sflag:$0x4] =	stream.strided.gather [hbm4b:s21+s24], $0x2780, s25, s24, $0x38;
	[tilespmem:$0x19580] =	vst v63  }
0x2e: {  	_ =	swait.ge [sflag:s23], $0x2780  }
0x2f: {  	[sflag:s23] =	ssyncset.done $0x0  }
0x30: {  	s8 =	simm.s32 $0xEC40;
	[sflag:s23] =	ssyncadd.s32 $0xFFFFD880  }
0x31: {  	v1 =	vld [tilespmem:$0x16900];
	_ =	strace $0x80000048;
	[tilespmem:s8+$0xFFFFFFC0] =	vst v0  }
0x32: {  	[tilespmem:s8+$0x30] =	vst v0  }
0x33: {  	[tilespmem:s8+$0x20] =	vst v0  }
0x34: {  	[tilespmem:s8+$0x10] =	vst v0  }
0x35: {  	[tilespmem:s8+$0x0] =	vst v0  }
0x36: {  	[tilespmem:s8+$0xFFFFFFF0] =	vst v0  }
0x37: {  	s9 =	simm.s32 $0x0;
	[tilespmem:s8+$0xFFFFFFE0] =	vst v0  }
.LBB2_2:
0x38: {  	s9 =	sadd.s32 $0x8, s9;
	[tilespmem:s8+$0xFFFFFFD0] =	vst v0;
	s8 =	sadd.s32 $0x80, s8  }
0x39: {  	[tilespmem:s8+$0xFFFFFFC0] =	vst v0;
	p0 =	slt.u32 s9, $0x278  }
0x3a: {  	[tilespmem:s8+$0x30] =	vst v0  }
.Ltmp0:
0x3b: {  	[tilespmem:s8+$0x20] =	vst v0;
	(pc) =	sbr.rel @p0 .LBB2_2-.Ltmp0, $4  }
0x3c: {  	[tilespmem:s8+$0x10] =	vst v0  }
0x3d: {  	[tilespmem:s8+$0x0] =	vst v0  }
0x3e: {  	[tilespmem:s8+$0xFFFFFFF0] =	vst v0  }
0x3f: {  	[tilespmem:s8+$0xFFFFFFE0] =	vst v0  }
0x40: {  	[tilespmem:s8+$0xFFFFFFD0] =	vst v0  }
0x41: {  	_ =	strace $0x90000048  }
0x42: {  	_ =	swait.ge [sflag:s29], $0x4E20  }
0x43: {  	[sflag:s29] =	ssyncset.done $0x0  }
0x44: {  	[sflag:s29] =	ssyncadd.s32 $0xFFFFB1E0  }
0x45: {  	s9 =	simm.s32 $0x50;
	_ =	strace $0x80000049  }
0x46: {  	v3 =	vld [tilespmem:s9+$0xFFFFFFF0]  }
0x47: {  	v2 =	vld [tilespmem:s9+$0xFFFFFFB0]  }
0x48: {  	v5 =	vld [tilespmem:s9+$0x20]  }
0x49: {  	s21 =	simm.s32 $0x0;
	v6 =	vld [tilespmem:s9+$0xFFFFFFE0]  }
0x4a: {  	s8 =	sand.u32 $0x7FE0, s21;
	v4 =	vld [tilespmem:s9+$0xFFFFFFC0]  }
0x4b: {  	v8 =	vld [tilespmem:s8+$0x80];
	v11 =	vshra.s32 v3, $0x10  }
0x4c: {  	v13 =	vld [tilespmem:s9+$0xFFFFFFD0];
	v14 =	vand.u32 $0xFFFF, v3  }
0x4d: {  	v12 =	vld [tilespmem:s9+$0x10];
	v7 =	vand.u32 $0xFFFF, v2  }
0x4e: {  	v15 =	vld [tilespmem:s9+$0x0];
	v9 =	vshra.s32 v2, $0x10  }
0x4f: {  	v16 =	vld [tilespmem:s9+$0x40];
	v3 =	vshra.s32 v4, $0x10  }
0x50: {  	v17 =	vand.u32 $0xFFFF, v4;
	v18 =	vld.idx.msk [tilespmem:v11+s28+$0x0], $0xffff  }
0x51: {  	v10 =	vshra.s32 v13, $0x10;
	v14 =	vld.idx.msk [tilespmem:v14+s26+$0x0], $0xffff  }
0x52: {  	v13 =	vand.u32 $0xFFFF, v13;
	v7 =	vld.idx.msk [tilespmem:v7+s26+$0x0], $0xffff  }
0x53: {  	v2 =	vshra.s32 v8, $0x10;
	v19 =	vld.idx.msk [tilespmem:v9+s28+$0x0], $0xffff  }
0x54: {  	v21 =	vand.u32 $0xFFFF, v8;
	v20 =	vld.idx.msk [tilespmem:v3+s28+$0x0], $0xffff  }
0x55: {  	v23 =	vand.u32 $0xFFFF, v6;
	v17 =	vld.idx.msk [tilespmem:v17+s26+$0x0], $0xffff  }
0x56: {  	v24 =	vand.u32 $0xFFFF, v5;
	v25 =	vld.idx.msk [tilespmem:v10+s28+$0x0], $0xffff;
	v14 =	vadd.f32 v18, v14  }
0x57: {  	v4 =	vshra.s32 v5, $0x10;
	v5 =	vshra.s32 v6, $0x10;
	v13 =	vld.idx.msk [tilespmem:v13+s26+$0x0], $0xffff  }
0x58: {  	v6 =	vshra.s32 v15, $0x10;
	v22 =	vld.idx.msk [tilespmem:v2+s28+$0x0], $0xffff;
	v18 =	vadd.f32 v19, v7;
	v7 =	vmul.f32 $2.000000030e-01, v14  }
0x59: {  	v8 =	vshra.s32 v12, $0x10;
	v26 =	vand.u32 $0xFFFF, v12;
	v15 =	vand.u32 $0xFFFF, v15;
	v21 =	vld.idx.msk [tilespmem:v21+s26+$0x0], $0xffff  }
0x5a: {  	v23 =	vld.idx.msk [tilespmem:v23+s26+$0x0], $0xffff;
	v17 =	vadd.f32 v20, v17;
	v12 =	vmul.f32 $2.000000030e-01, v18;
	v14 =	vmax.f32 v14, v7  }
0x5b: {  	v62 =	vand.u32 $0xFFFF, v16;
	v24 =	vld.idx.msk [tilespmem:v24+s26+$0x0], $0xffff;
	v14 =	vsub.f32 v14, v1  }
0x5c: {  	v19 =	vld.idx.msk [tilespmem:v4+s28+$0x0], $0xffff;
	v13 =	vadd.f32 v25, v13;
	v27 =	vmul.f32 $2.000000030e-01, v17;
	v12 =	vmax.f32 v18, v12  }
0x5d: {  	v20 =	vld.idx.msk [tilespmem:v5+s28+$0x0], $0xffff;
	v7 =	vshra.s32 v16, $0x10;
	v16 =	vsub.f32 v12, v1;
	v18 =	vmul.f32 $1.442695020e+00, v14  }
0x5e: {  	v29 =	vadd.f32 v22, v21;
	v28 =	vmul.f32 $2.000000030e-01, v13;
	v22 =	vmax.f32 v17, v27;
	v17 =	vld.idx.msk [tilespmem:v15+s26+$0x0], $0xffff  }
0x5f: {  	v12 =	vld.idx.msk [tilespmem:v6+s28+$0x0], $0xffff;
	v21 =	vmul.f32 $1.442695020e+00, v16;
	(erf) = vpow2.f32 v18  }
0x60: {  	v14 =	vld.idx.msk [tilespmem:v8+s28+$0x0], $0xffff  }
0x61: {  	v63 =	vmax.f32 v13, v28;
	v15 =	vmul.f32 $2.000000030e-01, v29;
	v16 =	vld.idx.msk [tilespmem:v26+s26+$0x0], $0xffff;
	(erf) = vpow2.f32 v21  }
0x62: {  	s13 =	simm.s32 $0x0;
	s14 =	simm.s32 $0xF0;
	v13 =	vld.idx.msk [tilespmem:v7+s28+$0x0], $0xffff;
	v21 =	vsub.f32 v22, v1;
	v22 =	vsub.f32 v63, v1  }
0x63: {  	s15 =	simm.s32 $0x4F70;
	s16 =	simm.s32 $0xA0;
	s9 =	simm.s32 $0x4ED0;
	v20 =	vadd.f32 v20, v23;
	v18 =	vadd.f32 v19, v24;
	v19 =	vmax.f32 v29, v15;
	v15 =	vld.idx.msk [tilespmem:v62+s26+$0x0], $0xffff  }
.LBB2_4:
0x64: {  	v23 =	vld [tilespmem:s14+$0xFFFFFFB0];
	s17 =	sand.u32 $0x7FE0, s16;
	s13 =	sadd.s32 $0xA, s13;
	v21 =	vmul.f32 $1.442695020e+00, v21;
	v22 =	vmul.f32 $1.442695020e+00, v22;
	v19 =	vsub.f32 v19, v1  }
0x65: {  	v26 =	vmul.f32 $2.000000030e-01, v18;
	v24 =	vld [tilespmem:s14+$0x20];
	p0 =	slt.u32 s13, $0x4D8;
	v25 =	vmul.f32 $2.000000030e-01, v20  }
0x66: {  	v14 =	vadd.f32 v14, v16;
	v27 =	vld [tilespmem:s14+$0xFFFFFFE0];
	v16 =	vmul.f32 $1.442695020e+00, v19;
	(erf) = vpow2.f32 v22  }
0x67: {  	v12 =	vadd.f32 v12, v17;
	v17 =	vmax.f32 v18, v26;
	v19 =	vld [tilespmem:s14+$0xFFFFFFF0];
	(erf) = vpow2.f32 v21  }
0x68: {  	v20 =	vmax.f32 v20, v25;
	v28 =	vmul.f32 $2.000000030e-01, v14;
	v17 =	vsub.f32 v17, v1;
	v18 =	vld [tilespmem:s14+$0xFFFFFFC0];
	v22 =	vpop (erf)  }
0x69: {  	v20 =	vsub.f32 v20, v1;
	v26 =	vmul.f32 $2.000000030e-01, v12;
	v13 =	vadd.f32 v13, v15;
	v25 =	vld [tilespmem:s17+$0x80];
	[tilespmem:s9+$0xFFFFFFF0] =	vst v22  }
0x6a: {  	v15 =	vand.u32 $0xFFFF, v23;
	v14 =	vmax.f32 v14, v28;
	v17 =	vmul.f32 $1.442695020e+00, v17;
	[tilespmem:v11+s30+$0x0] =	vst.idx.add.f32.msk $0xffff, v22;
	v21 =	vpop (erf)  }
0x6b: {  	v22 =	vshra.s32 v23, $0x10;
	v20 =	vmul.f32 $1.442695020e+00, v20;
	v12 =	vmax.f32 v12, v26;
	v23 =	vld [tilespmem:s14+$0x10];
	[tilespmem:s9+$0xFFFFFFB0] =	vst v21  }
0x6c: {  	v14 =	vsub.f32 v14, v1;
	v12 =	vsub.f32 v12, v1;
	v11 =	vshra.s32 v19, $0x10;
	[tilespmem:v9+s30+$0x0] =	vst.idx.add.f32.msk $0xffff, v21  }
0x6d: {  	v9 =	vmovc v22;
	v21 =	vshra.s32 v18, $0x10;
	v18 =	vand.u32 $0xFFFF, v18;
	v26 =	vld [tilespmem:s14+$0x0];
	(erf) = vpow2.f32 v17  }
0x6e: {  	v28 =	vmul.f32 $2.000000030e-01, v13;
	v22 =	vshra.s32 v27, $0x10;
	v27 =	vand.u32 $0xFFFF, v27;
	v17 =	vld [tilespmem:s14+$0xFFFFFFD0]  }
0x6f: {  	v29 =	vshra.s32 v25, $0x10;
	v25 =	vand.u32 $0xFFFF, v25;
	v15 =	vld.idx.msk [tilespmem:v15+s26+$0x0], $0xffff;
	v30 =	vpop (erf);
	(erf) = vpow2.f32 v20  }
0x70: {  	v19 =	vand.u32 $0xFFFF, v19;
	v14 =	vmul.f32 $1.442695020e+00, v14;
	v12 =	vmul.f32 $1.442695020e+00, v12;
	v20 =	vld [tilespmem:s14+$0x40];
	[tilespmem:s9+$0xFFFFFFD0] =	vst v30;
	v31 =	vpop (erf)  }
0x71: {  	v13 =	vmax.f32 v13, v28;
	v32 =	vshra.s32 v23, $0x10;
	[tilespmem:v10+s30+$0x0] =	vst.idx.add.f32.msk $0xffff, v30  }
0x72: {  	v30 =	vshra.s32 v24, $0x10;
	v24 =	vand.u32 $0xFFFF, v24;
	v28 =	vld.idx.msk [tilespmem:v9+s28+$0x0], $0xffff;
	[tilespmem:s9+$0xFFFFFFC0] =	vst v31;
	(erf) = vpow2.f32 v12  }
0x73: {  	v33 =	vshra.s32 v26, $0x10;
	v26 =	vand.u32 $0xFFFF, v26;
	v12 =	vld.idx.msk [tilespmem:v21+s28+$0x0], $0xffff;
	v10 =	vshra.s32 v17, $0x10  }
0x74: {  	v13 =	vsub.f32 v13, v1;
	v34 =	vld.idx.msk [tilespmem:v11+s28+$0x0], $0xffff;
	(erf) = vpow2.f32 v14  }
0x75: {  	v14 =	vld.idx.msk [tilespmem:v19+s26+$0x0], $0xffff;
	v19 =	vshra.s32 v20, $0x10;
	v35 =	vand.u32 $0xFFFF, v20  }
0x76: {  	v13 =	vmul.f32 $1.442695020e+00, v13;
	v20 =	vand.u32 $0xFFFF, v23;
	v23 =	vld.idx.msk [tilespmem:v29+s28+$0x0], $0xffff;
	v36 =	vpop (erf);
	(erf) = vpow2.f32 v16  }
0x77: {  	v16 =	vld.idx.msk [tilespmem:v18+s26+$0x0], $0xffff;
	[tilespmem:s9+$0x20] =	vst v36  }
0x78: {  	v15 =	vadd.f32 v28, v15;
	v18 =	vld.idx.msk [tilespmem:v10+s28+$0x0], $0xffff;
	v28 =	vpop (erf);
	(erf) = vpow2.f32 v13  }
0x79: {  	v13 =	vand.u32 $0xFFFF, v17;
	v37 =	vld.idx.msk [tilespmem:v30+s28+$0x0], $0xffff;
	[tilespmem:s9+$0xFFFFFFE0] =	vst v28  }
0x7a: {  	v17 =	vmul.f32 $2.000000030e-01, v15;
	[tilespmem:v3+s30+$0x0] =	vst.idx.add.f32.msk $0xffff, v31;
	v3 =	vmov v21  }
0x7b: {  	[tilespmem:v4+s30+$0x0] =	vst.idx.add.f32.msk $0xffff, v36;
	v21 =	vpop (erf);
	v4 =	vmov v30  }
0x7c: {  	v15 =	vmax.f32 v15, v17;
	v17 =	vld.idx.msk [tilespmem:v25+s26+$0x0], $0xffff;
	[tilespmem:s9+$0x0] =	vst v21  }
0x7d: {  	v15 =	vsub.f32 v15, v1;
	[tilespmem:v6+s30+$0x0] =	vst.idx.add.f32.msk $0xffff, v21;
	v21 =	vpop (erf);
	v6 =	vmov v33  }
0x7e: {  	v14 =	vadd.f32 v34, v14;
	v13 =	vld.idx.msk [tilespmem:v13+s26+$0x0], $0xffff;
	[tilespmem:s9+$0x10] =	vst v21  }
0x7f: {  	[tilespmem:v8+s30+$0x0] =	vst.idx.add.f32.msk $0xffff, v21;
	v21 =	vpop (erf);
	v8 =	vmov v32  }
0x80: {  	v25 =	vld.idx.msk [tilespmem:v27+s26+$0x0], $0xffff;
	v27 =	vmul.f32 $2.000000030e-01, v14;
	[tilespmem:s8+$0x4F00] =	vst v21;
	s8 =	smov.u32 s17  }
0x81: {  	[tilespmem:v5+s30+$0x0] =	vst.idx.add.f32.msk $0xffff, v28;
	v28 =	vpop (erf);
	v5 =	vmov v22  }
0x82: {  	v14 =	vmax.f32 v14, v27;
	v24 =	vld.idx.msk [tilespmem:v24+s26+$0x0], $0xffff;
	[tilespmem:s9+$0x40] =	vst v28;
	s9 =	smov.u32 s15  }
0x83: {  	v14 =	vsub.f32 v14, v1;
	[tilespmem:v2+s30+$0x0] =	vst.idx.add.f32.msk $0xffff, v21;
	v2 =	vmov v29  }
0x84: {  	v16 =	vadd.f32 v12, v16;
	v13 =	vadd.f32 v18, v13;
	[tilespmem:v7+s30+$0x0] =	vst.idx.add.f32.msk $0xffff, v28;
	v7 =	vmov v19  }
0x85: {  	v19 =	vld.idx.msk [tilespmem:v22+s28+$0x0], $0xffff;
	v18 =	vmul.f32 $1.442695020e+00, v14  }
0x86: {  	v21 =	vmul.f32 $2.000000030e-01, v16;
	v22 =	vmul.f32 $2.000000030e-01, v13;
	v12 =	vld.idx.msk [tilespmem:v33+s28+$0x0], $0xffff  }
.Ltmp1:
0x87: {  	v15 =	vmul.f32 $1.442695020e+00, v15;
	v23 =	vadd.f32 v23, v17;
	v14 =	vld.idx.msk [tilespmem:v32+s28+$0x0], $0xffff;
	(erf) = vpow2.f32 v18;
	(pc) =	sbr.rel @p0 .LBB2_4-.Ltmp1, $4  }
0x88: {  	v21 =	vmax.f32 v16, v21;
	v13 =	vmax.f32 v13, v22;
	v16 =	vld.idx.msk [tilespmem:v20+s26+$0x0], $0xffff  }
0x89: {  	v18 =	vadd.f32 v37, v24;
	v24 =	vmul.f32 $2.000000030e-01, v23;
	v17 =	vld.idx.msk [tilespmem:v26+s26+$0x0], $0xffff;
	(erf) = vpow2.f32 v15  }
0x8a: {  	v21 =	vsub.f32 v21, v1;
	v22 =	vsub.f32 v13, v1;
	v13 =	vld.idx.msk [tilespmem:v7+s28+$0x0], $0xffff  }
0x8b: {  	s16 =	sadd.s32 $0xA0, s16;
	s14 =	sadd.s32 $0xA0, s14;
	s15 =	sadd.s32 $0xA0, s15;
	v20 =	vadd.f32 v19, v25;
	v19 =	vmax.f32 v23, v24;
	v15 =	vld.idx.msk [tilespmem:v35+s26+$0x0], $0xffff  }
0x8c: {  	v23 =	vmul.f32 $2.000000030e-01, v18  }
0x8d: {  	v22 =	vmul.f32 $1.442695020e+00, v22;
	v24 =	vmul.f32 $2.000000030e-01, v20  }
0x8e: {  	v21 =	vmul.f32 $1.442695020e+00, v21;
	v12 =	vadd.f32 v12, v17;
	v50 =	vmax.f32 v18, v23  }
0x8f: {  	(erf) = vpow2.f32 v22;
	v51 =	vmax.f32 v20, v24;
	v17 =	vsub.f32 v50, v1  }
0x90: {  	v14 =	vadd.f32 v14, v16;
	v16 =	vsub.f32 v51, v1;
	v52 =	vmul.f32 $2.000000030e-01, v12  }
0x91: {  	(erf) = vpow2.f32 v21;
	v17 =	vmul.f32 $1.442695020e+00, v17  }
0x92: {  	v53 =	vmul.f32 $2.000000030e-01, v14;
	v16 =	vmul.f32 $1.442695020e+00, v16;
	v12 =	vmax.f32 v12, v52  }
0x93: {  	v13 =	vadd.f32 v13, v15;
	v12 =	vsub.f32 v12, v1;
	(erf) = vpow2.f32 v17  }
0x94: {  	v54 =	vpop (erf);
	v14 =	vmax.f32 v14, v53;
	(erf) = vpow2.f32 v16  }
0x95: {  	[tilespmem:s9+$0xFFFFFFF0] =	vst v54;
	v14 =	vsub.f32 v14, v1;
	v55 =	vmul.f32 $2.000000030e-01, v13;
	v12 =	vmul.f32 $1.442695020e+00, v12  }
0x96: {  	v56 =	vsub.f32 v19, v1;
	[tilespmem:v11+s30+$0x0] =	vst.idx.add.f32.msk $0xffff, v54;
	v57 =	vpop (erf)  }
0x97: {  	[tilespmem:s9+$0xFFFFFFB0] =	vst v57;
	v14 =	vmul.f32 $1.442695020e+00, v14;
	v58 =	vmax.f32 v13, v55;
	(erf) = vpow2.f32 v12  }
0x98: {  	[tilespmem:v9+s30+$0x0] =	vst.idx.add.f32.msk $0xffff, v57;
	v1 =	vsub.f32 v58, v1;
	v60 =	vpop (erf)  }
0x99: {  	v59 =	vmul.f32 $1.442695020e+00, v56;
	(erf) = vpow2.f32 v14;
	[tilespmem:s9+$0xFFFFFFD0] =	vst v60  }
0x9a: {  	v1 =	vmul.f32 $1.442695020e+00, v1;
	v61 =	vpop (erf);
	[tilespmem:v10+s30+$0x0] =	vst.idx.add.f32.msk $0xffff, v60  }
0x9b: {  	(erf) = vpow2.f32 v59;
	[tilespmem:s9+$0xFFFFFFC0] =	vst v61  }
0x9c: {  	(erf) = vpow2.f32 v1;
	[tilespmem:v3+s30+$0x0] =	vst.idx.add.f32.msk $0xffff, v61;
	v62 =	vpop (erf)  }
0x9d: {  	[tilespmem:s9+$0x20] =	vst v62;
	v63 =	vpop (erf)  }
0x9e: {  	[tilespmem:s9+$0xFFFFFFE0] =	vst v63  }
0x9f: {  	[tilespmem:v4+s30+$0x0] =	vst.idx.add.f32.msk $0xffff, v62  }
0xa0: {  	[tilespmem:v5+s30+$0x0] =	vst.idx.add.f32.msk $0xffff, v63;
	v1 =	vpop (erf)  }
0xa1: {  	[tilespmem:s9+$0x0] =	vst v1  }
0xa2: {  	[tilespmem:v6+s30+$0x0] =	vst.idx.add.f32.msk $0xffff, v1;
	v1 =	vpop (erf)  }
0xa3: {  	[tilespmem:s9+$0x10] =	vst v1  }
0xa4: {  	[tilespmem:v8+s30+$0x0] =	vst.idx.add.f32.msk $0xffff, v1;
	v1 =	vpop (erf)  }
0xa5: {  	[tilespmem:s8+$0x4F00] =	vst v1;
	v3 =	vpop (erf)  }
0xa6: {  	[tilespmem:s9+$0x40] =	vst v3  }
0xa7: {  	[tilespmem:v2+s30+$0x0] =	vst.idx.add.f32.msk $0xffff, v1  }
0xa8: {  	[tilespmem:v7+s30+$0x0] =	vst.idx.add.f32.msk $0xffff, v3  }
0xa9: {  	_ =	strace $0x90000049  }
0xaa: {  	s1 =	rddreg [dreg:$0x9]  }
0xab: {  	[tilespmem:s26], [sflag:$0x1] =	stream.strided.gather [hbm4b:s1+s24], $0x2780, s25, s24, $0x38;
	[tilespmem:$0x19580] =	vst v63  }
0xac: {  	s21 =	rddreg [dreg:$0xa]  }
0xad: {  	[tilespmem:s28], [sflag:$0x1] =	stream.strided.gather [hbm4b:s21+s24], $0x2780, s25, s24, $0x38;
	[tilespmem:$0x19580] =	vst v63  }
0xae: {  	s8 =	simm.s32 $0x11440;
	_ =	strace $0x8000004A  }
0xaf: {  	[spmem:s10] =	stream.strided.scatter [tilespmem:s30], [sflag:$0x3], $0x2800, s25, s24, $0x200038;
	[tilespmem:$0x19580] =	vst v63  }
0xb0: {  	[tilespmem:s8+$0xFFFFFFC0] =	vst v0  }
0xb1: {  	[tilespmem:s8+$0x30] =	vst v0  }
0xb2: {  	[tilespmem:s8+$0x20] =	vst v0  }
0xb3: {  	[tilespmem:s8+$0x10] =	vst v0  }
0xb4: {  	[tilespmem:s8+$0x0] =	vst v0  }
0xb5: {  	[tilespmem:s8+$0xFFFFFFF0] =	vst v0  }
0xb6: {  	s9 =	simm.s32 $0x0;
	[tilespmem:s8+$0xFFFFFFE0] =	vst v0  }
.LBB2_6:
0xb7: {  	s9 =	sadd.s32 $0x8, s9;
	[tilespmem:s8+$0xFFFFFFD0] =	vst v0;
	s8 =	sadd.s32 $0x80, s8  }
0xb8: {  	[tilespmem:s8+$0xFFFFFFC0] =	vst v0;
	p0 =	slt.u32 s9, $0x278  }
0xb9: {  	[tilespmem:s8+$0x30] =	vst v0  }
.Ltmp2:
0xba: {  	[tilespmem:s8+$0x20] =	vst v0;
	(pc) =	sbr.rel @p0 .LBB2_6-.Ltmp2, $4  }
0xbb: {  	[tilespmem:s8+$0x10] =	vst v0  }
0xbc: {  	[tilespmem:s8+$0x0] =	vst v0  }
0xbd: {  	[tilespmem:s8+$0xFFFFFFF0] =	vst v0  }
0xbe: {  	[tilespmem:s8+$0xFFFFFFE0] =	vst v0  }
0xbf: {  	[tilespmem:s8+$0xFFFFFFD0] =	vst v0  }
0xc0: {  	_ =	swait.ge [sflag:s31], $0x2800  }
0xc1: {  	[sflag:s31] =	ssyncset.done $0x0  }
0xc2: {  	[sflag:s31] =	ssyncadd.s32 $0xFFFFD800  }
0xc3: {  	s15 =	simm.s32 $0x0;
	[bflag:$0x0] =	sbarrier.arrive $0xFFFF  }
0xc4: {  	[tilespmem:s22], [sflag:$0x4] =	stream.strided.gather [spmem:s11], $0x2800, s2, s0, $0x200038;
	[tilespmem:$0x19580] =	vst v63  }
0xc5: {  	s8 =	sand.u32 $0x60, s15;
	s9 =	sand.u32 $0x1C00, s15;
	_ =	swait.ge [sflag:s23], $0x2800  }
0xc6: {  	s13 =	sadd.s32 $0x13C00, s9;
	s16 =	sor.u32 $0x10, s8;
	[sflag:s23] =	ssyncset.done $0x0  }
0xc7: {  	s14 =	sor.u32 s16, s13;
	[sflag:s23] =	ssyncadd.s32 $0xFFFFD800  }
0xc8: {  	v1 =	vld [tilespmem:s14+$0x0]  }
0xc9: {  	s13 =	sor.u32 s8, s13;
	v2 =	vld [tilespmem:s14+$0x80]  }
0xca: {  	v3 =	vld [tilespmem:s13+$0x0]  }
0xcb: {  	v4 =	vld [tilespmem:s14+$0x100]  }
0xcc: {  	v5 =	vld [tilespmem:s13+$0x80]  }
0xcd: {  	v6 =	vld [tilespmem:s14+$0x180]  }
0xce: {  	v7 =	vld [tilespmem:s13+$0x100]  }
0xcf: {  	v8 =	vld [tilespmem:s14+$0x200]  }
0xd0: {  	v9 =	vld [tilespmem:s13+$0x180]  }
0xd1: {  	v10 =	vld [tilespmem:s14+$0x280]  }
0xd2: {  	v11 =	vld [tilespmem:s13+$0x200]  }
0xd3: {  	v12 =	vld [tilespmem:s14+$0x300]  }
0xd4: {  	v13 =	vld [tilespmem:s13+$0x280]  }
0xd5: {  	s17 =	sadd.s32 $0x15000, s9;
	v14 =	vld [tilespmem:s14+$0x380]  }
0xd6: {  	s3 =	sor.u32 s16, s17;
	v15 =	vld [tilespmem:s13+$0x300]  }
0xd7: {  	s18 =	sadd.s32 $0x15080, s9;
	v16 =	vld [tilespmem:s3+$0x0]  }
0xd8: {  	v17 =	vld [tilespmem:s13+$0x380];
	s14 =	sor.u32 s16, s18;
	v1 =	vadd.f32 v2, v1  }
0xd9: {  	s20 =	sadd.s32 $0x15100, s9;
	s19 =	sor.u32 s8, s17;
	v2 =	vld [tilespmem:s14+$0x0];
	v3 =	vadd.f32 v5, v3  }
0xda: {  	v5 =	vld [tilespmem:s19+$0x0];
	s19 =	sor.u32 s8, s20;
	v1 =	vadd.f32 v4, v1  }
0xdb: {  	s21 =	sor.u32 s16, s20;
	v51 =	vld [tilespmem:s19+$0x0];
	v3 =	vadd.f32 v7, v3  }
0xdc: {  	s1 =	sor.u32 s8, s18;
	s20 =	sadd.s32 $0x15200, s9;
	v4 =	vld [tilespmem:s21+$0x0];
	v1 =	vadd.f32 v6, v1  }
0xdd: {  	s3 =	sadd.s32 $0x15180, s9;
	s19 =	sor.u32 s8, s20;
	v7 =	vld [tilespmem:s1+$0x0];
	v3 =	vadd.f32 v9, v3  }
0xde: {  	s17 =	sadd.s32 $0x15300, s9;
	s1 =	sor.u32 s8, s3;
	v54 =	vld [tilespmem:s19+$0x0];
	v1 =	vadd.f32 v8, v1  }
0xdf: {  	s21 =	sor.u32 s16, s20;
	s20 =	sor.u32 s16, s17;
	v52 =	vld [tilespmem:s1+$0x0];
	v3 =	vadd.f32 v11, v3  }
0xe0: {  	s14 =	sor.u32 s16, s3;
	v55 =	vld [tilespmem:s20+$0x0];
	v1 =	vadd.f32 v10, v1  }
0xe1: {  	s3 =	sadd.s32 $0x15280, s9;
	s20 =	sor.u32 s8, s17;
	v6 =	vld [tilespmem:s14+$0x0];
	v3 =	vadd.f32 v13, v3  }
0xe2: {  	s1 =	sadd.s32 $0x15380, s9;
	s14 =	sor.u32 s16, s3;
	v58 =	vld [tilespmem:s20+$0x0];
	v1 =	vadd.f32 v12, v1  }
0xe3: {  	s18 =	sor.u32 s8, s1;
	v53 =	vld [tilespmem:s14+$0x0];
	v3 =	vadd.f32 v15, v3  }
0xe4: {  	s19 =	simm.s32 $0x100;
	s9 =	simm.s32 $0x20;
	v59 =	vld [tilespmem:s18+$0x0];
	v1 =	vadd.f32 v14, v1  }
0xe5: {  	s17 =	sand.u32 $0x1C00, s19;
	s13 =	sand.u32 $0x60, s9;
	v8 =	vld [tilespmem:s21+$0x0];
	s21 =	sor.u32 s8, s3;
	v3 =	vadd.f32 v17, v3  }
0xe6: {  	s19 =	sadd.s32 $0x13C00, s17;
	s3 =	sor.u32 s16, s1;
	s8 =	sor.u32 $0x10, s13;
	v56 =	vld [tilespmem:s21+$0x0];
	v1 =	vadd.f32 v16, v1  }
0xe7: {  	v57 =	vld [tilespmem:s3+$0x0];
	s21 =	sor.u32 s8, s19;
	v3 =	vadd.f32 v5, v3  }
0xe8: {  	v5 =	vld [tilespmem:s21+$0x0];
	v1 =	vadd.f32 v2, v1  }
0xe9: {  	s1 =	sor.u32 s13, s19;
	v2 =	vld [tilespmem:s21+$0x80];
	v3 =	vadd.f32 v7, v3  }
0xea: {  	v60 =	vld [tilespmem:s1+$0x80];
	v1 =	vadd.f32 v4, v1  }
0xeb: {  	v4 =	vld [tilespmem:s21+$0x100];
	v3 =	vadd.f32 v51, v3  }
0xec: {  	v7 =	vld [tilespmem:s1+$0x0];
	v1 =	vadd.f32 v6, v1  }
0xed: {  	v6 =	vld [tilespmem:s21+$0x180];
	v3 =	vadd.f32 v52, v3  }
0xee: {  	v2 =	vadd.f32 v2, v5;
	v5 =	vld [tilespmem:s1+$0x100];
	v1 =	vadd.f32 v8, v1  }
0xef: {  	v8 =	vld [tilespmem:s21+$0x200];
	v3 =	vadd.f32 v54, v3  }
0xf0: {  	v2 =	vadd.f32 v4, v2;
	v4 =	vld [tilespmem:s1+$0x180];
	v1 =	vadd.f32 v53, v1  }
0xf1: {  	v61 =	vld [tilespmem:s21+$0x280];
	v7 =	vadd.f32 v60, v7;
	v3 =	vadd.f32 v56, v3  }
0xf2: {  	v2 =	vadd.f32 v6, v2;
	v6 =	vld [tilespmem:s1+$0x200];
	v1 =	vadd.f32 v55, v1  }
0xf3: {  	v5 =	vadd.f32 v5, v7;
	v7 =	vld [tilespmem:s21+$0x300];
	v3 =	vadd.f32 v58, v3  }
0xf4: {  	v2 =	vadd.f32 v8, v2;
	v8 =	vld [tilespmem:s1+$0x280];
	v1 =	vadd.f32 v57, v1  }
0xf5: {  	s3 =	sadd.s32 $0x15000, s17;
	v4 =	vadd.f32 v4, v5;
	v5 =	vld [tilespmem:s21+$0x380];
	v3 =	vadd.f32 v59, v3  }
0xf6: {  	v62 =	vld [tilespmem:s1+$0x300];
	s20 =	sor.u32 s8, s3;
	v2 =	vadd.f32 v61, v2;
	v1 =	vadd.f32 $1.000000020e-16, v1  }
0xf7: {  	s21 =	sadd.s32 $0x15080, s17;
	v4 =	vadd.f32 v6, v4;
	v6 =	vld [tilespmem:s20+$0x0];
	v3 =	vadd.f32 $1.000000020e-16, v3  }
0xf8: {  	v2 =	vadd.f32 v7, v2;
	v7 =	vld [tilespmem:s1+$0x380];
	s1 =	sor.u32 s8, s21;
	(erf) = vrcp.f32 v1  }
0xf9: {  	s18 =	sor.u32 s13, s3;
	s3 =	sadd.s32 $0x15100, s17;
	v1 =	vld [tilespmem:s1+$0x0];
	(erf) = vrcp.f32 v3;
	v3 =	vadd.f32 v8, v4  }
0xfa: {  	v4 =	vld [tilespmem:s18+$0x0];
	v2 =	vadd.f32 v5, v2;
	s18 =	sor.u32 s8, s3  }
0xfb: {  	s20 =	sadd.s32 $0x15180, s17;
	s21 =	sor.u32 s13, s21;
	v5 =	vld [tilespmem:s18+$0x0];
	v3 =	vadd.f32 v62, v3  }
0xfc: {  	s1 =	sor.u32 s8, s20;
	v8 =	vld [tilespmem:s21+$0x0];
	v2 =	vadd.f32 v6, v2  }
0xfd: {  	s19 =	sadd.s32 $0x15200, s17;
	s3 =	sor.u32 s13, s3;
	v6 =	vld [tilespmem:s1+$0x0];
	v3 =	vadd.f32 v7, v3  }
0xfe: {  	s21 =	sor.u32 s8, s19;
	v7 =	vld [tilespmem:s3+$0x0];
	v1 =	vadd.f32 v1, v2  }
0xff: {  	v63 =	vld [tilespmem:s21+$0x0];
	s1 =	sor.u32 s13, s20;
	s20 =	sadd.s32 $0x15280, s17;
	v3 =	vadd.f32 v4, v3  }
0x100: {  	s14 =	simm.s32 $0x16400;
	v2 =	vld [tilespmem:s1+$0x0];
	s3 =	sor.u32 s8, s20;
	v4 =	vadd.f32 v5, v1  }
0x101: {  	s19 =	sor.u32 s13, s19;
	s21 =	sand.u32 $0x380, s15;
	s1 =	sadd.s32 $0x15300, s17;
	v1 =	vld [tilespmem:s3+$0x0];
	v8 =	vadd.f32 v8, v3  }
0x102: {  	s15 =	simm.s32 $0x2;
	s16 =	sor.u32 s16, s21;
	s3 =	sor.u32 s8, s1;
	v5 =	vpop (erf);
	v3 =	vld [tilespmem:s19+$0x0];
	v6 =	vadd.f32 v6, v4  }
0x103: {  	s21 =	sor.u32 s13, s20;
	s20 =	sor.u32 s13, s1;
	s19 =	sadd.s32 $0x15380, s17;
	v4 =	vld [tilespmem:s3+$0x0];
	[tilespmem:s16+$0x16400] =	vst v5;
	v5 =	vpop (erf);
	v7 =	vadd.f32 v7, v8  }
0x104: {  	s17 =	simm.s32 $0x40;
	s16 =	simm.s32 $0x200;
	[tilespmem:s14+$0x0] =	vst v5;
	v5 =	vld [tilespmem:s21+$0x0];
	v6 =	vadd.f32 v63, v6;
	s21 =	sor.u32 s8, s19  }
.LBB2_8:
0x105: {  	s18 =	sand.u32 $0x1C00, s16;
	v2 =	vadd.f32 v2, v7;
	s1 =	sor.u32 s13, s19;
	s13 =	sand.u32 $0x60, s17;
	v7 =	vld [tilespmem:s21+$0x0]  }
0x106: {  	s15 =	sadd.s32 $0x2, s15;
	s21 =	sadd.s32 $0x13C00, s18;
	s19 =	sor.u32 $0x10, s13;
	v8 =	vld [tilespmem:s20+$0x0];
	v1 =	vadd.f32 v1, v6  }
0x107: {  	p0 =	slt.u32 s15, $0x26;
	s20 =	sor.u32 s13, s21;
	s21 =	sor.u32 s19, s21;
	v2 =	vadd.f32 v3, v2;
	v3 =	vld [tilespmem:s1+$0x0]  }
0x108: {  	v6 =	vld [tilespmem:s21+$0x0];
	v1 =	vadd.f32 v4, v1  }
0x109: {  	v4 =	vld [tilespmem:s21+$0x80];
	v2 =	vadd.f32 v5, v2  }
0x10a: {  	v5 =	vld [tilespmem:s20+$0x0];
	v1 =	vadd.f32 v7, v1  }
0x10b: {  	v7 =	vld [tilespmem:s21+$0x100];
	v2 =	vadd.f32 v8, v2  }
0x10c: {  	v8 =	vld [tilespmem:s20+$0x80];
	v1 =	vadd.f32 $1.000000020e-16, v1  }
0x10d: {  	v9 =	vld [tilespmem:s21+$0x180];
	v2 =	vadd.f32 v3, v2  }
0x10e: {  	v3 =	vld [tilespmem:s20+$0x100];
	v4 =	vadd.f32 v4, v6;
	(erf) = vrcp.f32 v1  }
0x10f: {  	v1 =	vld [tilespmem:s21+$0x200];
	v2 =	vadd.f32 $1.000000020e-16, v2  }
0x110: {  	v6 =	vld [tilespmem:s20+$0x180];
	v4 =	vadd.f32 v7, v4  }
0x111: {  	v5 =	vadd.f32 v8, v5;
	v7 =	vld [tilespmem:s21+$0x280];
	(erf) = vrcp.f32 v2  }
0x112: {  	v2 =	vld [tilespmem:s20+$0x200];
	v4 =	vadd.f32 v9, v4  }
0x113: {  	v3 =	vadd.f32 v3, v5;
	v5 =	vld [tilespmem:s21+$0x300]  }
0x114: {  	v8 =	vld [tilespmem:s20+$0x280];
	v1 =	vadd.f32 v1, v4  }
0x115: {  	s1 =	sadd.s32 $0x15000, s18;
	v3 =	vadd.f32 v6, v3;
	v4 =	vld [tilespmem:s21+$0x380]  }
0x116: {  	s9 =	sand.u32 $0x380, s9;
	s21 =	sor.u32 s13, s1;
	s1 =	sor.u32 s19, s1;
	v6 =	vld [tilespmem:s20+$0x300];
	v1 =	vadd.f32 v7, v1  }
0x117: {  	s3 =	sadd.s32 $0x15080, s18;
	v2 =	vadd.f32 v2, v3;
	v3 =	vld [tilespmem:s1+$0x0];
	s1 =	sor.u32 s8, s9;
	v7 =	vpop (erf);
	s8 =	smov.u32 s19  }
0x118: {  	s19 =	sor.u32 s13, s3;
	s9 =	smov.u32 s17;
	v9 =	vld [tilespmem:s20+$0x380];
	v1 =	vadd.f32 v5, v1;
	s3 =	sor.u32 s8, s3;
	[tilespmem:s1+$0x16400] =	vst v7  }
0x119: {  	s1 =	sadd.s32 $0x15100, s18;
	v2 =	vadd.f32 v8, v2;
	v5 =	vld [tilespmem:s3+$0x0]  }
0x11a: {  	s14 =	sadd.s32 $0x20, s14;
	s3 =	sor.u32 s13, s1;
	s1 =	sor.u32 s8, s1;
	v7 =	vld [tilespmem:s21+$0x0];
	v1 =	vadd.f32 v4, v1;
	v4 =	vpop (erf)  }
0x11b: {  	s20 =	sadd.s32 $0x15180, s18;
	v2 =	vadd.f32 v6, v2;
	v6 =	vld [tilespmem:s1+$0x0];
	[tilespmem:s14+$0x0] =	vst v4  }
0x11c: {  	s1 =	sor.u32 s13, s20;
	v4 =	vld [tilespmem:s19+$0x0];
	v1 =	vadd.f32 v3, v1;
	s19 =	sor.u32 s8, s20  }
0x11d: {  	s20 =	sadd.s32 $0x15200, s18;
	v2 =	vadd.f32 v9, v2;
	v8 =	vld [tilespmem:s19+$0x0]  }
0x11e: {  	s19 =	sor.u32 s8, s20;
	v9 =	vld [tilespmem:s3+$0x0];
	s3 =	sor.u32 s13, s20;
	v1 =	vadd.f32 v5, v1  }
0x11f: {  	s20 =	sadd.s32 $0x15280, s18;
	v3 =	vadd.f32 v7, v2;
	v10 =	vld [tilespmem:s19+$0x0]  }
.Ltmp3:
0x120: {  	s19 =	sor.u32 s8, s20;
	v2 =	vld [tilespmem:s1+$0x0];
	s1 =	sor.u32 s13, s20;
	v5 =	vadd.f32 v6, v1;
	(pc) =	sbr.rel @p0 .LBB2_8-.Ltmp3, $4  }
0x121: {  	s21 =	sadd.s32 $0x15300, s18;
	v4 =	vadd.f32 v4, v3;
	v1 =	vld [tilespmem:s19+$0x0]  }
0x122: {  	s20 =	sor.u32 s13, s21;
	v3 =	vld [tilespmem:s3+$0x0];
	v6 =	vadd.f32 v8, v5;
	s3 =	sor.u32 s8, s21  }
0x123: {  	s19 =	sadd.s32 $0x15380, s18;
	v7 =	vadd.f32 v9, v4;
	v4 =	vld [tilespmem:s3+$0x0]  }
0x124: {  	s16 =	sadd.s32 $0x100, s16;
	s17 =	sadd.s32 $0x20, s17;
	s21 =	sor.u32 s8, s19;
	v5 =	vld [tilespmem:s1+$0x0];
	v6 =	vadd.f32 v10, v6  }
0x125: {  	v2 =	vadd.f32 v2, v7  }
0x126: {  	v44 =	vld [tilespmem:s20+$0x0]  }
0x127: {  	s1 =	sor.u32 s13, s19;
	v8 =	vld [tilespmem:s21+$0x0];
	v2 =	vadd.f32 v3, v2  }
0x128: {  	v1 =	vadd.f32 v1, v6;
	v3 =	vld [tilespmem:s1+$0x0]  }
0x129: {  	v2 =	vadd.f32 v5, v2  }
0x12a: {  	v1 =	vadd.f32 v4, v1  }
0x12b: {  	v2 =	vadd.f32 v44, v2  }
0x12c: {  	v1 =	vadd.f32 v8, v1  }
0x12d: {  	v2 =	vadd.f32 v3, v2  }
0x12e: {  	v1 =	vadd.f32 $1.000000020e-16, v1  }
0x12f: {  	v2 =	vadd.f32 $1.000000020e-16, v2  }
0x130: {  	(erf) = vrcp.f32 v1  }
0x131: {  	(erf) = vrcp.f32 v2;
	_ =	sdelay $0x6  }
0x132: {  	s17 =	sand.u32 $0x380, s9  }
0x133: {  	s1 =	sor.u32 s8, s17;
	v1 =	vpop (erf)  }
0x134: {  	s18 =	sadd.s32 $0x20, s14;
	[tilespmem:s1+$0x16400] =	vst v1;
	v1 =	vpop (erf)  }
0x135: {  	s19 =	simm.s32 $0x16400;
	[tilespmem:s18+$0x0] =	vst v1  }
0x136: {  	[spmem:s12] =	stream.linear.scatter [tilespmem:s19], [sflag:$0x4], $0x280, $0x200038;
	[tilespmem:$0x19580] =	vst v63  }
0x137: {  	_ =	swait.ge [sflag:s23], $0x280  }
0x138: {  	[sflag:s23] =	ssyncset.done $0x0  }
0x139: {  	[sflag:s23] =	ssyncadd.s32 $0xFFFFFD80  }
0x13a: {  	[bflag:$0x0] =	sbarrier.arrive $0xFFFF  }
0x13b: {  	s20 =	rddreg [dreg:$0x3]  }
0x13c: {  	[tilespmem:s30], [sflag:$0x4] =	stream.linear.gather [spmem:s20], $0x2800, $0x200038;
	[tilespmem:$0x19580] =	vst v63  }
0x13d: {  	_ =	swait.ge [sflag:s23], $0x2800  }
0x13e: {  	[sflag:s23] =	ssyncset.done $0x0  }
0x13f: {  	[sflag:s23] =	ssyncadd.s32 $0xFFFFD800  }
0x140: {  	_ =	strace $0x9000004A  }
0x141: {  	s21 =	simm.s32 $0x50;
	s3 =	simm.s32 $0x0;
	_ =	strace $0x8000004B  }
0x142: {  	s3 =	sand.u32 $0x7FE0, s3;
	v1 =	vld [tilespmem:s21+$0x40]  }
0x143: {  	v2 =	vld [tilespmem:s3+$0x80]  }
0x144: {  	v3 =	vld [tilespmem:s21+$0xFFFFFFC0]  }
0x145: {  	v45 =	vld [tilespmem:s21+$0xFFFFFFD0]  }
0x146: {  	v46 =	vld [tilespmem:s21+$0xFFFFFFE0]  }
0x147: {  	v47 =	vld [tilespmem:s21+$0xFFFFFFF0]  }
0x148: {  	v49 =	vld [tilespmem:s21+$0x0]  }
0x149: {  	v10 =	vld [tilespmem:s21+$0x10]  }
0x14a: {  	s8 =	simm.s32 $0x4ED0;
	v11 =	vld [tilespmem:s21+$0x20]  }
0x14b: {  	v13 =	vld [tilespmem:s8+$0x40]  }
0x14c: {  	v17 =	vld [tilespmem:s3+$0x4F00]  }
0x14d: {  	v18 =	vld [tilespmem:s21+$0xFFFFFFB0]  }
0x14e: {  	v54 =	vld [tilespmem:s8+$0xFFFFFFB0]  }
0x14f: {  	v55 =	vld [tilespmem:s8+$0xFFFFFFC0]  }
0x150: {  	v56 =	vld [tilespmem:s8+$0xFFFFFFD0]  }
0x151: {  	v57 =	vld [tilespmem:s8+$0xFFFFFFE0];
	v48 =	vshra.s32 v1, $0x10  }
0x152: {  	v21 =	vld [tilespmem:s8+$0xFFFFFFF0];
	v9 =	vshra.s32 v2, $0x10  }
0x153: {  	v22 =	vld [tilespmem:s8+$0x0];
	v12 =	vshra.s32 v3, $0x10  }
0x154: {  	v58 =	vld [tilespmem:s8+$0x10];
	v14 =	vshra.s32 v45, $0x10  }
0x155: {  	v59 =	vld [tilespmem:s8+$0x20];
	v15 =	vshra.s32 v46, $0x10  }
0x156: {  	v16 =	vshra.s32 v47, $0x10;
	v7 =	vld.idx.msk [tilespmem:v48+s30+$0x0], $0xffff  }
0x157: {  	v50 =	vshra.s32 v11, $0x10;
	v9 =	vld.idx.msk [tilespmem:v9+s30+$0x0], $0xffff  }
0x158: {  	v51 =	vshra.s32 v18, $0x10;
	v12 =	vld.idx.msk [tilespmem:v12+s30+$0x0], $0xffff  }
0x159: {  	v1 =	vand.u32 $0xFFFF, v1;
	v14 =	vld.idx.msk [tilespmem:v14+s30+$0x0], $0xffff  }
0x15a: {  	v2 =	vand.u32 $0xFFFF, v2;
	v15 =	vld.idx.msk [tilespmem:v15+s30+$0x0], $0xffff  }
0x15b: {  	v19 =	vshra.s32 v49, $0x10;
	v16 =	vld.idx.msk [tilespmem:v16+s30+$0x0], $0xffff  }
0x15c: {  	v20 =	vshra.s32 v10, $0x10;
	v52 =	vld.idx.msk [tilespmem:v50+s30+$0x0], $0xffff;
	v7 =	vmul.f32 v7, v13  }
0x15d: {  	v3 =	vand.u32 $0xFFFF, v3;
	v53 =	vld.idx.msk [tilespmem:v51+s30+$0x0], $0xffff;
	v9 =	vmul.f32 v9, v17  }
0x15e: {  	v4 =	vand.u32 $0xFFFF, v45;
	[tilespmem:v1+s4+$0x0] =	vst.idx.add.f32.msk $0xffff, v7  }
0x15f: {  	v5 =	vand.u32 $0xFFFF, v46;
	[tilespmem:v2+s4+$0x0] =	vst.idx.add.f32.msk $0xffff, v9  }
0x160: {  	v6 =	vand.u32 $0xFFFF, v47;
	v12 =	vmul.f32 v12, v55;
	v1 =	vld.idx.msk [tilespmem:v19+s30+$0x0], $0xffff  }
0x161: {  	v18 =	vand.u32 $0xFFFF, v18;
	v14 =	vmul.f32 v14, v56;
	v2 =	vld.idx.msk [tilespmem:v20+s30+$0x0], $0xffff  }
0x162: {  	v61 =	vmul.f32 v15, v57;
	[tilespmem:v3+s4+$0x0] =	vst.idx.add.f32.msk $0xffff, v12;
	v3 =	vand.u32 $0xFFFF, v11  }
0x163: {  	v8 =	vand.u32 $0xFFFF, v49;
	v62 =	vmul.f32 v16, v21;
	[tilespmem:v4+s4+$0x0] =	vst.idx.add.f32.msk $0xffff, v14  }
0x164: {  	v60 =	vand.u32 $0xFFFF, v10;
	v9 =	vmul.f32 v53, v54;
	[tilespmem:v5+s4+$0x0] =	vst.idx.add.f32.msk $0xffff, v61  }
0x165: {  	v63 =	vmul.f32 v52, v59;
	[tilespmem:v6+s4+$0x0] =	vst.idx.add.f32.msk $0xffff, v62  }
0x166: {  	[tilespmem:v18+s4+$0x0] =	vst.idx.add.f32.msk $0xffff, v9;
	v1 =	vmul.f32 v1, v22  }
0x167: {  	v2 =	vmul.f32 v2, v58;
	[tilespmem:v3+s4+$0x0] =	vst.idx.add.f32.msk $0xffff, v63  }
0x168: {  	[tilespmem:v8+s4+$0x0] =	vst.idx.add.f32.msk $0xffff, v1  }
0x169: {  	s9 =	simm.s32 $0x0;
	s13 =	simm.s32 $0xF0;
	s14 =	simm.s32 $0xA0;
	[tilespmem:v60+s4+$0x0] =	vst.idx.add.f32.msk $0xffff, v2  }
.LBB2_10:
0x16a: {  	s1 =	sand.u32 $0x7FE0, s14;
	v1 =	vld [tilespmem:s13+$0x40];
	s9 =	sadd.s32 $0xA, s9  }
0x16b: {  	v2 =	vld [tilespmem:s1+$0x80];
	p0 =	slt.u32 s9, $0x4D8  }
0x16c: {  	v3 =	vld [tilespmem:s13+$0xFFFFFFC0]  }
0x16d: {  	v4 =	vld [tilespmem:s13+$0xFFFFFFD0]  }
0x16e: {  	v5 =	vld [tilespmem:s13+$0xFFFFFFE0]  }
0x16f: {  	v6 =	vld [tilespmem:s13+$0xFFFFFFF0];
	v7 =	vshra.s32 v1, $0x10  }
0x170: {  	v8 =	vld [tilespmem:s13+$0x0];
	v9 =	vshra.s32 v2, $0x10  }
0x171: {  	v10 =	vshra.s32 v3, $0x10;
	v3 =	vand.u32 $0xFFFF, v3;
	v11 =	vld [tilespmem:s13+$0x10]  }
0x172: {  	s8 =	sadd.s32 $0xA0, s8;
	v12 =	vshra.s32 v4, $0x10;
	v4 =	vand.u32 $0xFFFF, v4;
	v13 =	vld [tilespmem:s13+$0x20]  }
0x173: {  	v14 =	vshra.s32 v5, $0x10;
	v5 =	vand.u32 $0xFFFF, v5;
	v15 =	vld [tilespmem:s8+$0x40]  }
0x174: {  	v16 =	vshra.s32 v6, $0x10;
	v6 =	vand.u32 $0xFFFF, v6;
	v7 =	vld.idx.msk [tilespmem:v7+s30+$0x0], $0xffff  }
0x175: {  	v17 =	vshra.s32 v8, $0x10;
	v8 =	vand.u32 $0xFFFF, v8;
	v9 =	vld.idx.msk [tilespmem:v9+s30+$0x0], $0xffff  }
0x176: {  	v18 =	vshra.s32 v11, $0x10;
	v11 =	vand.u32 $0xFFFF, v11;
	v19 =	vld [tilespmem:s1+$0x4F00]  }
0x177: {  	v1 =	vand.u32 $0xFFFF, v1;
	v20 =	vld [tilespmem:s13+$0xFFFFFFB0];
	v21 =	vshra.s32 v13, $0x10;
	v13 =	vand.u32 $0xFFFF, v13  }
0x178: {  	v2 =	vand.u32 $0xFFFF, v2;
	v10 =	vld.idx.msk [tilespmem:v10+s30+$0x0], $0xffff  }
0x179: {  	v12 =	vld.idx.msk [tilespmem:v12+s30+$0x0], $0xffff  }
0x17a: {  	v7 =	vmul.f32 v7, v15;
	v14 =	vld.idx.msk [tilespmem:v14+s30+$0x0], $0xffff  }
0x17b: {  	v15 =	vld.idx.msk [tilespmem:v16+s30+$0x0], $0xffff;
	v9 =	vmul.f32 v9, v19  }
0x17c: {  	v16 =	vshra.s32 v20, $0x10;
	v19 =	vand.u32 $0xFFFF, v20;
	[tilespmem:v1+s4+$0x0] =	vst.idx.add.f32.msk $0xffff, v7  }
0x17d: {  	[tilespmem:v2+s4+$0x0] =	vst.idx.add.f32.msk $0xffff, v9  }
0x17e: {  	v1 =	vld.idx.msk [tilespmem:v17+s30+$0x0], $0xffff  }
0x17f: {  	v2 =	vld.idx.msk [tilespmem:v18+s30+$0x0], $0xffff  }
0x180: {  	v7 =	vld.idx.msk [tilespmem:v21+s30+$0x0], $0xffff  }
0x181: {  	v9 =	vld.idx.msk [tilespmem:v16+s30+$0x0], $0xffff  }
0x182: {  	v16 =	vld [tilespmem:s8+$0xFFFFFFB0]  }
0x183: {  	v17 =	vld [tilespmem:s8+$0xFFFFFFC0]  }
0x184: {  	v18 =	vld [tilespmem:s8+$0xFFFFFFD0]  }
0x185: {  	v20 =	vld [tilespmem:s8+$0xFFFFFFE0]  }
0x186: {  	v21 =	vld [tilespmem:s8+$0xFFFFFFF0]  }
0x187: {  	v9 =	vmul.f32 v9, v16;
	v16 =	vld [tilespmem:s8+$0x0]  }
0x188: {  	v10 =	vmul.f32 v10, v17;
	v17 =	vld [tilespmem:s8+$0x10]  }
0x189: {  	v12 =	vmul.f32 v12, v18;
	v18 =	vld [tilespmem:s8+$0x20]  }
0x18a: {  	[tilespmem:v19+s4+$0x0] =	vst.idx.add.f32.msk $0xffff, v9;
	v9 =	vmul.f32 v14, v20  }
0x18b: {  	[tilespmem:v3+s4+$0x0] =	vst.idx.add.f32.msk $0xffff, v10;
	v3 =	vmul.f32 v15, v21  }
0x18c: {  	[tilespmem:v4+s4+$0x0] =	vst.idx.add.f32.msk $0xffff, v12;
	v1 =	vmul.f32 v1, v16  }
.Ltmp4:
0x18d: {  	[tilespmem:v5+s4+$0x0] =	vst.idx.add.f32.msk $0xffff, v9;
	v2 =	vmul.f32 v2, v17;
	(pc) =	sbr.rel @p0 .LBB2_10-.Ltmp4, $4  }
0x18e: {  	[tilespmem:v6+s4+$0x0] =	vst.idx.add.f32.msk $0xffff, v3;
	v3 =	vmul.f32 v7, v18  }
0x18f: {  	[tilespmem:v8+s4+$0x0] =	vst.idx.add.f32.msk $0xffff, v1  }
0x190: {  	[tilespmem:v11+s4+$0x0] =	vst.idx.add.f32.msk $0xffff, v2  }
0x191: {  	s14 =	sadd.s32 $0xA0, s14;
	s13 =	sadd.s32 $0xA0, s13;
	[tilespmem:v13+s4+$0x0] =	vst.idx.add.f32.msk $0xffff, v3  }
0x192: {  	_ =	strace $0x9000004B  }
0x193: {  	_ =	strace $0x8000004C  }
0x194: {  	[spmem:s10] =	stream.strided.scatter [tilespmem:s4], [sflag:$0x4], $0x2800, s25, s24, $0x200038;
	[tilespmem:$0x19580] =	vst v63  }
0x195: {  	_ =	swait.ge [sflag:s23], $0x2800  }
0x196: {  	[sflag:s23] =	ssyncset.done $0x0  }
0x197: {  	[sflag:s23] =	ssyncadd.s32 $0xFFFFD800  }
0x198: {  	s16 =	simm.s32 $0x0;
	[bflag:$0x0] =	sbarrier.arrive $0xFFFF  }
0x199: {  	[tilespmem:s22], [sflag:$0x4] =	stream.strided.gather [spmem:s11], $0x2800, s2, s0, $0x200038;
	[tilespmem:$0x19580] =	vst v63  }
0x19a: {  	s9 =	sand.u32 $0x60, s16;
	s1 =	sand.u32 $0x1C00, s16;
	_ =	swait.ge [sflag:s23], $0x2800  }
0x19b: {  	s3 =	sadd.s32 $0x13C00, s1;
	s15 =	sor.u32 $0x10, s9;
	[sflag:s23] =	ssyncset.done $0x0  }
0x19c: {  	s8 =	sor.u32 s15, s3;
	[sflag:s23] =	ssyncadd.s32 $0xFFFFD800  }
0x19d: {  	v1 =	vld [tilespmem:s8+$0x0]  }
0x19e: {  	s3 =	sor.u32 s9, s3;
	v2 =	vld [tilespmem:s8+$0x80]  }
0x19f: {  	v3 =	vld [tilespmem:s3+$0x0]  }
0x1a0: {  	v4 =	vld [tilespmem:s8+$0x100]  }
0x1a1: {  	v5 =	vld [tilespmem:s3+$0x80]  }
0x1a2: {  	v6 =	vld [tilespmem:s8+$0x180]  }
0x1a3: {  	v7 =	vld [tilespmem:s3+$0x100]  }
0x1a4: {  	v8 =	vld [tilespmem:s8+$0x200]  }
0x1a5: {  	v9 =	vld [tilespmem:s3+$0x180]  }
0x1a6: {  	v10 =	vld [tilespmem:s8+$0x280]  }
0x1a7: {  	v11 =	vld [tilespmem:s3+$0x200]  }
0x1a8: {  	v12 =	vld [tilespmem:s8+$0x300]  }
0x1a9: {  	v13 =	vld [tilespmem:s3+$0x280]  }
0x1aa: {  	s13 =	sadd.s32 $0x15000, s1;
	v14 =	vld [tilespmem:s8+$0x380]  }
0x1ab: {  	s21 =	sor.u32 s15, s13;
	v15 =	vld [tilespmem:s3+$0x300]  }
0x1ac: {  	v16 =	vld [tilespmem:s21+$0x0]  }
0x1ad: {  	s18 =	sadd.s32 $0x15100, s1;
	s17 =	sor.u32 s9, s13;
	v17 =	vld [tilespmem:s3+$0x380]  }
0x1ae: {  	s14 =	sadd.s32 $0x15080, s1;
	s19 =	sor.u32 s15, s18;
	v19 =	vld [tilespmem:s17+$0x0]  }
0x1af: {  	s20 =	sor.u32 s9, s14;
	v20 =	vld [tilespmem:s19+$0x0]  }
0x1b0: {  	s8 =	sor.u32 s15, s14;
	v21 =	vld [tilespmem:s20+$0x0]  }
0x1b1: {  	s21 =	sadd.s32 $0x15180, s1;
	s17 =	sor.u32 s9, s18;
	v18 =	vld [tilespmem:s8+$0x0]  }
0x1b2: {  	s18 =	sadd.s32 $0x15200, s1;
	s8 =	sor.u32 s15, s21;
	v23 =	vld [tilespmem:s17+$0x0]  }
0x1b3: {  	s19 =	sor.u32 s15, s18;
	v22 =	vld [tilespmem:s8+$0x0]  }
0x1b4: {  	s20 =	sor.u32 s9, s21;
	v24 =	vld [tilespmem:s19+$0x0]  }
0x1b5: {  	s21 =	sadd.s32 $0x15280, s1;
	s17 =	sor.u32 s9, s18;
	v25 =	vld [tilespmem:s20+$0x0]  }
0x1b6: {  	s18 =	sadd.s32 $0x15300, s1;
	s8 =	sor.u32 s15, s21;
	v27 =	vld [tilespmem:s17+$0x0]  }
0x1b7: {  	s19 =	sor.u32 s15, s18;
	v26 =	vld [tilespmem:s8+$0x0]  }
0x1b8: {  	s1 =	sadd.s32 $0x15380, s1;
	s20 =	sor.u32 s9, s21;
	v28 =	vld [tilespmem:s19+$0x0]  }
0x1b9: {  	s21 =	sor.u32 s15, s1;
	v29 =	vld [tilespmem:s20+$0x0];
	s19 =	simm.s32 $0x100;
	s8 =	simm.s32 $0x20;
	v1 =	vadd.f32 v2, v1  }
0x1ba: {  	s18 =	sor.u32 s9, s18;
	s13 =	sand.u32 $0x60, s8;
	s17 =	sand.u32 $0x1C00, s19;
	v2 =	vadd.f32 v5, v3;
	v3 =	vld [tilespmem:s21+$0x0]  }
0x1bb: {  	s1 =	sor.u32 s9, s1;
	s20 =	sadd.s32 $0x13C00, s17;
	s9 =	sor.u32 $0x10, s13;
	v5 =	vld [tilespmem:s18+$0x0];
	v1 =	vadd.f32 v4, v1  }
0x1bc: {  	s21 =	sor.u32 s9, s20;
	v2 =	vadd.f32 v7, v2;
	v4 =	vld [tilespmem:s1+$0x0]  }
0x1bd: {  	v7 =	vld [tilespmem:s21+$0x0];
	v1 =	vadd.f32 v6, v1  }
0x1be: {  	s3 =	sor.u32 s13, s20;
	v2 =	vadd.f32 v9, v2;
	v6 =	vld [tilespmem:s21+$0x80]  }
0x1bf: {  	v45 =	vld [tilespmem:s3+$0x0];
	v1 =	vadd.f32 v8, v1  }
0x1c0: {  	v2 =	vadd.f32 v11, v2;
	v8 =	vld [tilespmem:s21+$0x100]  }
0x1c1: {  	v46 =	vld [tilespmem:s3+$0x80];
	v1 =	vadd.f32 v10, v1  }
0x1c2: {  	v47 =	vld [tilespmem:s21+$0x180];
	v2 =	vadd.f32 v13, v2  }
0x1c3: {  	v6 =	vadd.f32 v6, v7;
	v7 =	vld [tilespmem:s3+$0x100];
	v1 =	vadd.f32 v12, v1  }
0x1c4: {  	v48 =	vld [tilespmem:s21+$0x200];
	v2 =	vadd.f32 v15, v2  }
0x1c5: {  	v6 =	vadd.f32 v8, v6;
	v8 =	vld [tilespmem:s3+$0x180];
	v1 =	vadd.f32 v14, v1  }
0x1c6: {  	v49 =	vld [tilespmem:s21+$0x280];
	v9 =	vadd.f32 v46, v45;
	v2 =	vadd.f32 v17, v2  }
0x1c7: {  	v50 =	vld [tilespmem:s3+$0x200];
	v6 =	vadd.f32 v47, v6;
	v1 =	vadd.f32 v16, v1  }
0x1c8: {  	v51 =	vld [tilespmem:s21+$0x300];
	v2 =	vadd.f32 v19, v2;
	v7 =	vadd.f32 v7, v9  }
0x1c9: {  	v52 =	vld [tilespmem:s3+$0x280];
	v6 =	vadd.f32 v48, v6;
	v1 =	vadd.f32 v18, v1  }
0x1ca: {  	s18 =	sadd.s32 $0x15000, s17;
	v53 =	vld [tilespmem:s21+$0x380];
	v2 =	vadd.f32 v21, v2;
	v7 =	vadd.f32 v8, v7  }
0x1cb: {  	s19 =	sor.u32 s9, s18;
	v8 =	vld [tilespmem:s3+$0x300];
	v6 =	vadd.f32 v49, v6;
	v1 =	vadd.f32 v20, v1  }
0x1cc: {  	s20 =	sadd.s32 $0x15080, s17;
	v54 =	vld [tilespmem:s19+$0x0];
	v2 =	vadd.f32 v23, v2;
	v7 =	vadd.f32 v50, v7  }
0x1cd: {  	v55 =	vld [tilespmem:s3+$0x380];
	s21 =	sor.u32 s9, s20;
	v6 =	vadd.f32 v51, v6;
	v1 =	vadd.f32 v22, v1  }
0x1ce: {  	s14 =	sadd.s32 $0x15100, s17;
	v56 =	vld [tilespmem:s21+$0x0];
	s3 =	sor.u32 s13, s18;
	v2 =	vadd.f32 v25, v2;
	v7 =	vadd.f32 v52, v7  }
0x1cf: {  	s19 =	sor.u32 s9, s14;
	v57 =	vld [tilespmem:s3+$0x0];
	v6 =	vadd.f32 v53, v6;
	v1 =	vadd.f32 v24, v1  }
0x1d0: {  	v58 =	vld [tilespmem:s19+$0x0];
	s20 =	sor.u32 s13, s20;
	s21 =	sadd.s32 $0x15180, s17;
	v2 =	vadd.f32 v27, v2;
	v7 =	vadd.f32 v8, v7  }
0x1d1: {  	s3 =	sor.u32 s9, s21;
	v8 =	vld [tilespmem:s20+$0x0];
	v6 =	vadd.f32 v54, v6;
	v1 =	vadd.f32 v26, v1  }
0x1d2: {  	s14 =	sor.u32 s13, s14;
	s19 =	sadd.s32 $0x15200, s17;
	v59 =	vld [tilespmem:s3+$0x0];
	v2 =	vadd.f32 v29, v2;
	v7 =	vadd.f32 v55, v7  }
0x1d3: {  	v60 =	vld [tilespmem:s14+$0x0];
	s20 =	sor.u32 s9, s19;
	v6 =	vadd.f32 v56, v6;
	v61 =	vadd.f32 v28, v1  }
0x1d4: {  	s18 =	sadd.s32 $0x15280, s17;
	s21 =	sor.u32 s13, s21;
	v62 =	vld [tilespmem:s20+$0x0];
	v2 =	vadd.f32 v5, v2;
	v5 =	vadd.f32 v57, v7  }
0x1d5: {  	s14 =	simm.s32 $0x16680;
	s3 =	sor.u32 s9, s18;
	v1 =	vld [tilespmem:s21+$0x0];
	v6 =	vadd.f32 v58, v6;
	v7 =	vadd.f32 v3, v61  }
0x1d6: {  	s19 =	sor.u32 s13, s19;
	s20 =	sadd.s32 $0x15300, s17;
	s21 =	sand.u32 $0x380, s16;
	v63 =	vadd.f32 v4, v2;
	v2 =	vld [tilespmem:s3+$0x0];
	v5 =	vadd.f32 v8, v5  }
0x1d7: {  	s16 =	simm.s32 $0x2;
	s3 =	sor.u32 s15, s21;
	v3 =	vld [tilespmem:s19+$0x0];
	s15 =	sor.u32 s9, s20;
	v6 =	vadd.f32 v59, v6  }
0x1d8: {  	s21 =	sor.u32 s13, s18;
	s19 =	sor.u32 s13, s20;
	s20 =	sadd.s32 $0x15380, s17;
	v4 =	vld [tilespmem:s15+$0x0];
	[tilespmem:s3+$0x16680] =	vst v7;
	v7 =	vadd.f32 v60, v5  }
0x1d9: {  	s17 =	simm.s32 $0x40;
	s15 =	simm.s32 $0x200;
	[tilespmem:s14+$0x0] =	vst v63;
	v5 =	vld [tilespmem:s21+$0x0];
	s21 =	sor.u32 s9, s20;
	v6 =	vadd.f32 v62, v6  }
.LBB2_12:
0x1da: {  	s18 =	sand.u32 $0x1C00, s15;
	v1 =	vadd.f32 v1, v7;
	s1 =	sor.u32 s13, s20;
	s13 =	sand.u32 $0x60, s17;
	v7 =	vld [tilespmem:s21+$0x0]  }
0x1db: {  	s16 =	sadd.s32 $0x2, s16;
	s3 =	sadd.s32 $0x13C00, s18;
	s20 =	sor.u32 $0x10, s13;
	v8 =	vld [tilespmem:s19+$0x0];
	v2 =	vadd.f32 v2, v6  }
0x1dc: {  	p0 =	slt.u32 s16, $0x26;
	s19 =	sor.u32 s13, s3;
	s3 =	sor.u32 s20, s3;
	v1 =	vadd.f32 v3, v1;
	v3 =	vld [tilespmem:s1+$0x0]  }
0x1dd: {  	v6 =	vld [tilespmem:s3+$0x0];
	v2 =	vadd.f32 v4, v2  }
0x1de: {  	v4 =	vld [tilespmem:s3+$0x80];
	v1 =	vadd.f32 v5, v1  }
0x1df: {  	s1 =	sand.u32 $0x380, s8;
	s8 =	smov.u32 s17;
	v5 =	vld [tilespmem:s19+$0x0];
	v2 =	vadd.f32 v7, v2  }
0x1e0: {  	s1 =	sor.u32 s9, s1;
	s9 =	smov.u32 s20;
	v7 =	vld [tilespmem:s3+$0x100];
	v1 =	vadd.f32 v8, v1  }
0x1e1: {  	v8 =	vld [tilespmem:s19+$0x80];
	[tilespmem:s1+$0x16680] =	vst v2  }
0x1e2: {  	v2 =	vld [tilespmem:s3+$0x180];
	v1 =	vadd.f32 v3, v1  }
0x1e3: {  	s14 =	sadd.s32 $0x20, s14;
	v3 =	vld [tilespmem:s19+$0x100];
	v4 =	vadd.f32 v4, v6  }
0x1e4: {  	v6 =	vld [tilespmem:s3+$0x200];
	[tilespmem:s14+$0x0] =	vst v1  }
0x1e5: {  	v1 =	vld [tilespmem:s19+$0x180];
	v4 =	vadd.f32 v7, v4  }
0x1e6: {  	v5 =	vadd.f32 v8, v5;
	v7 =	vld [tilespmem:s3+$0x280]  }
0x1e7: {  	v8 =	vld [tilespmem:s19+$0x200];
	v2 =	vadd.f32 v2, v4  }
0x1e8: {  	v3 =	vadd.f32 v3, v5;
	v4 =	vld [tilespmem:s3+$0x300]  }
0x1e9: {  	v5 =	vld [tilespmem:s19+$0x280];
	v2 =	vadd.f32 v6, v2  }
0x1ea: {  	s1 =	sadd.s32 $0x15000, s18;
	v1 =	vadd.f32 v1, v3;
	v3 =	vld [tilespmem:s3+$0x380]  }
0x1eb: {  	s3 =	sor.u32 s13, s1;
	s1 =	sor.u32 s9, s1;
	v6 =	vld [tilespmem:s19+$0x300];
	v2 =	vadd.f32 v7, v2  }
0x1ec: {  	s20 =	sadd.s32 $0x15080, s18;
	v1 =	vadd.f32 v8, v1;
	v7 =	vld [tilespmem:s1+$0x0]  }
0x1ed: {  	s1 =	sor.u32 s13, s20;
	v8 =	vld [tilespmem:s19+$0x380];
	v2 =	vadd.f32 v4, v2;
	s19 =	sor.u32 s9, s20  }
0x1ee: {  	s20 =	sadd.s32 $0x15100, s18;
	v1 =	vadd.f32 v5, v1;
	v4 =	vld [tilespmem:s19+$0x0]  }
0x1ef: {  	s19 =	sor.u32 s9, s20;
	v5 =	vld [tilespmem:s3+$0x0];
	s3 =	sor.u32 s13, s20;
	v2 =	vadd.f32 v3, v2  }
0x1f0: {  	s20 =	sadd.s32 $0x15180, s18;
	v1 =	vadd.f32 v6, v1;
	v3 =	vld [tilespmem:s19+$0x0]  }
0x1f1: {  	s19 =	sor.u32 s9, s20;
	v6 =	vld [tilespmem:s1+$0x0];
	s1 =	sor.u32 s13, s20;
	v2 =	vadd.f32 v7, v2  }
0x1f2: {  	s20 =	sadd.s32 $0x15200, s18;
	v1 =	vadd.f32 v8, v1;
	v7 =	vld [tilespmem:s19+$0x0]  }
0x1f3: {  	s19 =	sor.u32 s9, s20;
	v8 =	vld [tilespmem:s3+$0x0];
	s3 =	sor.u32 s13, s20;
	v2 =	vadd.f32 v4, v2  }
0x1f4: {  	s20 =	sadd.s32 $0x15280, s18;
	v4 =	vadd.f32 v5, v1;
	v9 =	vld [tilespmem:s19+$0x0]  }
.Ltmp5:
0x1f5: {  	s19 =	sor.u32 s9, s20;
	v1 =	vld [tilespmem:s1+$0x0];
	s1 =	sor.u32 s13, s20;
	v5 =	vadd.f32 v3, v2;
	(pc) =	sbr.rel @p0 .LBB2_12-.Ltmp5, $4  }
0x1f6: {  	s20 =	sadd.s32 $0x15300, s18;
	v4 =	vadd.f32 v6, v4;
	v2 =	vld [tilespmem:s19+$0x0]  }
0x1f7: {  	s19 =	sor.u32 s13, s20;
	v3 =	vld [tilespmem:s3+$0x0];
	v6 =	vadd.f32 v7, v5;
	s3 =	sor.u32 s9, s20  }
0x1f8: {  	s20 =	sadd.s32 $0x15380, s18;
	v7 =	vadd.f32 v8, v4;
	v4 =	vld [tilespmem:s3+$0x0]  }
0x1f9: {  	s15 =	sadd.s32 $0x100, s15;
	s17 =	sadd.s32 $0x20, s17;
	s21 =	sor.u32 s9, s20;
	v5 =	vld [tilespmem:s1+$0x0];
	v6 =	vadd.f32 v9, v6  }
0x1fa: {  	v1 =	vadd.f32 v1, v7  }
0x1fb: {  	v63 =	vld [tilespmem:s19+$0x0]  }
0x1fc: {  	s1 =	sor.u32 s13, s20;
	v8 =	vld [tilespmem:s21+$0x0];
	v1 =	vadd.f32 v3, v1  }
0x1fd: {  	v2 =	vadd.f32 v2, v6;
	v3 =	vld [tilespmem:s1+$0x0]  }
0x1fe: {  	v1 =	vadd.f32 v5, v1  }
0x1ff: {  	v2 =	vadd.f32 v4, v2  }
0x200: {  	v1 =	vadd.f32 v63, v1  }
0x201: {  	s20 =	sand.u32 $0x380, s8;
	v2 =	vadd.f32 v8, v2  }
0x202: {  	s1 =	sor.u32 s9, s20;
	v1 =	vadd.f32 v3, v1  }
0x203: {  	s21 =	sadd.s32 $0x20, s14;
	[tilespmem:s1+$0x16680] =	vst v2  }
0x204: {  	[tilespmem:s21+$0x0] =	vst v1  }
0x205: {  	s1 =	rddreg [dreg:$0xb]  }
0x206: {  	[hbm4b:s1+s24] =	stream.strided.scatter [tilespmem:s5], [sflag:$0x2], $0x280, s25, s24, $0x200038;
	[tilespmem:$0x19580] =	vst v63  }
0x207: {  	_ =	swait.ge [sflag:s29], $0x2780  }
0x208: {  	[sflag:s29] =	ssyncset.done $0x0  }
0x209: {  	[sflag:s29] =	ssyncadd.s32 $0xFFFFD880  }
0x20a: {  	_ =	swait.ge [sflag:s29], $0x2780  }
0x20b: {  	[sflag:s29] =	ssyncset.done $0x0  }
0x20c: {  	[sflag:s29] =	ssyncadd.s32 $0xFFFFD880  }
0x20d: {  	s8 =	simm.s32 $0xEC40;
	_ =	strace $0x9000004C  }
0x20e: {  	v1 =	vld [tilespmem:$0x16980];
	_ =	strace $0x8000004D;
	[tilespmem:s8+$0xFFFFFFC0] =	vst v0  }
0x20f: {  	[tilespmem:s8+$0x30] =	vst v0  }
0x210: {  	[tilespmem:s8+$0x20] =	vst v0  }
0x211: {  	[tilespmem:s8+$0x10] =	vst v0  }
0x212: {  	[tilespmem:s8+$0x0] =	vst v0  }
0x213: {  	[tilespmem:s8+$0xFFFFFFF0] =	vst v0  }
0x214: {  	s9 =	simm.s32 $0x0;
	[tilespmem:s8+$0xFFFFFFE0] =	vst v0  }
.LBB2_14:
0x215: {  	s9 =	sadd.s32 $0x8, s9;
	[tilespmem:s8+$0xFFFFFFD0] =	vst v0;
	s8 =	sadd.s32 $0x80, s8  }
0x216: {  	[tilespmem:s8+$0xFFFFFFC0] =	vst v0;
	p0 =	slt.u32 s9, $0x278  }
0x217: {  	[tilespmem:s8+$0x30] =	vst v0  }
.Ltmp6:
0x218: {  	[tilespmem:s8+$0x20] =	vst v0;
	(pc) =	sbr.rel @p0 .LBB2_14-.Ltmp6, $4  }
0x219: {  	[tilespmem:s8+$0x10] =	vst v0  }
0x21a: {  	[tilespmem:s8+$0x0] =	vst v0  }
0x21b: {  	[tilespmem:s8+$0xFFFFFFF0] =	vst v0  }
0x21c: {  	[tilespmem:s8+$0xFFFFFFE0] =	vst v0  }
0x21d: {  	[tilespmem:s8+$0xFFFFFFD0] =	vst v0  }
0x21e: {  	_ =	strace $0x9000004D  }
0x21f: {  	s1 =	simm.s32 $0x50;
	_ =	strace $0x8000004E  }
0x220: {  	v3 =	vld [tilespmem:s1+$0xFFFFFFF0]  }
0x221: {  	v2 =	vld [tilespmem:s1+$0xFFFFFFB0]  }
0x222: {  	v5 =	vld [tilespmem:s1+$0x20]  }
0x223: {  	s3 =	simm.s32 $0x0;
	v6 =	vld [tilespmem:s1+$0xFFFFFFE0]  }
0x224: {  	s8 =	sand.u32 $0x7FE0, s3;
	v4 =	vld [tilespmem:s1+$0xFFFFFFC0]  }
0x225: {  	v8 =	vld [tilespmem:s8+$0x80];
	v11 =	vshra.s32 v3, $0x10  }
0x226: {  	v13 =	vld [tilespmem:s1+$0xFFFFFFD0];
	v14 =	vand.u32 $0xFFFF, v3  }
0x227: {  	v12 =	vld [tilespmem:s1+$0x10];
	v7 =	vand.u32 $0xFFFF, v2  }
0x228: {  	v15 =	vld [tilespmem:s1+$0x0];
	v9 =	vshra.s32 v2, $0x10  }
0x229: {  	v16 =	vld [tilespmem:s1+$0x40];
	v3 =	vshra.s32 v4, $0x10  }
0x22a: {  	v17 =	vand.u32 $0xFFFF, v4;
	v18 =	vld.idx.msk [tilespmem:v11+s28+$0x0], $0xffff  }
0x22b: {  	v10 =	vshra.s32 v13, $0x10;
	v14 =	vld.idx.msk [tilespmem:v14+s26+$0x0], $0xffff  }
0x22c: {  	v13 =	vand.u32 $0xFFFF, v13;
	v7 =	vld.idx.msk [tilespmem:v7+s26+$0x0], $0xffff  }
0x22d: {  	v2 =	vshra.s32 v8, $0x10;
	v19 =	vld.idx.msk [tilespmem:v9+s28+$0x0], $0xffff  }
0x22e: {  	v21 =	vand.u32 $0xFFFF, v8;
	v20 =	vld.idx.msk [tilespmem:v3+s28+$0x0], $0xffff  }
0x22f: {  	v23 =	vand.u32 $0xFFFF, v6;
	v17 =	vld.idx.msk [tilespmem:v17+s26+$0x0], $0xffff  }
0x230: {  	v24 =	vand.u32 $0xFFFF, v5;
	v25 =	vld.idx.msk [tilespmem:v10+s28+$0x0], $0xffff;
	v14 =	vadd.f32 v18, v14  }
0x231: {  	v4 =	vshra.s32 v5, $0x10;
	v5 =	vshra.s32 v6, $0x10;
	v13 =	vld.idx.msk [tilespmem:v13+s26+$0x0], $0xffff  }
0x232: {  	v6 =	vshra.s32 v15, $0x10;
	v22 =	vld.idx.msk [tilespmem:v2+s28+$0x0], $0xffff;
	v18 =	vadd.f32 v19, v7;
	v7 =	vmul.f32 $2.000000030e-01, v14  }
0x233: {  	v8 =	vshra.s32 v12, $0x10;
	v26 =	vand.u32 $0xFFFF, v12;
	v15 =	vand.u32 $0xFFFF, v15;
	v21 =	vld.idx.msk [tilespmem:v21+s26+$0x0], $0xffff  }
0x234: {  	v23 =	vld.idx.msk [tilespmem:v23+s26+$0x0], $0xffff;
	v17 =	vadd.f32 v20, v17;
	v12 =	vmul.f32 $2.000000030e-01, v18;
	v14 =	vmax.f32 v14, v7  }
0x235: {  	v62 =	vand.u32 $0xFFFF, v16;
	v24 =	vld.idx.msk [tilespmem:v24+s26+$0x0], $0xffff;
	v14 =	vsub.f32 v14, v1  }
0x236: {  	v19 =	vld.idx.msk [tilespmem:v4+s28+$0x0], $0xffff;
	v13 =	vadd.f32 v25, v13;
	v27 =	vmul.f32 $2.000000030e-01, v17;
	v12 =	vmax.f32 v18, v12  }
0x237: {  	v20 =	vld.idx.msk [tilespmem:v5+s28+$0x0], $0xffff;
	v7 =	vshra.s32 v16, $0x10;
	v16 =	vsub.f32 v12, v1;
	v18 =	vmul.f32 $1.442695020e+00, v14  }
0x238: {  	v29 =	vadd.f32 v22, v21;
	v28 =	vmul.f32 $2.000000030e-01, v13;
	v22 =	vmax.f32 v17, v27;
	v17 =	vld.idx.msk [tilespmem:v15+s26+$0x0], $0xffff  }
0x239: {  	v12 =	vld.idx.msk [tilespmem:v6+s28+$0x0], $0xffff;
	v21 =	vmul.f32 $1.442695020e+00, v16;
	(erf) = vpow2.f32 v18  }
0x23a: {  	v14 =	vld.idx.msk [tilespmem:v8+s28+$0x0], $0xffff  }
0x23b: {  	v63 =	vmax.f32 v13, v28;
	v15 =	vmul.f32 $2.000000030e-01, v29;
	v16 =	vld.idx.msk [tilespmem:v26+s26+$0x0], $0xffff;
	(erf) = vpow2.f32 v21  }
0x23c: {  	s9 =	simm.s32 $0x4ED0;
	s13 =	simm.s32 $0x0;
	v13 =	vld.idx.msk [tilespmem:v7+s28+$0x0], $0xffff;
	v21 =	vsub.f32 v22, v1;
	v22 =	vsub.f32 v63, v1  }
0x23d: {  	s14 =	simm.s32 $0xF0;
	s15 =	simm.s32 $0x4F70;
	s16 =	simm.s32 $0xA0;
	v20 =	vadd.f32 v20, v23;
	v18 =	vadd.f32 v19, v24;
	v19 =	vmax.f32 v29, v15;
	v15 =	vld.idx.msk [tilespmem:v62+s26+$0x0], $0xffff  }
.LBB2_16:
0x23e: {  	v23 =	vld [tilespmem:s14+$0xFFFFFFB0];
	s17 =	sand.u32 $0x7FE0, s16;
	s13 =	sadd.s32 $0xA, s13;
	v21 =	vmul.f32 $1.442695020e+00, v21;
	v22 =	vmul.f32 $1.442695020e+00, v22;
	v19 =	vsub.f32 v19, v1  }
0x23f: {  	v26 =	vmul.f32 $2.000000030e-01, v18;
	v24 =	vld [tilespmem:s14+$0x20];
	p0 =	slt.u32 s13, $0x4D8;
	v25 =	vmul.f32 $2.000000030e-01, v20  }
0x240: {  	v14 =	vadd.f32 v14, v16;
	v27 =	vld [tilespmem:s14+$0xFFFFFFE0];
	v16 =	vmul.f32 $1.442695020e+00, v19;
	(erf) = vpow2.f32 v22  }
0x241: {  	v12 =	vadd.f32 v12, v17;
	v17 =	vmax.f32 v18, v26;
	v19 =	vld [tilespmem:s14+$0xFFFFFFF0];
	(erf) = vpow2.f32 v21  }
0x242: {  	v20 =	vmax.f32 v20, v25;
	v28 =	vmul.f32 $2.000000030e-01, v14;
	v17 =	vsub.f32 v17, v1;
	v18 =	vld [tilespmem:s14+$0xFFFFFFC0];
	v22 =	vpop (erf)  }
0x243: {  	v20 =	vsub.f32 v20, v1;
	v26 =	vmul.f32 $2.000000030e-01, v12;
	v13 =	vadd.f32 v13, v15;
	v25 =	vld [tilespmem:s17+$0x80];
	[tilespmem:s9+$0xFFFFFFF0] =	vst v22  }
0x244: {  	v15 =	vand.u32 $0xFFFF, v23;
	v14 =	vmax.f32 v14, v28;
	v17 =	vmul.f32 $1.442695020e+00, v17;
	[tilespmem:v11+s30+$0x0] =	vst.idx.add.f32.msk $0xffff, v22;
	v21 =	vpop (erf)  }
0x245: {  	v22 =	vshra.s32 v23, $0x10;
	v20 =	vmul.f32 $1.442695020e+00, v20;
	v12 =	vmax.f32 v12, v26;
	v23 =	vld [tilespmem:s14+$0x10];
	[tilespmem:s9+$0xFFFFFFB0] =	vst v21  }
0x246: {  	v14 =	vsub.f32 v14, v1;
	v12 =	vsub.f32 v12, v1;
	v11 =	vshra.s32 v19, $0x10;
	[tilespmem:v9+s30+$0x0] =	vst.idx.add.f32.msk $0xffff, v21  }
0x247: {  	v9 =	vmovc v22;
	v21 =	vshra.s32 v18, $0x10;
	v18 =	vand.u32 $0xFFFF, v18;
	v26 =	vld [tilespmem:s14+$0x0];
	(erf) = vpow2.f32 v17  }
0x248: {  	v28 =	vmul.f32 $2.000000030e-01, v13;
	v22 =	vshra.s32 v27, $0x10;
	v27 =	vand.u32 $0xFFFF, v27;
	v17 =	vld [tilespmem:s14+$0xFFFFFFD0]  }
0x249: {  	v29 =	vshra.s32 v25, $0x10;
	v25 =	vand.u32 $0xFFFF, v25;
	v15 =	vld.idx.msk [tilespmem:v15+s26+$0x0], $0xffff;
	v30 =	vpop (erf);
	(erf) = vpow2.f32 v20  }
0x24a: {  	v19 =	vand.u32 $0xFFFF, v19;
	v14 =	vmul.f32 $1.442695020e+00, v14;
	v12 =	vmul.f32 $1.442695020e+00, v12;
	v20 =	vld [tilespmem:s14+$0x40];
	[tilespmem:s9+$0xFFFFFFD0] =	vst v30;
	v31 =	vpop (erf)  }
0x24b: {  	v13 =	vmax.f32 v13, v28;
	v32 =	vshra.s32 v23, $0x10;
	[tilespmem:v10+s30+$0x0] =	vst.idx.add.f32.msk $0xffff, v30  }
0x24c: {  	v30 =	vshra.s32 v24, $0x10;
	v24 =	vand.u32 $0xFFFF, v24;
	v28 =	vld.idx.msk [tilespmem:v9+s28+$0x0], $0xffff;
	[tilespmem:s9+$0xFFFFFFC0] =	vst v31;
	(erf) = vpow2.f32 v12  }
0x24d: {  	v33 =	vshra.s32 v26, $0x10;
	v26 =	vand.u32 $0xFFFF, v26;
	v12 =	vld.idx.msk [tilespmem:v21+s28+$0x0], $0xffff;
	v10 =	vshra.s32 v17, $0x10  }
0x24e: {  	v13 =	vsub.f32 v13, v1;
	v34 =	vld.idx.msk [tilespmem:v11+s28+$0x0], $0xffff;
	(erf) = vpow2.f32 v14  }
0x24f: {  	v14 =	vld.idx.msk [tilespmem:v19+s26+$0x0], $0xffff;
	v19 =	vshra.s32 v20, $0x10;
	v35 =	vand.u32 $0xFFFF, v20  }
0x250: {  	v13 =	vmul.f32 $1.442695020e+00, v13;
	v20 =	vand.u32 $0xFFFF, v23;
	v23 =	vld.idx.msk [tilespmem:v29+s28+$0x0], $0xffff;
	v36 =	vpop (erf);
	(erf) = vpow2.f32 v16  }
0x251: {  	v16 =	vld.idx.msk [tilespmem:v18+s26+$0x0], $0xffff;
	[tilespmem:s9+$0x20] =	vst v36  }
0x252: {  	v15 =	vadd.f32 v28, v15;
	v18 =	vld.idx.msk [tilespmem:v10+s28+$0x0], $0xffff;
	v28 =	vpop (erf);
	(erf) = vpow2.f32 v13  }
0x253: {  	v13 =	vand.u32 $0xFFFF, v17;
	v37 =	vld.idx.msk [tilespmem:v30+s28+$0x0], $0xffff;
	[tilespmem:s9+$0xFFFFFFE0] =	vst v28  }
0x254: {  	v17 =	vmul.f32 $2.000000030e-01, v15;
	[tilespmem:v3+s30+$0x0] =	vst.idx.add.f32.msk $0xffff, v31;
	v3 =	vmov v21  }
0x255: {  	[tilespmem:v4+s30+$0x0] =	vst.idx.add.f32.msk $0xffff, v36;
	v21 =	vpop (erf);
	v4 =	vmov v30  }
0x256: {  	v15 =	vmax.f32 v15, v17;
	v17 =	vld.idx.msk [tilespmem:v25+s26+$0x0], $0xffff;
	[tilespmem:s9+$0x0] =	vst v21  }
0x257: {  	v15 =	vsub.f32 v15, v1;
	[tilespmem:v6+s30+$0x0] =	vst.idx.add.f32.msk $0xffff, v21;
	v21 =	vpop (erf);
	v6 =	vmov v33  }
0x258: {  	v14 =	vadd.f32 v34, v14;
	v13 =	vld.idx.msk [tilespmem:v13+s26+$0x0], $0xffff;
	[tilespmem:s9+$0x10] =	vst v21  }
0x259: {  	[tilespmem:v8+s30+$0x0] =	vst.idx.add.f32.msk $0xffff, v21;
	v21 =	vpop (erf);
	v8 =	vmov v32  }
0x25a: {  	v25 =	vld.idx.msk [tilespmem:v27+s26+$0x0], $0xffff;
	v27 =	vmul.f32 $2.000000030e-01, v14;
	[tilespmem:s8+$0x4F00] =	vst v21;
	s8 =	smov.u32 s17  }
0x25b: {  	[tilespmem:v5+s30+$0x0] =	vst.idx.add.f32.msk $0xffff, v28;
	v28 =	vpop (erf);
	v5 =	vmov v22  }
0x25c: {  	v14 =	vmax.f32 v14, v27;
	v24 =	vld.idx.msk [tilespmem:v24+s26+$0x0], $0xffff;
	[tilespmem:s9+$0x40] =	vst v28;
	s9 =	smov.u32 s15  }
0x25d: {  	v14 =	vsub.f32 v14, v1;
	[tilespmem:v2+s30+$0x0] =	vst.idx.add.f32.msk $0xffff, v21;
	v2 =	vmov v29  }
0x25e: {  	v16 =	vadd.f32 v12, v16;
	v13 =	vadd.f32 v18, v13;
	[tilespmem:v7+s30+$0x0] =	vst.idx.add.f32.msk $0xffff, v28;
	v7 =	vmov v19  }
0x25f: {  	v19 =	vld.idx.msk [tilespmem:v22+s28+$0x0], $0xffff;
	v18 =	vmul.f32 $1.442695020e+00, v14  }
0x260: {  	v21 =	vmul.f32 $2.000000030e-01, v16;
	v22 =	vmul.f32 $2.000000030e-01, v13;
	v12 =	vld.idx.msk [tilespmem:v33+s28+$0x0], $0xffff  }
.Ltmp7:
0x261: {  	v15 =	vmul.f32 $1.442695020e+00, v15;
	v23 =	vadd.f32 v23, v17;
	v14 =	vld.idx.msk [tilespmem:v32+s28+$0x0], $0xffff;
	(erf) = vpow2.f32 v18;
	(pc) =	sbr.rel @p0 .LBB2_16-.Ltmp7, $4  }
0x262: {  	v21 =	vmax.f32 v16, v21;
	v13 =	vmax.f32 v13, v22;
	v16 =	vld.idx.msk [tilespmem:v20+s26+$0x0], $0xffff  }
0x263: {  	v18 =	vadd.f32 v37, v24;
	v24 =	vmul.f32 $2.000000030e-01, v23;
	v17 =	vld.idx.msk [tilespmem:v26+s26+$0x0], $0xffff;
	(erf) = vpow2.f32 v15  }
0x264: {  	v21 =	vsub.f32 v21, v1;
	v22 =	vsub.f32 v13, v1;
	v13 =	vld.idx.msk [tilespmem:v7+s28+$0x0], $0xffff  }
0x265: {  	s16 =	sadd.s32 $0xA0, s16;
	s14 =	sadd.s32 $0xA0, s14;
	s15 =	sadd.s32 $0xA0, s15;
	v20 =	vadd.f32 v19, v25;
	v19 =	vmax.f32 v23, v24;
	v15 =	vld.idx.msk [tilespmem:v35+s26+$0x0], $0xffff  }
0x266: {  	v23 =	vmul.f32 $2.000000030e-01, v18  }
0x267: {  	v22 =	vmul.f32 $1.442695020e+00, v22;
	v24 =	vmul.f32 $2.000000030e-01, v20  }
0x268: {  	v21 =	vmul.f32 $1.442695020e+00, v21;
	v12 =	vadd.f32 v12, v17;
	v50 =	vmax.f32 v18, v23  }
0x269: {  	(erf) = vpow2.f32 v22;
	v51 =	vmax.f32 v20, v24;
	v17 =	vsub.f32 v50, v1  }
0x26a: {  	v14 =	vadd.f32 v14, v16;
	v16 =	vsub.f32 v51, v1;
	v52 =	vmul.f32 $2.000000030e-01, v12  }
0x26b: {  	(erf) = vpow2.f32 v21;
	v17 =	vmul.f32 $1.442695020e+00, v17  }
0x26c: {  	v53 =	vmul.f32 $2.000000030e-01, v14;
	v16 =	vmul.f32 $1.442695020e+00, v16;
	v12 =	vmax.f32 v12, v52  }
0x26d: {  	v13 =	vadd.f32 v13, v15;
	v12 =	vsub.f32 v12, v1;
	(erf) = vpow2.f32 v17  }
0x26e: {  	v54 =	vpop (erf);
	v14 =	vmax.f32 v14, v53;
	(erf) = vpow2.f32 v16  }
0x26f: {  	[tilespmem:s9+$0xFFFFFFF0] =	vst v54;
	v14 =	vsub.f32 v14, v1;
	v55 =	vmul.f32 $2.000000030e-01, v13;
	v12 =	vmul.f32 $1.442695020e+00, v12  }
0x270: {  	v56 =	vsub.f32 v19, v1;
	[tilespmem:v11+s30+$0x0] =	vst.idx.add.f32.msk $0xffff, v54;
	v57 =	vpop (erf)  }
0x271: {  	[tilespmem:s9+$0xFFFFFFB0] =	vst v57;
	v14 =	vmul.f32 $1.442695020e+00, v14;
	v58 =	vmax.f32 v13, v55;
	(erf) = vpow2.f32 v12  }
0x272: {  	[tilespmem:v9+s30+$0x0] =	vst.idx.add.f32.msk $0xffff, v57;
	v1 =	vsub.f32 v58, v1;
	v60 =	vpop (erf)  }
0x273: {  	v59 =	vmul.f32 $1.442695020e+00, v56;
	(erf) = vpow2.f32 v14;
	[tilespmem:s9+$0xFFFFFFD0] =	vst v60  }
0x274: {  	v1 =	vmul.f32 $1.442695020e+00, v1;
	v61 =	vpop (erf);
	[tilespmem:v10+s30+$0x0] =	vst.idx.add.f32.msk $0xffff, v60  }
0x275: {  	(erf) = vpow2.f32 v59;
	[tilespmem:s9+$0xFFFFFFC0] =	vst v61  }
0x276: {  	(erf) = vpow2.f32 v1;
	[tilespmem:v3+s30+$0x0] =	vst.idx.add.f32.msk $0xffff, v61;
	v62 =	vpop (erf)  }
0x277: {  	[tilespmem:s9+$0x20] =	vst v62;
	v63 =	vpop (erf)  }
0x278: {  	[tilespmem:s9+$0xFFFFFFE0] =	vst v63  }
0x279: {  	[tilespmem:v4+s30+$0x0] =	vst.idx.add.f32.msk $0xffff, v62  }
0x27a: {  	[tilespmem:v5+s30+$0x0] =	vst.idx.add.f32.msk $0xffff, v63;
	v1 =	vpop (erf)  }
0x27b: {  	[tilespmem:s9+$0x0] =	vst v1  }
0x27c: {  	[tilespmem:v6+s30+$0x0] =	vst.idx.add.f32.msk $0xffff, v1;
	v1 =	vpop (erf)  }
0x27d: {  	[tilespmem:s9+$0x10] =	vst v1  }
0x27e: {  	[tilespmem:v8+s30+$0x0] =	vst.idx.add.f32.msk $0xffff, v1;
	v1 =	vpop (erf)  }
0x27f: {  	[tilespmem:s8+$0x4F00] =	vst v1;
	v3 =	vpop (erf)  }
0x280: {  	[tilespmem:s9+$0x40] =	vst v3  }
0x281: {  	[tilespmem:v2+s30+$0x0] =	vst.idx.add.f32.msk $0xffff, v1  }
0x282: {  	[tilespmem:v7+s30+$0x0] =	vst.idx.add.f32.msk $0xffff, v3  }
0x283: {  	_ =	strace $0x9000004E  }
0x284: {  	s1 =	rddreg [dreg:$0xc]  }
0x285: {  	[tilespmem:s26], [sflag:$0x1] =	stream.strided.gather [hbm4b:s1+s24], $0x2780, s25, s24, $0x38;
	[tilespmem:$0x19580] =	vst v63  }
0x286: {  	s21 =	rddreg [dreg:$0xd]  }
0x287: {  	[tilespmem:s28], [sflag:$0x1] =	stream.strided.gather [hbm4b:s21+s24], $0x2780, s25, s24, $0x38;
	[tilespmem:$0x19580] =	vst v63  }
0x288: {  	[bflag:$0x0] =	sbarrier.arrive $0xFFFF  }
0x289: {  	s8 =	simm.s32 $0x11440;
	_ =	strace $0x8000004F  }
0x28a: {  	[spmem:s10] =	stream.strided.scatter [tilespmem:s30], [sflag:$0x3], $0x2800, s25, s24, $0x200038;
	[tilespmem:$0x19580] =	vst v63  }
0x28b: {  	[tilespmem:s8+$0xFFFFFFC0] =	vst v0  }
0x28c: {  	[tilespmem:s8+$0x30] =	vst v0  }
0x28d: {  	[tilespmem:s8+$0x20] =	vst v0  }
0x28e: {  	[tilespmem:s8+$0x10] =	vst v0  }
0x28f: {  	[tilespmem:s8+$0x0] =	vst v0  }
0x290: {  	[tilespmem:s8+$0xFFFFFFF0] =	vst v0  }
0x291: {  	s9 =	simm.s32 $0x0;
	[tilespmem:s8+$0xFFFFFFE0] =	vst v0  }
.LBB2_18:
0x292: {  	s9 =	sadd.s32 $0x8, s9;
	[tilespmem:s8+$0xFFFFFFD0] =	vst v0;
	s8 =	sadd.s32 $0x80, s8  }
0x293: {  	[tilespmem:s8+$0xFFFFFFC0] =	vst v0;
	p0 =	slt.u32 s9, $0x278  }
0x294: {  	[tilespmem:s8+$0x30] =	vst v0  }
.Ltmp8:
0x295: {  	[tilespmem:s8+$0x20] =	vst v0;
	(pc) =	sbr.rel @p0 .LBB2_18-.Ltmp8, $4  }
0x296: {  	[tilespmem:s8+$0x10] =	vst v0  }
0x297: {  	[tilespmem:s8+$0x0] =	vst v0  }
0x298: {  	[tilespmem:s8+$0xFFFFFFF0] =	vst v0  }
0x299: {  	[tilespmem:s8+$0xFFFFFFE0] =	vst v0  }
0x29a: {  	[tilespmem:s8+$0xFFFFFFD0] =	vst v0  }
0x29b: {  	_ =	swait.ge [sflag:s31], $0x2800  }
0x29c: {  	[sflag:s31] =	ssyncset.done $0x0  }
0x29d: {  	[sflag:s31] =	ssyncadd.s32 $0xFFFFD800  }
0x29e: {  	s15 =	simm.s32 $0x0;
	[bflag:$0x0] =	sbarrier.arrive $0xFFFF  }
0x29f: {  	[tilespmem:s22], [sflag:$0x4] =	stream.strided.gather [spmem:s11], $0x2800, s2, s0, $0x200038;
	[tilespmem:$0x19580] =	vst v63  }
0x2a0: {  	s8 =	sand.u32 $0x60, s15;
	s9 =	sand.u32 $0x1C00, s15;
	_ =	swait.ge [sflag:s23], $0x2800  }
0x2a1: {  	s1 =	sadd.s32 $0x13C00, s9;
	s16 =	sor.u32 $0x10, s8;
	[sflag:s23] =	ssyncset.done $0x0  }
0x2a2: {  	s3 =	sor.u32 s16, s1;
	[sflag:s23] =	ssyncadd.s32 $0xFFFFD800  }
0x2a3: {  	v1 =	vld [tilespmem:s3+$0x0]  }
0x2a4: {  	s1 =	sor.u32 s8, s1;
	v2 =	vld [tilespmem:s3+$0x80]  }
0x2a5: {  	v3 =	vld [tilespmem:s1+$0x0]  }
0x2a6: {  	v4 =	vld [tilespmem:s3+$0x100]  }
0x2a7: {  	v5 =	vld [tilespmem:s1+$0x80]  }
0x2a8: {  	v6 =	vld [tilespmem:s3+$0x180]  }
0x2a9: {  	v7 =	vld [tilespmem:s1+$0x100]  }
0x2aa: {  	v8 =	vld [tilespmem:s3+$0x200]  }
0x2ab: {  	v9 =	vld [tilespmem:s1+$0x180]  }
0x2ac: {  	v10 =	vld [tilespmem:s3+$0x280]  }
0x2ad: {  	v11 =	vld [tilespmem:s1+$0x200]  }
0x2ae: {  	v12 =	vld [tilespmem:s3+$0x300]  }
0x2af: {  	v13 =	vld [tilespmem:s1+$0x280]  }
0x2b0: {  	s13 =	sadd.s32 $0x15000, s9;
	v14 =	vld [tilespmem:s3+$0x380]  }
0x2b1: {  	s21 =	sor.u32 s16, s13;
	v15 =	vld [tilespmem:s1+$0x300]  }
0x2b2: {  	s14 =	sadd.s32 $0x15080, s9;
	v16 =	vld [tilespmem:s21+$0x0]  }
0x2b3: {  	v17 =	vld [tilespmem:s1+$0x380];
	s3 =	sor.u32 s16, s14;
	v1 =	vadd.f32 v2, v1  }
0x2b4: {  	s18 =	sadd.s32 $0x15100, s9;
	s17 =	sor.u32 s8, s13;
	v2 =	vld [tilespmem:s3+$0x0];
	v3 =	vadd.f32 v5, v3  }
0x2b5: {  	v5 =	vld [tilespmem:s17+$0x0];
	s17 =	sor.u32 s8, s18;
	v1 =	vadd.f32 v4, v1  }
0x2b6: {  	s19 =	sor.u32 s16, s18;
	v51 =	vld [tilespmem:s17+$0x0];
	v3 =	vadd.f32 v7, v3  }
0x2b7: {  	s20 =	sor.u32 s8, s14;
	s18 =	sadd.s32 $0x15200, s9;
	v4 =	vld [tilespmem:s19+$0x0];
	v1 =	vadd.f32 v6, v1  }
0x2b8: {  	s21 =	sadd.s32 $0x15180, s9;
	s13 =	sor.u32 s8, s18;
	v7 =	vld [tilespmem:s20+$0x0];
	v3 =	vadd.f32 v9, v3  }
0x2b9: {  	s17 =	sadd.s32 $0x15300, s9;
	s20 =	sor.u32 s8, s21;
	v54 =	vld [tilespmem:s13+$0x0];
	v1 =	vadd.f32 v8, v1  }
0x2ba: {  	s19 =	sor.u32 s16, s18;
	s18 =	sor.u32 s16, s17;
	v52 =	vld [tilespmem:s20+$0x0];
	v3 =	vadd.f32 v11, v3  }
0x2bb: {  	s3 =	sor.u32 s16, s21;
	v55 =	vld [tilespmem:s18+$0x0];
	v1 =	vadd.f32 v10, v1  }
0x2bc: {  	s18 =	sor.u32 s8, s17;
	v6 =	vld [tilespmem:s3+$0x0];
	v3 =	vadd.f32 v13, v3  }
0x2bd: {  	s21 =	sadd.s32 $0x15280, s9;
	v58 =	vld [tilespmem:s18+$0x0];
	v1 =	vadd.f32 v12, v1  }
0x2be: {  	s20 =	sadd.s32 $0x15380, s9;
	v8 =	vld [tilespmem:s19+$0x0];
	s19 =	sor.u32 s8, s21;
	v3 =	vadd.f32 v15, v3  }
0x2bf: {  	s9 =	simm.s32 $0x20;
	s3 =	sor.u32 s16, s21;
	v56 =	vld [tilespmem:s19+$0x0];
	s19 =	simm.s32 $0x100;
	v1 =	vadd.f32 v14, v1  }
0x2c0: {  	s13 =	sand.u32 $0x60, s9;
	v53 =	vld [tilespmem:s3+$0x0];
	s21 =	sor.u32 s16, s20;
	s17 =	sand.u32 $0x1C00, s19;
	v3 =	vadd.f32 v17, v3  }
0x2c1: {  	s20 =	sor.u32 s8, s20;
	s8 =	sor.u32 $0x10, s13;
	v57 =	vld [tilespmem:s21+$0x0];
	s3 =	sadd.s32 $0x13C00, s17;
	v1 =	vadd.f32 v16, v1  }
0x2c2: {  	v59 =	vld [tilespmem:s20+$0x0];
	s21 =	sor.u32 s8, s3;
	v3 =	vadd.f32 v5, v3  }
0x2c3: {  	v5 =	vld [tilespmem:s21+$0x0];
	v1 =	vadd.f32 v2, v1  }
0x2c4: {  	s3 =	sor.u32 s13, s3;
	v2 =	vld [tilespmem:s21+$0x80];
	v3 =	vadd.f32 v7, v3  }
0x2c5: {  	v60 =	vld [tilespmem:s3+$0x80];
	v1 =	vadd.f32 v4, v1  }
0x2c6: {  	v4 =	vld [tilespmem:s21+$0x100];
	v3 =	vadd.f32 v51, v3  }
0x2c7: {  	v7 =	vld [tilespmem:s3+$0x0];
	v1 =	vadd.f32 v6, v1  }
0x2c8: {  	v6 =	vld [tilespmem:s21+$0x180];
	v3 =	vadd.f32 v52, v3  }
0x2c9: {  	v2 =	vadd.f32 v2, v5;
	v5 =	vld [tilespmem:s3+$0x100];
	v1 =	vadd.f32 v8, v1  }
0x2ca: {  	v8 =	vld [tilespmem:s21+$0x200];
	v3 =	vadd.f32 v54, v3  }
0x2cb: {  	v2 =	vadd.f32 v4, v2;
	v4 =	vld [tilespmem:s3+$0x180];
	v1 =	vadd.f32 v53, v1  }
0x2cc: {  	v61 =	vld [tilespmem:s21+$0x280];
	v7 =	vadd.f32 v60, v7;
	v3 =	vadd.f32 v56, v3  }
0x2cd: {  	v2 =	vadd.f32 v6, v2;
	v6 =	vld [tilespmem:s3+$0x200];
	v1 =	vadd.f32 v55, v1  }
0x2ce: {  	v5 =	vadd.f32 v5, v7;
	v7 =	vld [tilespmem:s21+$0x300];
	v3 =	vadd.f32 v58, v3  }
0x2cf: {  	v2 =	vadd.f32 v8, v2;
	v8 =	vld [tilespmem:s3+$0x280];
	v1 =	vadd.f32 v57, v1  }
0x2d0: {  	s18 =	sadd.s32 $0x15000, s17;
	v4 =	vadd.f32 v4, v5;
	v5 =	vld [tilespmem:s21+$0x380];
	v3 =	vadd.f32 v59, v3  }
0x2d1: {  	s19 =	sor.u32 s8, s18;
	v62 =	vld [tilespmem:s3+$0x300];
	v2 =	vadd.f32 v61, v2;
	v1 =	vadd.f32 $1.000000020e-16, v1  }
0x2d2: {  	s20 =	sadd.s32 $0x15080, s17;
	v4 =	vadd.f32 v6, v4;
	v6 =	vld [tilespmem:s19+$0x0];
	v3 =	vadd.f32 $1.000000020e-16, v3  }
0x2d3: {  	s21 =	sor.u32 s8, s20;
	v2 =	vadd.f32 v7, v2;
	v7 =	vld [tilespmem:s3+$0x380];
	(erf) = vrcp.f32 v1  }
0x2d4: {  	s14 =	sadd.s32 $0x15100, s17;
	s3 =	sor.u32 s13, s18;
	v1 =	vld [tilespmem:s21+$0x0];
	(erf) = vrcp.f32 v3;
	v3 =	vadd.f32 v8, v4  }
0x2d5: {  	s19 =	sor.u32 s8, s14;
	v4 =	vld [tilespmem:s3+$0x0];
	v2 =	vadd.f32 v5, v2  }
0x2d6: {  	s20 =	sor.u32 s13, s20;
	s21 =	sadd.s32 $0x15180, s17;
	v5 =	vld [tilespmem:s19+$0x0];
	v3 =	vadd.f32 v62, v3  }
0x2d7: {  	v8 =	vld [tilespmem:s20+$0x0];
	s3 =	sor.u32 s8, s21;
	v2 =	vadd.f32 v6, v2  }
0x2d8: {  	s14 =	sor.u32 s13, s14;
	s19 =	sadd.s32 $0x15200, s17;
	v6 =	vld [tilespmem:s3+$0x0];
	v3 =	vadd.f32 v7, v3  }
0x2d9: {  	s20 =	sor.u32 s8, s19;
	v7 =	vld [tilespmem:s14+$0x0];
	v1 =	vadd.f32 v1, v2  }
0x2da: {  	s18 =	sadd.s32 $0x15280, s17;
	s21 =	sor.u32 s13, s21;
	v63 =	vld [tilespmem:s20+$0x0];
	v3 =	vadd.f32 v4, v3  }
0x2db: {  	s19 =	sor.u32 s13, s19;
	s3 =	sor.u32 s8, s18;
	v2 =	vld [tilespmem:s21+$0x0];
	v4 =	vadd.f32 v5, v1  }
0x2dc: {  	s20 =	sadd.s32 $0x15300, s17;
	s14 =	simm.s32 $0x16400;
	s21 =	sand.u32 $0x380, s15;
	v1 =	vld [tilespmem:s3+$0x0];
	v8 =	vadd.f32 v8, v3  }
0x2dd: {  	s15 =	simm.s32 $0x2;
	s3 =	sor.u32 s16, s21;
	s16 =	sor.u32 s8, s20;
	v5 =	vpop (erf);
	v3 =	vld [tilespmem:s19+$0x0];
	v6 =	vadd.f32 v6, v4  }
0x2de: {  	s21 =	sor.u32 s13, s18;
	s20 =	sor.u32 s13, s20;
	s19 =	sadd.s32 $0x15380, s17;
	v4 =	vld [tilespmem:s16+$0x0];
	[tilespmem:s3+$0x16400] =	vst v5;
	v5 =	vpop (erf);
	v7 =	vadd.f32 v7, v8  }
0x2df: {  	s16 =	simm.s32 $0x200;
	s17 =	simm.s32 $0x40;
	[tilespmem:s14+$0x0] =	vst v5;
	v5 =	vld [tilespmem:s21+$0x0];
	v6 =	vadd.f32 v63, v6;
	s21 =	sor.u32 s8, s19  }
.LBB2_20:
0x2e0: {  	s18 =	sand.u32 $0x1C00, s16;
	v2 =	vadd.f32 v2, v7;
	s1 =	sor.u32 s13, s19;
	s13 =	sand.u32 $0x60, s17;
	v7 =	vld [tilespmem:s21+$0x0]  }
0x2e1: {  	s15 =	sadd.s32 $0x2, s15;
	s3 =	sadd.s32 $0x13C00, s18;
	s19 =	sor.u32 $0x10, s13;
	v8 =	vld [tilespmem:s20+$0x0];
	v1 =	vadd.f32 v1, v6  }
0x2e2: {  	p0 =	slt.u32 s15, $0x26;
	s20 =	sor.u32 s13, s3;
	s3 =	sor.u32 s19, s3;
	v2 =	vadd.f32 v3, v2;
	v3 =	vld [tilespmem:s1+$0x0]  }
0x2e3: {  	v6 =	vld [tilespmem:s3+$0x0];
	v1 =	vadd.f32 v4, v1  }
0x2e4: {  	v4 =	vld [tilespmem:s3+$0x80];
	v2 =	vadd.f32 v5, v2  }
0x2e5: {  	v5 =	vld [tilespmem:s20+$0x0];
	v1 =	vadd.f32 v7, v1  }
0x2e6: {  	v7 =	vld [tilespmem:s3+$0x100];
	v2 =	vadd.f32 v8, v2  }
0x2e7: {  	v8 =	vld [tilespmem:s20+$0x80];
	v1 =	vadd.f32 $1.000000020e-16, v1  }
0x2e8: {  	v9 =	vld [tilespmem:s3+$0x180];
	v2 =	vadd.f32 v3, v2  }
0x2e9: {  	v3 =	vld [tilespmem:s20+$0x100];
	v4 =	vadd.f32 v4, v6;
	(erf) = vrcp.f32 v1  }
0x2ea: {  	v1 =	vld [tilespmem:s3+$0x200];
	v2 =	vadd.f32 $1.000000020e-16, v2  }
0x2eb: {  	v6 =	vld [tilespmem:s20+$0x180];
	v4 =	vadd.f32 v7, v4  }
0x2ec: {  	v5 =	vadd.f32 v8, v5;
	v7 =	vld [tilespmem:s3+$0x280];
	(erf) = vrcp.f32 v2  }
0x2ed: {  	v2 =	vld [tilespmem:s20+$0x200];
	v4 =	vadd.f32 v9, v4  }
0x2ee: {  	v3 =	vadd.f32 v3, v5;
	v5 =	vld [tilespmem:s3+$0x300]  }
0x2ef: {  	v8 =	vld [tilespmem:s20+$0x280];
	v1 =	vadd.f32 v1, v4  }
0x2f0: {  	s1 =	sadd.s32 $0x15000, s18;
	v3 =	vadd.f32 v6, v3;
	v4 =	vld [tilespmem:s3+$0x380]  }
0x2f1: {  	s9 =	sand.u32 $0x380, s9;
	s3 =	sor.u32 s13, s1;
	s1 =	sor.u32 s19, s1;
	v6 =	vld [tilespmem:s20+$0x300];
	v1 =	vadd.f32 v7, v1  }
0x2f2: {  	s21 =	sadd.s32 $0x15080, s18;
	v2 =	vadd.f32 v2, v3;
	v3 =	vld [tilespmem:s1+$0x0];
	s1 =	sor.u32 s8, s9;
	v7 =	vpop (erf);
	s8 =	smov.u32 s19  }
0x2f3: {  	s19 =	sor.u32 s13, s21;
	s9 =	smov.u32 s17;
	v9 =	vld [tilespmem:s20+$0x380];
	v1 =	vadd.f32 v5, v1;
	s20 =	sor.u32 s8, s21;
	[tilespmem:s1+$0x16400] =	vst v7  }
0x2f4: {  	s1 =	sadd.s32 $0x15100, s18;
	v2 =	vadd.f32 v8, v2;
	v5 =	vld [tilespmem:s20+$0x0]  }
0x2f5: {  	s14 =	sadd.s32 $0x20, s14;
	v7 =	vld [tilespmem:s3+$0x0];
	s3 =	sor.u32 s13, s1;
	v1 =	vadd.f32 v4, v1;
	s1 =	sor.u32 s8, s1;
	v4 =	vpop (erf)  }
0x2f6: {  	s20 =	sadd.s32 $0x15180, s18;
	v2 =	vadd.f32 v6, v2;
	v6 =	vld [tilespmem:s1+$0x0];
	[tilespmem:s14+$0x0] =	vst v4  }
0x2f7: {  	s1 =	sor.u32 s13, s20;
	v4 =	vld [tilespmem:s19+$0x0];
	v1 =	vadd.f32 v3, v1;
	s19 =	sor.u32 s8, s20  }
0x2f8: {  	s20 =	sadd.s32 $0x15200, s18;
	v2 =	vadd.f32 v9, v2;
	v8 =	vld [tilespmem:s19+$0x0]  }
0x2f9: {  	s19 =	sor.u32 s8, s20;
	v9 =	vld [tilespmem:s3+$0x0];
	s3 =	sor.u32 s13, s20;
	v1 =	vadd.f32 v5, v1  }
0x2fa: {  	s20 =	sadd.s32 $0x15280, s18;
	v3 =	vadd.f32 v7, v2;
	v10 =	vld [tilespmem:s19+$0x0]  }
.Ltmp9:
0x2fb: {  	s19 =	sor.u32 s8, s20;
	v2 =	vld [tilespmem:s1+$0x0];
	s1 =	sor.u32 s13, s20;
	v5 =	vadd.f32 v6, v1;
	(pc) =	sbr.rel @p0 .LBB2_20-.Ltmp9, $4  }
0x2fc: {  	s21 =	sadd.s32 $0x15300, s18;
	v4 =	vadd.f32 v4, v3;
	v1 =	vld [tilespmem:s19+$0x0]  }
0x2fd: {  	s20 =	sor.u32 s13, s21;
	v3 =	vld [tilespmem:s3+$0x0];
	v6 =	vadd.f32 v8, v5;
	s3 =	sor.u32 s8, s21  }
0x2fe: {  	s19 =	sadd.s32 $0x15380, s18;
	v7 =	vadd.f32 v9, v4;
	v4 =	vld [tilespmem:s3+$0x0]  }
0x2ff: {  	s16 =	sadd.s32 $0x100, s16;
	s17 =	sadd.s32 $0x20, s17;
	s21 =	sor.u32 s8, s19;
	v5 =	vld [tilespmem:s1+$0x0];
	v6 =	vadd.f32 v10, v6  }
0x300: {  	v2 =	vadd.f32 v2, v7  }
0x301: {  	v44 =	vld [tilespmem:s20+$0x0]  }
0x302: {  	s1 =	sor.u32 s13, s19;
	v8 =	vld [tilespmem:s21+$0x0];
	v2 =	vadd.f32 v3, v2  }
0x303: {  	v1 =	vadd.f32 v1, v6;
	v3 =	vld [tilespmem:s1+$0x0]  }
0x304: {  	v2 =	vadd.f32 v5, v2  }
0x305: {  	v1 =	vadd.f32 v4, v1  }
0x306: {  	v2 =	vadd.f32 v44, v2  }
0x307: {  	v1 =	vadd.f32 v8, v1  }
0x308: {  	v2 =	vadd.f32 v3, v2  }
0x309: {  	v1 =	vadd.f32 $1.000000020e-16, v1  }
0x30a: {  	v2 =	vadd.f32 $1.000000020e-16, v2  }
0x30b: {  	(erf) = vrcp.f32 v1  }
0x30c: {  	(erf) = vrcp.f32 v2;
	_ =	sdelay $0x6  }
0x30d: {  	s17 =	sand.u32 $0x380, s9  }
0x30e: {  	s1 =	sor.u32 s8, s17;
	v1 =	vpop (erf)  }
0x30f: {  	s18 =	sadd.s32 $0x20, s14;
	[tilespmem:s1+$0x16400] =	vst v1;
	v1 =	vpop (erf)  }
0x310: {  	s19 =	simm.s32 $0x16400;
	[tilespmem:s18+$0x0] =	vst v1  }
0x311: {  	[spmem:s12] =	stream.linear.scatter [tilespmem:s19], [sflag:$0x4], $0x280, $0x200038;
	[tilespmem:$0x19580] =	vst v63  }
0x312: {  	_ =	swait.ge [sflag:s23], $0x280  }
0x313: {  	[sflag:s23] =	ssyncset.done $0x0  }
0x314: {  	[sflag:s23] =	ssyncadd.s32 $0xFFFFFD80  }
0x315: {  	[bflag:$0x0] =	sbarrier.arrive $0xFFFF  }
0x316: {  	s20 =	rddreg [dreg:$0x3]  }
0x317: {  	[tilespmem:s30], [sflag:$0x4] =	stream.linear.gather [spmem:s20], $0x2800, $0x200038;
	[tilespmem:$0x19580] =	vst v63  }
0x318: {  	_ =	swait.ge [sflag:s23], $0x2800  }
0x319: {  	[sflag:s23] =	ssyncset.done $0x0  }
0x31a: {  	[sflag:s23] =	ssyncadd.s32 $0xFFFFD800  }
0x31b: {  	_ =	strace $0x9000004F  }
0x31c: {  	s21 =	simm.s32 $0x50;
	s3 =	simm.s32 $0x0;
	_ =	strace $0x80000050  }
0x31d: {  	s3 =	sand.u32 $0x7FE0, s3;
	v1 =	vld [tilespmem:s21+$0x40]  }
0x31e: {  	v2 =	vld [tilespmem:s3+$0x80]  }
0x31f: {  	v3 =	vld [tilespmem:s21+$0xFFFFFFC0]  }
0x320: {  	v45 =	vld [tilespmem:s21+$0xFFFFFFD0]  }
0x321: {  	v46 =	vld [tilespmem:s21+$0xFFFFFFE0]  }
0x322: {  	v47 =	vld [tilespmem:s21+$0xFFFFFFF0]  }
0x323: {  	v49 =	vld [tilespmem:s21+$0x0]  }
0x324: {  	v10 =	vld [tilespmem:s21+$0x10]  }
0x325: {  	s8 =	simm.s32 $0x4ED0;
	v11 =	vld [tilespmem:s21+$0x20]  }
0x326: {  	v13 =	vld [tilespmem:s8+$0x40]  }
0x327: {  	v17 =	vld [tilespmem:s3+$0x4F00]  }
0x328: {  	v18 =	vld [tilespmem:s21+$0xFFFFFFB0]  }
0x329: {  	v54 =	vld [tilespmem:s8+$0xFFFFFFB0]  }
0x32a: {  	v55 =	vld [tilespmem:s8+$0xFFFFFFC0]  }
0x32b: {  	v56 =	vld [tilespmem:s8+$0xFFFFFFD0]  }
0x32c: {  	v57 =	vld [tilespmem:s8+$0xFFFFFFE0];
	v48 =	vshra.s32 v1, $0x10  }
0x32d: {  	v21 =	vld [tilespmem:s8+$0xFFFFFFF0];
	v9 =	vshra.s32 v2, $0x10  }
0x32e: {  	v22 =	vld [tilespmem:s8+$0x0];
	v12 =	vshra.s32 v3, $0x10  }
0x32f: {  	v58 =	vld [tilespmem:s8+$0x10];
	v14 =	vshra.s32 v45, $0x10  }
0x330: {  	v59 =	vld [tilespmem:s8+$0x20];
	v15 =	vshra.s32 v46, $0x10  }
0x331: {  	v16 =	vshra.s32 v47, $0x10;
	v7 =	vld.idx.msk [tilespmem:v48+s30+$0x0], $0xffff  }
0x332: {  	v50 =	vshra.s32 v11, $0x10;
	v9 =	vld.idx.msk [tilespmem:v9+s30+$0x0], $0xffff  }
0x333: {  	v51 =	vshra.s32 v18, $0x10;
	v12 =	vld.idx.msk [tilespmem:v12+s30+$0x0], $0xffff  }
0x334: {  	v1 =	vand.u32 $0xFFFF, v1;
	v14 =	vld.idx.msk [tilespmem:v14+s30+$0x0], $0xffff  }
0x335: {  	v2 =	vand.u32 $0xFFFF, v2;
	v15 =	vld.idx.msk [tilespmem:v15+s30+$0x0], $0xffff  }
0x336: {  	v19 =	vshra.s32 v49, $0x10;
	v16 =	vld.idx.msk [tilespmem:v16+s30+$0x0], $0xffff  }
0x337: {  	v20 =	vshra.s32 v10, $0x10;
	v52 =	vld.idx.msk [tilespmem:v50+s30+$0x0], $0xffff;
	v7 =	vmul.f32 v7, v13  }
0x338: {  	v3 =	vand.u32 $0xFFFF, v3;
	v53 =	vld.idx.msk [tilespmem:v51+s30+$0x0], $0xffff;
	v9 =	vmul.f32 v9, v17  }
0x339: {  	v4 =	vand.u32 $0xFFFF, v45;
	[tilespmem:v1+s4+$0x0] =	vst.idx.add.f32.msk $0xffff, v7  }
0x33a: {  	v5 =	vand.u32 $0xFFFF, v46;
	[tilespmem:v2+s4+$0x0] =	vst.idx.add.f32.msk $0xffff, v9  }
0x33b: {  	v6 =	vand.u32 $0xFFFF, v47;
	v12 =	vmul.f32 v12, v55;
	v1 =	vld.idx.msk [tilespmem:v19+s30+$0x0], $0xffff  }
0x33c: {  	v18 =	vand.u32 $0xFFFF, v18;
	v14 =	vmul.f32 v14, v56;
	v2 =	vld.idx.msk [tilespmem:v20+s30+$0x0], $0xffff  }
0x33d: {  	v61 =	vmul.f32 v15, v57;
	[tilespmem:v3+s4+$0x0] =	vst.idx.add.f32.msk $0xffff, v12;
	v3 =	vand.u32 $0xFFFF, v11  }
0x33e: {  	v8 =	vand.u32 $0xFFFF, v49;
	v62 =	vmul.f32 v16, v21;
	[tilespmem:v4+s4+$0x0] =	vst.idx.add.f32.msk $0xffff, v14  }
0x33f: {  	v60 =	vand.u32 $0xFFFF, v10;
	v9 =	vmul.f32 v53, v54;
	[tilespmem:v5+s4+$0x0] =	vst.idx.add.f32.msk $0xffff, v61  }
0x340: {  	v63 =	vmul.f32 v52, v59;
	[tilespmem:v6+s4+$0x0] =	vst.idx.add.f32.msk $0xffff, v62  }
0x341: {  	[tilespmem:v18+s4+$0x0] =	vst.idx.add.f32.msk $0xffff, v9;
	v1 =	vmul.f32 v1, v22  }
0x342: {  	v2 =	vmul.f32 v2, v58;
	[tilespmem:v3+s4+$0x0] =	vst.idx.add.f32.msk $0xffff, v63  }
0x343: {  	[tilespmem:v8+s4+$0x0] =	vst.idx.add.f32.msk $0xffff, v1  }
0x344: {  	s9 =	simm.s32 $0x0;
	s13 =	simm.s32 $0xF0;
	s14 =	simm.s32 $0xA0;
	[tilespmem:v60+s4+$0x0] =	vst.idx.add.f32.msk $0xffff, v2  }
.LBB2_22:
0x345: {  	s1 =	sand.u32 $0x7FE0, s14;
	v1 =	vld [tilespmem:s13+$0x40];
	s9 =	sadd.s32 $0xA, s9  }
0x346: {  	v2 =	vld [tilespmem:s1+$0x80];
	p0 =	slt.u32 s9, $0x4D8  }
0x347: {  	v3 =	vld [tilespmem:s13+$0xFFFFFFC0]  }
0x348: {  	v4 =	vld [tilespmem:s13+$0xFFFFFFD0]  }
0x349: {  	v5 =	vld [tilespmem:s13+$0xFFFFFFE0]  }
0x34a: {  	v6 =	vld [tilespmem:s13+$0xFFFFFFF0];
	v7 =	vshra.s32 v1, $0x10  }
0x34b: {  	v8 =	vld [tilespmem:s13+$0x0];
	v9 =	vshra.s32 v2, $0x10  }
0x34c: {  	v10 =	vshra.s32 v3, $0x10;
	v3 =	vand.u32 $0xFFFF, v3;
	v11 =	vld [tilespmem:s13+$0x10]  }
0x34d: {  	s8 =	sadd.s32 $0xA0, s8;
	v12 =	vshra.s32 v4, $0x10;
	v4 =	vand.u32 $0xFFFF, v4;
	v13 =	vld [tilespmem:s13+$0x20]  }
0x34e: {  	v14 =	vshra.s32 v5, $0x10;
	v5 =	vand.u32 $0xFFFF, v5;
	v15 =	vld [tilespmem:s8+$0x40]  }
0x34f: {  	v16 =	vshra.s32 v6, $0x10;
	v6 =	vand.u32 $0xFFFF, v6;
	v7 =	vld.idx.msk [tilespmem:v7+s30+$0x0], $0xffff  }
0x350: {  	v17 =	vshra.s32 v8, $0x10;
	v8 =	vand.u32 $0xFFFF, v8;
	v9 =	vld.idx.msk [tilespmem:v9+s30+$0x0], $0xffff  }
0x351: {  	v18 =	vshra.s32 v11, $0x10;
	v11 =	vand.u32 $0xFFFF, v11;
	v19 =	vld [tilespmem:s1+$0x4F00]  }
0x352: {  	v1 =	vand.u32 $0xFFFF, v1;
	v20 =	vld [tilespmem:s13+$0xFFFFFFB0];
	v21 =	vshra.s32 v13, $0x10;
	v13 =	vand.u32 $0xFFFF, v13  }
0x353: {  	v2 =	vand.u32 $0xFFFF, v2;
	v10 =	vld.idx.msk [tilespmem:v10+s30+$0x0], $0xffff  }
0x354: {  	v12 =	vld.idx.msk [tilespmem:v12+s30+$0x0], $0xffff  }
0x355: {  	v7 =	vmul.f32 v7, v15;
	v14 =	vld.idx.msk [tilespmem:v14+s30+$0x0], $0xffff  }
0x356: {  	v15 =	vld.idx.msk [tilespmem:v16+s30+$0x0], $0xffff;
	v9 =	vmul.f32 v9, v19  }
0x357: {  	v16 =	vshra.s32 v20, $0x10;
	v19 =	vand.u32 $0xFFFF, v20;
	[tilespmem:v1+s4+$0x0] =	vst.idx.add.f32.msk $0xffff, v7  }
0x358: {  	[tilespmem:v2+s4+$0x0] =	vst.idx.add.f32.msk $0xffff, v9  }
0x359: {  	v1 =	vld.idx.msk [tilespmem:v17+s30+$0x0], $0xffff  }
0x35a: {  	v2 =	vld.idx.msk [tilespmem:v18+s30+$0x0], $0xffff  }
0x35b: {  	v7 =	vld.idx.msk [tilespmem:v21+s30+$0x0], $0xffff  }
0x35c: {  	v9 =	vld.idx.msk [tilespmem:v16+s30+$0x0], $0xffff  }
0x35d: {  	v16 =	vld [tilespmem:s8+$0xFFFFFFB0]  }
0x35e: {  	v17 =	vld [tilespmem:s8+$0xFFFFFFC0]  }
0x35f: {  	v18 =	vld [tilespmem:s8+$0xFFFFFFD0]  }
0x360: {  	v20 =	vld [tilespmem:s8+$0xFFFFFFE0]  }
0x361: {  	v21 =	vld [tilespmem:s8+$0xFFFFFFF0]  }
0x362: {  	v9 =	vmul.f32 v9, v16;
	v16 =	vld [tilespmem:s8+$0x0]  }
0x363: {  	v10 =	vmul.f32 v10, v17;
	v17 =	vld [tilespmem:s8+$0x10]  }
0x364: {  	v12 =	vmul.f32 v12, v18;
	v18 =	vld [tilespmem:s8+$0x20]  }
0x365: {  	[tilespmem:v19+s4+$0x0] =	vst.idx.add.f32.msk $0xffff, v9;
	v9 =	vmul.f32 v14, v20  }
0x366: {  	[tilespmem:v3+s4+$0x0] =	vst.idx.add.f32.msk $0xffff, v10;
	v3 =	vmul.f32 v15, v21  }
0x367: {  	[tilespmem:v4+s4+$0x0] =	vst.idx.add.f32.msk $0xffff, v12;
	v1 =	vmul.f32 v1, v16  }
.Ltmp10:
0x368: {  	[tilespmem:v5+s4+$0x0] =	vst.idx.add.f32.msk $0xffff, v9;
	v2 =	vmul.f32 v2, v17;
	(pc) =	sbr.rel @p0 .LBB2_22-.Ltmp10, $4  }
0x369: {  	[tilespmem:v6+s4+$0x0] =	vst.idx.add.f32.msk $0xffff, v3;
	v3 =	vmul.f32 v7, v18  }
0x36a: {  	[tilespmem:v8+s4+$0x0] =	vst.idx.add.f32.msk $0xffff, v1  }
0x36b: {  	[tilespmem:v11+s4+$0x0] =	vst.idx.add.f32.msk $0xffff, v2  }
0x36c: {  	s14 =	sadd.s32 $0xA0, s14;
	s13 =	sadd.s32 $0xA0, s13;
	[tilespmem:v13+s4+$0x0] =	vst.idx.add.f32.msk $0xffff, v3  }
0x36d: {  	_ =	strace $0x90000050  }
0x36e: {  	_ =	strace $0x80000051  }
0x36f: {  	[spmem:s10] =	stream.strided.scatter [tilespmem:s4], [sflag:$0x4], $0x2800, s25, s24, $0x200038;
	[tilespmem:$0x19580] =	vst v63  }
0x370: {  	_ =	swait.ge [sflag:s23], $0x2800  }
0x371: {  	[sflag:s23] =	ssyncset.done $0x0  }
0x372: {  	[sflag:s23] =	ssyncadd.s32 $0xFFFFD800  }
0x373: {  	[bflag:$0x0] =	sbarrier.arrive $0xFFFF  }
0x374: {  	[tilespmem:s22], [sflag:$0x4] =	stream.strided.gather [spmem:s11], $0x2800, s2, s0, $0x200038;
	[tilespmem:$0x19580] =	vst v63  }
0x375: {  	_ =	swait.ge [sflag:s23], $0x2800  }
0x376: {  	[sflag:s23] =	ssyncset.done $0x0  }
0x377: {  	s16 =	simm.s32 $0x0;
	[sflag:s23] =	ssyncadd.s32 $0xFFFFD800  }
0x378: {  	s9 =	sand.u32 $0x60, s16;
	s1 =	sand.u32 $0x1C00, s16;
	_ =	swait.ge [sflag:s6], $0x280  }
0x379: {  	s3 =	sadd.s32 $0x13C00, s1;
	s15 =	sor.u32 $0x10, s9;
	[sflag:s6] =	ssyncset.done $0x0  }
0x37a: {  	s8 =	sor.u32 s15, s3;
	[sflag:s6] =	ssyncadd.s32 $0xFFFFFD80  }
0x37b: {  	v1 =	vld [tilespmem:s8+$0x0]  }
0x37c: {  	s3 =	sor.u32 s9, s3;
	v2 =	vld [tilespmem:s8+$0x80]  }
0x37d: {  	v3 =	vld [tilespmem:s3+$0x0]  }
0x37e: {  	v4 =	vld [tilespmem:s8+$0x100]  }
0x37f: {  	v5 =	vld [tilespmem:s3+$0x80]  }
0x380: {  	v6 =	vld [tilespmem:s8+$0x180]  }
0x381: {  	v7 =	vld [tilespmem:s3+$0x100]  }
0x382: {  	v8 =	vld [tilespmem:s8+$0x200]  }
0x383: {  	v9 =	vld [tilespmem:s3+$0x180]  }
0x384: {  	v10 =	vld [tilespmem:s8+$0x280]  }
0x385: {  	v11 =	vld [tilespmem:s3+$0x200]  }
0x386: {  	v12 =	vld [tilespmem:s8+$0x300]  }
0x387: {  	v13 =	vld [tilespmem:s3+$0x280]  }
0x388: {  	s13 =	sadd.s32 $0x15000, s1;
	v14 =	vld [tilespmem:s8+$0x380]  }
0x389: {  	s21 =	sor.u32 s15, s13;
	v15 =	vld [tilespmem:s3+$0x300]  }
0x38a: {  	v16 =	vld [tilespmem:s21+$0x0]  }
0x38b: {  	s18 =	sadd.s32 $0x15100, s1;
	s17 =	sor.u32 s9, s13;
	v17 =	vld [tilespmem:s3+$0x380]  }
0x38c: {  	s14 =	sadd.s32 $0x15080, s1;
	s19 =	sor.u32 s15, s18;
	v19 =	vld [tilespmem:s17+$0x0]  }
0x38d: {  	s20 =	sor.u32 s9, s14;
	v20 =	vld [tilespmem:s19+$0x0]  }
0x38e: {  	s8 =	sor.u32 s15, s14;
	v21 =	vld [tilespmem:s20+$0x0]  }
0x38f: {  	s21 =	sadd.s32 $0x15180, s1;
	s17 =	sor.u32 s9, s18;
	v18 =	vld [tilespmem:s8+$0x0]  }
0x390: {  	s18 =	sadd.s32 $0x15200, s1;
	s8 =	sor.u32 s15, s21;
	v23 =	vld [tilespmem:s17+$0x0]  }
0x391: {  	s19 =	sor.u32 s15, s18;
	v22 =	vld [tilespmem:s8+$0x0]  }
0x392: {  	s20 =	sor.u32 s9, s21;
	v24 =	vld [tilespmem:s19+$0x0]  }
0x393: {  	s21 =	sadd.s32 $0x15280, s1;
	s17 =	sor.u32 s9, s18;
	v25 =	vld [tilespmem:s20+$0x0]  }
0x394: {  	s18 =	sadd.s32 $0x15300, s1;
	s8 =	sor.u32 s15, s21;
	v27 =	vld [tilespmem:s17+$0x0]  }
0x395: {  	s19 =	sor.u32 s15, s18;
	v26 =	vld [tilespmem:s8+$0x0]  }
0x396: {  	s1 =	sadd.s32 $0x15380, s1;
	s20 =	sor.u32 s9, s21;
	v28 =	vld [tilespmem:s19+$0x0]  }
0x397: {  	s21 =	sor.u32 s15, s1;
	v29 =	vld [tilespmem:s20+$0x0];
	s19 =	simm.s32 $0x100;
	s8 =	simm.s32 $0x20;
	v1 =	vadd.f32 v2, v1  }
0x398: {  	s18 =	sor.u32 s9, s18;
	s13 =	sand.u32 $0x60, s8;
	s17 =	sand.u32 $0x1C00, s19;
	v2 =	vadd.f32 v5, v3;
	v3 =	vld [tilespmem:s21+$0x0]  }
0x399: {  	s1 =	sor.u32 s9, s1;
	s20 =	sadd.s32 $0x13C00, s17;
	s9 =	sor.u32 $0x10, s13;
	v5 =	vld [tilespmem:s18+$0x0];
	v1 =	vadd.f32 v4, v1  }
0x39a: {  	s21 =	sor.u32 s9, s20;
	v2 =	vadd.f32 v7, v2;
	v4 =	vld [tilespmem:s1+$0x0]  }
0x39b: {  	v7 =	vld [tilespmem:s21+$0x0];
	v1 =	vadd.f32 v6, v1  }
0x39c: {  	s3 =	sor.u32 s13, s20;
	v2 =	vadd.f32 v9, v2;
	v6 =	vld [tilespmem:s21+$0x80]  }
0x39d: {  	v45 =	vld [tilespmem:s3+$0x0];
	v1 =	vadd.f32 v8, v1  }
0x39e: {  	v2 =	vadd.f32 v11, v2;
	v8 =	vld [tilespmem:s21+$0x100]  }
0x39f: {  	v46 =	vld [tilespmem:s3+$0x80];
	v1 =	vadd.f32 v10, v1  }
0x3a0: {  	v47 =	vld [tilespmem:s21+$0x180];
	v2 =	vadd.f32 v13, v2  }
0x3a1: {  	v6 =	vadd.f32 v6, v7;
	v7 =	vld [tilespmem:s3+$0x100];
	v1 =	vadd.f32 v12, v1  }
0x3a2: {  	v48 =	vld [tilespmem:s21+$0x200];
	v2 =	vadd.f32 v15, v2  }
0x3a3: {  	v6 =	vadd.f32 v8, v6;
	v8 =	vld [tilespmem:s3+$0x180];
	v1 =	vadd.f32 v14, v1  }
0x3a4: {  	v49 =	vld [tilespmem:s21+$0x280];
	v9 =	vadd.f32 v46, v45;
	v2 =	vadd.f32 v17, v2  }
0x3a5: {  	v50 =	vld [tilespmem:s3+$0x200];
	v6 =	vadd.f32 v47, v6;
	v1 =	vadd.f32 v16, v1  }
0x3a6: {  	v51 =	vld [tilespmem:s21+$0x300];
	v2 =	vadd.f32 v19, v2;
	v7 =	vadd.f32 v7, v9  }
0x3a7: {  	v52 =	vld [tilespmem:s3+$0x280];
	v6 =	vadd.f32 v48, v6;
	v1 =	vadd.f32 v18, v1  }
0x3a8: {  	s18 =	sadd.s32 $0x15000, s17;
	v53 =	vld [tilespmem:s21+$0x380];
	v2 =	vadd.f32 v21, v2;
	v7 =	vadd.f32 v8, v7  }
0x3a9: {  	s19 =	sor.u32 s9, s18;
	v8 =	vld [tilespmem:s3+$0x300];
	v6 =	vadd.f32 v49, v6;
	v1 =	vadd.f32 v20, v1  }
0x3aa: {  	s20 =	sadd.s32 $0x15080, s17;
	v54 =	vld [tilespmem:s19+$0x0];
	v2 =	vadd.f32 v23, v2;
	v7 =	vadd.f32 v50, v7  }
0x3ab: {  	v55 =	vld [tilespmem:s3+$0x380];
	s21 =	sor.u32 s9, s20;
	v6 =	vadd.f32 v51, v6;
	v1 =	vadd.f32 v22, v1  }
0x3ac: {  	s14 =	sadd.s32 $0x15100, s17;
	v56 =	vld [tilespmem:s21+$0x0];
	s3 =	sor.u32 s13, s18;
	v2 =	vadd.f32 v25, v2;
	v7 =	vadd.f32 v52, v7  }
0x3ad: {  	s19 =	sor.u32 s9, s14;
	v57 =	vld [tilespmem:s3+$0x0];
	v6 =	vadd.f32 v53, v6;
	v1 =	vadd.f32 v24, v1  }
0x3ae: {  	v58 =	vld [tilespmem:s19+$0x0];
	s20 =	sor.u32 s13, s20;
	s21 =	sadd.s32 $0x15180, s17;
	v2 =	vadd.f32 v27, v2;
	v7 =	vadd.f32 v8, v7  }
0x3af: {  	s3 =	sor.u32 s9, s21;
	v8 =	vld [tilespmem:s20+$0x0];
	v6 =	vadd.f32 v54, v6;
	v1 =	vadd.f32 v26, v1  }
0x3b0: {  	s14 =	sor.u32 s13, s14;
	s19 =	sadd.s32 $0x15200, s17;
	v59 =	vld [tilespmem:s3+$0x0];
	v2 =	vadd.f32 v29, v2;
	v7 =	vadd.f32 v55, v7  }
0x3b1: {  	v60 =	vld [tilespmem:s14+$0x0];
	s20 =	sor.u32 s9, s19;
	v6 =	vadd.f32 v56, v6;
	v61 =	vadd.f32 v28, v1  }
0x3b2: {  	s18 =	sadd.s32 $0x15280, s17;
	s21 =	sor.u32 s13, s21;
	v62 =	vld [tilespmem:s20+$0x0];
	v2 =	vadd.f32 v5, v2;
	v5 =	vadd.f32 v57, v7  }
0x3b3: {  	s14 =	simm.s32 $0x16680;
	s3 =	sor.u32 s9, s18;
	v1 =	vld [tilespmem:s21+$0x0];
	v6 =	vadd.f32 v58, v6;
	v7 =	vadd.f32 v3, v61  }
0x3b4: {  	s19 =	sor.u32 s13, s19;
	s20 =	sadd.s32 $0x15300, s17;
	s21 =	sand.u32 $0x380, s16;
	v63 =	vadd.f32 v4, v2;
	v2 =	vld [tilespmem:s3+$0x0];
	v5 =	vadd.f32 v8, v5  }
0x3b5: {  	s16 =	simm.s32 $0x2;
	s3 =	sor.u32 s15, s21;
	v3 =	vld [tilespmem:s19+$0x0];
	s15 =	sor.u32 s9, s20;
	v6 =	vadd.f32 v59, v6  }
0x3b6: {  	s21 =	sor.u32 s13, s18;
	s19 =	sor.u32 s13, s20;
	s20 =	sadd.s32 $0x15380, s17;
	v4 =	vld [tilespmem:s15+$0x0];
	[tilespmem:s3+$0x16680] =	vst v7;
	v7 =	vadd.f32 v60, v5  }
0x3b7: {  	s17 =	simm.s32 $0x40;
	s15 =	simm.s32 $0x200;
	[tilespmem:s14+$0x0] =	vst v63;
	v5 =	vld [tilespmem:s21+$0x0];
	s21 =	sor.u32 s9, s20;
	v6 =	vadd.f32 v62, v6  }
.LBB2_24:
0x3b8: {  	s18 =	sand.u32 $0x1C00, s15;
	v1 =	vadd.f32 v1, v7;
	s1 =	sor.u32 s13, s20;
	s13 =	sand.u32 $0x60, s17;
	v7 =	vld [tilespmem:s21+$0x0]  }
0x3b9: {  	s16 =	sadd.s32 $0x2, s16;
	s3 =	sadd.s32 $0x13C00, s18;
	s20 =	sor.u32 $0x10, s13;
	v8 =	vld [tilespmem:s19+$0x0];
	v2 =	vadd.f32 v2, v6  }
0x3ba: {  	p0 =	slt.u32 s16, $0x26;
	s19 =	sor.u32 s13, s3;
	s3 =	sor.u32 s20, s3;
	v1 =	vadd.f32 v3, v1;
	v3 =	vld [tilespmem:s1+$0x0]  }
0x3bb: {  	v6 =	vld [tilespmem:s3+$0x0];
	v2 =	vadd.f32 v4, v2  }
0x3bc: {  	v4 =	vld [tilespmem:s3+$0x80];
	v1 =	vadd.f32 v5, v1  }
0x3bd: {  	s1 =	sand.u32 $0x380, s8;
	s8 =	smov.u32 s17;
	v5 =	vld [tilespmem:s19+$0x0];
	v2 =	vadd.f32 v7, v2  }
0x3be: {  	s1 =	sor.u32 s9, s1;
	s9 =	smov.u32 s20;
	v7 =	vld [tilespmem:s3+$0x100];
	v1 =	vadd.f32 v8, v1  }
0x3bf: {  	v8 =	vld [tilespmem:s19+$0x80];
	[tilespmem:s1+$0x16680] =	vst v2  }
0x3c0: {  	v2 =	vld [tilespmem:s3+$0x180];
	v1 =	vadd.f32 v3, v1  }
0x3c1: {  	s14 =	sadd.s32 $0x20, s14;
	v3 =	vld [tilespmem:s19+$0x100];
	v4 =	vadd.f32 v4, v6  }
0x3c2: {  	v6 =	vld [tilespmem:s3+$0x200];
	[tilespmem:s14+$0x0] =	vst v1  }
0x3c3: {  	v1 =	vld [tilespmem:s19+$0x180];
	v4 =	vadd.f32 v7, v4  }
0x3c4: {  	v5 =	vadd.f32 v8, v5;
	v7 =	vld [tilespmem:s3+$0x280]  }
0x3c5: {  	v8 =	vld [tilespmem:s19+$0x200];
	v2 =	vadd.f32 v2, v4  }
0x3c6: {  	v3 =	vadd.f32 v3, v5;
	v4 =	vld [tilespmem:s3+$0x300]  }
0x3c7: {  	v5 =	vld [tilespmem:s19+$0x280];
	v2 =	vadd.f32 v6, v2  }
0x3c8: {  	s1 =	sadd.s32 $0x15000, s18;
	v1 =	vadd.f32 v1, v3;
	v3 =	vld [tilespmem:s3+$0x380]  }
0x3c9: {  	s3 =	sor.u32 s13, s1;
	s1 =	sor.u32 s9, s1;
	v6 =	vld [tilespmem:s19+$0x300];
	v2 =	vadd.f32 v7, v2  }
0x3ca: {  	s20 =	sadd.s32 $0x15080, s18;
	v1 =	vadd.f32 v8, v1;
	v7 =	vld [tilespmem:s1+$0x0]  }
0x3cb: {  	s1 =	sor.u32 s13, s20;
	v8 =	vld [tilespmem:s19+$0x380];
	v2 =	vadd.f32 v4, v2;
	s19 =	sor.u32 s9, s20  }
0x3cc: {  	s20 =	sadd.s32 $0x15100, s18;
	v1 =	vadd.f32 v5, v1;
	v4 =	vld [tilespmem:s19+$0x0]  }
0x3cd: {  	s19 =	sor.u32 s9, s20;
	v5 =	vld [tilespmem:s3+$0x0];
	s3 =	sor.u32 s13, s20;
	v2 =	vadd.f32 v3, v2  }
0x3ce: {  	s20 =	sadd.s32 $0x15180, s18;
	v1 =	vadd.f32 v6, v1;
	v3 =	vld [tilespmem:s19+$0x0]  }
0x3cf: {  	s19 =	sor.u32 s9, s20;
	v6 =	vld [tilespmem:s1+$0x0];
	s1 =	sor.u32 s13, s20;
	v2 =	vadd.f32 v7, v2  }
0x3d0: {  	s20 =	sadd.s32 $0x15200, s18;
	v1 =	vadd.f32 v8, v1;
	v7 =	vld [tilespmem:s19+$0x0]  }
0x3d1: {  	s19 =	sor.u32 s9, s20;
	v8 =	vld [tilespmem:s3+$0x0];
	s3 =	sor.u32 s13, s20;
	v2 =	vadd.f32 v4, v2  }
0x3d2: {  	s20 =	sadd.s32 $0x15280, s18;
	v4 =	vadd.f32 v5, v1;
	v9 =	vld [tilespmem:s19+$0x0]  }
.Ltmp11:
0x3d3: {  	s19 =	sor.u32 s9, s20;
	v1 =	vld [tilespmem:s1+$0x0];
	s1 =	sor.u32 s13, s20;
	v5 =	vadd.f32 v3, v2;
	(pc) =	sbr.rel @p0 .LBB2_24-.Ltmp11, $4  }
0x3d4: {  	s20 =	sadd.s32 $0x15300, s18;
	v4 =	vadd.f32 v6, v4;
	v2 =	vld [tilespmem:s19+$0x0]  }
0x3d5: {  	s19 =	sor.u32 s13, s20;
	v3 =	vld [tilespmem:s3+$0x0];
	v6 =	vadd.f32 v7, v5;
	s3 =	sor.u32 s9, s20  }
0x3d6: {  	s20 =	sadd.s32 $0x15380, s18;
	v7 =	vadd.f32 v8, v4;
	v4 =	vld [tilespmem:s3+$0x0]  }
0x3d7: {  	s15 =	sadd.s32 $0x100, s15;
	s17 =	sadd.s32 $0x20, s17;
	s21 =	sor.u32 s9, s20;
	v5 =	vld [tilespmem:s1+$0x0];
	v6 =	vadd.f32 v9, v6  }
0x3d8: {  	v1 =	vadd.f32 v1, v7  }
0x3d9: {  	v63 =	vld [tilespmem:s19+$0x0]  }
0x3da: {  	s1 =	sor.u32 s13, s20;
	v8 =	vld [tilespmem:s21+$0x0];
	v1 =	vadd.f32 v3, v1  }
0x3db: {  	v2 =	vadd.f32 v2, v6;
	v3 =	vld [tilespmem:s1+$0x0]  }
0x3dc: {  	v1 =	vadd.f32 v5, v1  }
0x3dd: {  	v2 =	vadd.f32 v4, v2  }
0x3de: {  	v1 =	vadd.f32 v63, v1  }
0x3df: {  	s20 =	sand.u32 $0x380, s8;
	v2 =	vadd.f32 v8, v2  }
0x3e0: {  	s1 =	sor.u32 s9, s20;
	v1 =	vadd.f32 v3, v1  }
0x3e1: {  	s21 =	sadd.s32 $0x20, s14;
	[tilespmem:s1+$0x16680] =	vst v2  }
0x3e2: {  	[tilespmem:s21+$0x0] =	vst v1  }
0x3e3: {  	s1 =	rddreg [dreg:$0xe]  }
0x3e4: {  	[hbm4b:s1+s24] =	stream.strided.scatter [tilespmem:s5], [sflag:$0x2], $0x280, s25, s24, $0x200038;
	[tilespmem:$0x19580] =	vst v63  }
0x3e5: {  	_ =	swait.ge [sflag:s29], $0x2780  }
0x3e6: {  	[sflag:s29] =	ssyncset.done $0x0  }
0x3e7: {  	[sflag:s29] =	ssyncadd.s32 $0xFFFFD880  }
0x3e8: {  	_ =	swait.ge [sflag:s29], $0x2780  }
0x3e9: {  	[sflag:s29] =	ssyncset.done $0x0  }
0x3ea: {  	[sflag:s29] =	ssyncadd.s32 $0xFFFFD880  }
0x3eb: {  	s8 =	simm.s32 $0xEC40;
	_ =	strace $0x90000051  }
0x3ec: {  	v1 =	vld [tilespmem:$0x16A00];
	_ =	strace $0x80000052;
	[tilespmem:s8+$0xFFFFFFC0] =	vst v0  }
0x3ed: {  	[tilespmem:s8+$0x30] =	vst v0  }
0x3ee: {  	[tilespmem:s8+$0x20] =	vst v0  }
0x3ef: {  	[tilespmem:s8+$0x10] =	vst v0  }
0x3f0: {  	[tilespmem:s8+$0x0] =	vst v0  }
0x3f1: {  	[tilespmem:s8+$0xFFFFFFF0] =	vst v0  }
0x3f2: {  	s9 =	simm.s32 $0x0;
	[tilespmem:s8+$0xFFFFFFE0] =	vst v0  }
.LBB2_26:
0x3f3: {  	s9 =	sadd.s32 $0x8, s9;
	[tilespmem:s8+$0xFFFFFFD0] =	vst v0;
	s8 =	sadd.s32 $0x80, s8  }
0x3f4: {  	[tilespmem:s8+$0xFFFFFFC0] =	vst v0;
	p0 =	slt.u32 s9, $0x278  }
0x3f5: {  	[tilespmem:s8+$0x30] =	vst v0  }
.Ltmp12:
0x3f6: {  	[tilespmem:s8+$0x20] =	vst v0;
	(pc) =	sbr.rel @p0 .LBB2_26-.Ltmp12, $4  }
0x3f7: {  	[tilespmem:s8+$0x10] =	vst v0  }
0x3f8: {  	[tilespmem:s8+$0x0] =	vst v0  }
0x3f9: {  	[tilespmem:s8+$0xFFFFFFF0] =	vst v0  }
0x3fa: {  	[tilespmem:s8+$0xFFFFFFE0] =	vst v0  }
0x3fb: {  	[tilespmem:s8+$0xFFFFFFD0] =	vst v0  }
0x3fc: {  	_ =	strace $0x90000052  }
0x3fd: {  	s1 =	simm.s32 $0x50;
	_ =	strace $0x80000053  }
0x3fe: {  	v3 =	vld [tilespmem:s1+$0xFFFFFFF0]  }
0x3ff: {  	v2 =	vld [tilespmem:s1+$0xFFFFFFB0]  }
0x400: {  	v5 =	vld [tilespmem:s1+$0x20]  }
0x401: {  	s3 =	simm.s32 $0x0;
	v6 =	vld [tilespmem:s1+$0xFFFFFFE0]  }
0x402: {  	s8 =	sand.u32 $0x7FE0, s3;
	v4 =	vld [tilespmem:s1+$0xFFFFFFC0]  }
0x403: {  	v8 =	vld [tilespmem:s8+$0x80];
	v11 =	vshra.s32 v3, $0x10  }
0x404: {  	v13 =	vld [tilespmem:s1+$0xFFFFFFD0];
	v14 =	vand.u32 $0xFFFF, v3  }
0x405: {  	v12 =	vld [tilespmem:s1+$0x10];
	v7 =	vand.u32 $0xFFFF, v2  }
0x406: {  	v15 =	vld [tilespmem:s1+$0x0];
	v9 =	vshra.s32 v2, $0x10  }
0x407: {  	v16 =	vld [tilespmem:s1+$0x40];
	v3 =	vshra.s32 v4, $0x10  }
0x408: {  	v17 =	vand.u32 $0xFFFF, v4;
	v18 =	vld.idx.msk [tilespmem:v11+s28+$0x0], $0xffff  }
0x409: {  	v10 =	vshra.s32 v13, $0x10;
	v14 =	vld.idx.msk [tilespmem:v14+s26+$0x0], $0xffff  }
0x40a: {  	v13 =	vand.u32 $0xFFFF, v13;
	v7 =	vld.idx.msk [tilespmem:v7+s26+$0x0], $0xffff  }
0x40b: {  	v2 =	vshra.s32 v8, $0x10;
	v19 =	vld.idx.msk [tilespmem:v9+s28+$0x0], $0xffff  }
0x40c: {  	v21 =	vand.u32 $0xFFFF, v8;
	v20 =	vld.idx.msk [tilespmem:v3+s28+$0x0], $0xffff  }
0x40d: {  	v23 =	vand.u32 $0xFFFF, v6;
	v17 =	vld.idx.msk [tilespmem:v17+s26+$0x0], $0xffff  }
0x40e: {  	v24 =	vand.u32 $0xFFFF, v5;
	v25 =	vld.idx.msk [tilespmem:v10+s28+$0x0], $0xffff;
	v14 =	vadd.f32 v18, v14  }
0x40f: {  	v4 =	vshra.s32 v5, $0x10;
	v5 =	vshra.s32 v6, $0x10;
	v13 =	vld.idx.msk [tilespmem:v13+s26+$0x0], $0xffff  }
0x410: {  	v6 =	vshra.s32 v15, $0x10;
	v22 =	vld.idx.msk [tilespmem:v2+s28+$0x0], $0xffff;
	v18 =	vadd.f32 v19, v7;
	v7 =	vmul.f32 $2.000000030e-01, v14  }
0x411: {  	v8 =	vshra.s32 v12, $0x10;
	v26 =	vand.u32 $0xFFFF, v12;
	v15 =	vand.u32 $0xFFFF, v15;
	v21 =	vld.idx.msk [tilespmem:v21+s26+$0x0], $0xffff  }
0x412: {  	v23 =	vld.idx.msk [tilespmem:v23+s26+$0x0], $0xffff;
	v17 =	vadd.f32 v20, v17;
	v12 =	vmul.f32 $2.000000030e-01, v18;
	v14 =	vmax.f32 v14, v7  }
0x413: {  	v62 =	vand.u32 $0xFFFF, v16;
	v24 =	vld.idx.msk [tilespmem:v24+s26+$0x0], $0xffff;
	v14 =	vsub.f32 v14, v1  }
0x414: {  	v19 =	vld.idx.msk [tilespmem:v4+s28+$0x0], $0xffff;
	v13 =	vadd.f32 v25, v13;
	v27 =	vmul.f32 $2.000000030e-01, v17;
	v12 =	vmax.f32 v18, v12  }
0x415: {  	v20 =	vld.idx.msk [tilespmem:v5+s28+$0x0], $0xffff;
	v7 =	vshra.s32 v16, $0x10;
	v16 =	vsub.f32 v12, v1;
	v18 =	vmul.f32 $1.442695020e+00, v14  }
0x416: {  	v29 =	vadd.f32 v22, v21;
	v28 =	vmul.f32 $2.000000030e-01, v13;
	v22 =	vmax.f32 v17, v27;
	v17 =	vld.idx.msk [tilespmem:v15+s26+$0x0], $0xffff  }
0x417: {  	v12 =	vld.idx.msk [tilespmem:v6+s28+$0x0], $0xffff;
	v21 =	vmul.f32 $1.442695020e+00, v16;
	(erf) = vpow2.f32 v18  }
0x418: {  	v14 =	vld.idx.msk [tilespmem:v8+s28+$0x0], $0xffff  }
0x419: {  	v63 =	vmax.f32 v13, v28;
	v15 =	vmul.f32 $2.000000030e-01, v29;
	v16 =	vld.idx.msk [tilespmem:v26+s26+$0x0], $0xffff;
	(erf) = vpow2.f32 v21  }
0x41a: {  	s9 =	simm.s32 $0x4ED0;
	s13 =	simm.s32 $0x0;
	v13 =	vld.idx.msk [tilespmem:v7+s28+$0x0], $0xffff;
	v21 =	vsub.f32 v22, v1;
	v22 =	vsub.f32 v63, v1  }
0x41b: {  	s14 =	simm.s32 $0xF0;
	s15 =	simm.s32 $0x4F70;
	s16 =	simm.s32 $0xA0;
	v20 =	vadd.f32 v20, v23;
	v18 =	vadd.f32 v19, v24;
	v19 =	vmax.f32 v29, v15;
	v15 =	vld.idx.msk [tilespmem:v62+s26+$0x0], $0xffff  }
.LBB2_28:
0x41c: {  	v23 =	vld [tilespmem:s14+$0xFFFFFFB0];
	s17 =	sand.u32 $0x7FE0, s16;
	s13 =	sadd.s32 $0xA, s13;
	v21 =	vmul.f32 $1.442695020e+00, v21;
	v22 =	vmul.f32 $1.442695020e+00, v22;
	v19 =	vsub.f32 v19, v1  }
0x41d: {  	v26 =	vmul.f32 $2.000000030e-01, v18;
	v24 =	vld [tilespmem:s14+$0x20];
	p0 =	slt.u32 s13, $0x4D8;
	v25 =	vmul.f32 $2.000000030e-01, v20  }
0x41e: {  	v14 =	vadd.f32 v14, v16;
	v27 =	vld [tilespmem:s14+$0xFFFFFFE0];
	v16 =	vmul.f32 $1.442695020e+00, v19;
	(erf) = vpow2.f32 v22  }
0x41f: {  	v12 =	vadd.f32 v12, v17;
	v17 =	vmax.f32 v18, v26;
	v19 =	vld [tilespmem:s14+$0xFFFFFFF0];
	(erf) = vpow2.f32 v21  }
0x420: {  	v20 =	vmax.f32 v20, v25;
	v28 =	vmul.f32 $2.000000030e-01, v14;
	v17 =	vsub.f32 v17, v1;
	v18 =	vld [tilespmem:s14+$0xFFFFFFC0];
	v22 =	vpop (erf)  }
0x421: {  	v20 =	vsub.f32 v20, v1;
	v26 =	vmul.f32 $2.000000030e-01, v12;
	v13 =	vadd.f32 v13, v15;
	v25 =	vld [tilespmem:s17+$0x80];
	[tilespmem:s9+$0xFFFFFFF0] =	vst v22  }
0x422: {  	v15 =	vand.u32 $0xFFFF, v23;
	v14 =	vmax.f32 v14, v28;
	v17 =	vmul.f32 $1.442695020e+00, v17;
	[tilespmem:v11+s30+$0x0] =	vst.idx.add.f32.msk $0xffff, v22;
	v21 =	vpop (erf)  }
0x423: {  	v22 =	vshra.s32 v23, $0x10;
	v20 =	vmul.f32 $1.442695020e+00, v20;
	v12 =	vmax.f32 v12, v26;
	v23 =	vld [tilespmem:s14+$0x10];
	[tilespmem:s9+$0xFFFFFFB0] =	vst v21  }
0x424: {  	v14 =	vsub.f32 v14, v1;
	v12 =	vsub.f32 v12, v1;
	v11 =	vshra.s32 v19, $0x10;
	[tilespmem:v9+s30+$0x0] =	vst.idx.add.f32.msk $0xffff, v21  }
0x425: {  	v9 =	vmovc v22;
	v21 =	vshra.s32 v18, $0x10;
	v18 =	vand.u32 $0xFFFF, v18;
	v26 =	vld [tilespmem:s14+$0x0];
	(erf) = vpow2.f32 v17  }
0x426: {  	v28 =	vmul.f32 $2.000000030e-01, v13;
	v22 =	vshra.s32 v27, $0x10;
	v27 =	vand.u32 $0xFFFF, v27;
	v17 =	vld [tilespmem:s14+$0xFFFFFFD0]  }
0x427: {  	v29 =	vshra.s32 v25, $0x10;
	v25 =	vand.u32 $0xFFFF, v25;
	v15 =	vld.idx.msk [tilespmem:v15+s26+$0x0], $0xffff;
	v30 =	vpop (erf);
	(erf) = vpow2.f32 v20  }
0x428: {  	v19 =	vand.u32 $0xFFFF, v19;
	v14 =	vmul.f32 $1.442695020e+00, v14;
	v12 =	vmul.f32 $1.442695020e+00, v12;
	v20 =	vld [tilespmem:s14+$0x40];
	[tilespmem:s9+$0xFFFFFFD0] =	vst v30;
	v31 =	vpop (erf)  }
0x429: {  	v13 =	vmax.f32 v13, v28;
	v32 =	vshra.s32 v23, $0x10;
	[tilespmem:v10+s30+$0x0] =	vst.idx.add.f32.msk $0xffff, v30  }
0x42a: {  	v30 =	vshra.s32 v24, $0x10;
	v24 =	vand.u32 $0xFFFF, v24;
	v28 =	vld.idx.msk [tilespmem:v9+s28+$0x0], $0xffff;
	[tilespmem:s9+$0xFFFFFFC0] =	vst v31;
	(erf) = vpow2.f32 v12  }
0x42b: {  	v33 =	vshra.s32 v26, $0x10;
	v26 =	vand.u32 $0xFFFF, v26;
	v12 =	vld.idx.msk [tilespmem:v21+s28+$0x0], $0xffff;
	v10 =	vshra.s32 v17, $0x10  }
0x42c: {  	v13 =	vsub.f32 v13, v1;
	v34 =	vld.idx.msk [tilespmem:v11+s28+$0x0], $0xffff;
	(erf) = vpow2.f32 v14  }
0x42d: {  	v14 =	vld.idx.msk [tilespmem:v19+s26+$0x0], $0xffff;
	v19 =	vshra.s32 v20, $0x10;
	v35 =	vand.u32 $0xFFFF, v20  }
0x42e: {  	v13 =	vmul.f32 $1.442695020e+00, v13;
	v20 =	vand.u32 $0xFFFF, v23;
	v23 =	vld.idx.msk [tilespmem:v29+s28+$0x0], $0xffff;
	v36 =	vpop (erf);
	(erf) = vpow2.f32 v16  }
0x42f: {  	v16 =	vld.idx.msk [tilespmem:v18+s26+$0x0], $0xffff;
	[tilespmem:s9+$0x20] =	vst v36  }
0x430: {  	v15 =	vadd.f32 v28, v15;
	v18 =	vld.idx.msk [tilespmem:v10+s28+$0x0], $0xffff;
	v28 =	vpop (erf);
	(erf) = vpow2.f32 v13  }
0x431: {  	v13 =	vand.u32 $0xFFFF, v17;
	v37 =	vld.idx.msk [tilespmem:v30+s28+$0x0], $0xffff;
	[tilespmem:s9+$0xFFFFFFE0] =	vst v28  }
0x432: {  	v17 =	vmul.f32 $2.000000030e-01, v15;
	[tilespmem:v3+s30+$0x0] =	vst.idx.add.f32.msk $0xffff, v31;
	v3 =	vmov v21  }
0x433: {  	[tilespmem:v4+s30+$0x0] =	vst.idx.add.f32.msk $0xffff, v36;
	v21 =	vpop (erf);
	v4 =	vmov v30  }
0x434: {  	v15 =	vmax.f32 v15, v17;
	v17 =	vld.idx.msk [tilespmem:v25+s26+$0x0], $0xffff;
	[tilespmem:s9+$0x0] =	vst v21  }
0x435: {  	v15 =	vsub.f32 v15, v1;
	[tilespmem:v6+s30+$0x0] =	vst.idx.add.f32.msk $0xffff, v21;
	v21 =	vpop (erf);
	v6 =	vmov v33  }
0x436: {  	v14 =	vadd.f32 v34, v14;
	v13 =	vld.idx.msk [tilespmem:v13+s26+$0x0], $0xffff;
	[tilespmem:s9+$0x10] =	vst v21  }
0x437: {  	[tilespmem:v8+s30+$0x0] =	vst.idx.add.f32.msk $0xffff, v21;
	v21 =	vpop (erf);
	v8 =	vmov v32  }
0x438: {  	v25 =	vld.idx.msk [tilespmem:v27+s26+$0x0], $0xffff;
	v27 =	vmul.f32 $2.000000030e-01, v14;
	[tilespmem:s8+$0x4F00] =	vst v21;
	s8 =	smov.u32 s17  }
0x439: {  	[tilespmem:v5+s30+$0x0] =	vst.idx.add.f32.msk $0xffff, v28;
	v28 =	vpop (erf);
	v5 =	vmov v22  }
0x43a: {  	v14 =	vmax.f32 v14, v27;
	v24 =	vld.idx.msk [tilespmem:v24+s26+$0x0], $0xffff;
	[tilespmem:s9+$0x40] =	vst v28;
	s9 =	smov.u32 s15  }
0x43b: {  	v14 =	vsub.f32 v14, v1;
	[tilespmem:v2+s30+$0x0] =	vst.idx.add.f32.msk $0xffff, v21;
	v2 =	vmov v29  }
0x43c: {  	v16 =	vadd.f32 v12, v16;
	v13 =	vadd.f32 v18, v13;
	[tilespmem:v7+s30+$0x0] =	vst.idx.add.f32.msk $0xffff, v28;
	v7 =	vmov v19  }
0x43d: {  	v19 =	vld.idx.msk [tilespmem:v22+s28+$0x0], $0xffff;
	v18 =	vmul.f32 $1.442695020e+00, v14  }
0x43e: {  	v21 =	vmul.f32 $2.000000030e-01, v16;
	v22 =	vmul.f32 $2.000000030e-01, v13;
	v12 =	vld.idx.msk [tilespmem:v33+s28+$0x0], $0xffff  }
.Ltmp13:
0x43f: {  	v15 =	vmul.f32 $1.442695020e+00, v15;
	v23 =	vadd.f32 v23, v17;
	v14 =	vld.idx.msk [tilespmem:v32+s28+$0x0], $0xffff;
	(erf) = vpow2.f32 v18;
	(pc) =	sbr.rel @p0 .LBB2_28-.Ltmp13, $4  }
0x440: {  	v21 =	vmax.f32 v16, v21;
	v13 =	vmax.f32 v13, v22;
	v16 =	vld.idx.msk [tilespmem:v20+s26+$0x0], $0xffff  }
0x441: {  	v18 =	vadd.f32 v37, v24;
	v24 =	vmul.f32 $2.000000030e-01, v23;
	v17 =	vld.idx.msk [tilespmem:v26+s26+$0x0], $0xffff;
	(erf) = vpow2.f32 v15  }
0x442: {  	v21 =	vsub.f32 v21, v1;
	v22 =	vsub.f32 v13, v1;
	v13 =	vld.idx.msk [tilespmem:v7+s28+$0x0], $0xffff  }
0x443: {  	s16 =	sadd.s32 $0xA0, s16;
	s14 =	sadd.s32 $0xA0, s14;
	s15 =	sadd.s32 $0xA0, s15;
	v20 =	vadd.f32 v19, v25;
	v19 =	vmax.f32 v23, v24;
	v15 =	vld.idx.msk [tilespmem:v35+s26+$0x0], $0xffff  }
0x444: {  	v23 =	vmul.f32 $2.000000030e-01, v18  }
0x445: {  	v22 =	vmul.f32 $1.442695020e+00, v22;
	v24 =	vmul.f32 $2.000000030e-01, v20  }
0x446: {  	v21 =	vmul.f32 $1.442695020e+00, v21;
	v12 =	vadd.f32 v12, v17;
	v50 =	vmax.f32 v18, v23  }
0x447: {  	(erf) = vpow2.f32 v22;
	v51 =	vmax.f32 v20, v24;
	v17 =	vsub.f32 v50, v1  }
0x448: {  	v14 =	vadd.f32 v14, v16;
	v16 =	vsub.f32 v51, v1;
	v52 =	vmul.f32 $2.000000030e-01, v12  }
0x449: {  	(erf) = vpow2.f32 v21;
	v17 =	vmul.f32 $1.442695020e+00, v17  }
0x44a: {  	v53 =	vmul.f32 $2.000000030e-01, v14;
	v16 =	vmul.f32 $1.442695020e+00, v16;
	v12 =	vmax.f32 v12, v52  }
0x44b: {  	v13 =	vadd.f32 v13, v15;
	v12 =	vsub.f32 v12, v1;
	(erf) = vpow2.f32 v17  }
0x44c: {  	v54 =	vpop (erf);
	v14 =	vmax.f32 v14, v53;
	(erf) = vpow2.f32 v16  }
0x44d: {  	[tilespmem:s9+$0xFFFFFFF0] =	vst v54;
	v14 =	vsub.f32 v14, v1;
	v55 =	vmul.f32 $2.000000030e-01, v13;
	v12 =	vmul.f32 $1.442695020e+00, v12  }
0x44e: {  	v56 =	vsub.f32 v19, v1;
	[tilespmem:v11+s30+$0x0] =	vst.idx.add.f32.msk $0xffff, v54;
	v57 =	vpop (erf)  }
0x44f: {  	[tilespmem:s9+$0xFFFFFFB0] =	vst v57;
	v14 =	vmul.f32 $1.442695020e+00, v14;
	v58 =	vmax.f32 v13, v55;
	(erf) = vpow2.f32 v12  }
0x450: {  	[tilespmem:v9+s30+$0x0] =	vst.idx.add.f32.msk $0xffff, v57;
	v1 =	vsub.f32 v58, v1;
	v60 =	vpop (erf)  }
0x451: {  	v59 =	vmul.f32 $1.442695020e+00, v56;
	(erf) = vpow2.f32 v14;
	[tilespmem:s9+$0xFFFFFFD0] =	vst v60  }
0x452: {  	v1 =	vmul.f32 $1.442695020e+00, v1;
	v61 =	vpop (erf);
	[tilespmem:v10+s30+$0x0] =	vst.idx.add.f32.msk $0xffff, v60  }
0x453: {  	(erf) = vpow2.f32 v59;
	[tilespmem:s9+$0xFFFFFFC0] =	vst v61  }
0x454: {  	(erf) = vpow2.f32 v1;
	[tilespmem:v3+s30+$0x0] =	vst.idx.add.f32.msk $0xffff, v61;
	v62 =	vpop (erf)  }
0x455: {  	[tilespmem:s9+$0x20] =	vst v62;
	v63 =	vpop (erf)  }
0x456: {  	[tilespmem:s9+$0xFFFFFFE0] =	vst v63  }
0x457: {  	[tilespmem:v4+s30+$0x0] =	vst.idx.add.f32.msk $0xffff, v62  }
0x458: {  	[tilespmem:v5+s30+$0x0] =	vst.idx.add.f32.msk $0xffff, v63;
	v1 =	vpop (erf)  }
0x459: {  	[tilespmem:s9+$0x0] =	vst v1  }
0x45a: {  	[tilespmem:v6+s30+$0x0] =	vst.idx.add.f32.msk $0xffff, v1;
	v1 =	vpop (erf)  }
0x45b: {  	[tilespmem:s9+$0x10] =	vst v1  }
0x45c: {  	[tilespmem:v8+s30+$0x0] =	vst.idx.add.f32.msk $0xffff, v1;
	v1 =	vpop (erf)  }
0x45d: {  	[tilespmem:s8+$0x4F00] =	vst v1;
	v3 =	vpop (erf)  }
0x45e: {  	[tilespmem:s9+$0x40] =	vst v3  }
0x45f: {  	[tilespmem:v2+s30+$0x0] =	vst.idx.add.f32.msk $0xffff, v1  }
0x460: {  	[tilespmem:v7+s30+$0x0] =	vst.idx.add.f32.msk $0xffff, v3  }
0x461: {  	_ =	strace $0x90000053  }
0x462: {  	s1 =	rddreg [dreg:$0xf]  }
0x463: {  	[tilespmem:s26], [sflag:$0x1] =	stream.strided.gather [hbm4b:s1+s24], $0x2780, s25, s24, $0x38;
	[tilespmem:$0x19580] =	vst v63  }
0x464: {  	s21 =	rddreg [dreg:$0x10]  }
0x465: {  	[tilespmem:s28], [sflag:$0x1] =	stream.strided.gather [hbm4b:s21+s24], $0x2780, s25, s24, $0x38;
	[tilespmem:$0x19580] =	vst v63  }
0x466: {  	[bflag:$0x0] =	sbarrier.arrive $0xFFFF  }
0x467: {  	s8 =	simm.s32 $0x11440;
	_ =	strace $0x80000054  }
0x468: {  	[spmem:s10] =	stream.strided.scatter [tilespmem:s30], [sflag:$0x3], $0x2800, s25, s24, $0x200038;
	[tilespmem:$0x19580] =	vst v63  }
0x469: {  	[tilespmem:s8+$0xFFFFFFC0] =	vst v0  }
0x46a: {  	[tilespmem:s8+$0x30] =	vst v0  }
0x46b: {  	[tilespmem:s8+$0x20] =	vst v0  }
0x46c: {  	[tilespmem:s8+$0x10] =	vst v0  }
0x46d: {  	[tilespmem:s8+$0x0] =	vst v0  }
0x46e: {  	[tilespmem:s8+$0xFFFFFFF0] =	vst v0  }
0x46f: {  	s9 =	simm.s32 $0x0;
	[tilespmem:s8+$0xFFFFFFE0] =	vst v0  }
.LBB2_30:
0x470: {  	s9 =	sadd.s32 $0x8, s9;
	[tilespmem:s8+$0xFFFFFFD0] =	vst v0;
	s8 =	sadd.s32 $0x80, s8  }
0x471: {  	[tilespmem:s8+$0xFFFFFFC0] =	vst v0;
	p0 =	slt.u32 s9, $0x278  }
0x472: {  	[tilespmem:s8+$0x30] =	vst v0  }
.Ltmp14:
0x473: {  	[tilespmem:s8+$0x20] =	vst v0;
	(pc) =	sbr.rel @p0 .LBB2_30-.Ltmp14, $4  }
0x474: {  	[tilespmem:s8+$0x10] =	vst v0  }
0x475: {  	[tilespmem:s8+$0x0] =	vst v0  }
0x476: {  	[tilespmem:s8+$0xFFFFFFF0] =	vst v0  }
0x477: {  	[tilespmem:s8+$0xFFFFFFE0] =	vst v0  }
0x478: {  	[tilespmem:s8+$0xFFFFFFD0] =	vst v0  }
0x479: {  	_ =	swait.ge [sflag:s31], $0x2800  }
0x47a: {  	[sflag:s31] =	ssyncset.done $0x0  }
0x47b: {  	[sflag:s31] =	ssyncadd.s32 $0xFFFFD800  }
0x47c: {  	s15 =	simm.s32 $0x0;
	[bflag:$0x0] =	sbarrier.arrive $0xFFFF  }
0x47d: {  	[tilespmem:s22], [sflag:$0x4] =	stream.strided.gather [spmem:s11], $0x2800, s2, s0, $0x200038;
	[tilespmem:$0x19580] =	vst v63  }
0x47e: {  	s8 =	sand.u32 $0x60, s15;
	s9 =	sand.u32 $0x1C00, s15;
	_ =	swait.ge [sflag:s23], $0x2800  }
0x47f: {  	s1 =	sadd.s32 $0x13C00, s9;
	s16 =	sor.u32 $0x10, s8;
	[sflag:s23] =	ssyncset.done $0x0  }
0x480: {  	s3 =	sor.u32 s16, s1;
	[sflag:s23] =	ssyncadd.s32 $0xFFFFD800  }
0x481: {  	v1 =	vld [tilespmem:s3+$0x0]  }
0x482: {  	s1 =	sor.u32 s8, s1;
	v2 =	vld [tilespmem:s3+$0x80]  }
0x483: {  	v3 =	vld [tilespmem:s1+$0x0]  }
0x484: {  	v4 =	vld [tilespmem:s3+$0x100]  }
0x485: {  	v5 =	vld [tilespmem:s1+$0x80]  }
0x486: {  	v6 =	vld [tilespmem:s3+$0x180]  }
0x487: {  	v7 =	vld [tilespmem:s1+$0x100]  }
0x488: {  	v8 =	vld [tilespmem:s3+$0x200]  }
0x489: {  	v9 =	vld [tilespmem:s1+$0x180]  }
0x48a: {  	v10 =	vld [tilespmem:s3+$0x280]  }
0x48b: {  	v11 =	vld [tilespmem:s1+$0x200]  }
0x48c: {  	v12 =	vld [tilespmem:s3+$0x300]  }
0x48d: {  	v13 =	vld [tilespmem:s1+$0x280]  }
0x48e: {  	s13 =	sadd.s32 $0x15000, s9;
	v14 =	vld [tilespmem:s3+$0x380]  }
0x48f: {  	s21 =	sor.u32 s16, s13;
	v15 =	vld [tilespmem:s1+$0x300]  }
0x490: {  	s14 =	sadd.s32 $0x15080, s9;
	v16 =	vld [tilespmem:s21+$0x0]  }
0x491: {  	v17 =	vld [tilespmem:s1+$0x380];
	s3 =	sor.u32 s16, s14;
	v1 =	vadd.f32 v2, v1  }
0x492: {  	s18 =	sadd.s32 $0x15100, s9;
	s17 =	sor.u32 s8, s13;
	v2 =	vld [tilespmem:s3+$0x0];
	v3 =	vadd.f32 v5, v3  }
0x493: {  	v5 =	vld [tilespmem:s17+$0x0];
	s17 =	sor.u32 s8, s18;
	v1 =	vadd.f32 v4, v1  }
0x494: {  	s19 =	sor.u32 s16, s18;
	v51 =	vld [tilespmem:s17+$0x0];
	v3 =	vadd.f32 v7, v3  }
0x495: {  	s20 =	sor.u32 s8, s14;
	s18 =	sadd.s32 $0x15200, s9;
	v4 =	vld [tilespmem:s19+$0x0];
	v1 =	vadd.f32 v6, v1  }
0x496: {  	s21 =	sadd.s32 $0x15180, s9;
	s13 =	sor.u32 s8, s18;
	v7 =	vld [tilespmem:s20+$0x0];
	v3 =	vadd.f32 v9, v3  }
0x497: {  	s17 =	sadd.s32 $0x15300, s9;
	s20 =	sor.u32 s8, s21;
	v54 =	vld [tilespmem:s13+$0x0];
	v1 =	vadd.f32 v8, v1  }
0x498: {  	s19 =	sor.u32 s16, s18;
	s18 =	sor.u32 s16, s17;
	v52 =	vld [tilespmem:s20+$0x0];
	v3 =	vadd.f32 v11, v3  }
0x499: {  	s3 =	sor.u32 s16, s21;
	v55 =	vld [tilespmem:s18+$0x0];
	v1 =	vadd.f32 v10, v1  }
0x49a: {  	s18 =	sor.u32 s8, s17;
	v6 =	vld [tilespmem:s3+$0x0];
	v3 =	vadd.f32 v13, v3  }
0x49b: {  	s21 =	sadd.s32 $0x15280, s9;
	v58 =	vld [tilespmem:s18+$0x0];
	v1 =	vadd.f32 v12, v1  }
0x49c: {  	s20 =	sadd.s32 $0x15380, s9;
	v8 =	vld [tilespmem:s19+$0x0];
	s19 =	sor.u32 s8, s21;
	v3 =	vadd.f32 v15, v3  }
0x49d: {  	s9 =	simm.s32 $0x20;
	s3 =	sor.u32 s16, s21;
	v56 =	vld [tilespmem:s19+$0x0];
	s19 =	simm.s32 $0x100;
	v1 =	vadd.f32 v14, v1  }
0x49e: {  	s13 =	sand.u32 $0x60, s9;
	v53 =	vld [tilespmem:s3+$0x0];
	s21 =	sor.u32 s16, s20;
	s17 =	sand.u32 $0x1C00, s19;
	v3 =	vadd.f32 v17, v3  }
0x49f: {  	s20 =	sor.u32 s8, s20;
	s8 =	sor.u32 $0x10, s13;
	v57 =	vld [tilespmem:s21+$0x0];
	s3 =	sadd.s32 $0x13C00, s17;
	v1 =	vadd.f32 v16, v1  }
0x4a0: {  	v59 =	vld [tilespmem:s20+$0x0];
	s21 =	sor.u32 s8, s3;
	v3 =	vadd.f32 v5, v3  }
0x4a1: {  	v5 =	vld [tilespmem:s21+$0x0];
	v1 =	vadd.f32 v2, v1  }
0x4a2: {  	s3 =	sor.u32 s13, s3;
	v2 =	vld [tilespmem:s21+$0x80];
	v3 =	vadd.f32 v7, v3  }
0x4a3: {  	v60 =	vld [tilespmem:s3+$0x80];
	v1 =	vadd.f32 v4, v1  }
0x4a4: {  	v4 =	vld [tilespmem:s21+$0x100];
	v3 =	vadd.f32 v51, v3  }
0x4a5: {  	v7 =	vld [tilespmem:s3+$0x0];
	v1 =	vadd.f32 v6, v1  }
0x4a6: {  	v6 =	vld [tilespmem:s21+$0x180];
	v3 =	vadd.f32 v52, v3  }
0x4a7: {  	v2 =	vadd.f32 v2, v5;
	v5 =	vld [tilespmem:s3+$0x100];
	v1 =	vadd.f32 v8, v1  }
0x4a8: {  	v8 =	vld [tilespmem:s21+$0x200];
	v3 =	vadd.f32 v54, v3  }
0x4a9: {  	v2 =	vadd.f32 v4, v2;
	v4 =	vld [tilespmem:s3+$0x180];
	v1 =	vadd.f32 v53, v1  }
0x4aa: {  	v61 =	vld [tilespmem:s21+$0x280];
	v7 =	vadd.f32 v60, v7;
	v3 =	vadd.f32 v56, v3  }
0x4ab: {  	v2 =	vadd.f32 v6, v2;
	v6 =	vld [tilespmem:s3+$0x200];
	v1 =	vadd.f32 v55, v1  }
0x4ac: {  	v5 =	vadd.f32 v5, v7;
	v7 =	vld [tilespmem:s21+$0x300];
	v3 =	vadd.f32 v58, v3  }
0x4ad: {  	v2 =	vadd.f32 v8, v2;
	v8 =	vld [tilespmem:s3+$0x280];
	v1 =	vadd.f32 v57, v1  }
0x4ae: {  	s18 =	sadd.s32 $0x15000, s17;
	v4 =	vadd.f32 v4, v5;
	v5 =	vld [tilespmem:s21+$0x380];
	v3 =	vadd.f32 v59, v3  }
0x4af: {  	s19 =	sor.u32 s8, s18;
	v62 =	vld [tilespmem:s3+$0x300];
	v2 =	vadd.f32 v61, v2;
	v1 =	vadd.f32 $1.000000020e-16, v1  }
0x4b0: {  	s20 =	sadd.s32 $0x15080, s17;
	v4 =	vadd.f32 v6, v4;
	v6 =	vld [tilespmem:s19+$0x0];
	v3 =	vadd.f32 $1.000000020e-16, v3  }
0x4b1: {  	s21 =	sor.u32 s8, s20;
	v2 =	vadd.f32 v7, v2;
	v7 =	vld [tilespmem:s3+$0x380];
	(erf) = vrcp.f32 v1  }
0x4b2: {  	s14 =	sadd.s32 $0x15100, s17;
	s3 =	sor.u32 s13, s18;
	v1 =	vld [tilespmem:s21+$0x0];
	(erf) = vrcp.f32 v3;
	v3 =	vadd.f32 v8, v4  }
0x4b3: {  	s19 =	sor.u32 s8, s14;
	v4 =	vld [tilespmem:s3+$0x0];
	v2 =	vadd.f32 v5, v2  }
0x4b4: {  	s20 =	sor.u32 s13, s20;
	s21 =	sadd.s32 $0x15180, s17;
	v5 =	vld [tilespmem:s19+$0x0];
	v3 =	vadd.f32 v62, v3  }
0x4b5: {  	v8 =	vld [tilespmem:s20+$0x0];
	s3 =	sor.u32 s8, s21;
	v2 =	vadd.f32 v6, v2  }
0x4b6: {  	s14 =	sor.u32 s13, s14;
	s19 =	sadd.s32 $0x15200, s17;
	v6 =	vld [tilespmem:s3+$0x0];
	v3 =	vadd.f32 v7, v3  }
0x4b7: {  	s20 =	sor.u32 s8, s19;
	v7 =	vld [tilespmem:s14+$0x0];
	v1 =	vadd.f32 v1, v2  }
0x4b8: {  	s18 =	sadd.s32 $0x15280, s17;
	s21 =	sor.u32 s13, s21;
	v63 =	vld [tilespmem:s20+$0x0];
	v3 =	vadd.f32 v4, v3  }
0x4b9: {  	s19 =	sor.u32 s13, s19;
	s3 =	sor.u32 s8, s18;
	v2 =	vld [tilespmem:s21+$0x0];
	v4 =	vadd.f32 v5, v1  }
0x4ba: {  	s20 =	sadd.s32 $0x15300, s17;
	s14 =	simm.s32 $0x16400;
	s21 =	sand.u32 $0x380, s15;
	v1 =	vld [tilespmem:s3+$0x0];
	v8 =	vadd.f32 v8, v3  }
0x4bb: {  	s15 =	simm.s32 $0x2;
	s3 =	sor.u32 s16, s21;
	s16 =	sor.u32 s8, s20;
	v5 =	vpop (erf);
	v3 =	vld [tilespmem:s19+$0x0];
	v6 =	vadd.f32 v6, v4  }
0x4bc: {  	s21 =	sor.u32 s13, s18;
	s20 =	sor.u32 s13, s20;
	s19 =	sadd.s32 $0x15380, s17;
	v4 =	vld [tilespmem:s16+$0x0];
	[tilespmem:s3+$0x16400] =	vst v5;
	v5 =	vpop (erf);
	v7 =	vadd.f32 v7, v8  }
0x4bd: {  	s16 =	simm.s32 $0x200;
	s17 =	simm.s32 $0x40;
	[tilespmem:s14+$0x0] =	vst v5;
	v5 =	vld [tilespmem:s21+$0x0];
	v6 =	vadd.f32 v63, v6;
	s21 =	sor.u32 s8, s19  }
.LBB2_32:
0x4be: {  	s18 =	sand.u32 $0x1C00, s16;
	v2 =	vadd.f32 v2, v7;
	s1 =	sor.u32 s13, s19;
	s13 =	sand.u32 $0x60, s17;
	v7 =	vld [tilespmem:s21+$0x0]  }
0x4bf: {  	s15 =	sadd.s32 $0x2, s15;
	s3 =	sadd.s32 $0x13C00, s18;
	s19 =	sor.u32 $0x10, s13;
	v8 =	vld [tilespmem:s20+$0x0];
	v1 =	vadd.f32 v1, v6  }
0x4c0: {  	p0 =	slt.u32 s15, $0x26;
	s20 =	sor.u32 s13, s3;
	s3 =	sor.u32 s19, s3;
	v2 =	vadd.f32 v3, v2;
	v3 =	vld [tilespmem:s1+$0x0]  }
0x4c1: {  	v6 =	vld [tilespmem:s3+$0x0];
	v1 =	vadd.f32 v4, v1  }
0x4c2: {  	v4 =	vld [tilespmem:s3+$0x80];
	v2 =	vadd.f32 v5, v2  }
0x4c3: {  	v5 =	vld [tilespmem:s20+$0x0];
	v1 =	vadd.f32 v7, v1  }
0x4c4: {  	v7 =	vld [tilespmem:s3+$0x100];
	v2 =	vadd.f32 v8, v2  }
0x4c5: {  	v8 =	vld [tilespmem:s20+$0x80];
	v1 =	vadd.f32 $1.000000020e-16, v1  }
0x4c6: {  	v9 =	vld [tilespmem:s3+$0x180];
	v2 =	vadd.f32 v3, v2  }
0x4c7: {  	v3 =	vld [tilespmem:s20+$0x100];
	v4 =	vadd.f32 v4, v6;
	(erf) = vrcp.f32 v1  }
0x4c8: {  	v1 =	vld [tilespmem:s3+$0x200];
	v2 =	vadd.f32 $1.000000020e-16, v2  }
0x4c9: {  	v6 =	vld [tilespmem:s20+$0x180];
	v4 =	vadd.f32 v7, v4  }
0x4ca: {  	v5 =	vadd.f32 v8, v5;
	v7 =	vld [tilespmem:s3+$0x280];
	(erf) = vrcp.f32 v2  }
0x4cb: {  	v2 =	vld [tilespmem:s20+$0x200];
	v4 =	vadd.f32 v9, v4  }
0x4cc: {  	v3 =	vadd.f32 v3, v5;
	v5 =	vld [tilespmem:s3+$0x300]  }
0x4cd: {  	v8 =	vld [tilespmem:s20+$0x280];
	v1 =	vadd.f32 v1, v4  }
0x4ce: {  	s1 =	sadd.s32 $0x15000, s18;
	v3 =	vadd.f32 v6, v3;
	v4 =	vld [tilespmem:s3+$0x380]  }
0x4cf: {  	s9 =	sand.u32 $0x380, s9;
	s3 =	sor.u32 s13, s1;
	s1 =	sor.u32 s19, s1;
	v6 =	vld [tilespmem:s20+$0x300];
	v1 =	vadd.f32 v7, v1  }
0x4d0: {  	s21 =	sadd.s32 $0x15080, s18;
	v2 =	vadd.f32 v2, v3;
	v3 =	vld [tilespmem:s1+$0x0];
	s1 =	sor.u32 s8, s9;
	v7 =	vpop (erf);
	s8 =	smov.u32 s19  }
0x4d1: {  	s19 =	sor.u32 s13, s21;
	s9 =	smov.u32 s17;
	v9 =	vld [tilespmem:s20+$0x380];
	v1 =	vadd.f32 v5, v1;
	s20 =	sor.u32 s8, s21;
	[tilespmem:s1+$0x16400] =	vst v7  }
0x4d2: {  	s1 =	sadd.s32 $0x15100, s18;
	v2 =	vadd.f32 v8, v2;
	v5 =	vld [tilespmem:s20+$0x0]  }
0x4d3: {  	s14 =	sadd.s32 $0x20, s14;
	v7 =	vld [tilespmem:s3+$0x0];
	s3 =	sor.u32 s13, s1;
	v1 =	vadd.f32 v4, v1;
	s1 =	sor.u32 s8, s1;
	v4 =	vpop (erf)  }
0x4d4: {  	s20 =	sadd.s32 $0x15180, s18;
	v2 =	vadd.f32 v6, v2;
	v6 =	vld [tilespmem:s1+$0x0];
	[tilespmem:s14+$0x0] =	vst v4  }
0x4d5: {  	s1 =	sor.u32 s13, s20;
	v4 =	vld [tilespmem:s19+$0x0];
	v1 =	vadd.f32 v3, v1;
	s19 =	sor.u32 s8, s20  }
0x4d6: {  	s20 =	sadd.s32 $0x15200, s18;
	v2 =	vadd.f32 v9, v2;
	v8 =	vld [tilespmem:s19+$0x0]  }
0x4d7: {  	s19 =	sor.u32 s8, s20;
	v9 =	vld [tilespmem:s3+$0x0];
	s3 =	sor.u32 s13, s20;
	v1 =	vadd.f32 v5, v1  }
0x4d8: {  	s20 =	sadd.s32 $0x15280, s18;
	v3 =	vadd.f32 v7, v2;
	v10 =	vld [tilespmem:s19+$0x0]  }
.Ltmp15:
0x4d9: {  	s19 =	sor.u32 s8, s20;
	v2 =	vld [tilespmem:s1+$0x0];
	s1 =	sor.u32 s13, s20;
	v5 =	vadd.f32 v6, v1;
	(pc) =	sbr.rel @p0 .LBB2_32-.Ltmp15, $4  }
0x4da: {  	s21 =	sadd.s32 $0x15300, s18;
	v4 =	vadd.f32 v4, v3;
	v1 =	vld [tilespmem:s19+$0x0]  }
0x4db: {  	s20 =	sor.u32 s13, s21;
	v3 =	vld [tilespmem:s3+$0x0];
	v6 =	vadd.f32 v8, v5;
	s3 =	sor.u32 s8, s21  }
0x4dc: {  	s19 =	sadd.s32 $0x15380, s18;
	v7 =	vadd.f32 v9, v4;
	v4 =	vld [tilespmem:s3+$0x0]  }
0x4dd: {  	s16 =	sadd.s32 $0x100, s16;
	s17 =	sadd.s32 $0x20, s17;
	s21 =	sor.u32 s8, s19;
	v5 =	vld [tilespmem:s1+$0x0];
	v6 =	vadd.f32 v10, v6  }
0x4de: {  	v2 =	vadd.f32 v2, v7  }
0x4df: {  	v44 =	vld [tilespmem:s20+$0x0]  }
0x4e0: {  	s1 =	sor.u32 s13, s19;
	v8 =	vld [tilespmem:s21+$0x0];
	v2 =	vadd.f32 v3, v2  }
0x4e1: {  	v1 =	vadd.f32 v1, v6;
	v3 =	vld [tilespmem:s1+$0x0]  }
0x4e2: {  	v2 =	vadd.f32 v5, v2  }
0x4e3: {  	v1 =	vadd.f32 v4, v1  }
0x4e4: {  	v2 =	vadd.f32 v44, v2  }
0x4e5: {  	v1 =	vadd.f32 v8, v1  }
0x4e6: {  	v2 =	vadd.f32 v3, v2  }
0x4e7: {  	v1 =	vadd.f32 $1.000000020e-16, v1  }
0x4e8: {  	v2 =	vadd.f32 $1.000000020e-16, v2  }
0x4e9: {  	(erf) = vrcp.f32 v1  }
0x4ea: {  	(erf) = vrcp.f32 v2;
	_ =	sdelay $0x6  }
0x4eb: {  	s17 =	sand.u32 $0x380, s9  }
0x4ec: {  	s1 =	sor.u32 s8, s17;
	v1 =	vpop (erf)  }
0x4ed: {  	s18 =	sadd.s32 $0x20, s14;
	[tilespmem:s1+$0x16400] =	vst v1;
	v1 =	vpop (erf)  }
0x4ee: {  	s19 =	simm.s32 $0x16400;
	[tilespmem:s18+$0x0] =	vst v1  }
0x4ef: {  	[spmem:s12] =	stream.linear.scatter [tilespmem:s19], [sflag:$0x4], $0x280, $0x200038;
	[tilespmem:$0x19580] =	vst v63  }
0x4f0: {  	_ =	swait.ge [sflag:s23], $0x280  }
0x4f1: {  	[sflag:s23] =	ssyncset.done $0x0  }
0x4f2: {  	[sflag:s23] =	ssyncadd.s32 $0xFFFFFD80  }
0x4f3: {  	[bflag:$0x0] =	sbarrier.arrive $0xFFFF  }
0x4f4: {  	s20 =	rddreg [dreg:$0x3]  }
0x4f5: {  	[tilespmem:s30], [sflag:$0x4] =	stream.linear.gather [spmem:s20], $0x2800, $0x200038;
	[tilespmem:$0x19580] =	vst v63  }
0x4f6: {  	_ =	swait.ge [sflag:s23], $0x2800  }
0x4f7: {  	[sflag:s23] =	ssyncset.done $0x0  }
0x4f8: {  	[sflag:s23] =	ssyncadd.s32 $0xFFFFD800  }
0x4f9: {  	_ =	strace $0x90000054  }
0x4fa: {  	s21 =	simm.s32 $0x50;
	s3 =	simm.s32 $0x0;
	_ =	strace $0x80000055  }
0x4fb: {  	s3 =	sand.u32 $0x7FE0, s3;
	v1 =	vld [tilespmem:s21+$0x40]  }
0x4fc: {  	v2 =	vld [tilespmem:s3+$0x80]  }
0x4fd: {  	v3 =	vld [tilespmem:s21+$0xFFFFFFC0]  }
0x4fe: {  	v45 =	vld [tilespmem:s21+$0xFFFFFFD0]  }
0x4ff: {  	v46 =	vld [tilespmem:s21+$0xFFFFFFE0]  }
0x500: {  	v47 =	vld [tilespmem:s21+$0xFFFFFFF0]  }
0x501: {  	v49 =	vld [tilespmem:s21+$0x0]  }
0x502: {  	v10 =	vld [tilespmem:s21+$0x10]  }
0x503: {  	s8 =	simm.s32 $0x4ED0;
	v11 =	vld [tilespmem:s21+$0x20]  }
0x504: {  	v13 =	vld [tilespmem:s8+$0x40]  }
0x505: {  	v17 =	vld [tilespmem:s3+$0x4F00]  }
0x506: {  	v18 =	vld [tilespmem:s21+$0xFFFFFFB0]  }
0x507: {  	v54 =	vld [tilespmem:s8+$0xFFFFFFB0]  }
0x508: {  	v55 =	vld [tilespmem:s8+$0xFFFFFFC0]  }
0x509: {  	v56 =	vld [tilespmem:s8+$0xFFFFFFD0]  }
0x50a: {  	v57 =	vld [tilespmem:s8+$0xFFFFFFE0];
	v48 =	vshra.s32 v1, $0x10  }
0x50b: {  	v21 =	vld [tilespmem:s8+$0xFFFFFFF0];
	v9 =	vshra.s32 v2, $0x10  }
0x50c: {  	v22 =	vld [tilespmem:s8+$0x0];
	v12 =	vshra.s32 v3, $0x10  }
0x50d: {  	v58 =	vld [tilespmem:s8+$0x10];
	v14 =	vshra.s32 v45, $0x10  }
0x50e: {  	v59 =	vld [tilespmem:s8+$0x20];
	v15 =	vshra.s32 v46, $0x10  }
0x50f: {  	v16 =	vshra.s32 v47, $0x10;
	v7 =	vld.idx.msk [tilespmem:v48+s30+$0x0], $0xffff  }
0x510: {  	v50 =	vshra.s32 v11, $0x10;
	v9 =	vld.idx.msk [tilespmem:v9+s30+$0x0], $0xffff  }
0x511: {  	v51 =	vshra.s32 v18, $0x10;
	v12 =	vld.idx.msk [tilespmem:v12+s30+$0x0], $0xffff  }
0x512: {  	v1 =	vand.u32 $0xFFFF, v1;
	v14 =	vld.idx.msk [tilespmem:v14+s30+$0x0], $0xffff  }
0x513: {  	v2 =	vand.u32 $0xFFFF, v2;
	v15 =	vld.idx.msk [tilespmem:v15+s30+$0x0], $0xffff  }
0x514: {  	v19 =	vshra.s32 v49, $0x10;
	v16 =	vld.idx.msk [tilespmem:v16+s30+$0x0], $0xffff  }
0x515: {  	v20 =	vshra.s32 v10, $0x10;
	v52 =	vld.idx.msk [tilespmem:v50+s30+$0x0], $0xffff;
	v7 =	vmul.f32 v7, v13  }
0x516: {  	v3 =	vand.u32 $0xFFFF, v3;
	v53 =	vld.idx.msk [tilespmem:v51+s30+$0x0], $0xffff;
	v9 =	vmul.f32 v9, v17  }
0x517: {  	v4 =	vand.u32 $0xFFFF, v45;
	[tilespmem:v1+s4+$0x0] =	vst.idx.add.f32.msk $0xffff, v7  }
0x518: {  	v5 =	vand.u32 $0xFFFF, v46;
	[tilespmem:v2+s4+$0x0] =	vst.idx.add.f32.msk $0xffff, v9  }
0x519: {  	v6 =	vand.u32 $0xFFFF, v47;
	v12 =	vmul.f32 v12, v55;
	v1 =	vld.idx.msk [tilespmem:v19+s30+$0x0], $0xffff  }
0x51a: {  	v18 =	vand.u32 $0xFFFF, v18;
	v14 =	vmul.f32 v14, v56;
	v2 =	vld.idx.msk [tilespmem:v20+s30+$0x0], $0xffff  }
0x51b: {  	v61 =	vmul.f32 v15, v57;
	[tilespmem:v3+s4+$0x0] =	vst.idx.add.f32.msk $0xffff, v12;
	v3 =	vand.u32 $0xFFFF, v11  }
0x51c: {  	v8 =	vand.u32 $0xFFFF, v49;
	v62 =	vmul.f32 v16, v21;
	[tilespmem:v4+s4+$0x0] =	vst.idx.add.f32.msk $0xffff, v14  }
0x51d: {  	v60 =	vand.u32 $0xFFFF, v10;
	v9 =	vmul.f32 v53, v54;
	[tilespmem:v5+s4+$0x0] =	vst.idx.add.f32.msk $0xffff, v61  }
0x51e: {  	v63 =	vmul.f32 v52, v59;
	[tilespmem:v6+s4+$0x0] =	vst.idx.add.f32.msk $0xffff, v62  }
0x51f: {  	[tilespmem:v18+s4+$0x0] =	vst.idx.add.f32.msk $0xffff, v9;
	v1 =	vmul.f32 v1, v22  }
0x520: {  	v2 =	vmul.f32 v2, v58;
	[tilespmem:v3+s4+$0x0] =	vst.idx.add.f32.msk $0xffff, v63  }
0x521: {  	[tilespmem:v8+s4+$0x0] =	vst.idx.add.f32.msk $0xffff, v1  }
0x522: {  	s9 =	simm.s32 $0x0;
	s13 =	simm.s32 $0xF0;
	s14 =	simm.s32 $0xA0;
	[tilespmem:v60+s4+$0x0] =	vst.idx.add.f32.msk $0xffff, v2  }
.LBB2_34:
0x523: {  	s1 =	sand.u32 $0x7FE0, s14;
	v1 =	vld [tilespmem:s13+$0x40];
	s9 =	sadd.s32 $0xA, s9  }
0x524: {  	v2 =	vld [tilespmem:s1+$0x80];
	p0 =	slt.u32 s9, $0x4D8  }
0x525: {  	v3 =	vld [tilespmem:s13+$0xFFFFFFC0]  }
0x526: {  	v4 =	vld [tilespmem:s13+$0xFFFFFFD0]  }
0x527: {  	v5 =	vld [tilespmem:s13+$0xFFFFFFE0]  }
0x528: {  	v6 =	vld [tilespmem:s13+$0xFFFFFFF0];
	v7 =	vshra.s32 v1, $0x10  }
0x529: {  	v8 =	vld [tilespmem:s13+$0x0];
	v9 =	vshra.s32 v2, $0x10  }
0x52a: {  	v10 =	vshra.s32 v3, $0x10;
	v3 =	vand.u32 $0xFFFF, v3;
	v11 =	vld [tilespmem:s13+$0x10]  }
0x52b: {  	s8 =	sadd.s32 $0xA0, s8;
	v12 =	vshra.s32 v4, $0x10;
	v4 =	vand.u32 $0xFFFF, v4;
	v13 =	vld [tilespmem:s13+$0x20]  }
0x52c: {  	v14 =	vshra.s32 v5, $0x10;
	v5 =	vand.u32 $0xFFFF, v5;
	v15 =	vld [tilespmem:s8+$0x40]  }
0x52d: {  	v16 =	vshra.s32 v6, $0x10;
	v6 =	vand.u32 $0xFFFF, v6;
	v7 =	vld.idx.msk [tilespmem:v7+s30+$0x0], $0xffff  }
0x52e: {  	v17 =	vshra.s32 v8, $0x10;
	v8 =	vand.u32 $0xFFFF, v8;
	v9 =	vld.idx.msk [tilespmem:v9+s30+$0x0], $0xffff  }
0x52f: {  	v18 =	vshra.s32 v11, $0x10;
	v11 =	vand.u32 $0xFFFF, v11;
	v19 =	vld [tilespmem:s1+$0x4F00]  }
0x530: {  	v1 =	vand.u32 $0xFFFF, v1;
	v20 =	vld [tilespmem:s13+$0xFFFFFFB0];
	v21 =	vshra.s32 v13, $0x10;
	v13 =	vand.u32 $0xFFFF, v13  }
0x531: {  	v2 =	vand.u32 $0xFFFF, v2;
	v10 =	vld.idx.msk [tilespmem:v10+s30+$0x0], $0xffff  }
0x532: {  	v12 =	vld.idx.msk [tilespmem:v12+s30+$0x0], $0xffff  }
0x533: {  	v7 =	vmul.f32 v7, v15;
	v14 =	vld.idx.msk [tilespmem:v14+s30+$0x0], $0xffff  }
0x534: {  	v15 =	vld.idx.msk [tilespmem:v16+s30+$0x0], $0xffff;
	v9 =	vmul.f32 v9, v19  }
0x535: {  	v16 =	vshra.s32 v20, $0x10;
	v19 =	vand.u32 $0xFFFF, v20;
	[tilespmem:v1+s4+$0x0] =	vst.idx.add.f32.msk $0xffff, v7  }
0x536: {  	[tilespmem:v2+s4+$0x0] =	vst.idx.add.f32.msk $0xffff, v9  }
0x537: {  	v1 =	vld.idx.msk [tilespmem:v17+s30+$0x0], $0xffff  }
0x538: {  	v2 =	vld.idx.msk [tilespmem:v18+s30+$0x0], $0xffff  }
0x539: {  	v7 =	vld.idx.msk [tilespmem:v21+s30+$0x0], $0xffff  }
0x53a: {  	v9 =	vld.idx.msk [tilespmem:v16+s30+$0x0], $0xffff  }
0x53b: {  	v16 =	vld [tilespmem:s8+$0xFFFFFFB0]  }
0x53c: {  	v17 =	vld [tilespmem:s8+$0xFFFFFFC0]  }
0x53d: {  	v18 =	vld [tilespmem:s8+$0xFFFFFFD0]  }
0x53e: {  	v20 =	vld [tilespmem:s8+$0xFFFFFFE0]  }
0x53f: {  	v21 =	vld [tilespmem:s8+$0xFFFFFFF0]  }
0x540: {  	v9 =	vmul.f32 v9, v16;
	v16 =	vld [tilespmem:s8+$0x0]  }
0x541: {  	v10 =	vmul.f32 v10, v17;
	v17 =	vld [tilespmem:s8+$0x10]  }
0x542: {  	v12 =	vmul.f32 v12, v18;
	v18 =	vld [tilespmem:s8+$0x20]  }
0x543: {  	[tilespmem:v19+s4+$0x0] =	vst.idx.add.f32.msk $0xffff, v9;
	v9 =	vmul.f32 v14, v20  }
0x544: {  	[tilespmem:v3+s4+$0x0] =	vst.idx.add.f32.msk $0xffff, v10;
	v3 =	vmul.f32 v15, v21  }
0x545: {  	[tilespmem:v4+s4+$0x0] =	vst.idx.add.f32.msk $0xffff, v12;
	v1 =	vmul.f32 v1, v16  }
.Ltmp16:
0x546: {  	[tilespmem:v5+s4+$0x0] =	vst.idx.add.f32.msk $0xffff, v9;
	v2 =	vmul.f32 v2, v17;
	(pc) =	sbr.rel @p0 .LBB2_34-.Ltmp16, $4  }
0x547: {  	[tilespmem:v6+s4+$0x0] =	vst.idx.add.f32.msk $0xffff, v3;
	v3 =	vmul.f32 v7, v18  }
0x548: {  	[tilespmem:v8+s4+$0x0] =	vst.idx.add.f32.msk $0xffff, v1  }
0x549: {  	[tilespmem:v11+s4+$0x0] =	vst.idx.add.f32.msk $0xffff, v2  }
0x54a: {  	s14 =	sadd.s32 $0xA0, s14;
	s13 =	sadd.s32 $0xA0, s13;
	[tilespmem:v13+s4+$0x0] =	vst.idx.add.f32.msk $0xffff, v3  }
0x54b: {  	_ =	strace $0x90000055  }
0x54c: {  	_ =	strace $0x80000056  }
0x54d: {  	[spmem:s10] =	stream.strided.scatter [tilespmem:s4], [sflag:$0x4], $0x2800, s25, s24, $0x200038;
	[tilespmem:$0x19580] =	vst v63  }
0x54e: {  	_ =	swait.ge [sflag:s23], $0x2800  }
0x54f: {  	[sflag:s23] =	ssyncset.done $0x0  }
0x550: {  	[sflag:s23] =	ssyncadd.s32 $0xFFFFD800  }
0x551: {  	[bflag:$0x0] =	sbarrier.arrive $0xFFFF  }
0x552: {  	[tilespmem:s22], [sflag:$0x4] =	stream.strided.gather [spmem:s11], $0x2800, s2, s0, $0x200038;
	[tilespmem:$0x19580] =	vst v63  }
0x553: {  	_ =	swait.ge [sflag:s23], $0x2800  }
0x554: {  	[sflag:s23] =	ssyncset.done $0x0  }
0x555: {  	s16 =	simm.s32 $0x0;
	[sflag:s23] =	ssyncadd.s32 $0xFFFFD800  }
0x556: {  	s9 =	sand.u32 $0x60, s16;
	s1 =	sand.u32 $0x1C00, s16;
	_ =	swait.ge [sflag:s6], $0x280  }
0x557: {  	s3 =	sadd.s32 $0x13C00, s1;
	s15 =	sor.u32 $0x10, s9;
	[sflag:s6] =	ssyncset.done $0x0  }
0x558: {  	s8 =	sor.u32 s15, s3;
	[sflag:s6] =	ssyncadd.s32 $0xFFFFFD80  }
0x559: {  	v1 =	vld [tilespmem:s8+$0x0]  }
0x55a: {  	s3 =	sor.u32 s9, s3;
	v2 =	vld [tilespmem:s8+$0x80]  }
0x55b: {  	v3 =	vld [tilespmem:s3+$0x0]  }
0x55c: {  	v4 =	vld [tilespmem:s8+$0x100]  }
0x55d: {  	v5 =	vld [tilespmem:s3+$0x80]  }
0x55e: {  	v6 =	vld [tilespmem:s8+$0x180]  }
0x55f: {  	v7 =	vld [tilespmem:s3+$0x100]  }
0x560: {  	v8 =	vld [tilespmem:s8+$0x200]  }
0x561: {  	v9 =	vld [tilespmem:s3+$0x180]  }
0x562: {  	v10 =	vld [tilespmem:s8+$0x280]  }
0x563: {  	v11 =	vld [tilespmem:s3+$0x200]  }
0x564: {  	v12 =	vld [tilespmem:s8+$0x300]  }
0x565: {  	v13 =	vld [tilespmem:s3+$0x280]  }
0x566: {  	s13 =	sadd.s32 $0x15000, s1;
	v14 =	vld [tilespmem:s8+$0x380]  }
0x567: {  	s21 =	sor.u32 s15, s13;
	v15 =	vld [tilespmem:s3+$0x300]  }
0x568: {  	v16 =	vld [tilespmem:s21+$0x0]  }
0x569: {  	s18 =	sadd.s32 $0x15100, s1;
	s17 =	sor.u32 s9, s13;
	v17 =	vld [tilespmem:s3+$0x380]  }
0x56a: {  	s14 =	sadd.s32 $0x15080, s1;
	s19 =	sor.u32 s15, s18;
	v19 =	vld [tilespmem:s17+$0x0]  }
0x56b: {  	s20 =	sor.u32 s9, s14;
	v20 =	vld [tilespmem:s19+$0x0]  }
0x56c: {  	s8 =	sor.u32 s15, s14;
	v21 =	vld [tilespmem:s20+$0x0]  }
0x56d: {  	s21 =	sadd.s32 $0x15180, s1;
	s17 =	sor.u32 s9, s18;
	v18 =	vld [tilespmem:s8+$0x0]  }
0x56e: {  	s18 =	sadd.s32 $0x15200, s1;
	s8 =	sor.u32 s15, s21;
	v23 =	vld [tilespmem:s17+$0x0]  }
0x56f: {  	s19 =	sor.u32 s15, s18;
	v22 =	vld [tilespmem:s8+$0x0]  }
0x570: {  	s20 =	sor.u32 s9, s21;
	v24 =	vld [tilespmem:s19+$0x0]  }
0x571: {  	s21 =	sadd.s32 $0x15280, s1;
	s17 =	sor.u32 s9, s18;
	v25 =	vld [tilespmem:s20+$0x0]  }
0x572: {  	s18 =	sadd.s32 $0x15300, s1;
	s8 =	sor.u32 s15, s21;
	v27 =	vld [tilespmem:s17+$0x0]  }
0x573: {  	s19 =	sor.u32 s15, s18;
	v26 =	vld [tilespmem:s8+$0x0]  }
0x574: {  	s1 =	sadd.s32 $0x15380, s1;
	s20 =	sor.u32 s9, s21;
	v28 =	vld [tilespmem:s19+$0x0]  }
0x575: {  	s21 =	sor.u32 s15, s1;
	v29 =	vld [tilespmem:s20+$0x0];
	s19 =	simm.s32 $0x100;
	s8 =	simm.s32 $0x20;
	v1 =	vadd.f32 v2, v1  }
0x576: {  	s18 =	sor.u32 s9, s18;
	s13 =	sand.u32 $0x60, s8;
	s17 =	sand.u32 $0x1C00, s19;
	v2 =	vadd.f32 v5, v3;
	v3 =	vld [tilespmem:s21+$0x0]  }
0x577: {  	s1 =	sor.u32 s9, s1;
	s20 =	sadd.s32 $0x13C00, s17;
	s9 =	sor.u32 $0x10, s13;
	v5 =	vld [tilespmem:s18+$0x0];
	v1 =	vadd.f32 v4, v1  }
0x578: {  	s21 =	sor.u32 s9, s20;
	v2 =	vadd.f32 v7, v2;
	v4 =	vld [tilespmem:s1+$0x0]  }
0x579: {  	v7 =	vld [tilespmem:s21+$0x0];
	v1 =	vadd.f32 v6, v1  }
0x57a: {  	s3 =	sor.u32 s13, s20;
	v2 =	vadd.f32 v9, v2;
	v6 =	vld [tilespmem:s21+$0x80]  }
0x57b: {  	v45 =	vld [tilespmem:s3+$0x0];
	v1 =	vadd.f32 v8, v1  }
0x57c: {  	v2 =	vadd.f32 v11, v2;
	v8 =	vld [tilespmem:s21+$0x100]  }
0x57d: {  	v46 =	vld [tilespmem:s3+$0x80];
	v1 =	vadd.f32 v10, v1  }
0x57e: {  	v47 =	vld [tilespmem:s21+$0x180];
	v2 =	vadd.f32 v13, v2  }
0x57f: {  	v6 =	vadd.f32 v6, v7;
	v7 =	vld [tilespmem:s3+$0x100];
	v1 =	vadd.f32 v12, v1  }
0x580: {  	v48 =	vld [tilespmem:s21+$0x200];
	v2 =	vadd.f32 v15, v2  }
0x581: {  	v6 =	vadd.f32 v8, v6;
	v8 =	vld [tilespmem:s3+$0x180];
	v1 =	vadd.f32 v14, v1  }
0x582: {  	v49 =	vld [tilespmem:s21+$0x280];
	v9 =	vadd.f32 v46, v45;
	v2 =	vadd.f32 v17, v2  }
0x583: {  	v50 =	vld [tilespmem:s3+$0x200];
	v6 =	vadd.f32 v47, v6;
	v1 =	vadd.f32 v16, v1  }
0x584: {  	v51 =	vld [tilespmem:s21+$0x300];
	v2 =	vadd.f32 v19, v2;
	v7 =	vadd.f32 v7, v9  }
0x585: {  	v52 =	vld [tilespmem:s3+$0x280];
	v6 =	vadd.f32 v48, v6;
	v1 =	vadd.f32 v18, v1  }
0x586: {  	s18 =	sadd.s32 $0x15000, s17;
	v53 =	vld [tilespmem:s21+$0x380];
	v2 =	vadd.f32 v21, v2;
	v7 =	vadd.f32 v8, v7  }
0x587: {  	s19 =	sor.u32 s9, s18;
	v8 =	vld [tilespmem:s3+$0x300];
	v6 =	vadd.f32 v49, v6;
	v1 =	vadd.f32 v20, v1  }
0x588: {  	s20 =	sadd.s32 $0x15080, s17;
	v54 =	vld [tilespmem:s19+$0x0];
	v2 =	vadd.f32 v23, v2;
	v7 =	vadd.f32 v50, v7  }
0x589: {  	v55 =	vld [tilespmem:s3+$0x380];
	s21 =	sor.u32 s9, s20;
	v6 =	vadd.f32 v51, v6;
	v1 =	vadd.f32 v22, v1  }
0x58a: {  	s14 =	sadd.s32 $0x15100, s17;
	v56 =	vld [tilespmem:s21+$0x0];
	s3 =	sor.u32 s13, s18;
	v2 =	vadd.f32 v25, v2;
	v7 =	vadd.f32 v52, v7  }
0x58b: {  	s19 =	sor.u32 s9, s14;
	v57 =	vld [tilespmem:s3+$0x0];
	v6 =	vadd.f32 v53, v6;
	v1 =	vadd.f32 v24, v1  }
0x58c: {  	v58 =	vld [tilespmem:s19+$0x0];
	s20 =	sor.u32 s13, s20;
	s21 =	sadd.s32 $0x15180, s17;
	v2 =	vadd.f32 v27, v2;
	v7 =	vadd.f32 v8, v7  }
0x58d: {  	s3 =	sor.u32 s9, s21;
	v8 =	vld [tilespmem:s20+$0x0];
	v6 =	vadd.f32 v54, v6;
	v1 =	vadd.f32 v26, v1  }
0x58e: {  	s14 =	sor.u32 s13, s14;
	s19 =	sadd.s32 $0x15200, s17;
	v59 =	vld [tilespmem:s3+$0x0];
	v2 =	vadd.f32 v29, v2;
	v7 =	vadd.f32 v55, v7  }
0x58f: {  	v60 =	vld [tilespmem:s14+$0x0];
	s20 =	sor.u32 s9, s19;
	v6 =	vadd.f32 v56, v6;
	v61 =	vadd.f32 v28, v1  }
0x590: {  	s18 =	sadd.s32 $0x15280, s17;
	s21 =	sor.u32 s13, s21;
	v62 =	vld [tilespmem:s20+$0x0];
	v2 =	vadd.f32 v5, v2;
	v5 =	vadd.f32 v57, v7  }
0x591: {  	s14 =	simm.s32 $0x16680;
	s3 =	sor.u32 s9, s18;
	v1 =	vld [tilespmem:s21+$0x0];
	v6 =	vadd.f32 v58, v6;
	v7 =	vadd.f32 v3, v61  }
0x592: {  	s19 =	sor.u32 s13, s19;
	s20 =	sadd.s32 $0x15300, s17;
	s21 =	sand.u32 $0x380, s16;
	v63 =	vadd.f32 v4, v2;
	v2 =	vld [tilespmem:s3+$0x0];
	v5 =	vadd.f32 v8, v5  }
0x593: {  	s16 =	simm.s32 $0x2;
	s3 =	sor.u32 s15, s21;
	v3 =	vld [tilespmem:s19+$0x0];
	s15 =	sor.u32 s9, s20;
	v6 =	vadd.f32 v59, v6  }
0x594: {  	s21 =	sor.u32 s13, s18;
	s19 =	sor.u32 s13, s20;
	s20 =	sadd.s32 $0x15380, s17;
	v4 =	vld [tilespmem:s15+$0x0];
	[tilespmem:s3+$0x16680] =	vst v7;
	v7 =	vadd.f32 v60, v5  }
0x595: {  	s17 =	simm.s32 $0x40;
	s15 =	simm.s32 $0x200;
	[tilespmem:s14+$0x0] =	vst v63;
	v5 =	vld [tilespmem:s21+$0x0];
	s21 =	sor.u32 s9, s20;
	v6 =	vadd.f32 v62, v6  }
.LBB2_36:
0x596: {  	s18 =	sand.u32 $0x1C00, s15;
	v1 =	vadd.f32 v1, v7;
	s1 =	sor.u32 s13, s20;
	s13 =	sand.u32 $0x60, s17;
	v7 =	vld [tilespmem:s21+$0x0]  }
0x597: {  	s16 =	sadd.s32 $0x2, s16;
	s3 =	sadd.s32 $0x13C00, s18;
	s20 =	sor.u32 $0x10, s13;
	v8 =	vld [tilespmem:s19+$0x0];
	v2 =	vadd.f32 v2, v6  }
0x598: {  	p0 =	slt.u32 s16, $0x26;
	s19 =	sor.u32 s13, s3;
	s3 =	sor.u32 s20, s3;
	v1 =	vadd.f32 v3, v1;
	v3 =	vld [tilespmem:s1+$0x0]  }
0x599: {  	v6 =	vld [tilespmem:s3+$0x0];
	v2 =	vadd.f32 v4, v2  }
0x59a: {  	v4 =	vld [tilespmem:s3+$0x80];
	v1 =	vadd.f32 v5, v1  }
0x59b: {  	s1 =	sand.u32 $0x380, s8;
	s8 =	smov.u32 s17;
	v5 =	vld [tilespmem:s19+$0x0];
	v2 =	vadd.f32 v7, v2  }
0x59c: {  	s1 =	sor.u32 s9, s1;
	s9 =	smov.u32 s20;
	v7 =	vld [tilespmem:s3+$0x100];
	v1 =	vadd.f32 v8, v1  }
0x59d: {  	v8 =	vld [tilespmem:s19+$0x80];
	[tilespmem:s1+$0x16680] =	vst v2  }
0x59e: {  	v2 =	vld [tilespmem:s3+$0x180];
	v1 =	vadd.f32 v3, v1  }
0x59f: {  	s14 =	sadd.s32 $0x20, s14;
	v3 =	vld [tilespmem:s19+$0x100];
	v4 =	vadd.f32 v4, v6  }
0x5a0: {  	v6 =	vld [tilespmem:s3+$0x200];
	[tilespmem:s14+$0x0] =	vst v1  }
0x5a1: {  	v1 =	vld [tilespmem:s19+$0x180];
	v4 =	vadd.f32 v7, v4  }
0x5a2: {  	v5 =	vadd.f32 v8, v5;
	v7 =	vld [tilespmem:s3+$0x280]  }
0x5a3: {  	v8 =	vld [tilespmem:s19+$0x200];
	v2 =	vadd.f32 v2, v4  }
0x5a4: {  	v3 =	vadd.f32 v3, v5;
	v4 =	vld [tilespmem:s3+$0x300]  }
0x5a5: {  	v5 =	vld [tilespmem:s19+$0x280];
	v2 =	vadd.f32 v6, v2  }
0x5a6: {  	s1 =	sadd.s32 $0x15000, s18;
	v1 =	vadd.f32 v1, v3;
	v3 =	vld [tilespmem:s3+$0x380]  }
0x5a7: {  	s3 =	sor.u32 s13, s1;
	s1 =	sor.u32 s9, s1;
	v6 =	vld [tilespmem:s19+$0x300];
	v2 =	vadd.f32 v7, v2  }
0x5a8: {  	s20 =	sadd.s32 $0x15080, s18;
	v1 =	vadd.f32 v8, v1;
	v7 =	vld [tilespmem:s1+$0x0]  }
0x5a9: {  	s1 =	sor.u32 s13, s20;
	v8 =	vld [tilespmem:s19+$0x380];
	v2 =	vadd.f32 v4, v2;
	s19 =	sor.u32 s9, s20  }
0x5aa: {  	s20 =	sadd.s32 $0x15100, s18;
	v1 =	vadd.f32 v5, v1;
	v4 =	vld [tilespmem:s19+$0x0]  }
0x5ab: {  	s19 =	sor.u32 s9, s20;
	v5 =	vld [tilespmem:s3+$0x0];
	s3 =	sor.u32 s13, s20;
	v2 =	vadd.f32 v3, v2  }
0x5ac: {  	s20 =	sadd.s32 $0x15180, s18;
	v1 =	vadd.f32 v6, v1;
	v3 =	vld [tilespmem:s19+$0x0]  }
0x5ad: {  	s19 =	sor.u32 s9, s20;
	v6 =	vld [tilespmem:s1+$0x0];
	s1 =	sor.u32 s13, s20;
	v2 =	vadd.f32 v7, v2  }
0x5ae: {  	s20 =	sadd.s32 $0x15200, s18;
	v1 =	vadd.f32 v8, v1;
	v7 =	vld [tilespmem:s19+$0x0]  }
0x5af: {  	s19 =	sor.u32 s9, s20;
	v8 =	vld [tilespmem:s3+$0x0];
	s3 =	sor.u32 s13, s20;
	v2 =	vadd.f32 v4, v2  }
0x5b0: {  	s20 =	sadd.s32 $0x15280, s18;
	v4 =	vadd.f32 v5, v1;
	v9 =	vld [tilespmem:s19+$0x0]  }
.Ltmp17:
0x5b1: {  	s19 =	sor.u32 s9, s20;
	v1 =	vld [tilespmem:s1+$0x0];
	s1 =	sor.u32 s13, s20;
	v5 =	vadd.f32 v3, v2;
	(pc) =	sbr.rel @p0 .LBB2_36-.Ltmp17, $4  }
0x5b2: {  	s20 =	sadd.s32 $0x15300, s18;
	v4 =	vadd.f32 v6, v4;
	v2 =	vld [tilespmem:s19+$0x0]  }
0x5b3: {  	s19 =	sor.u32 s13, s20;
	v3 =	vld [tilespmem:s3+$0x0];
	v6 =	vadd.f32 v7, v5;
	s3 =	sor.u32 s9, s20  }
0x5b4: {  	s20 =	sadd.s32 $0x15380, s18;
	v7 =	vadd.f32 v8, v4;
	v4 =	vld [tilespmem:s3+$0x0]  }
0x5b5: {  	s15 =	sadd.s32 $0x100, s15;
	s17 =	sadd.s32 $0x20, s17;
	s21 =	sor.u32 s9, s20;
	v5 =	vld [tilespmem:s1+$0x0];
	v6 =	vadd.f32 v9, v6  }
0x5b6: {  	v1 =	vadd.f32 v1, v7  }
0x5b7: {  	v63 =	vld [tilespmem:s19+$0x0]  }
0x5b8: {  	s1 =	sor.u32 s13, s20;
	v8 =	vld [tilespmem:s21+$0x0];
	v1 =	vadd.f32 v3, v1  }
0x5b9: {  	v2 =	vadd.f32 v2, v6;
	v3 =	vld [tilespmem:s1+$0x0]  }
0x5ba: {  	v1 =	vadd.f32 v5, v1  }
0x5bb: {  	v2 =	vadd.f32 v4, v2  }
0x5bc: {  	v1 =	vadd.f32 v63, v1  }
0x5bd: {  	s20 =	sand.u32 $0x380, s8;
	v2 =	vadd.f32 v8, v2  }
0x5be: {  	s1 =	sor.u32 s9, s20;
	v1 =	vadd.f32 v3, v1  }
0x5bf: {  	s21 =	sadd.s32 $0x20, s14;
	[tilespmem:s1+$0x16680] =	vst v2  }
0x5c0: {  	[tilespmem:s21+$0x0] =	vst v1  }
0x5c1: {  	s1 =	rddreg [dreg:$0x11]  }
0x5c2: {  	[hbm4b:s1+s24] =	stream.strided.scatter [tilespmem:s5], [sflag:$0x2], $0x280, s25, s24, $0x200038;
	[tilespmem:$0x19580] =	vst v63  }
0x5c3: {  	_ =	swait.ge [sflag:s29], $0x2780  }
0x5c4: {  	[sflag:s29] =	ssyncset.done $0x0  }
0x5c5: {  	[sflag:s29] =	ssyncadd.s32 $0xFFFFD880  }
0x5c6: {  	_ =	swait.ge [sflag:s29], $0x2780  }
0x5c7: {  	[sflag:s29] =	ssyncset.done $0x0  }
0x5c8: {  	[sflag:s29] =	ssyncadd.s32 $0xFFFFD880  }
0x5c9: {  	s8 =	simm.s32 $0xEC40;
	_ =	strace $0x90000056  }
0x5ca: {  	v1 =	vld [tilespmem:$0x16A80];
	_ =	strace $0x80000057;
	[tilespmem:s8+$0xFFFFFFC0] =	vst v0  }
0x5cb: {  	[tilespmem:s8+$0x30] =	vst v0  }
0x5cc: {  	[tilespmem:s8+$0x20] =	vst v0  }
0x5cd: {  	[tilespmem:s8+$0x10] =	vst v0  }
0x5ce: {  	[tilespmem:s8+$0x0] =	vst v0  }
0x5cf: {  	[tilespmem:s8+$0xFFFFFFF0] =	vst v0  }
0x5d0: {  	s9 =	simm.s32 $0x0;
	[tilespmem:s8+$0xFFFFFFE0] =	vst v0  }
.LBB2_38:
0x5d1: {  	s9 =	sadd.s32 $0x8, s9;
	[tilespmem:s8+$0xFFFFFFD0] =	vst v0;
	s8 =	sadd.s32 $0x80, s8  }
0x5d2: {  	[tilespmem:s8+$0xFFFFFFC0] =	vst v0;
	p0 =	slt.u32 s9, $0x278  }
0x5d3: {  	[tilespmem:s8+$0x30] =	vst v0  }
.Ltmp18:
0x5d4: {  	[tilespmem:s8+$0x20] =	vst v0;
	(pc) =	sbr.rel @p0 .LBB2_38-.Ltmp18, $4  }
0x5d5: {  	[tilespmem:s8+$0x10] =	vst v0  }
0x5d6: {  	[tilespmem:s8+$0x0] =	vst v0  }
0x5d7: {  	[tilespmem:s8+$0xFFFFFFF0] =	vst v0  }
0x5d8: {  	[tilespmem:s8+$0xFFFFFFE0] =	vst v0  }
0x5d9: {  	[tilespmem:s8+$0xFFFFFFD0] =	vst v0  }
0x5da: {  	_ =	strace $0x90000057  }
0x5db: {  	s1 =	simm.s32 $0x50;
	_ =	strace $0x80000058  }
0x5dc: {  	v3 =	vld [tilespmem:s1+$0xFFFFFFF0]  }
0x5dd: {  	v2 =	vld [tilespmem:s1+$0xFFFFFFB0]  }
0x5de: {  	v5 =	vld [tilespmem:s1+$0x20]  }
0x5df: {  	s3 =	simm.s32 $0x0;
	v6 =	vld [tilespmem:s1+$0xFFFFFFE0]  }
0x5e0: {  	s8 =	sand.u32 $0x7FE0, s3;
	v4 =	vld [tilespmem:s1+$0xFFFFFFC0]  }
0x5e1: {  	v8 =	vld [tilespmem:s8+$0x80];
	v11 =	vshra.s32 v3, $0x10  }
0x5e2: {  	v13 =	vld [tilespmem:s1+$0xFFFFFFD0];
	v14 =	vand.u32 $0xFFFF, v3  }
0x5e3: {  	v12 =	vld [tilespmem:s1+$0x10];
	v7 =	vand.u32 $0xFFFF, v2  }
0x5e4: {  	v15 =	vld [tilespmem:s1+$0x0];
	v9 =	vshra.s32 v2, $0x10  }
0x5e5: {  	v16 =	vld [tilespmem:s1+$0x40];
	v3 =	vshra.s32 v4, $0x10  }
0x5e6: {  	v17 =	vand.u32 $0xFFFF, v4;
	v18 =	vld.idx.msk [tilespmem:v11+s28+$0x0], $0xffff  }
0x5e7: {  	v10 =	vshra.s32 v13, $0x10;
	v14 =	vld.idx.msk [tilespmem:v14+s26+$0x0], $0xffff  }
0x5e8: {  	v13 =	vand.u32 $0xFFFF, v13;
	v7 =	vld.idx.msk [tilespmem:v7+s26+$0x0], $0xffff  }
0x5e9: {  	v2 =	vshra.s32 v8, $0x10;
	v19 =	vld.idx.msk [tilespmem:v9+s28+$0x0], $0xffff  }
0x5ea: {  	v21 =	vand.u32 $0xFFFF, v8;
	v20 =	vld.idx.msk [tilespmem:v3+s28+$0x0], $0xffff  }
0x5eb: {  	v23 =	vand.u32 $0xFFFF, v6;
	v17 =	vld.idx.msk [tilespmem:v17+s26+$0x0], $0xffff  }
0x5ec: {  	v24 =	vand.u32 $0xFFFF, v5;
	v25 =	vld.idx.msk [tilespmem:v10+s28+$0x0], $0xffff;
	v14 =	vadd.f32 v18, v14  }
0x5ed: {  	v4 =	vshra.s32 v5, $0x10;
	v5 =	vshra.s32 v6, $0x10;
	v13 =	vld.idx.msk [tilespmem:v13+s26+$0x0], $0xffff  }
0x5ee: {  	v6 =	vshra.s32 v15, $0x10;
	v22 =	vld.idx.msk [tilespmem:v2+s28+$0x0], $0xffff;
	v18 =	vadd.f32 v19, v7;
	v7 =	vmul.f32 $2.000000030e-01, v14  }
0x5ef: {  	v8 =	vshra.s32 v12, $0x10;
	v26 =	vand.u32 $0xFFFF, v12;
	v15 =	vand.u32 $0xFFFF, v15;
	v21 =	vld.idx.msk [tilespmem:v21+s26+$0x0], $0xffff  }
0x5f0: {  	v23 =	vld.idx.msk [tilespmem:v23+s26+$0x0], $0xffff;
	v17 =	vadd.f32 v20, v17;
	v12 =	vmul.f32 $2.000000030e-01, v18;
	v14 =	vmax.f32 v14, v7  }
0x5f1: {  	v62 =	vand.u32 $0xFFFF, v16;
	v24 =	vld.idx.msk [tilespmem:v24+s26+$0x0], $0xffff;
	v14 =	vsub.f32 v14, v1  }
0x5f2: {  	v19 =	vld.idx.msk [tilespmem:v4+s28+$0x0], $0xffff;
	v13 =	vadd.f32 v25, v13;
	v27 =	vmul.f32 $2.000000030e-01, v17;
	v12 =	vmax.f32 v18, v12  }
0x5f3: {  	v20 =	vld.idx.msk [tilespmem:v5+s28+$0x0], $0xffff;
	v7 =	vshra.s32 v16, $0x10;
	v16 =	vsub.f32 v12, v1;
	v18 =	vmul.f32 $1.442695020e+00, v14  }
0x5f4: {  	v29 =	vadd.f32 v22, v21;
	v28 =	vmul.f32 $2.000000030e-01, v13;
	v22 =	vmax.f32 v17, v27;
	v17 =	vld.idx.msk [tilespmem:v15+s26+$0x0], $0xffff  }
0x5f5: {  	v12 =	vld.idx.msk [tilespmem:v6+s28+$0x0], $0xffff;
	v21 =	vmul.f32 $1.442695020e+00, v16;
	(erf) = vpow2.f32 v18  }
0x5f6: {  	v14 =	vld.idx.msk [tilespmem:v8+s28+$0x0], $0xffff  }
0x5f7: {  	v63 =	vmax.f32 v13, v28;
	v15 =	vmul.f32 $2.000000030e-01, v29;
	v16 =	vld.idx.msk [tilespmem:v26+s26+$0x0], $0xffff;
	(erf) = vpow2.f32 v21  }
0x5f8: {  	s9 =	simm.s32 $0x4ED0;
	s13 =	simm.s32 $0x0;
	v13 =	vld.idx.msk [tilespmem:v7+s28+$0x0], $0xffff;
	v21 =	vsub.f32 v22, v1;
	v22 =	vsub.f32 v63, v1  }
0x5f9: {  	s14 =	simm.s32 $0xF0;
	s15 =	simm.s32 $0x4F70;
	s16 =	simm.s32 $0xA0;
	v20 =	vadd.f32 v20, v23;
	v18 =	vadd.f32 v19, v24;
	v19 =	vmax.f32 v29, v15;
	v15 =	vld.idx.msk [tilespmem:v62+s26+$0x0], $0xffff  }
.LBB2_40:
0x5fa: {  	v23 =	vld [tilespmem:s14+$0xFFFFFFB0];
	s17 =	sand.u32 $0x7FE0, s16;
	s13 =	sadd.s32 $0xA, s13;
	v21 =	vmul.f32 $1.442695020e+00, v21;
	v22 =	vmul.f32 $1.442695020e+00, v22;
	v19 =	vsub.f32 v19, v1  }
0x5fb: {  	v26 =	vmul.f32 $2.000000030e-01, v18;
	v24 =	vld [tilespmem:s14+$0x20];
	p0 =	slt.u32 s13, $0x4D8;
	v25 =	vmul.f32 $2.000000030e-01, v20  }
0x5fc: {  	v14 =	vadd.f32 v14, v16;
	v27 =	vld [tilespmem:s14+$0xFFFFFFE0];
	v16 =	vmul.f32 $1.442695020e+00, v19;
	(erf) = vpow2.f32 v22  }
0x5fd: {  	v12 =	vadd.f32 v12, v17;
	v17 =	vmax.f32 v18, v26;
	v19 =	vld [tilespmem:s14+$0xFFFFFFF0];
	(erf) = vpow2.f32 v21  }
0x5fe: {  	v20 =	vmax.f32 v20, v25;
	v28 =	vmul.f32 $2.000000030e-01, v14;
	v17 =	vsub.f32 v17, v1;
	v18 =	vld [tilespmem:s14+$0xFFFFFFC0];
	v22 =	vpop (erf)  }
0x5ff: {  	v20 =	vsub.f32 v20, v1;
	v26 =	vmul.f32 $2.000000030e-01, v12;
	v13 =	vadd.f32 v13, v15;
	v25 =	vld [tilespmem:s17+$0x80];
	[tilespmem:s9+$0xFFFFFFF0] =	vst v22  }
0x600: {  	v15 =	vand.u32 $0xFFFF, v23;
	v14 =	vmax.f32 v14, v28;
	v17 =	vmul.f32 $1.442695020e+00, v17;
	[tilespmem:v11+s30+$0x0] =	vst.idx.add.f32.msk $0xffff, v22;
	v21 =	vpop (erf)  }
0x601: {  	v22 =	vshra.s32 v23, $0x10;
	v20 =	vmul.f32 $1.442695020e+00, v20;
	v12 =	vmax.f32 v12, v26;
	v23 =	vld [tilespmem:s14+$0x10];
	[tilespmem:s9+$0xFFFFFFB0] =	vst v21  }
0x602: {  	v14 =	vsub.f32 v14, v1;
	v12 =	vsub.f32 v12, v1;
	v11 =	vshra.s32 v19, $0x10;
	[tilespmem:v9+s30+$0x0] =	vst.idx.add.f32.msk $0xffff, v21  }
0x603: {  	v9 =	vmovc v22;
	v21 =	vshra.s32 v18, $0x10;
	v18 =	vand.u32 $0xFFFF, v18;
	v26 =	vld [tilespmem:s14+$0x0];
	(erf) = vpow2.f32 v17  }
0x604: {  	v28 =	vmul.f32 $2.000000030e-01, v13;
	v22 =	vshra.s32 v27, $0x10;
	v27 =	vand.u32 $0xFFFF, v27;
	v17 =	vld [tilespmem:s14+$0xFFFFFFD0]  }
0x605: {  	v29 =	vshra.s32 v25, $0x10;
	v25 =	vand.u32 $0xFFFF, v25;
	v15 =	vld.idx.msk [tilespmem:v15+s26+$0x0], $0xffff;
	v30 =	vpop (erf);
	(erf) = vpow2.f32 v20  }
0x606: {  	v19 =	vand.u32 $0xFFFF, v19;
	v14 =	vmul.f32 $1.442695020e+00, v14;
	v12 =	vmul.f32 $1.442695020e+00, v12;
	v20 =	vld [tilespmem:s14+$0x40];
	[tilespmem:s9+$0xFFFFFFD0] =	vst v30;
	v31 =	vpop (erf)  }
0x607: {  	v13 =	vmax.f32 v13, v28;
	v32 =	vshra.s32 v23, $0x10;
	[tilespmem:v10+s30+$0x0] =	vst.idx.add.f32.msk $0xffff, v30  }
0x608: {  	v30 =	vshra.s32 v24, $0x10;
	v24 =	vand.u32 $0xFFFF, v24;
	v28 =	vld.idx.msk [tilespmem:v9+s28+$0x0], $0xffff;
	[tilespmem:s9+$0xFFFFFFC0] =	vst v31;
	(erf) = vpow2.f32 v12  }
0x609: {  	v33 =	vshra.s32 v26, $0x10;
	v26 =	vand.u32 $0xFFFF, v26;
	v12 =	vld.idx.msk [tilespmem:v21+s28+$0x0], $0xffff;
	v10 =	vshra.s32 v17, $0x10  }
0x60a: {  	v13 =	vsub.f32 v13, v1;
	v34 =	vld.idx.msk [tilespmem:v11+s28+$0x0], $0xffff;
	(erf) = vpow2.f32 v14  }
0x60b: {  	v14 =	vld.idx.msk [tilespmem:v19+s26+$0x0], $0xffff;
	v19 =	vshra.s32 v20, $0x10;
	v35 =	vand.u32 $0xFFFF, v20  }
0x60c: {  	v13 =	vmul.f32 $1.442695020e+00, v13;
	v20 =	vand.u32 $0xFFFF, v23;
	v23 =	vld.idx.msk [tilespmem:v29+s28+$0x0], $0xffff;
	v36 =	vpop (erf);
	(erf) = vpow2.f32 v16  }
0x60d: {  	v16 =	vld.idx.msk [tilespmem:v18+s26+$0x0], $0xffff;
	[tilespmem:s9+$0x20] =	vst v36  }
0x60e: {  	v15 =	vadd.f32 v28, v15;
	v18 =	vld.idx.msk [tilespmem:v10+s28+$0x0], $0xffff;
	v28 =	vpop (erf);
	(erf) = vpow2.f32 v13  }
0x60f: {  	v13 =	vand.u32 $0xFFFF, v17;
	v37 =	vld.idx.msk [tilespmem:v30+s28+$0x0], $0xffff;
	[tilespmem:s9+$0xFFFFFFE0] =	vst v28  }
0x610: {  	v17 =	vmul.f32 $2.000000030e-01, v15;
	[tilespmem:v3+s30+$0x0] =	vst.idx.add.f32.msk $0xffff, v31;
	v3 =	vmov v21  }
0x611: {  	[tilespmem:v4+s30+$0x0] =	vst.idx.add.f32.msk $0xffff, v36;
	v21 =	vpop (erf);
	v4 =	vmov v30  }
0x612: {  	v15 =	vmax.f32 v15, v17;
	v17 =	vld.idx.msk [tilespmem:v25+s26+$0x0], $0xffff;
	[tilespmem:s9+$0x0] =	vst v21  }
0x613: {  	v15 =	vsub.f32 v15, v1;
	[tilespmem:v6+s30+$0x0] =	vst.idx.add.f32.msk $0xffff, v21;
	v21 =	vpop (erf);
	v6 =	vmov v33  }
0x614: {  	v14 =	vadd.f32 v34, v14;
	v13 =	vld.idx.msk [tilespmem:v13+s26+$0x0], $0xffff;
	[tilespmem:s9+$0x10] =	vst v21  }
0x615: {  	[tilespmem:v8+s30+$0x0] =	vst.idx.add.f32.msk $0xffff, v21;
	v21 =	vpop (erf);
	v8 =	vmov v32  }
0x616: {  	v25 =	vld.idx.msk [tilespmem:v27+s26+$0x0], $0xffff;
	v27 =	vmul.f32 $2.000000030e-01, v14;
	[tilespmem:s8+$0x4F00] =	vst v21;
	s8 =	smov.u32 s17  }
0x617: {  	[tilespmem:v5+s30+$0x0] =	vst.idx.add.f32.msk $0xffff, v28;
	v28 =	vpop (erf);
	v5 =	vmov v22  }
0x618: {  	v14 =	vmax.f32 v14, v27;
	v24 =	vld.idx.msk [tilespmem:v24+s26+$0x0], $0xffff;
	[tilespmem:s9+$0x40] =	vst v28;
	s9 =	smov.u32 s15  }
0x619: {  	v14 =	vsub.f32 v14, v1;
	[tilespmem:v2+s30+$0x0] =	vst.idx.add.f32.msk $0xffff, v21;
	v2 =	vmov v29  }
0x61a: {  	v16 =	vadd.f32 v12, v16;
	v13 =	vadd.f32 v18, v13;
	[tilespmem:v7+s30+$0x0] =	vst.idx.add.f32.msk $0xffff, v28;
	v7 =	vmov v19  }
0x61b: {  	v19 =	vld.idx.msk [tilespmem:v22+s28+$0x0], $0xffff;
	v18 =	vmul.f32 $1.442695020e+00, v14  }
0x61c: {  	v21 =	vmul.f32 $2.000000030e-01, v16;
	v22 =	vmul.f32 $2.000000030e-01, v13;
	v12 =	vld.idx.msk [tilespmem:v33+s28+$0x0], $0xffff  }
.Ltmp19:
0x61d: {  	v15 =	vmul.f32 $1.442695020e+00, v15;
	v23 =	vadd.f32 v23, v17;
	v14 =	vld.idx.msk [tilespmem:v32+s28+$0x0], $0xffff;
	(erf) = vpow2.f32 v18;
	(pc) =	sbr.rel @p0 .LBB2_40-.Ltmp19, $4  }
0x61e: {  	v21 =	vmax.f32 v16, v21;
	v13 =	vmax.f32 v13, v22;
	v16 =	vld.idx.msk [tilespmem:v20+s26+$0x0], $0xffff  }
0x61f: {  	v18 =	vadd.f32 v37, v24;
	v24 =	vmul.f32 $2.000000030e-01, v23;
	v17 =	vld.idx.msk [tilespmem:v26+s26+$0x0], $0xffff;
	(erf) = vpow2.f32 v15  }
0x620: {  	v21 =	vsub.f32 v21, v1;
	v22 =	vsub.f32 v13, v1;
	v13 =	vld.idx.msk [tilespmem:v7+s28+$0x0], $0xffff  }
0x621: {  	s16 =	sadd.s32 $0xA0, s16;
	s14 =	sadd.s32 $0xA0, s14;
	s15 =	sadd.s32 $0xA0, s15;
	v20 =	vadd.f32 v19, v25;
	v19 =	vmax.f32 v23, v24;
	v15 =	vld.idx.msk [tilespmem:v35+s26+$0x0], $0xffff  }
0x622: {  	v23 =	vmul.f32 $2.000000030e-01, v18  }
0x623: {  	v22 =	vmul.f32 $1.442695020e+00, v22;
	v24 =	vmul.f32 $2.000000030e-01, v20  }
0x624: {  	v21 =	vmul.f32 $1.442695020e+00, v21;
	v12 =	vadd.f32 v12, v17;
	v50 =	vmax.f32 v18, v23  }
0x625: {  	(erf) = vpow2.f32 v22;
	v51 =	vmax.f32 v20, v24;
	v17 =	vsub.f32 v50, v1  }
0x626: {  	v14 =	vadd.f32 v14, v16;
	v16 =	vsub.f32 v51, v1;
	v52 =	vmul.f32 $2.000000030e-01, v12  }
0x627: {  	(erf) = vpow2.f32 v21;
	v17 =	vmul.f32 $1.442695020e+00, v17  }
0x628: {  	v53 =	vmul.f32 $2.000000030e-01, v14;
	v16 =	vmul.f32 $1.442695020e+00, v16;
	v12 =	vmax.f32 v12, v52  }
0x629: {  	v13 =	vadd.f32 v13, v15;
	v12 =	vsub.f32 v12, v1;
	(erf) = vpow2.f32 v17  }
0x62a: {  	v54 =	vpop (erf);
	v14 =	vmax.f32 v14, v53;
	(erf) = vpow2.f32 v16  }
0x62b: {  	[tilespmem:s9+$0xFFFFFFF0] =	vst v54;
	v14 =	vsub.f32 v14, v1;
	v55 =	vmul.f32 $2.000000030e-01, v13;
	v12 =	vmul.f32 $1.442695020e+00, v12  }
0x62c: {  	v56 =	vsub.f32 v19, v1;
	[tilespmem:v11+s30+$0x0] =	vst.idx.add.f32.msk $0xffff, v54;
	v57 =	vpop (erf)  }
0x62d: {  	[tilespmem:s9+$0xFFFFFFB0] =	vst v57;
	v14 =	vmul.f32 $1.442695020e+00, v14;
	v58 =	vmax.f32 v13, v55;
	(erf) = vpow2.f32 v12  }
0x62e: {  	[tilespmem:v9+s30+$0x0] =	vst.idx.add.f32.msk $0xffff, v57;
	v1 =	vsub.f32 v58, v1;
	v60 =	vpop (erf)  }
0x62f: {  	v59 =	vmul.f32 $1.442695020e+00, v56;
	(erf) = vpow2.f32 v14;
	[tilespmem:s9+$0xFFFFFFD0] =	vst v60  }
0x630: {  	v1 =	vmul.f32 $1.442695020e+00, v1;
	v61 =	vpop (erf);
	[tilespmem:v10+s30+$0x0] =	vst.idx.add.f32.msk $0xffff, v60  }
0x631: {  	(erf) = vpow2.f32 v59;
	[tilespmem:s9+$0xFFFFFFC0] =	vst v61  }
0x632: {  	(erf) = vpow2.f32 v1;
	[tilespmem:v3+s30+$0x0] =	vst.idx.add.f32.msk $0xffff, v61;
	v62 =	vpop (erf)  }
0x633: {  	[tilespmem:s9+$0x20] =	vst v62;
	v63 =	vpop (erf)  }
0x634: {  	[tilespmem:s9+$0xFFFFFFE0] =	vst v63  }
0x635: {  	[tilespmem:v4+s30+$0x0] =	vst.idx.add.f32.msk $0xffff, v62  }
0x636: {  	[tilespmem:v5+s30+$0x0] =	vst.idx.add.f32.msk $0xffff, v63;
	v1 =	vpop (erf)  }
0x637: {  	[tilespmem:s9+$0x0] =	vst v1  }
0x638: {  	[tilespmem:v6+s30+$0x0] =	vst.idx.add.f32.msk $0xffff, v1;
	v1 =	vpop (erf)  }
0x639: {  	[tilespmem:s9+$0x10] =	vst v1  }
0x63a: {  	[tilespmem:v8+s30+$0x0] =	vst.idx.add.f32.msk $0xffff, v1;
	v1 =	vpop (erf)  }
0x63b: {  	[tilespmem:s8+$0x4F00] =	vst v1;
	v3 =	vpop (erf)  }
0x63c: {  	[tilespmem:s9+$0x40] =	vst v3  }
0x63d: {  	[tilespmem:v2+s30+$0x0] =	vst.idx.add.f32.msk $0xffff, v1  }
0x63e: {  	[tilespmem:v7+s30+$0x0] =	vst.idx.add.f32.msk $0xffff, v3  }
0x63f: {  	_ =	strace $0x90000058  }
0x640: {  	[bflag:$0x0] =	sbarrier.arrive $0xFFFF  }
0x641: {  	s8 =	simm.s32 $0x11440;
	_ =	strace $0x80000059  }
0x642: {  	[spmem:s10] =	stream.strided.scatter [tilespmem:s30], [sflag:$0x3], $0x2800, s25, s24, $0x200038;
	[tilespmem:$0x19580] =	vst v63  }
0x643: {  	[tilespmem:s8+$0xFFFFFFC0] =	vst v0  }
0x644: {  	[tilespmem:s8+$0x30] =	vst v0  }
0x645: {  	[tilespmem:s8+$0x20] =	vst v0  }
0x646: {  	[tilespmem:s8+$0x10] =	vst v0  }
0x647: {  	[tilespmem:s8+$0x0] =	vst v0  }
0x648: {  	[tilespmem:s8+$0xFFFFFFF0] =	vst v0  }
0x649: {  	s9 =	simm.s32 $0x0;
	[tilespmem:s8+$0xFFFFFFE0] =	vst v0  }
.LBB2_42:
0x64a: {  	s9 =	sadd.s32 $0x8, s9;
	[tilespmem:s8+$0xFFFFFFD0] =	vst v0;
	s8 =	sadd.s32 $0x80, s8  }
0x64b: {  	[tilespmem:s8+$0xFFFFFFC0] =	vst v0;
	p0 =	slt.u32 s9, $0x278  }
0x64c: {  	[tilespmem:s8+$0x30] =	vst v0  }
.Ltmp20:
0x64d: {  	[tilespmem:s8+$0x20] =	vst v0;
	(pc) =	sbr.rel @p0 .LBB2_42-.Ltmp20, $4  }
0x64e: {  	[tilespmem:s8+$0x10] =	vst v0  }
0x64f: {  	[tilespmem:s8+$0x0] =	vst v0  }
0x650: {  	[tilespmem:s8+$0xFFFFFFF0] =	vst v0  }
0x651: {  	[tilespmem:s8+$0xFFFFFFE0] =	vst v0  }
0x652: {  	[tilespmem:s8+$0xFFFFFFD0] =	vst v0  }
0x653: {  	_ =	swait.ge [sflag:s31], $0x2800  }
0x654: {  	[sflag:s31] =	ssyncset.done $0x0  }
0x655: {  	[sflag:s31] =	ssyncadd.s32 $0xFFFFD800  }
0x656: {  	s15 =	simm.s32 $0x0;
	[bflag:$0x0] =	sbarrier.arrive $0xFFFF  }
0x657: {  	[tilespmem:s22], [sflag:$0x4] =	stream.strided.gather [spmem:s11], $0x2800, s2, s0, $0x200038;
	[tilespmem:$0x19580] =	vst v63  }
0x658: {  	s8 =	sand.u32 $0x60, s15;
	s9 =	sand.u32 $0x1C00, s15;
	_ =	swait.ge [sflag:s23], $0x2800  }
0x659: {  	s1 =	sadd.s32 $0x13C00, s9;
	s16 =	sor.u32 $0x10, s8;
	[sflag:s23] =	ssyncset.done $0x0  }
0x65a: {  	s3 =	sor.u32 s16, s1;
	[sflag:s23] =	ssyncadd.s32 $0xFFFFD800  }
0x65b: {  	v1 =	vld [tilespmem:s3+$0x0]  }
0x65c: {  	s1 =	sor.u32 s8, s1;
	v2 =	vld [tilespmem:s3+$0x80]  }
0x65d: {  	v3 =	vld [tilespmem:s1+$0x0]  }
0x65e: {  	v4 =	vld [tilespmem:s3+$0x100]  }
0x65f: {  	v5 =	vld [tilespmem:s1+$0x80]  }
0x660: {  	v6 =	vld [tilespmem:s3+$0x180]  }
0x661: {  	v7 =	vld [tilespmem:s1+$0x100]  }
0x662: {  	v8 =	vld [tilespmem:s3+$0x200]  }
0x663: {  	v9 =	vld [tilespmem:s1+$0x180]  }
0x664: {  	v10 =	vld [tilespmem:s3+$0x280]  }
0x665: {  	v11 =	vld [tilespmem:s1+$0x200]  }
0x666: {  	v12 =	vld [tilespmem:s3+$0x300]  }
0x667: {  	v13 =	vld [tilespmem:s1+$0x280]  }
0x668: {  	s13 =	sadd.s32 $0x15000, s9;
	v14 =	vld [tilespmem:s3+$0x380]  }
0x669: {  	s21 =	sor.u32 s16, s13;
	v15 =	vld [tilespmem:s1+$0x300]  }
0x66a: {  	s14 =	sadd.s32 $0x15080, s9;
	v16 =	vld [tilespmem:s21+$0x0]  }
0x66b: {  	v17 =	vld [tilespmem:s1+$0x380];
	s3 =	sor.u32 s16, s14;
	v1 =	vadd.f32 v2, v1  }
0x66c: {  	s18 =	sadd.s32 $0x15100, s9;
	s17 =	sor.u32 s8, s13;
	v2 =	vld [tilespmem:s3+$0x0];
	v3 =	vadd.f32 v5, v3  }
0x66d: {  	v5 =	vld [tilespmem:s17+$0x0];
	s17 =	sor.u32 s8, s18;
	v1 =	vadd.f32 v4, v1  }
0x66e: {  	s19 =	sor.u32 s16, s18;
	v51 =	vld [tilespmem:s17+$0x0];
	v3 =	vadd.f32 v7, v3  }
0x66f: {  	s20 =	sor.u32 s8, s14;
	s18 =	sadd.s32 $0x15200, s9;
	v4 =	vld [tilespmem:s19+$0x0];
	v1 =	vadd.f32 v6, v1  }
0x670: {  	s21 =	sadd.s32 $0x15180, s9;
	s13 =	sor.u32 s8, s18;
	v7 =	vld [tilespmem:s20+$0x0];
	v3 =	vadd.f32 v9, v3  }
0x671: {  	s17 =	sadd.s32 $0x15300, s9;
	s20 =	sor.u32 s8, s21;
	v54 =	vld [tilespmem:s13+$0x0];
	v1 =	vadd.f32 v8, v1  }
0x672: {  	s19 =	sor.u32 s16, s18;
	s18 =	sor.u32 s16, s17;
	v52 =	vld [tilespmem:s20+$0x0];
	v3 =	vadd.f32 v11, v3  }
0x673: {  	s3 =	sor.u32 s16, s21;
	v55 =	vld [tilespmem:s18+$0x0];
	v1 =	vadd.f32 v10, v1  }
0x674: {  	s18 =	sor.u32 s8, s17;
	v6 =	vld [tilespmem:s3+$0x0];
	v3 =	vadd.f32 v13, v3  }
0x675: {  	s21 =	sadd.s32 $0x15280, s9;
	v58 =	vld [tilespmem:s18+$0x0];
	v1 =	vadd.f32 v12, v1  }
0x676: {  	s20 =	sadd.s32 $0x15380, s9;
	v8 =	vld [tilespmem:s19+$0x0];
	s19 =	sor.u32 s8, s21;
	v3 =	vadd.f32 v15, v3  }
0x677: {  	s9 =	simm.s32 $0x20;
	s3 =	sor.u32 s16, s21;
	v56 =	vld [tilespmem:s19+$0x0];
	s19 =	simm.s32 $0x100;
	v1 =	vadd.f32 v14, v1  }
0x678: {  	s13 =	sand.u32 $0x60, s9;
	v53 =	vld [tilespmem:s3+$0x0];
	s21 =	sor.u32 s16, s20;
	s17 =	sand.u32 $0x1C00, s19;
	v3 =	vadd.f32 v17, v3  }
0x679: {  	s20 =	sor.u32 s8, s20;
	s8 =	sor.u32 $0x10, s13;
	v57 =	vld [tilespmem:s21+$0x0];
	s3 =	sadd.s32 $0x13C00, s17;
	v1 =	vadd.f32 v16, v1  }
0x67a: {  	v59 =	vld [tilespmem:s20+$0x0];
	s21 =	sor.u32 s8, s3;
	v3 =	vadd.f32 v5, v3  }
0x67b: {  	v5 =	vld [tilespmem:s21+$0x0];
	v1 =	vadd.f32 v2, v1  }
0x67c: {  	s3 =	sor.u32 s13, s3;
	v2 =	vld [tilespmem:s21+$0x80];
	v3 =	vadd.f32 v7, v3  }
0x67d: {  	v60 =	vld [tilespmem:s3+$0x80];
	v1 =	vadd.f32 v4, v1  }
0x67e: {  	v4 =	vld [tilespmem:s21+$0x100];
	v3 =	vadd.f32 v51, v3  }
0x67f: {  	v7 =	vld [tilespmem:s3+$0x0];
	v1 =	vadd.f32 v6, v1  }
0x680: {  	v6 =	vld [tilespmem:s21+$0x180];
	v3 =	vadd.f32 v52, v3  }
0x681: {  	v2 =	vadd.f32 v2, v5;
	v5 =	vld [tilespmem:s3+$0x100];
	v1 =	vadd.f32 v8, v1  }
0x682: {  	v8 =	vld [tilespmem:s21+$0x200];
	v3 =	vadd.f32 v54, v3  }
0x683: {  	v2 =	vadd.f32 v4, v2;
	v4 =	vld [tilespmem:s3+$0x180];
	v1 =	vadd.f32 v53, v1  }
0x684: {  	v61 =	vld [tilespmem:s21+$0x280];
	v7 =	vadd.f32 v60, v7;
	v3 =	vadd.f32 v56, v3  }
0x685: {  	v2 =	vadd.f32 v6, v2;
	v6 =	vld [tilespmem:s3+$0x200];
	v1 =	vadd.f32 v55, v1  }
0x686: {  	v5 =	vadd.f32 v5, v7;
	v7 =	vld [tilespmem:s21+$0x300];
	v3 =	vadd.f32 v58, v3  }
0x687: {  	v2 =	vadd.f32 v8, v2;
	v8 =	vld [tilespmem:s3+$0x280];
	v1 =	vadd.f32 v57, v1  }
0x688: {  	s18 =	sadd.s32 $0x15000, s17;
	v4 =	vadd.f32 v4, v5;
	v5 =	vld [tilespmem:s21+$0x380];
	v3 =	vadd.f32 v59, v3  }
0x689: {  	s19 =	sor.u32 s8, s18;
	v62 =	vld [tilespmem:s3+$0x300];
	v2 =	vadd.f32 v61, v2;
	v1 =	vadd.f32 $1.000000020e-16, v1  }
0x68a: {  	s20 =	sadd.s32 $0x15080, s17;
	v4 =	vadd.f32 v6, v4;
	v6 =	vld [tilespmem:s19+$0x0];
	v3 =	vadd.f32 $1.000000020e-16, v3  }
0x68b: {  	s21 =	sor.u32 s8, s20;
	v2 =	vadd.f32 v7, v2;
	v7 =	vld [tilespmem:s3+$0x380];
	(erf) = vrcp.f32 v1  }
0x68c: {  	s14 =	sadd.s32 $0x15100, s17;
	s3 =	sor.u32 s13, s18;
	v1 =	vld [tilespmem:s21+$0x0];
	(erf) = vrcp.f32 v3;
	v3 =	vadd.f32 v8, v4  }
0x68d: {  	s19 =	sor.u32 s8, s14;
	v4 =	vld [tilespmem:s3+$0x0];
	v2 =	vadd.f32 v5, v2  }
0x68e: {  	s20 =	sor.u32 s13, s20;
	s21 =	sadd.s32 $0x15180, s17;
	v5 =	vld [tilespmem:s19+$0x0];
	v3 =	vadd.f32 v62, v3  }
0x68f: {  	v8 =	vld [tilespmem:s20+$0x0];
	s3 =	sor.u32 s8, s21;
	v2 =	vadd.f32 v6, v2  }
0x690: {  	s14 =	sor.u32 s13, s14;
	s19 =	sadd.s32 $0x15200, s17;
	v6 =	vld [tilespmem:s3+$0x0];
	v3 =	vadd.f32 v7, v3  }
0x691: {  	s20 =	sor.u32 s8, s19;
	v7 =	vld [tilespmem:s14+$0x0];
	v1 =	vadd.f32 v1, v2  }
0x692: {  	s18 =	sadd.s32 $0x15280, s17;
	s21 =	sor.u32 s13, s21;
	v63 =	vld [tilespmem:s20+$0x0];
	v3 =	vadd.f32 v4, v3  }
0x693: {  	s19 =	sor.u32 s13, s19;
	s3 =	sor.u32 s8, s18;
	v2 =	vld [tilespmem:s21+$0x0];
	v4 =	vadd.f32 v5, v1  }
0x694: {  	s20 =	sadd.s32 $0x15300, s17;
	s14 =	simm.s32 $0x16400;
	s21 =	sand.u32 $0x380, s15;
	v1 =	vld [tilespmem:s3+$0x0];
	v8 =	vadd.f32 v8, v3  }
0x695: {  	s15 =	simm.s32 $0x2;
	s3 =	sor.u32 s16, s21;
	s16 =	sor.u32 s8, s20;
	v5 =	vpop (erf);
	v3 =	vld [tilespmem:s19+$0x0];
	v6 =	vadd.f32 v6, v4  }
0x696: {  	s21 =	sor.u32 s13, s18;
	s20 =	sor.u32 s13, s20;
	s19 =	sadd.s32 $0x15380, s17;
	v4 =	vld [tilespmem:s16+$0x0];
	[tilespmem:s3+$0x16400] =	vst v5;
	v5 =	vpop (erf);
	v7 =	vadd.f32 v7, v8  }
0x697: {  	s16 =	simm.s32 $0x200;
	s17 =	simm.s32 $0x40;
	[tilespmem:s14+$0x0] =	vst v5;
	v5 =	vld [tilespmem:s21+$0x0];
	v6 =	vadd.f32 v63, v6;
	s21 =	sor.u32 s8, s19  }
.LBB2_44:
0x698: {  	s18 =	sand.u32 $0x1C00, s16;
	v2 =	vadd.f32 v2, v7;
	s1 =	sor.u32 s13, s19;
	s13 =	sand.u32 $0x60, s17;
	v7 =	vld [tilespmem:s21+$0x0]  }
0x699: {  	s15 =	sadd.s32 $0x2, s15;
	s3 =	sadd.s32 $0x13C00, s18;
	s19 =	sor.u32 $0x10, s13;
	v8 =	vld [tilespmem:s20+$0x0];
	v1 =	vadd.f32 v1, v6  }
0x69a: {  	p0 =	slt.u32 s15, $0x26;
	s20 =	sor.u32 s13, s3;
	s3 =	sor.u32 s19, s3;
	v2 =	vadd.f32 v3, v2;
	v3 =	vld [tilespmem:s1+$0x0]  }
0x69b: {  	v6 =	vld [tilespmem:s3+$0x0];
	v1 =	vadd.f32 v4, v1  }
0x69c: {  	v4 =	vld [tilespmem:s3+$0x80];
	v2 =	vadd.f32 v5, v2  }
0x69d: {  	v5 =	vld [tilespmem:s20+$0x0];
	v1 =	vadd.f32 v7, v1  }
0x69e: {  	v7 =	vld [tilespmem:s3+$0x100];
	v2 =	vadd.f32 v8, v2  }
0x69f: {  	v8 =	vld [tilespmem:s20+$0x80];
	v1 =	vadd.f32 $1.000000020e-16, v1  }
0x6a0: {  	v9 =	vld [tilespmem:s3+$0x180];
	v2 =	vadd.f32 v3, v2  }
0x6a1: {  	v3 =	vld [tilespmem:s20+$0x100];
	v4 =	vadd.f32 v4, v6;
	(erf) = vrcp.f32 v1  }
0x6a2: {  	v1 =	vld [tilespmem:s3+$0x200];
	v2 =	vadd.f32 $1.000000020e-16, v2  }
0x6a3: {  	v6 =	vld [tilespmem:s20+$0x180];
	v4 =	vadd.f32 v7, v4  }
0x6a4: {  	v5 =	vadd.f32 v8, v5;
	v7 =	vld [tilespmem:s3+$0x280];
	(erf) = vrcp.f32 v2  }
0x6a5: {  	v2 =	vld [tilespmem:s20+$0x200];
	v4 =	vadd.f32 v9, v4  }
0x6a6: {  	v3 =	vadd.f32 v3, v5;
	v5 =	vld [tilespmem:s3+$0x300]  }
0x6a7: {  	v8 =	vld [tilespmem:s20+$0x280];
	v1 =	vadd.f32 v1, v4  }
0x6a8: {  	s1 =	sadd.s32 $0x15000, s18;
	v3 =	vadd.f32 v6, v3;
	v4 =	vld [tilespmem:s3+$0x380]  }
0x6a9: {  	s9 =	sand.u32 $0x380, s9;
	s3 =	sor.u32 s13, s1;
	s1 =	sor.u32 s19, s1;
	v6 =	vld [tilespmem:s20+$0x300];
	v1 =	vadd.f32 v7, v1  }
0x6aa: {  	s21 =	sadd.s32 $0x15080, s18;
	v2 =	vadd.f32 v2, v3;
	v3 =	vld [tilespmem:s1+$0x0];
	s1 =	sor.u32 s8, s9;
	v7 =	vpop (erf);
	s8 =	smov.u32 s19  }
0x6ab: {  	s19 =	sor.u32 s13, s21;
	s9 =	smov.u32 s17;
	v9 =	vld [tilespmem:s20+$0x380];
	v1 =	vadd.f32 v5, v1;
	s20 =	sor.u32 s8, s21;
	[tilespmem:s1+$0x16400] =	vst v7  }
0x6ac: {  	s1 =	sadd.s32 $0x15100, s18;
	v2 =	vadd.f32 v8, v2;
	v5 =	vld [tilespmem:s20+$0x0]  }
0x6ad: {  	s14 =	sadd.s32 $0x20, s14;
	v7 =	vld [tilespmem:s3+$0x0];
	s3 =	sor.u32 s13, s1;
	v1 =	vadd.f32 v4, v1;
	s1 =	sor.u32 s8, s1;
	v4 =	vpop (erf)  }
0x6ae: {  	s20 =	sadd.s32 $0x15180, s18;
	v2 =	vadd.f32 v6, v2;
	v6 =	vld [tilespmem:s1+$0x0];
	[tilespmem:s14+$0x0] =	vst v4  }
0x6af: {  	s1 =	sor.u32 s13, s20;
	v4 =	vld [tilespmem:s19+$0x0];
	v1 =	vadd.f32 v3, v1;
	s19 =	sor.u32 s8, s20  }
0x6b0: {  	s20 =	sadd.s32 $0x15200, s18;
	v2 =	vadd.f32 v9, v2;
	v8 =	vld [tilespmem:s19+$0x0]  }
0x6b1: {  	s19 =	sor.u32 s8, s20;
	v9 =	vld [tilespmem:s3+$0x0];
	s3 =	sor.u32 s13, s20;
	v1 =	vadd.f32 v5, v1  }
0x6b2: {  	s20 =	sadd.s32 $0x15280, s18;
	v3 =	vadd.f32 v7, v2;
	v10 =	vld [tilespmem:s19+$0x0]  }
.Ltmp21:
0x6b3: {  	s19 =	sor.u32 s8, s20;
	v2 =	vld [tilespmem:s1+$0x0];
	s1 =	sor.u32 s13, s20;
	v5 =	vadd.f32 v6, v1;
	(pc) =	sbr.rel @p0 .LBB2_44-.Ltmp21, $4  }
0x6b4: {  	s21 =	sadd.s32 $0x15300, s18;
	v4 =	vadd.f32 v4, v3;
	v1 =	vld [tilespmem:s19+$0x0]  }
0x6b5: {  	s20 =	sor.u32 s13, s21;
	v3 =	vld [tilespmem:s3+$0x0];
	v6 =	vadd.f32 v8, v5;
	s3 =	sor.u32 s8, s21  }
0x6b6: {  	s19 =	sadd.s32 $0x15380, s18;
	v7 =	vadd.f32 v9, v4;
	v4 =	vld [tilespmem:s3+$0x0]  }
0x6b7: {  	s16 =	sadd.s32 $0x100, s16;
	s17 =	sadd.s32 $0x20, s17;
	s21 =	sor.u32 s8, s19;
	v5 =	vld [tilespmem:s1+$0x0];
	v6 =	vadd.f32 v10, v6  }
0x6b8: {  	v2 =	vadd.f32 v2, v7  }
0x6b9: {  	v44 =	vld [tilespmem:s20+$0x0]  }
0x6ba: {  	s1 =	sor.u32 s13, s19;
	v8 =	vld [tilespmem:s21+$0x0];
	v2 =	vadd.f32 v3, v2  }
0x6bb: {  	v1 =	vadd.f32 v1, v6;
	v3 =	vld [tilespmem:s1+$0x0]  }
0x6bc: {  	v2 =	vadd.f32 v5, v2  }
0x6bd: {  	v1 =	vadd.f32 v4, v1  }
0x6be: {  	v2 =	vadd.f32 v44, v2  }
0x6bf: {  	v1 =	vadd.f32 v8, v1  }
0x6c0: {  	v2 =	vadd.f32 v3, v2  }
0x6c1: {  	v1 =	vadd.f32 $1.000000020e-16, v1  }
0x6c2: {  	v2 =	vadd.f32 $1.000000020e-16, v2  }
0x6c3: {  	(erf) = vrcp.f32 v1  }
0x6c4: {  	(erf) = vrcp.f32 v2;
	_ =	sdelay $0x6  }
0x6c5: {  	s17 =	sand.u32 $0x380, s9  }
0x6c6: {  	s1 =	sor.u32 s8, s17;
	v1 =	vpop (erf)  }
0x6c7: {  	s18 =	sadd.s32 $0x20, s14;
	[tilespmem:s1+$0x16400] =	vst v1;
	v1 =	vpop (erf)  }
0x6c8: {  	s19 =	simm.s32 $0x16400;
	[tilespmem:s18+$0x0] =	vst v1  }
0x6c9: {  	[spmem:s12] =	stream.linear.scatter [tilespmem:s19], [sflag:$0x4], $0x280, $0x200038;
	[tilespmem:$0x19580] =	vst v63  }
0x6ca: {  	_ =	swait.ge [sflag:s23], $0x280  }
0x6cb: {  	[sflag:s23] =	ssyncset.done $0x0  }
0x6cc: {  	[sflag:s23] =	ssyncadd.s32 $0xFFFFFD80  }
0x6cd: {  	[bflag:$0x0] =	sbarrier.arrive $0xFFFF  }
0x6ce: {  	s20 =	rddreg [dreg:$0x3]  }
0x6cf: {  	[tilespmem:s30], [sflag:$0x4] =	stream.linear.gather [spmem:s20], $0x2800, $0x200038;
	[tilespmem:$0x19580] =	vst v63  }
0x6d0: {  	_ =	swait.ge [sflag:s23], $0x2800  }
0x6d1: {  	[sflag:s23] =	ssyncset.done $0x0  }
0x6d2: {  	[sflag:s23] =	ssyncadd.s32 $0xFFFFD800  }
0x6d3: {  	_ =	strace $0x90000059  }
0x6d4: {  	s21 =	simm.s32 $0x50;
	s3 =	simm.s32 $0x0;
	_ =	strace $0x8000005A  }
0x6d5: {  	s3 =	sand.u32 $0x7FE0, s3;
	v1 =	vld [tilespmem:s21+$0x40]  }
0x6d6: {  	v2 =	vld [tilespmem:s3+$0x80]  }
0x6d7: {  	v3 =	vld [tilespmem:s21+$0xFFFFFFC0]  }
0x6d8: {  	v45 =	vld [tilespmem:s21+$0xFFFFFFD0]  }
0x6d9: {  	v46 =	vld [tilespmem:s21+$0xFFFFFFE0]  }
0x6da: {  	v47 =	vld [tilespmem:s21+$0xFFFFFFF0]  }
0x6db: {  	v49 =	vld [tilespmem:s21+$0x0]  }
0x6dc: {  	v10 =	vld [tilespmem:s21+$0x10]  }
0x6dd: {  	s8 =	simm.s32 $0x4ED0;
	v11 =	vld [tilespmem:s21+$0x20]  }
0x6de: {  	v13 =	vld [tilespmem:s8+$0x40]  }
0x6df: {  	v17 =	vld [tilespmem:s3+$0x4F00]  }
0x6e0: {  	v18 =	vld [tilespmem:s21+$0xFFFFFFB0]  }
0x6e1: {  	v54 =	vld [tilespmem:s8+$0xFFFFFFB0]  }
0x6e2: {  	v55 =	vld [tilespmem:s8+$0xFFFFFFC0]  }
0x6e3: {  	v56 =	vld [tilespmem:s8+$0xFFFFFFD0]  }
0x6e4: {  	v57 =	vld [tilespmem:s8+$0xFFFFFFE0];
	v48 =	vshra.s32 v1, $0x10  }
0x6e5: {  	v21 =	vld [tilespmem:s8+$0xFFFFFFF0];
	v9 =	vshra.s32 v2, $0x10  }
0x6e6: {  	v22 =	vld [tilespmem:s8+$0x0];
	v12 =	vshra.s32 v3, $0x10  }
0x6e7: {  	v58 =	vld [tilespmem:s8+$0x10];
	v14 =	vshra.s32 v45, $0x10  }
0x6e8: {  	v59 =	vld [tilespmem:s8+$0x20];
	v15 =	vshra.s32 v46, $0x10  }
0x6e9: {  	v16 =	vshra.s32 v47, $0x10;
	v7 =	vld.idx.msk [tilespmem:v48+s30+$0x0], $0xffff  }
0x6ea: {  	v50 =	vshra.s32 v11, $0x10;
	v9 =	vld.idx.msk [tilespmem:v9+s30+$0x0], $0xffff  }
0x6eb: {  	v51 =	vshra.s32 v18, $0x10;
	v12 =	vld.idx.msk [tilespmem:v12+s30+$0x0], $0xffff  }
0x6ec: {  	v1 =	vand.u32 $0xFFFF, v1;
	v14 =	vld.idx.msk [tilespmem:v14+s30+$0x0], $0xffff  }
0x6ed: {  	v2 =	vand.u32 $0xFFFF, v2;
	v15 =	vld.idx.msk [tilespmem:v15+s30+$0x0], $0xffff  }
0x6ee: {  	v19 =	vshra.s32 v49, $0x10;
	v16 =	vld.idx.msk [tilespmem:v16+s30+$0x0], $0xffff  }
0x6ef: {  	v20 =	vshra.s32 v10, $0x10;
	v52 =	vld.idx.msk [tilespmem:v50+s30+$0x0], $0xffff;
	v7 =	vmul.f32 v7, v13  }
0x6f0: {  	v3 =	vand.u32 $0xFFFF, v3;
	v53 =	vld.idx.msk [tilespmem:v51+s30+$0x0], $0xffff;
	v9 =	vmul.f32 v9, v17  }
0x6f1: {  	v4 =	vand.u32 $0xFFFF, v45;
	[tilespmem:v1+s4+$0x0] =	vst.idx.add.f32.msk $0xffff, v7  }
0x6f2: {  	v5 =	vand.u32 $0xFFFF, v46;
	[tilespmem:v2+s4+$0x0] =	vst.idx.add.f32.msk $0xffff, v9  }
0x6f3: {  	v6 =	vand.u32 $0xFFFF, v47;
	v12 =	vmul.f32 v12, v55;
	v1 =	vld.idx.msk [tilespmem:v19+s30+$0x0], $0xffff  }
0x6f4: {  	v18 =	vand.u32 $0xFFFF, v18;
	v14 =	vmul.f32 v14, v56;
	v2 =	vld.idx.msk [tilespmem:v20+s30+$0x0], $0xffff  }
0x6f5: {  	v61 =	vmul.f32 v15, v57;
	[tilespmem:v3+s4+$0x0] =	vst.idx.add.f32.msk $0xffff, v12;
	v3 =	vand.u32 $0xFFFF, v11  }
0x6f6: {  	v8 =	vand.u32 $0xFFFF, v49;
	v62 =	vmul.f32 v16, v21;
	[tilespmem:v4+s4+$0x0] =	vst.idx.add.f32.msk $0xffff, v14  }
0x6f7: {  	v60 =	vand.u32 $0xFFFF, v10;
	v9 =	vmul.f32 v53, v54;
	[tilespmem:v5+s4+$0x0] =	vst.idx.add.f32.msk $0xffff, v61  }
0x6f8: {  	v63 =	vmul.f32 v52, v59;
	[tilespmem:v6+s4+$0x0] =	vst.idx.add.f32.msk $0xffff, v62  }
0x6f9: {  	[tilespmem:v18+s4+$0x0] =	vst.idx.add.f32.msk $0xffff, v9;
	v1 =	vmul.f32 v1, v22  }
0x6fa: {  	v2 =	vmul.f32 v2, v58;
	[tilespmem:v3+s4+$0x0] =	vst.idx.add.f32.msk $0xffff, v63  }
0x6fb: {  	[tilespmem:v8+s4+$0x0] =	vst.idx.add.f32.msk $0xffff, v1  }
0x6fc: {  	s9 =	simm.s32 $0x0;
	s13 =	simm.s32 $0xF0;
	s14 =	simm.s32 $0xA0;
	[tilespmem:v60+s4+$0x0] =	vst.idx.add.f32.msk $0xffff, v2  }
.LBB2_46:
0x6fd: {  	s1 =	sand.u32 $0x7FE0, s14;
	v1 =	vld [tilespmem:s13+$0x40];
	s9 =	sadd.s32 $0xA, s9  }
0x6fe: {  	v2 =	vld [tilespmem:s1+$0x80];
	p0 =	slt.u32 s9, $0x4D8  }
0x6ff: {  	v3 =	vld [tilespmem:s13+$0xFFFFFFC0]  }
0x700: {  	v4 =	vld [tilespmem:s13+$0xFFFFFFD0]  }
0x701: {  	v5 =	vld [tilespmem:s13+$0xFFFFFFE0]  }
0x702: {  	v6 =	vld [tilespmem:s13+$0xFFFFFFF0];
	v7 =	vshra.s32 v1, $0x10  }
0x703: {  	v8 =	vld [tilespmem:s13+$0x0];
	v9 =	vshra.s32 v2, $0x10  }
0x704: {  	v10 =	vshra.s32 v3, $0x10;
	v3 =	vand.u32 $0xFFFF, v3;
	v11 =	vld [tilespmem:s13+$0x10]  }
0x705: {  	s8 =	sadd.s32 $0xA0, s8;
	v12 =	vshra.s32 v4, $0x10;
	v4 =	vand.u32 $0xFFFF, v4;
	v13 =	vld [tilespmem:s13+$0x20]  }
0x706: {  	v14 =	vshra.s32 v5, $0x10;
	v5 =	vand.u32 $0xFFFF, v5;
	v15 =	vld [tilespmem:s8+$0x40]  }
0x707: {  	v16 =	vshra.s32 v6, $0x10;
	v6 =	vand.u32 $0xFFFF, v6;
	v7 =	vld.idx.msk [tilespmem:v7+s30+$0x0], $0xffff  }
0x708: {  	v17 =	vshra.s32 v8, $0x10;
	v8 =	vand.u32 $0xFFFF, v8;
	v9 =	vld.idx.msk [tilespmem:v9+s30+$0x0], $0xffff  }
0x709: {  	v18 =	vshra.s32 v11, $0x10;
	v11 =	vand.u32 $0xFFFF, v11;
	v19 =	vld [tilespmem:s1+$0x4F00]  }
0x70a: {  	v1 =	vand.u32 $0xFFFF, v1;
	v20 =	vld [tilespmem:s13+$0xFFFFFFB0];
	v21 =	vshra.s32 v13, $0x10;
	v13 =	vand.u32 $0xFFFF, v13  }
0x70b: {  	v2 =	vand.u32 $0xFFFF, v2;
	v10 =	vld.idx.msk [tilespmem:v10+s30+$0x0], $0xffff  }
0x70c: {  	v12 =	vld.idx.msk [tilespmem:v12+s30+$0x0], $0xffff  }
0x70d: {  	v7 =	vmul.f32 v7, v15;
	v14 =	vld.idx.msk [tilespmem:v14+s30+$0x0], $0xffff  }
0x70e: {  	v15 =	vld.idx.msk [tilespmem:v16+s30+$0x0], $0xffff;
	v9 =	vmul.f32 v9, v19  }
0x70f: {  	v16 =	vshra.s32 v20, $0x10;
	v19 =	vand.u32 $0xFFFF, v20;
	[tilespmem:v1+s4+$0x0] =	vst.idx.add.f32.msk $0xffff, v7  }
0x710: {  	[tilespmem:v2+s4+$0x0] =	vst.idx.add.f32.msk $0xffff, v9  }
0x711: {  	v1 =	vld.idx.msk [tilespmem:v17+s30+$0x0], $0xffff  }
0x712: {  	v2 =	vld.idx.msk [tilespmem:v18+s30+$0x0], $0xffff  }
0x713: {  	v7 =	vld.idx.msk [tilespmem:v21+s30+$0x0], $0xffff  }
0x714: {  	v9 =	vld.idx.msk [tilespmem:v16+s30+$0x0], $0xffff  }
0x715: {  	v16 =	vld [tilespmem:s8+$0xFFFFFFB0]  }
0x716: {  	v17 =	vld [tilespmem:s8+$0xFFFFFFC0]  }
0x717: {  	v18 =	vld [tilespmem:s8+$0xFFFFFFD0]  }
0x718: {  	v20 =	vld [tilespmem:s8+$0xFFFFFFE0]  }
0x719: {  	v21 =	vld [tilespmem:s8+$0xFFFFFFF0]  }
0x71a: {  	v9 =	vmul.f32 v9, v16;
	v16 =	vld [tilespmem:s8+$0x0]  }
0x71b: {  	v10 =	vmul.f32 v10, v17;
	v17 =	vld [tilespmem:s8+$0x10]  }
0x71c: {  	v12 =	vmul.f32 v12, v18;
	v18 =	vld [tilespmem:s8+$0x20]  }
0x71d: {  	[tilespmem:v19+s4+$0x0] =	vst.idx.add.f32.msk $0xffff, v9;
	v9 =	vmul.f32 v14, v20  }
0x71e: {  	[tilespmem:v3+s4+$0x0] =	vst.idx.add.f32.msk $0xffff, v10;
	v3 =	vmul.f32 v15, v21  }
0x71f: {  	[tilespmem:v4+s4+$0x0] =	vst.idx.add.f32.msk $0xffff, v12;
	v1 =	vmul.f32 v1, v16  }
.Ltmp22:
0x720: {  	[tilespmem:v5+s4+$0x0] =	vst.idx.add.f32.msk $0xffff, v9;
	v2 =	vmul.f32 v2, v17;
	(pc) =	sbr.rel @p0 .LBB2_46-.Ltmp22, $4  }
0x721: {  	[tilespmem:v6+s4+$0x0] =	vst.idx.add.f32.msk $0xffff, v3;
	v3 =	vmul.f32 v7, v18  }
0x722: {  	[tilespmem:v8+s4+$0x0] =	vst.idx.add.f32.msk $0xffff, v1  }
0x723: {  	[tilespmem:v11+s4+$0x0] =	vst.idx.add.f32.msk $0xffff, v2  }
0x724: {  	s14 =	sadd.s32 $0xA0, s14;
	s13 =	sadd.s32 $0xA0, s13;
	[tilespmem:v13+s4+$0x0] =	vst.idx.add.f32.msk $0xffff, v3  }
0x725: {  	_ =	strace $0x9000005A  }
0x726: {  	_ =	strace $0x8000005B  }
0x727: {  	[spmem:s10] =	stream.strided.scatter [tilespmem:s4], [sflag:$0x4], $0x2800, s25, s24, $0x200038;
	[tilespmem:$0x19580] =	vst v63  }
0x728: {  	_ =	swait.ge [sflag:s23], $0x2800  }
0x729: {  	[sflag:s23] =	ssyncset.done $0x0  }
0x72a: {  	[sflag:s23] =	ssyncadd.s32 $0xFFFFD800  }
0x72b: {  	[bflag:$0x0] =	sbarrier.arrive $0xFFFF  }
0x72c: {  	[tilespmem:s22], [sflag:$0x4] =	stream.strided.gather [spmem:s11], $0x2800, s2, s0, $0x200038;
	[tilespmem:$0x19580] =	vst v63  }
0x72d: {  	_ =	swait.ge [sflag:s23], $0x2800  }
0x72e: {  	[sflag:s23] =	ssyncset.done $0x0  }
0x72f: {  	s16 =	simm.s32 $0x0;
	[sflag:s23] =	ssyncadd.s32 $0xFFFFD800  }
0x730: {  	s9 =	sand.u32 $0x60, s16;
	s1 =	sand.u32 $0x1C00, s16;
	_ =	swait.ge [sflag:s6], $0x280  }
0x731: {  	s3 =	sadd.s32 $0x13C00, s1;
	s15 =	sor.u32 $0x10, s9;
	[sflag:s6] =	ssyncset.done $0x0  }
0x732: {  	s8 =	sor.u32 s15, s3;
	[sflag:s6] =	ssyncadd.s32 $0xFFFFFD80  }
0x733: {  	v1 =	vld [tilespmem:s8+$0x0]  }
0x734: {  	s3 =	sor.u32 s9, s3;
	v2 =	vld [tilespmem:s8+$0x80]  }
0x735: {  	v3 =	vld [tilespmem:s3+$0x0]  }
0x736: {  	v4 =	vld [tilespmem:s8+$0x100]  }
0x737: {  	v5 =	vld [tilespmem:s3+$0x80]  }
0x738: {  	v6 =	vld [tilespmem:s8+$0x180]  }
0x739: {  	v7 =	vld [tilespmem:s3+$0x100]  }
0x73a: {  	v8 =	vld [tilespmem:s8+$0x200]  }
0x73b: {  	v9 =	vld [tilespmem:s3+$0x180]  }
0x73c: {  	v10 =	vld [tilespmem:s8+$0x280]  }
0x73d: {  	v11 =	vld [tilespmem:s3+$0x200]  }
0x73e: {  	v12 =	vld [tilespmem:s8+$0x300]  }
0x73f: {  	v13 =	vld [tilespmem:s3+$0x280]  }
0x740: {  	s13 =	sadd.s32 $0x15000, s1;
	v14 =	vld [tilespmem:s8+$0x380]  }
0x741: {  	s21 =	sor.u32 s15, s13;
	v15 =	vld [tilespmem:s3+$0x300]  }
0x742: {  	v16 =	vld [tilespmem:s21+$0x0]  }
0x743: {  	s18 =	sadd.s32 $0x15100, s1;
	s17 =	sor.u32 s9, s13;
	v17 =	vld [tilespmem:s3+$0x380]  }
0x744: {  	s14 =	sadd.s32 $0x15080, s1;
	s19 =	sor.u32 s15, s18;
	v19 =	vld [tilespmem:s17+$0x0]  }
0x745: {  	s20 =	sor.u32 s9, s14;
	v20 =	vld [tilespmem:s19+$0x0]  }
0x746: {  	s8 =	sor.u32 s15, s14;
	v21 =	vld [tilespmem:s20+$0x0]  }
0x747: {  	s21 =	sadd.s32 $0x15180, s1;
	s17 =	sor.u32 s9, s18;
	v18 =	vld [tilespmem:s8+$0x0]  }
0x748: {  	s18 =	sadd.s32 $0x15200, s1;
	s8 =	sor.u32 s15, s21;
	v23 =	vld [tilespmem:s17+$0x0]  }
0x749: {  	s19 =	sor.u32 s15, s18;
	v22 =	vld [tilespmem:s8+$0x0]  }
0x74a: {  	s20 =	sor.u32 s9, s21;
	v24 =	vld [tilespmem:s19+$0x0]  }
0x74b: {  	s21 =	sadd.s32 $0x15280, s1;
	s17 =	sor.u32 s9, s18;
	v25 =	vld [tilespmem:s20+$0x0]  }
0x74c: {  	s18 =	sadd.s32 $0x15300, s1;
	s8 =	sor.u32 s15, s21;
	v27 =	vld [tilespmem:s17+$0x0]  }
0x74d: {  	s19 =	sor.u32 s15, s18;
	v26 =	vld [tilespmem:s8+$0x0]  }
0x74e: {  	s1 =	sadd.s32 $0x15380, s1;
	s20 =	sor.u32 s9, s21;
	v28 =	vld [tilespmem:s19+$0x0]  }
0x74f: {  	s21 =	sor.u32 s15, s1;
	v29 =	vld [tilespmem:s20+$0x0];
	s19 =	simm.s32 $0x100;
	s8 =	simm.s32 $0x20;
	v1 =	vadd.f32 v2, v1  }
0x750: {  	s18 =	sor.u32 s9, s18;
	s13 =	sand.u32 $0x60, s8;
	s17 =	sand.u32 $0x1C00, s19;
	v2 =	vadd.f32 v5, v3;
	v3 =	vld [tilespmem:s21+$0x0]  }
0x751: {  	s1 =	sor.u32 s9, s1;
	s20 =	sadd.s32 $0x13C00, s17;
	s9 =	sor.u32 $0x10, s13;
	v5 =	vld [tilespmem:s18+$0x0];
	v1 =	vadd.f32 v4, v1  }
0x752: {  	s21 =	sor.u32 s9, s20;
	v2 =	vadd.f32 v7, v2;
	v4 =	vld [tilespmem:s1+$0x0]  }
0x753: {  	v7 =	vld [tilespmem:s21+$0x0];
	v1 =	vadd.f32 v6, v1  }
0x754: {  	s3 =	sor.u32 s13, s20;
	v2 =	vadd.f32 v9, v2;
	v6 =	vld [tilespmem:s21+$0x80]  }
0x755: {  	v45 =	vld [tilespmem:s3+$0x0];
	v1 =	vadd.f32 v8, v1  }
0x756: {  	v2 =	vadd.f32 v11, v2;
	v8 =	vld [tilespmem:s21+$0x100]  }
0x757: {  	v46 =	vld [tilespmem:s3+$0x80];
	v1 =	vadd.f32 v10, v1  }
0x758: {  	v47 =	vld [tilespmem:s21+$0x180];
	v2 =	vadd.f32 v13, v2  }
0x759: {  	v6 =	vadd.f32 v6, v7;
	v7 =	vld [tilespmem:s3+$0x100];
	v1 =	vadd.f32 v12, v1  }
0x75a: {  	v48 =	vld [tilespmem:s21+$0x200];
	v2 =	vadd.f32 v15, v2  }
0x75b: {  	v6 =	vadd.f32 v8, v6;
	v8 =	vld [tilespmem:s3+$0x180];
	v1 =	vadd.f32 v14, v1  }
0x75c: {  	v49 =	vld [tilespmem:s21+$0x280];
	v9 =	vadd.f32 v46, v45;
	v2 =	vadd.f32 v17, v2  }
0x75d: {  	v50 =	vld [tilespmem:s3+$0x200];
	v6 =	vadd.f32 v47, v6;
	v1 =	vadd.f32 v16, v1  }
0x75e: {  	v51 =	vld [tilespmem:s21+$0x300];
	v2 =	vadd.f32 v19, v2;
	v7 =	vadd.f32 v7, v9  }
0x75f: {  	v52 =	vld [tilespmem:s3+$0x280];
	v6 =	vadd.f32 v48, v6;
	v1 =	vadd.f32 v18, v1  }
0x760: {  	s18 =	sadd.s32 $0x15000, s17;
	v53 =	vld [tilespmem:s21+$0x380];
	v2 =	vadd.f32 v21, v2;
	v7 =	vadd.f32 v8, v7  }
0x761: {  	s19 =	sor.u32 s9, s18;
	v8 =	vld [tilespmem:s3+$0x300];
	v6 =	vadd.f32 v49, v6;
	v1 =	vadd.f32 v20, v1  }
0x762: {  	s20 =	sadd.s32 $0x15080, s17;
	v54 =	vld [tilespmem:s19+$0x0];
	v2 =	vadd.f32 v23, v2;
	v7 =	vadd.f32 v50, v7  }
0x763: {  	v55 =	vld [tilespmem:s3+$0x380];
	s21 =	sor.u32 s9, s20;
	v6 =	vadd.f32 v51, v6;
	v1 =	vadd.f32 v22, v1  }
0x764: {  	s14 =	sadd.s32 $0x15100, s17;
	v56 =	vld [tilespmem:s21+$0x0];
	s3 =	sor.u32 s13, s18;
	v2 =	vadd.f32 v25, v2;
	v7 =	vadd.f32 v52, v7  }
0x765: {  	s19 =	sor.u32 s9, s14;
	v57 =	vld [tilespmem:s3+$0x0];
	v6 =	vadd.f32 v53, v6;
	v1 =	vadd.f32 v24, v1  }
0x766: {  	v58 =	vld [tilespmem:s19+$0x0];
	s20 =	sor.u32 s13, s20;
	s21 =	sadd.s32 $0x15180, s17;
	v2 =	vadd.f32 v27, v2;
	v7 =	vadd.f32 v8, v7  }
0x767: {  	s3 =	sor.u32 s9, s21;
	v8 =	vld [tilespmem:s20+$0x0];
	v6 =	vadd.f32 v54, v6;
	v1 =	vadd.f32 v26, v1  }
0x768: {  	s14 =	sor.u32 s13, s14;
	s19 =	sadd.s32 $0x15200, s17;
	v59 =	vld [tilespmem:s3+$0x0];
	v2 =	vadd.f32 v29, v2;
	v7 =	vadd.f32 v55, v7  }
0x769: {  	v60 =	vld [tilespmem:s14+$0x0];
	s20 =	sor.u32 s9, s19;
	v6 =	vadd.f32 v56, v6;
	v61 =	vadd.f32 v28, v1  }
0x76a: {  	s18 =	sadd.s32 $0x15280, s17;
	s21 =	sor.u32 s13, s21;
	v62 =	vld [tilespmem:s20+$0x0];
	v2 =	vadd.f32 v5, v2;
	v5 =	vadd.f32 v57, v7  }
0x76b: {  	s14 =	simm.s32 $0x16680;
	s3 =	sor.u32 s9, s18;
	v1 =	vld [tilespmem:s21+$0x0];
	v6 =	vadd.f32 v58, v6;
	v7 =	vadd.f32 v3, v61  }
0x76c: {  	s19 =	sor.u32 s13, s19;
	s20 =	sadd.s32 $0x15300, s17;
	s21 =	sand.u32 $0x380, s16;
	v63 =	vadd.f32 v4, v2;
	v2 =	vld [tilespmem:s3+$0x0];
	v5 =	vadd.f32 v8, v5  }
0x76d: {  	s16 =	simm.s32 $0x2;
	s3 =	sor.u32 s15, s21;
	v3 =	vld [tilespmem:s19+$0x0];
	s15 =	sor.u32 s9, s20;
	v6 =	vadd.f32 v59, v6  }
0x76e: {  	s21 =	sor.u32 s13, s18;
	s19 =	sor.u32 s13, s20;
	s20 =	sadd.s32 $0x15380, s17;
	v4 =	vld [tilespmem:s15+$0x0];
	[tilespmem:s3+$0x16680] =	vst v7;
	v7 =	vadd.f32 v60, v5  }
0x76f: {  	s17 =	simm.s32 $0x40;
	s15 =	simm.s32 $0x200;
	[tilespmem:s14+$0x0] =	vst v63;
	v5 =	vld [tilespmem:s21+$0x0];
	s21 =	sor.u32 s9, s20;
	v6 =	vadd.f32 v62, v6  }
.LBB2_48:
0x770: {  	s18 =	sand.u32 $0x1C00, s15;
	v1 =	vadd.f32 v1, v7;
	s1 =	sor.u32 s13, s20;
	s13 =	sand.u32 $0x60, s17;
	v7 =	vld [tilespmem:s21+$0x0]  }
0x771: {  	s16 =	sadd.s32 $0x2, s16;
	s3 =	sadd.s32 $0x13C00, s18;
	s20 =	sor.u32 $0x10, s13;
	v8 =	vld [tilespmem:s19+$0x0];
	v2 =	vadd.f32 v2, v6  }
0x772: {  	p0 =	slt.u32 s16, $0x26;
	s19 =	sor.u32 s13, s3;
	s3 =	sor.u32 s20, s3;
	v1 =	vadd.f32 v3, v1;
	v3 =	vld [tilespmem:s1+$0x0]  }
0x773: {  	v6 =	vld [tilespmem:s3+$0x0];
	v2 =	vadd.f32 v4, v2  }
0x774: {  	v4 =	vld [tilespmem:s3+$0x80];
	v1 =	vadd.f32 v5, v1  }
0x775: {  	s1 =	sand.u32 $0x380, s8;
	s8 =	smov.u32 s17;
	v5 =	vld [tilespmem:s19+$0x0];
	v2 =	vadd.f32 v7, v2  }
0x776: {  	s1 =	sor.u32 s9, s1;
	s9 =	smov.u32 s20;
	v7 =	vld [tilespmem:s3+$0x100];
	v1 =	vadd.f32 v8, v1  }
0x777: {  	v8 =	vld [tilespmem:s19+$0x80];
	[tilespmem:s1+$0x16680] =	vst v2  }
0x778: {  	v2 =	vld [tilespmem:s3+$0x180];
	v1 =	vadd.f32 v3, v1  }
0x779: {  	s14 =	sadd.s32 $0x20, s14;
	v3 =	vld [tilespmem:s19+$0x100];
	v4 =	vadd.f32 v4, v6  }
0x77a: {  	v6 =	vld [tilespmem:s3+$0x200];
	[tilespmem:s14+$0x0] =	vst v1  }
0x77b: {  	v1 =	vld [tilespmem:s19+$0x180];
	v4 =	vadd.f32 v7, v4  }
0x77c: {  	v5 =	vadd.f32 v8, v5;
	v7 =	vld [tilespmem:s3+$0x280]  }
0x77d: {  	v8 =	vld [tilespmem:s19+$0x200];
	v2 =	vadd.f32 v2, v4  }
0x77e: {  	v3 =	vadd.f32 v3, v5;
	v4 =	vld [tilespmem:s3+$0x300]  }
0x77f: {  	v5 =	vld [tilespmem:s19+$0x280];
	v2 =	vadd.f32 v6, v2  }
0x780: {  	s1 =	sadd.s32 $0x15000, s18;
	v1 =	vadd.f32 v1, v3;
	v3 =	vld [tilespmem:s3+$0x380]  }
0x781: {  	s3 =	sor.u32 s13, s1;
	s1 =	sor.u32 s9, s1;
	v6 =	vld [tilespmem:s19+$0x300];
	v2 =	vadd.f32 v7, v2  }
0x782: {  	s20 =	sadd.s32 $0x15080, s18;
	v1 =	vadd.f32 v8, v1;
	v7 =	vld [tilespmem:s1+$0x0]  }
0x783: {  	s1 =	sor.u32 s13, s20;
	v8 =	vld [tilespmem:s19+$0x380];
	v2 =	vadd.f32 v4, v2;
	s19 =	sor.u32 s9, s20  }
0x784: {  	s20 =	sadd.s32 $0x15100, s18;
	v1 =	vadd.f32 v5, v1;
	v4 =	vld [tilespmem:s19+$0x0]  }
0x785: {  	s19 =	sor.u32 s9, s20;
	v5 =	vld [tilespmem:s3+$0x0];
	s3 =	sor.u32 s13, s20;
	v2 =	vadd.f32 v3, v2  }
0x786: {  	s20 =	sadd.s32 $0x15180, s18;
	v1 =	vadd.f32 v6, v1;
	v3 =	vld [tilespmem:s19+$0x0]  }
0x787: {  	s19 =	sor.u32 s9, s20;
	v6 =	vld [tilespmem:s1+$0x0];
	s1 =	sor.u32 s13, s20;
	v2 =	vadd.f32 v7, v2  }
0x788: {  	s20 =	sadd.s32 $0x15200, s18;
	v1 =	vadd.f32 v8, v1;
	v7 =	vld [tilespmem:s19+$0x0]  }
0x789: {  	s19 =	sor.u32 s9, s20;
	v8 =	vld [tilespmem:s3+$0x0];
	s3 =	sor.u32 s13, s20;
	v2 =	vadd.f32 v4, v2  }
0x78a: {  	s20 =	sadd.s32 $0x15280, s18;
	v4 =	vadd.f32 v5, v1;
	v9 =	vld [tilespmem:s19+$0x0]  }
.Ltmp23:
0x78b: {  	s19 =	sor.u32 s9, s20;
	v1 =	vld [tilespmem:s1+$0x0];
	s1 =	sor.u32 s13, s20;
	v5 =	vadd.f32 v3, v2;
	(pc) =	sbr.rel @p0 .LBB2_48-.Ltmp23, $4  }
0x78c: {  	s20 =	sadd.s32 $0x15300, s18;
	v4 =	vadd.f32 v6, v4;
	v2 =	vld [tilespmem:s19+$0x0]  }
0x78d: {  	s19 =	sor.u32 s13, s20;
	v3 =	vld [tilespmem:s3+$0x0];
	v6 =	vadd.f32 v7, v5;
	s3 =	sor.u32 s9, s20  }
0x78e: {  	s20 =	sadd.s32 $0x15380, s18;
	v7 =	vadd.f32 v8, v4;
	v4 =	vld [tilespmem:s3+$0x0]  }
0x78f: {  	s15 =	sadd.s32 $0x100, s15;
	s17 =	sadd.s32 $0x20, s17;
	s21 =	sor.u32 s9, s20;
	v5 =	vld [tilespmem:s1+$0x0];
	v6 =	vadd.f32 v9, v6  }
0x790: {  	v1 =	vadd.f32 v1, v7  }
0x791: {  	v63 =	vld [tilespmem:s19+$0x0]  }
0x792: {  	s1 =	sor.u32 s13, s20;
	v8 =	vld [tilespmem:s21+$0x0];
	v1 =	vadd.f32 v3, v1  }
0x793: {  	v2 =	vadd.f32 v2, v6;
	v3 =	vld [tilespmem:s1+$0x0]  }
0x794: {  	v1 =	vadd.f32 v5, v1  }
0x795: {  	v2 =	vadd.f32 v4, v2  }
0x796: {  	v1 =	vadd.f32 v63, v1  }
0x797: {  	s19 =	sand.u32 $0x380, s8;
	v2 =	vadd.f32 v8, v2  }
0x798: {  	s1 =	sor.u32 s9, s19;
	v1 =	vadd.f32 v3, v1  }
0x799: {  	s20 =	sadd.s32 $0x20, s14;
	[tilespmem:s1+$0x16680] =	vst v2  }
0x79a: {  	[tilespmem:s20+$0x0] =	vst v1  }
0x79b: {  	s1 =	rddreg [dreg:$0x12]  }
0x79c: {  	[hbm4b:s1+s24] =	stream.strided.scatter [tilespmem:s5], [sflag:$0x2], $0x280, s25, s24, $0x200038;
	[tilespmem:$0x19580] =	vst v63  }
0x79d: {  	_ =	strace $0x9000005B  }
0x79e: {  	_ =	swait.ge [sflag:s6], $0x280  }
0x79f: {  	s7 =	sadd.s32 $0x1, s7;
	s21 =	rddreg [dreg:$0x13]  }
0x7a0: {  	p0 =	sne.s32 s7, s21  }
.Ltmp24:
0x7a1: {  	_ = 	snop;
	(pc) =	sbr.rel @p0 .LBB2_1-.Ltmp24, $3  }
0x7a2: {  	_ =	sdelay $0x1  }
0x7a3: {  	[sflag:s6] =	ssyncset.done $0x0  }
0x7a4: {  	[sflag:s6] =	ssyncadd.s32 $0xFFFFFD80  }
0x7a5: {  	_ =	sfence.sel $0x180000  }
0x7a6: {  	[bflag:$0x0] =	sbarrier.arrive $0xFFFF  }
0x7a7: {  	_ =	strace $0x90000047  }
0x7a8: {  	s0 =	stileid.u32;
	[bflag:$0x2] =	sbarrier.arrive $0xFFFF  }
0x7a9: {  	p0 =	sne.s32 s0, $0x0;
	s0 =	rddreg [dreg:$0x4]  }
0x7aa: {  	s0 =	sadd.s32 @!p0 $0x100000, s0  }
0x7ab: {  	[sflag:s0] =	ssyncadd.tile.s32 @!p0 $0x1;
	_ =	shalt  }
.Lfunc_end2:
_tile_overlayer_lowered:
.L_overlay_start_2:
0x7ac: {  	(tag) =	ssettag $0x2  }
0x7ad: {  	s0 =	rddreg [dreg:$0x0];
	s2 =	stileid.u32  }
0x7ae: {  	s1 =	rddreg [dreg:$0x1];
	p0 =	sne.s32 s2, $0x0  }
0x7af: {  	s3 =	rddreg [dreg:$0x2];
	[bflag:$0x3] =	sbarrier.arrive $0xFFFF;
	s2 =	simm.s32 @!p0 $0x1C04  }
0x7b0: {  	[timem:s3], [sflag:s2] =	dma.local @!p0 [hbm:s0], s1  }
0x7b1: {  	s0 =	simm.s32 @!p0 $0x4  }
0x7b2: {  	_ =	swait.ge @!p0 [sflag:s0], s1  }
0x7b3: {  	s1 =	ssub.s32 @!p0 $0x0, s1;
	[sflag:s0] =	ssyncset.done @!p0 $0x0  }
0x7b4: {  	[sflag:s0] =	ssyncadd.s32 @!p0 s1  }
0x7b5: {  	[bflag:$0x3] =	sbarrier.arrive $0xFFFF  }
0x7b6: {  	_ =	shalt  }

</sc_bundles>
